<compile_context>
chip_gen: v7x
topology: tpu7x:2x2x1
jax: 0.10.2.dev20260603
libtpu: 0.0.44.dev20260713+nightly
codegen_flags: <defaults>
</compile_context>

<pallas_src>
import functools

import jax
import jax.numpy as jnp
from jax import lax
from jax.experimental import pallas as pl
from jax.experimental.pallas import tpu as pltpu
from jax.experimental.pallas import tpu_sc as plsc

N = 10000
H = 128
E = 320000
NC = 2
NS = 16

EDGE_BLK = 2048
CHUNKS = ((128, 1280), (128, 1216), (16, 32))
K = len(CHUNKS)

_INV_SQRT2 = 0.7071067811865476


def _gelu(x):
    return 0.5 * x * (1.0 + lax.erf(x * _INV_SQRT2))


def _bf16_hi_bits(x):
    u = lax.bitcast_convert_type(x, jnp.uint32)
    r = u + jnp.uint32(0x7FFF) + ((u >> 16) & jnp.uint32(1))
    return r & jnp.uint32(0xFFFF0000)


def _tables_body(h_ref, posp_ref, w1a_ref, w1b_ref, be1_ref, wd_ref,
                 d_ref, s_ref):
    h = h_ref[...]
    posp = posp_ref[...]
    p2 = jnp.sum(posp * posp, axis=1, keepdims=True)
    wd = wd_ref[...]
    pterm = p2 * wd
    dfeat = (jnp.dot(h, w1a_ref[...], preferred_element_type=jnp.float32)
             + be1_ref[...] + pterm)
    sfeat = (jnp.dot(h, w1b_ref[...], preferred_element_type=jnp.float32)
             + pterm)
    d_ref[...] = _bf16_hi_bits(posp) | (_bf16_hi_bits(dfeat) >> 16)
    s_ref[...] = _bf16_hi_bits(-2.0 * posp) | (_bf16_hi_bits(sfeat) >> 16)


def _build_tables(h2, posp, w1a, w1b, be1, wd):
    return pl.pallas_call(
        _tables_body,
        out_shape=(jax.ShapeDtypeStruct((N, H), jnp.uint32),
                   jax.ShapeDtypeStruct((N, H), jnp.uint32)),
    )(h2, posp, w1a, w1b, be1, wd)


def _sc_gather(d_tab, s_tab, dsti, srci, w, nwc):
    mesh = plsc.VectorSubcoreMesh(core_axis_name="c", subcore_axis_name="s")
    ec = nwc * w

    @functools.partial(
        pl.kernel,
        out_type=(jax.ShapeDtypeStruct((ec, H), jnp.uint32),
                  jax.ShapeDtypeStruct((ec, H), jnp.uint32)),
        mesh=mesh,
        scratch_types=[pltpu.SemaphoreType.DMA],
    )
    def k(d_hbm, s_hbm, di_hbm, si_hbm, dg_hbm, sg_hbm, sem):
        def body(di_v, si_v, dg_v, sg_v):
            cps = [pltpu.async_copy(d_hbm.at[di_v.at[0, 0]], dg_v, sem),
                   pltpu.async_copy(s_hbm.at[si_v.at[0, 0]], sg_v, sem)]
            for cp in cps:
                cp.wait()

        pltpu.emit_pipeline(
            body,
            grid=(nwc,),
            in_specs=[pl.BlockSpec((1, 1, w), lambda i: (i, 0, 0)),
                      pl.BlockSpec((1, 1, w), lambda i: (i, 0, 0))],
            out_specs=[pl.BlockSpec((w, H), lambda i: (i, 0)),
                       pl.BlockSpec((w, H), lambda i: (i, 0))],
            core_axis_name=("c", "s"),
            dimension_semantics=(pltpu.PARALLEL,),
        )(di_hbm, si_hbm, dg_hbm, sg_hbm)

    return k(d_tab, s_tab, dsti, srci)


def _edge_mlp_body(dg_ref, sg_ref, we2_ref, wd_ref, be2_ref, out_ref):
    dg = dg_ref[...]
    sg = sg_ref[...]
    hi = jnp.uint32(0xFFFF0000)
    dfeat = lax.bitcast_convert_type(dg << 16, jnp.float32)
    sfeat = lax.bitcast_convert_type(sg << 16, jnp.float32)
    dpos = lax.bitcast_convert_type(dg & hi, jnp.float32)
    spos = lax.bitcast_convert_type(sg & hi, jnp.float32)
    dot = jnp.sum(dpos * spos, axis=1, keepdims=True)
    pre = dfeat + sfeat + dot * wd_ref[...]
    g1 = _gelu(pre)
    g2 = (jnp.dot(g1, we2_ref[...], preferred_element_type=jnp.float32)
          + be2_ref[...])
    out_ref[...] = _gelu(g2)


def _edge_mlp(dg, sg, we2, wd, be2):
    ec = dg.shape[0]
    blk = min(EDGE_BLK, ec)
    nblk = ec // blk
    return pl.pallas_call(
        _edge_mlp_body,
        grid=(nblk,),
        in_specs=[
            pl.BlockSpec((blk, H), lambda i: (i, 0)),
            pl.BlockSpec((blk, H), lambda i: (i, 0)),
            pl.BlockSpec((H, H), lambda i: (0, 0)),
            pl.BlockSpec((1, H), lambda i: (0, 0)),
            pl.BlockSpec((1, H), lambda i: (0, 0)),
        ],
        out_specs=pl.BlockSpec((blk, H), lambda i: (i, 0)),
        out_shape=jax.ShapeDtypeStruct((ec, H), jnp.float32),
    )(dg, sg, we2, wd, be2)


def _sc_scatter(e2, dsti, zrows, w, nwc):
    mesh = plsc.VectorSubcoreMesh(core_axis_name="c", subcore_axis_name="s")

    @functools.partial(
        pl.kernel,
        out_type=jax.ShapeDtypeStruct((NC, N, H), jnp.float32),
        mesh=mesh,
        scratch_types=[pltpu.VMEM_SHARED((N, H), jnp.float32)],
    )
    def k(e2_hbm, di_hbm, z_hbm, out_hbm, acc_sh):
        sid = lax.axis_index("s")
        cid = lax.axis_index("c")

        @pl.when(sid == 0)
        def _():
            pltpu.sync_copy(z_hbm, acc_sh)

        plsc.subcore_barrier()

        def body(e2_v, di_v):
            pltpu.sync_copy(e2_v, acc_sh.at[di_v.at[0, 0]], add=True)

        pltpu.emit_pipeline(
            body,
            grid=(nwc,),
            in_specs=[pl.BlockSpec((w, H), lambda i: (i, 0)),
                      pl.BlockSpec((1, 1, w), lambda i: (i, 0, 0))],
            out_specs=[],
            core_axis_name=("c", "s"),
            dimension_semantics=(pltpu.PARALLEL,),
        )(e2_hbm, di_hbm)
        plsc.subcore_barrier()

        @pl.when(sid == 0)
        def _():
            pltpu.sync_copy(acc_sh, out_hbm.at[cid])

    return k(e2, dsti, zrows)


NODE_BLK = 2000


def _node_mlp_body(h_ref, *rest):
    part_refs = rest[:K]
    wv1h_ref, wv1a_ref, bv1_ref, wv2_ref, bv2_ref, out_ref = rest[K:]
    h = h_ref[...]
    agg = part_refs[0][0] + part_refs[0][1]
    for p_ref in part_refs[1:]:
        agg = agg + p_ref[0] + p_ref[1]
    v = (jnp.dot(h, wv1h_ref[...], preferred_element_type=jnp.float32)
         + jnp.dot(agg, wv1a_ref[...], preferred_element_type=jnp.float32)
         + bv1_ref[...])
    v = _gelu(v)
    v = (jnp.dot(v, wv2_ref[...], preferred_element_type=jnp.float32)
         + bv2_ref[...])
    v = _gelu(v)
    out_ref[...] = h + v


def _node_mlp(h2, parts, wv1h, wv1a, bv1, wv2, bv2):
    in_specs = [pl.BlockSpec((NODE_BLK, H), lambda i: (i, 0))]
    in_specs += [pl.BlockSpec((NC, NODE_BLK, H), lambda i: (0, i, 0))
                 for _ in range(K)]
    in_specs += [pl.BlockSpec((H, H), lambda i: (0, 0)),
                 pl.BlockSpec((H, H), lambda i: (0, 0)),
                 pl.BlockSpec((1, H), lambda i: (0, 0)),
                 pl.BlockSpec((H, H), lambda i: (0, 0)),
                 pl.BlockSpec((1, H), lambda i: (0, 0))]
    return pl.pallas_call(
        _node_mlp_body,
        grid=(N // NODE_BLK,),
        in_specs=in_specs,
        out_specs=pl.BlockSpec((NODE_BLK, H), lambda i: (i, 0)),
        out_shape=jax.ShapeDtypeStruct((N, H), jnp.float32),
    )(h2, *parts, wv1h, wv1a, bv1, wv2, bv2)


def kernel(h, pos, edge_index, W_e1, b_e1, W_e2, b_e2, W_v1, b_v1, W_v2, b_v2):
    h2 = h[0]
    posp = jnp.pad(pos[0], ((0, 0), (0, H - 3)))
    src_flat = edge_index[0]
    dst_flat = edge_index[1]
    w1a = W_e1[:H]
    w1b = W_e1[H:2 * H]
    wd = W_e1[2 * H].reshape(1, H)

    d_tab, s_tab = _build_tables(h2, posp, w1a, w1b, b_e1.reshape(1, H), wd)
    zrows = jnp.zeros((N, H), jnp.float32)
    be2 = b_e2.reshape(1, H)
    parts = []
    e0 = 0
    for w, nwc in CHUNKS:
        ec = w * nwc
        dst_c = lax.slice_in_dim(dst_flat, e0, e0 + ec).reshape(nwc, 1, w)
        src_c = lax.slice_in_dim(src_flat, e0, e0 + ec).reshape(nwc, 1, w)
        e0 += ec
        dg, sg = _sc_gather(d_tab, s_tab, dst_c, src_c, w, nwc)
        e2 = _edge_mlp(dg, sg, W_e2, wd, be2)
        parts.append(_sc_scatter(e2, dst_c, zrows, w, nwc))
    out = _node_mlp(h2, parts, W_v1[:H], W_v1[H:],
                    b_v1.reshape(1, H), W_v2, b_v2.reshape(1, H))
    return out.reshape(1, N, H)

# --- scband reference (transcript-rebuilt; emitter-appended) ---
"""Pipeline reference for scband-processor-block-29669634081498 (READ-ONLY COPY).

The authoritative reference and input builder live on the scoring server;
editing this copy changes nothing except your own understanding.
"""

import jax, jax.numpy as jnp
import numpy as np

B, N, H, E = 1, 10000, 128, 320000
MSG_IN = 2 * H + 1  # edge_dim = 0


def setup_inputs(seed: int = 0) -> dict:
    key = jax.random.key(seed)
    ks = jax.random.split(key, 12)
    h = jax.random.normal(ks[0], (B, N, H), dtype=jnp.float32)
    pos = jax.random.normal(ks[1], (B, N, 3), dtype=jnp.float32)
    edge_index = jax.random.randint(ks[2], (2, E), 0, N, dtype=jnp.int32)
    s = 0.05
    W_e1 = jax.random.normal(ks[3], (MSG_IN, H), dtype=jnp.float32) * s
    b_e1 = jnp.zeros((H,), dtype=jnp.float32)
    W_e2 = jax.random.normal(ks[4], (H, H), dtype=jnp.float32) * s
    b_e2 = jnp.zeros((H,), dtype=jnp.float32)
    W_v1 = jax.random.normal(ks[5], (2 * H, H), dtype=jnp.float32) * s
    b_v1 = jnp.zeros((H,), dtype=jnp.float32)
    W_v2 = jax.random.normal(ks[6], (H, H), dtype=jnp.float32) * s
    b_v2 = jnp.zeros((H,), dtype=jnp.float32)
    return {"h": h, "pos": pos, "edge_index": edge_index,
            "W_e1": W_e1, "b_e1": b_e1, "W_e2": W_e2, "b_e2": b_e2,
            "W_v1": W_v1, "b_v1": b_v1, "W_v2": W_v2, "b_v2": b_v2}


def reference(h, pos, edge_index, W_e1, b_e1, W_e2, b_e2, W_v1, b_v1, W_v2, b_v2):
    src = edge_index[0]
    dst = edge_index[1]
    hi = h[:, dst, :]   # gather dst features -> [B, E, H]
    hj = h[:, src, :]   # gather src features -> [B, E, H]
    pi = pos[:, dst, :]
    pj = pos[:, src, :]
    dij2 = jnp.sum((pi - pj) ** 2, axis=-1, keepdims=True)  # [B, E, 1]
    e_in = jnp.concatenate([hi, hj, dij2], axis=-1)  # [B, E, 2H+1]
    # phi_e: Linear -> GELU -> (Dropout p=0 is identity) -> Linear -> GELU
    e = jax.nn.gelu(e_in @ W_e1 + b_e1, approximate=False)
    e = jax.nn.gelu(e @ W_e2 + b_e2, approximate=False)
    # scatter_add over dst, dim_size = N
    agg = jnp.zeros((h.shape[0], h.shape[1], e.shape[-1]), dtype=h.dtype).at[:, dst, :].add(e)
    # phi_v: Linear -> GELU -> Linear -> GELU
    v_in = jnp.concatenate([h, agg], axis=-1)
    v = jax.nn.gelu(v_in @ W_v1 + b_v1, approximate=False)
    v = jax.nn.gelu(v @ W_v2 + b_v2, approximate=False)
    return h + v

if __name__ == "__main__":
    import jax
    _d = setup_inputs()
    print(jax.jit(kernel)(*tuple(_d.values())))

</pallas_src>

<mosaic_0001>
#map = affine_map<(d0, d1) -> (0, 0)>
#map1 = affine_map<(d0, d1) -> (0, 0, 0)>
module attributes {stable_mosaic.version = 14 : i64} {
  func.func @k(%arg0: i32, %arg1: i32, %arg2: memref<10000x128xi32, #tpu.memory_space<hbm>>, %arg3: memref<10000x128xi32, #tpu.memory_space<hbm>>, %arg4: memref<1280x1x128xi32, #tpu.memory_space<hbm>>, %arg5: memref<1280x1x128xi32, #tpu.memory_space<hbm>>, %arg6: memref<163840x128xi32, #tpu.memory_space<hbm>>, %arg7: memref<163840x128xi32, #tpu.memory_space<hbm>>, %arg8: memref<!tpu.dma_semaphore, #tpu.memory_space<semaphore_mem>>) attributes {dimension_semantics = [#tpu.dimension_semantics<core_parallel>, #tpu.dimension_semantics<subcore_parallel>], iteration_bounds = array<i64: 2, 16>, scalar_prefetch = 0 : i64, scratch_operands = 1 : i64, tpu.core_type = #tpu.core_type<sc_vector_subcore>, window_params = [{transform_indices = #map}, {transform_indices = #map}, {transform_indices = #map1}, {transform_indices = #map1}, {transform_indices = #map}, {transform_indices = #map}]} {
    %mul3A = arith.constant 1 : i32
    %mul3A_0 = arith.muli %arg1, %mul3A : i32
    %add3A = arith.constant 0 : i32
    %add3A_1 = arith.addi %add3A, %mul3A_0 : i32
    %mul3A_2 = arith.constant 16 : i32
    %mul3A_3 = arith.muli %arg0, %mul3A_2 : i32
    %add3A_4 = arith.addi %add3A_1, %mul3A_3 : i32
    %mul3A_5 = arith.constant 40 : i32
    %mul3A_6 = arith.muli %add3A_4, %mul3A_5 : i32
    "tpu.region"() ({
      %run_scoped3A = memref.alloca() : memref<2x1x1x128xi32, #tpu.memory_space<vmem>>
      %run_scoped3A_7 = tpu.sem_alloc : memref<2x!tpu.dma_semaphore, #tpu.memory_space<semaphore_mem>>
      %run_scoped3A_8 = memref.alloca() : memref<2x1x1x128xi32, #tpu.memory_space<vmem>>
      %run_scoped3A_9 = tpu.sem_alloc : memref<2x!tpu.dma_semaphore, #tpu.memory_space<semaphore_mem>>
      %run_scoped3A_10 = memref.alloca() : memref<2x128x128xi32, #tpu.memory_space<vmem>>
      %run_scoped3A_11 = tpu.sem_alloc : memref<2x!tpu.dma_semaphore, #tpu.memory_space<semaphore_mem>>
      %run_scoped3A_12 = memref.alloca() : memref<2x128x128xi32, #tpu.memory_space<vmem>>
      %run_scoped3A_13 = tpu.sem_alloc : memref<2x!tpu.dma_semaphore, #tpu.memory_space<semaphore_mem>>
      %add3A_14 = arith.constant 0 : i32
      %add3A_15 = arith.addi %add3A_14, %mul3A_6 : i32
      %select_n3A = arith.constant true
      %select_n3A_16 = arith.constant 0 : i32
      %select_n3A_17 = arith.constant -1 : i32
      %select_n3A_18 = arith.select %select_n3A, %select_n3A_17, %select_n3A_16 : i32
      %eq3A = arith.constant -1 : i32
      %eq3A_19 = arith.cmpi eq, %select_n3A_18, %eq3A : i32
      %select_n3A_20 = arith.constant 39 : i32
      %select_n3A_21 = arith.select %eq3A_19, %select_n3A_20, %select_n3A_18 : i32
      %add3A_22 = arith.addi %select_n3A_21, %mul3A_6 : i32
      %select_n3A_23 = arith.constant true
      %select_n3A_24 = arith.constant 0 : i32
      %select_n3A_25 = arith.constant 1 : i32
      %select_n3A_26 = arith.select %select_n3A_23, %select_n3A_25, %select_n3A_24 : i32
      %eq3A_27 = arith.constant 40 : i32
      %eq3A_28 = arith.cmpi eq, %select_n3A_26, %eq3A_27 : i32
      %select_n3A_29 = arith.constant 0 : i32
      %select_n3A_30 = arith.select %eq3A_28, %select_n3A_29, %select_n3A_26 : i32
      %add3A_31 = arith.addi %select_n3A_30, %mul3A_6 : i32
      %add3A_32 = arith.constant 1 : i32
      %add3A_33 = arith.addi %select_n3A_30, %add3A_32 : i32
      %select_n3A_34 = arith.constant true
      %select_n3A_35 = arith.select %select_n3A_34, %add3A_33, %select_n3A_30 : i32
      %eq3A_36 = arith.constant 40 : i32
      %eq3A_37 = arith.cmpi eq, %select_n3A_35, %eq3A_36 : i32
      %select_n3A_38 = arith.constant 0 : i32
      %select_n3A_39 = arith.select %eq3A_37, %select_n3A_38, %select_n3A_35 : i32
      %add3A_40 = arith.addi %select_n3A_39, %mul3A_6 : i32
      "tpu.trace_start"() <{level = 10 : i32, message = "ep_initialize_0"}> : () -> ()
      %rem3A = arith.constant 0 : i32
      %rem3A_41 = arith.constant 2 : i32
      %rem3A_42 = arith.remui %rem3A, %rem3A_41 : i32
      %mul3A_43 = arith.constant 1 : i32
      %mul3A_44 = arith.muli %mul3A_43, %add3A_15 : i32
      %dma_start3A = arith.constant 0 : i32
      %dma_start3A_45 = arith.constant 0 : i32
      %dma_start3A_46 = arith.constant 0 : i32
      %dma_start3A_47 = tpu.memref_slice %run_scoped3A[%rem3A_42, %dma_start3A, %dma_start3A_45, %dma_start3A_46] : memref<2x1x1x128xi32, #tpu.memory_space<vmem>> -> memref<1x1x1x128xi32, #tpu.memory_space<vmem>>
      %dma_start3A_48 = tpu.memref_squeeze %dma_start3A_47 : memref<1x1x1x128xi32, #tpu.memory_space<vmem>> -> memref<1x1x128xi32, #tpu.memory_space<vmem>>
      %dma_start3A_49 = arith.constant 0 : i32
      %dma_start3A_50 = arith.constant 0 : i32
      %dma_start3A_51 = tpu.memref_slice %arg4[%mul3A_44, %dma_start3A_49, %dma_start3A_50] : memref<1280x1x128xi32, #tpu.memory_space<hbm>> -> memref<1x1x128xi32, #tpu.memory_space<hbm>>
      %dma_start3A_52 = tpu.memref_slice %run_scoped3A_7[%rem3A_42] : memref<2x!tpu.dma_semaphore, #tpu.memory_space<semaphore_mem>> -> memref<1x!tpu.dma_semaphore, #tpu.memory_space<semaphore_mem>>
      %dma_start3A_53 = tpu.memref_squeeze %dma_start3A_52 : memref<1x!tpu.dma_semaphore, #tpu.memory_space<semaphore_mem>> -> memref<!tpu.dma_semaphore, #tpu.memory_space<semaphore_mem>>
      %dma_start3A_54 = arith.constant 0 : i32
      %dma_start3A_55 = arith.constant 0 : i32
      %dma_start3A_56 = arith.constant 0 : i32
      %dma_start3A_57 = tpu.memref_slice %run_scoped3A[%rem3A_42, %dma_start3A_54, %dma_start3A_55, %dma_start3A_56] : memref<2x1x1x128xi32, #tpu.memory_space<vmem>> -> memref<1x1x1x128xi32, #tpu.memory_space<vmem>>
      %dma_start3A_58 = tpu.memref_squeeze %dma_start3A_57 : memref<1x1x1x128xi32, #tpu.memory_space<vmem>> -> memref<1x1x128xi32, #tpu.memory_space<vmem>>
      %dma_start3A_59 = arith.constant 0 : i32
      %dma_start3A_60 = arith.constant 0 : i32
      %dma_start3A_61 = tpu.memref_slice %arg4[%mul3A_44, %dma_start3A_59, %dma_start3A_60] : memref<1280x1x128xi32, #tpu.memory_space<hbm>> -> memref<1x1x128xi32, #tpu.memory_space<hbm>>
      tpu.enqueue_dma source(%dma_start3A_61 : memref<1x1x128xi32, #tpu.memory_space<hbm>>) target(%dma_start3A_58 : memref<1x1x128xi32, #tpu.memory_space<vmem>>) target_semaphore(%dma_start3A_53 : memref<!tpu.dma_semaphore, #tpu.memory_space<semaphore_mem>>)
      %add3A_62 = arith.constant 0 : i32
      %add3A_63 = arith.constant 1 : i32
      %add3A_64 = arith.addi %add3A_62, %add3A_63 : i32
      %select_n3A_65 = arith.constant true
      %select_n3A_66 = arith.constant 0 : i32
      %select_n3A_67 = arith.select %select_n3A_65, %add3A_64, %select_n3A_66 : i32
      %rem3A_68 = arith.constant 0 : i32
      %rem3A_69 = arith.constant 2 : i32
      %rem3A_70 = arith.remui %rem3A_68, %rem3A_69 : i32
      %mul3A_71 = arith.constant 1 : i32
      %mul3A_72 = arith.muli %mul3A_71, %add3A_15 : i32
      %dma_start3A_73 = arith.constant 0 : i32
      %dma_start3A_74 = arith.constant 0 : i32
      %dma_start3A_75 = arith.constant 0 : i32
      %dma_start3A_76 = tpu.memref_slice %run_scoped3A_8[%rem3A_70, %dma_start3A_73, %dma_start3A_74, %dma_start3A_75] : memref<2x1x1x128xi32, #tpu.memory_space<vmem>> -> memref<1x1x1x128xi32, #tpu.memory_space<vmem>>
      %dma_start3A_77 = tpu.memref_squeeze %dma_start3A_76 : memref<1x1x1x128xi32, #tpu.memory_space<vmem>> -> memref<1x1x128xi32, #tpu.memory_space<vmem>>
      %dma_start3A_78 = arith.constant 0 : i32
      %dma_start3A_79 = arith.constant 0 : i32
      %dma_start3A_80 = tpu.memref_slice %arg5[%mul3A_72, %dma_start3A_78, %dma_start3A_79] : memref<1280x1x128xi32, #tpu.memory_space<hbm>> -> memref<1x1x128xi32, #tpu.memory_space<hbm>>
      %dma_start3A_81 = tpu.memref_slice %run_scoped3A_9[%rem3A_70] : memref<2x!tpu.dma_semaphore, #tpu.memory_space<semaphore_mem>> -> memref<1x!tpu.dma_semaphore, #tpu.memory_space<semaphore_mem>>
      %dma_start3A_82 = tpu.memref_squeeze %dma_start3A_81 : memref<1x!tpu.dma_semaphore, #tpu.memory_space<semaphore_mem>> -> memref<!tpu.dma_semaphore, #tpu.memory_space<semaphore_mem>>
      %dma_start3A_83 = arith.constant 0 : i32
      %dma_start3A_84 = arith.constant 0 : i32
      %dma_start3A_85 = arith.constant 0 : i32
      %dma_start3A_86 = tpu.memref_slice %run_scoped3A_8[%rem3A_70, %dma_start3A_83, %dma_start3A_84, %dma_start3A_85] : memref<2x1x1x128xi32, #tpu.memory_space<vmem>> -> memref<1x1x1x128xi32, #tpu.memory_space<vmem>>
      %dma_start3A_87 = tpu.memref_squeeze %dma_start3A_86 : memref<1x1x1x128xi32, #tpu.memory_space<vmem>> -> memref<1x1x128xi32, #tpu.memory_space<vmem>>
      %dma_start3A_88 = arith.constant 0 : i32
      %dma_start3A_89 = arith.constant 0 : i32
      %dma_start3A_90 = tpu.memref_slice %arg5[%mul3A_72, %dma_start3A_88, %dma_start3A_89] : memref<1280x1x128xi32, #tpu.memory_space<hbm>> -> memref<1x1x128xi32, #tpu.memory_space<hbm>>
      tpu.enqueue_dma source(%dma_start3A_90 : memref<1x1x128xi32, #tpu.memory_space<hbm>>) target(%dma_start3A_87 : memref<1x1x128xi32, #tpu.memory_space<vmem>>) target_semaphore(%dma_start3A_82 : memref<!tpu.dma_semaphore, #tpu.memory_space<semaphore_mem>>)
      %add3A_91 = arith.constant 0 : i32
      %add3A_92 = arith.constant 1 : i32
      %add3A_93 = arith.addi %add3A_91, %add3A_92 : i32
      %select_n3A_94 = arith.constant true
      %select_n3A_95 = arith.constant 0 : i32
      %select_n3A_96 = arith.select %select_n3A_94, %add3A_93, %select_n3A_95 : i32
      "tpu.trace_stop"() : () -> ()
      %scan3A = arith.constant 0 : i32
      %scan3A_97 = arith.constant 0 : i32
      %scan3A_98 = arith.constant 0 : i32
      %scan3A_99 = arith.constant 0 : i32
      %scan3A_100 = arith.constant 0 : i32
      %scan3A_101 = arith.constant 0 : i32
      %scan3A_102 = arith.constant 0 : i32
      %scan3A_103 = arith.constant 0 : i32
      %scan3A_104 = arith.constant 40 : i32
      %scan3A_105 = arith.addi %scan3A_103, %scan3A_104 : i32
      %scan3A_106 = arith.constant 1 : i32
      %scan3A_107:9 = scf.for %scan3A_179 = %scan3A_103 to %scan3A_105 step %scan3A_106 iter_args(%scan3A_180 = %select_n3A_67, %scan3A_181 = %scan3A, %scan3A_182 = %select_n3A_96, %scan3A_183 = %scan3A_97, %scan3A_184 = %scan3A_98, %scan3A_185 = %scan3A_99, %scan3A_186 = %scan3A_100, %scan3A_187 = %scan3A_101, %scan3A_188 = %scan3A_102) -> (i32, i32, i32, i32, i32, i32, i32, i32, i32)  : i32 {
        %eq3A_189 = arith.constant 0 : i32
        %eq3A_190 = arith.cmpi eq, %scan3A_179, %eq3A_189 : i32
        %eq3A_191 = arith.constant 39 : i32
        %eq3A_192 = arith.cmpi eq, %scan3A_179, %eq3A_191 : i32
        %add3A_193 = arith.addi %scan3A_188, %mul3A_6 : i32
        %sub3A_194 = arith.constant 1 : i32
        %sub3A_195 = arith.subi %scan3A_188, %sub3A_194 : i32
        %select_n3A_196 = arith.constant true
        %select_n3A_197 = arith.select %select_n3A_196, %sub3A_195, %scan3A_188 : i32
        %eq3A_198 = arith.constant -1 : i32
        %eq3A_199 = arith.cmpi eq, %select_n3A_197, %eq3A_198 : i32
        %select_n3A_200 = arith.constant 39 : i32
        %select_n3A_201 = arith.select %eq3A_199, %select_n3A_200, %select_n3A_197 : i32
        %add3A_202 = arith.addi %select_n3A_201, %mul3A_6 : i32
        %add3A_203 = arith.constant 1 : i32
        %add3A_204 = arith.addi %scan3A_188, %add3A_203 : i32
        %select_n3A_205 = arith.constant true
        %select_n3A_206 = arith.select %select_n3A_205, %add3A_204, %scan3A_188 : i32
        %eq3A_207 = arith.constant 40 : i32
        %eq3A_208 = arith.cmpi eq, %select_n3A_206, %eq3A_207 : i32
        %select_n3A_209 = arith.constant 0 : i32
        %select_n3A_210 = arith.select %eq3A_208, %select_n3A_209, %select_n3A_206 : i32
        %add3A_211 = arith.addi %select_n3A_210, %mul3A_6 : i32
        %add3A_212 = arith.constant 1 : i32
        %add3A_213 = arith.addi %select_n3A_210, %add3A_212 : i32
        %select_n3A_214 = arith.constant true
        %select_n3A_215 = arith.select %select_n3A_214, %add3A_213, %select_n3A_210 : i32
        %eq3A_216 = arith.constant 40 : i32
        %eq3A_217 = arith.cmpi eq, %select_n3A_215, %eq3A_216 : i32
        %select_n3A_218 = arith.constant 0 : i32
        %select_n3A_219 = arith.select %eq3A_217, %select_n3A_218, %select_n3A_215 : i32
        %add3A_220 = arith.addi %select_n3A_219, %mul3A_6 : i32
        %ne3A = arith.cmpi ne, %add3A_193, %add3A_211 : i32
        %or3A = arith.constant false
        %or3A_221 = arith.ori %or3A, %ne3A : i1
        %or3A_222 = arith.constant false
        %or3A_223 = arith.ori %or3A_221, %or3A_222 : i1
        %or3A_224 = arith.constant false
        %or3A_225 = arith.ori %or3A_223, %or3A_224 : i1
        %ge3A = arith.constant 39 : i32
        %ge3A_226 = arith.cmpi sge, %scan3A_179, %ge3A : i32
        %not3A = arith.constant true
        %not3A_227 = arith.xori %ge3A_226, %not3A : i1
        %and3A = arith.andi %or3A_225, %not3A_227 : i1
        %convert_element_type3A = arith.extui %and3A : i1 to i32
        %cond3A = arith.constant 0 : i32
        %cond3A_228 = arith.cmpi ne, %convert_element_type3A, %cond3A : i32
        scf.if %cond3A_228 {
          "tpu.trace_start"() <{level = 10 : i32, message = "ep_copy_in"}> : () -> ()
          %rem3A_536 = arith.constant 2 : i32
          %rem3A_537 = arith.remui %scan3A_180, %rem3A_536 : i32
          %mul3A_538 = arith.constant 1 : i32
          %mul3A_539 = arith.muli %mul3A_538, %add3A_211 : i32
          %dma_start3A_540 = arith.constant 0 : i32
          %dma_start3A_541 = arith.constant 0 : i32
          %dma_start3A_542 = arith.constant 0 : i32
          %dma_start3A_543 = tpu.memref_slice %run_scoped3A[%rem3A_537, %dma_start3A_540, %dma_start3A_541, %dma_start3A_542] : memref<2x1x1x128xi32, #tpu.memory_space<vmem>> -> memref<1x1x1x128xi32, #tpu.memory_space<vmem>>
          %dma_start3A_544 = tpu.memref_squeeze %dma_start3A_543 : memref<1x1x1x128xi32, #tpu.memory_space<vmem>> -> memref<1x1x128xi32, #tpu.memory_space<vmem>>
          %dma_start3A_545 = arith.constant 0 : i32
          %dma_start3A_546 = arith.constant 0 : i32
          %dma_start3A_547 = tpu.memref_slice %arg4[%mul3A_539, %dma_start3A_545, %dma_start3A_546] : memref<1280x1x128xi32, #tpu.memory_space<hbm>> -> memref<1x1x128xi32, #tpu.memory_space<hbm>>
          %dma_start3A_548 = tpu.memref_slice %run_scoped3A_7[%rem3A_537] : memref<2x!tpu.dma_semaphore, #tpu.memory_space<semaphore_mem>> -> memref<1x!tpu.dma_semaphore, #tpu.memory_space<semaphore_mem>>
          %dma_start3A_549 = tpu.memref_squeeze %dma_start3A_548 : memref<1x!tpu.dma_semaphore, #tpu.memory_space<semaphore_mem>> -> memref<!tpu.dma_semaphore, #tpu.memory_space<semaphore_mem>>
          %dma_start3A_550 = arith.constant 0 : i32
          %dma_start3A_551 = arith.constant 0 : i32
          %dma_start3A_552 = arith.constant 0 : i32
          %dma_start3A_553 = tpu.memref_slice %run_scoped3A[%rem3A_537, %dma_start3A_550, %dma_start3A_551, %dma_start3A_552] : memref<2x1x1x128xi32, #tpu.memory_space<vmem>> -> memref<1x1x1x128xi32, #tpu.memory_space<vmem>>
          %dma_start3A_554 = tpu.memref_squeeze %dma_start3A_553 : memref<1x1x1x128xi32, #tpu.memory_space<vmem>> -> memref<1x1x128xi32, #tpu.memory_space<vmem>>
          %dma_start3A_555 = arith.constant 0 : i32
          %dma_start3A_556 = arith.constant 0 : i32
          %dma_start3A_557 = tpu.memref_slice %arg4[%mul3A_539, %dma_start3A_555, %dma_start3A_556] : memref<1280x1x128xi32, #tpu.memory_space<hbm>> -> memref<1x1x128xi32, #tpu.memory_space<hbm>>
          tpu.enqueue_dma source(%dma_start3A_557 : memref<1x1x128xi32, #tpu.memory_space<hbm>>) target(%dma_start3A_554 : memref<1x1x128xi32, #tpu.memory_space<vmem>>) target_semaphore(%dma_start3A_549 : memref<!tpu.dma_semaphore, #tpu.memory_space<semaphore_mem>>)
          "tpu.trace_stop"() : () -> ()
        } else {
        }
        %and3A_229 = arith.constant true
        %and3A_230 = arith.andi %and3A, %and3A_229 : i1
        %add3A_231 = arith.constant 1 : i32
        %add3A_232 = arith.addi %scan3A_180, %add3A_231 : i32
        %select_n3A_233 = arith.select %and3A_230, %add3A_232, %scan3A_180 : i32
        %ne3A_234 = arith.cmpi ne, %add3A_193, %add3A_211 : i32
        %or3A_235 = arith.constant false
        %or3A_236 = arith.ori %or3A_235, %ne3A_234 : i1
        %or3A_237 = arith.constant false
        %or3A_238 = arith.ori %or3A_236, %or3A_237 : i1
        %or3A_239 = arith.constant false
        %or3A_240 = arith.ori %or3A_238, %or3A_239 : i1
        %ge3A_241 = arith.constant 39 : i32
        %ge3A_242 = arith.cmpi sge, %scan3A_179, %ge3A_241 : i32
        %not3A_243 = arith.constant true
        %not3A_244 = arith.xori %ge3A_242, %not3A_243 : i1
        %and3A_245 = arith.andi %or3A_240, %not3A_244 : i1
        %convert_element_type3A_246 = arith.extui %and3A_245 : i1 to i32
        %cond3A_247 = arith.constant 0 : i32
        %cond3A_248 = arith.cmpi ne, %convert_element_type3A_246, %cond3A_247 : i32
        scf.if %cond3A_248 {
          "tpu.trace_start"() <{level = 10 : i32, message = "ep_copy_in"}> : () -> ()
          %rem3A_536 = arith.constant 2 : i32
          %rem3A_537 = arith.remui %scan3A_182, %rem3A_536 : i32
          %mul3A_538 = arith.constant 1 : i32
          %mul3A_539 = arith.muli %mul3A_538, %add3A_211 : i32
          %dma_start3A_540 = arith.constant 0 : i32
          %dma_start3A_541 = arith.constant 0 : i32
          %dma_start3A_542 = arith.constant 0 : i32
          %dma_start3A_543 = tpu.memref_slice %run_scoped3A_8[%rem3A_537, %dma_start3A_540, %dma_start3A_541, %dma_start3A_542] : memref<2x1x1x128xi32, #tpu.memory_space<vmem>> -> memref<1x1x1x128xi32, #tpu.memory_space<vmem>>
          %dma_start3A_544 = tpu.memref_squeeze %dma_start3A_543 : memref<1x1x1x128xi32, #tpu.memory_space<vmem>> -> memref<1x1x128xi32, #tpu.memory_space<vmem>>
          %dma_start3A_545 = arith.constant 0 : i32
          %dma_start3A_546 = arith.constant 0 : i32
          %dma_start3A_547 = tpu.memref_slice %arg5[%mul3A_539, %dma_start3A_545, %dma_start3A_546] : memref<1280x1x128xi32, #tpu.memory_space<hbm>> -> memref<1x1x128xi32, #tpu.memory_space<hbm>>
          %dma_start3A_548 = tpu.memref_slice %run_scoped3A_9[%rem3A_537] : memref<2x!tpu.dma_semaphore, #tpu.memory_space<semaphore_mem>> -> memref<1x!tpu.dma_semaphore, #tpu.memory_space<semaphore_mem>>
          %dma_start3A_549 = tpu.memref_squeeze %dma_start3A_548 : memref<1x!tpu.dma_semaphore, #tpu.memory_space<semaphore_mem>> -> memref<!tpu.dma_semaphore, #tpu.memory_space<semaphore_mem>>
          %dma_start3A_550 = arith.constant 0 : i32
          %dma_start3A_551 = arith.constant 0 : i32
          %dma_start3A_552 = arith.constant 0 : i32
          %dma_start3A_553 = tpu.memref_slice %run_scoped3A_8[%rem3A_537, %dma_start3A_550, %dma_start3A_551, %dma_start3A_552] : memref<2x1x1x128xi32, #tpu.memory_space<vmem>> -> memref<1x1x1x128xi32, #tpu.memory_space<vmem>>
          %dma_start3A_554 = tpu.memref_squeeze %dma_start3A_553 : memref<1x1x1x128xi32, #tpu.memory_space<vmem>> -> memref<1x1x128xi32, #tpu.memory_space<vmem>>
          %dma_start3A_555 = arith.constant 0 : i32
          %dma_start3A_556 = arith.constant 0 : i32
          %dma_start3A_557 = tpu.memref_slice %arg5[%mul3A_539, %dma_start3A_555, %dma_start3A_556] : memref<1280x1x128xi32, #tpu.memory_space<hbm>> -> memref<1x1x128xi32, #tpu.memory_space<hbm>>
          tpu.enqueue_dma source(%dma_start3A_557 : memref<1x1x128xi32, #tpu.memory_space<hbm>>) target(%dma_start3A_554 : memref<1x1x128xi32, #tpu.memory_space<vmem>>) target_semaphore(%dma_start3A_549 : memref<!tpu.dma_semaphore, #tpu.memory_space<semaphore_mem>>)
          "tpu.trace_stop"() : () -> ()
        } else {
        }
        %and3A_249 = arith.constant true
        %and3A_250 = arith.andi %and3A_245, %and3A_249 : i1
        %add3A_251 = arith.constant 1 : i32
        %add3A_252 = arith.addi %scan3A_182, %add3A_251 : i32
        %select_n3A_253 = arith.select %and3A_250, %add3A_252, %scan3A_182 : i32
        %ne3A_254 = arith.cmpi ne, %add3A_193, %add3A_211 : i32
        %or3A_255 = arith.constant false
        %or3A_256 = arith.ori %or3A_255, %ne3A_254 : i1
        %or3A_257 = arith.constant false
        %or3A_258 = arith.ori %or3A_256, %or3A_257 : i1
        %ge3A_259 = arith.constant 39 : i32
        %ge3A_260 = arith.cmpi sge, %scan3A_179, %ge3A_259 : i32
        %not3A_261 = arith.constant true
        %not3A_262 = arith.xori %ge3A_260, %not3A_261 : i1
        %and3A_263 = arith.andi %or3A_258, %not3A_262 : i1
        %ne3A_264 = arith.cmpi ne, %add3A_193, %add3A_211 : i32
        %or3A_265 = arith.constant false
        %or3A_266 = arith.ori %or3A_265, %ne3A_264 : i1
        %or3A_267 = arith.constant false
        %or3A_268 = arith.ori %or3A_266, %or3A_267 : i1
        %ge3A_269 = arith.constant 39 : i32
        %ge3A_270 = arith.cmpi sge, %scan3A_179, %ge3A_269 : i32
        %not3A_271 = arith.constant true
        %not3A_272 = arith.xori %ge3A_270, %not3A_271 : i1
        %and3A_273 = arith.andi %or3A_268, %not3A_272 : i1
        %ne3A_274 = arith.cmpi ne, %add3A_193, %add3A_202 : i32
        %or3A_275 = arith.constant false
        %or3A_276 = arith.ori %or3A_275, %ne3A_274 : i1
        %or3A_277 = arith.constant false
        %or3A_278 = arith.ori %or3A_276, %or3A_277 : i1
        %or3A_279 = arith.constant false
        %or3A_280 = arith.ori %or3A_278, %or3A_279 : i1
        %or3A_281 = arith.ori %or3A_280, %eq3A_190 : i1
        %convert_element_type3A_282 = arith.extui %or3A_281 : i1 to i32
        %cond3A_283 = arith.constant 0 : i32
        %cond3A_284 = arith.cmpi ne, %convert_element_type3A_282, %cond3A_283 : i32
        scf.if %cond3A_284 {
          "tpu.trace_start"() <{level = 10 : i32, message = "ep_wait_in"}> : () -> ()
          %mul3A_536 = arith.constant 1 : i32
          %mul3A_537 = arith.muli %mul3A_536, %add3A_193 : i32
          %rem3A_538 = arith.constant 2 : i32
          %rem3A_539 = arith.remui %scan3A_181, %rem3A_538 : i32
          %dma_wait3A_540 = arith.constant 0 : i32
          %dma_wait3A_541 = arith.constant 0 : i32
          %dma_wait3A_542 = arith.constant 0 : i32
          %dma_wait3A_543 = tpu.memref_slice %run_scoped3A[%rem3A_539, %dma_wait3A_540, %dma_wait3A_541, %dma_wait3A_542] : memref<2x1x1x128xi32, #tpu.memory_space<vmem>> -> memref<1x1x1x128xi32, #tpu.memory_space<vmem>>
          %dma_wait3A_544 = tpu.memref_squeeze %dma_wait3A_543 : memref<1x1x1x128xi32, #tpu.memory_space<vmem>> -> memref<1x1x128xi32, #tpu.memory_space<vmem>>
          %dma_wait3A_545 = arith.constant 0 : i32
          %dma_wait3A_546 = arith.constant 0 : i32
          %dma_wait3A_547 = tpu.memref_slice %arg4[%mul3A_537, %dma_wait3A_545, %dma_wait3A_546] : memref<1280x1x128xi32, #tpu.memory_space<hbm>> -> memref<1x1x128xi32, #tpu.memory_space<hbm>>
          %dma_wait3A_548 = tpu.memref_slice %run_scoped3A_7[%rem3A_539] : memref<2x!tpu.dma_semaphore, #tpu.memory_space<semaphore_mem>> -> memref<1x!tpu.dma_semaphore, #tpu.memory_space<semaphore_mem>>
          %dma_wait3A_549 = tpu.memref_squeeze %dma_wait3A_548 : memref<1x!tpu.dma_semaphore, #tpu.memory_space<semaphore_mem>> -> memref<!tpu.dma_semaphore, #tpu.memory_space<semaphore_mem>>
          %dma_wait3A_550 = arith.constant 0 : i32
          %dma_wait3A_551 = arith.constant 0 : i32
          %dma_wait3A_552 = arith.constant 0 : i32
          %dma_wait3A_553 = tpu.memref_slice %run_scoped3A[%rem3A_539, %dma_wait3A_550, %dma_wait3A_551, %dma_wait3A_552] : memref<2x1x1x128xi32, #tpu.memory_space<vmem>> -> memref<1x1x1x128xi32, #tpu.memory_space<vmem>>
          %dma_wait3A_554 = tpu.memref_squeeze %dma_wait3A_553 : memref<1x1x1x128xi32, #tpu.memory_space<vmem>> -> memref<1x1x128xi32, #tpu.memory_space<vmem>>
          %dma_wait3A_555 = arith.constant 0 : i32
          %dma_wait3A_556 = arith.constant 0 : i32
          %dma_wait3A_557 = tpu.memref_slice %arg4[%mul3A_537, %dma_wait3A_555, %dma_wait3A_556] : memref<1280x1x128xi32, #tpu.memory_space<hbm>> -> memref<1x1x128xi32, #tpu.memory_space<hbm>>
          tpu.wait_dma2 semaphore(%dma_wait3A_549 : memref<!tpu.dma_semaphore, #tpu.memory_space<semaphore_mem>>) src(%dma_wait3A_557 : memref<1x1x128xi32, #tpu.memory_space<hbm>>) dst(%dma_wait3A_554 : memref<1x1x128xi32, #tpu.memory_space<vmem>>)
          "tpu.trace_stop"() : () -> ()
        } else {
        }
        %ne3A_285 = arith.cmpi ne, %add3A_193, %add3A_202 : i32
        %or3A_286 = arith.constant false
        %or3A_287 = arith.ori %or3A_286, %ne3A_285 : i1
        %or3A_288 = arith.constant false
        %or3A_289 = arith.ori %or3A_287, %or3A_288 : i1
        %or3A_290 = arith.constant false
        %or3A_291 = arith.ori %or3A_289, %or3A_290 : i1
        %or3A_292 = arith.ori %or3A_291, %eq3A_190 : i1
        %convert_element_type3A_293 = arith.extui %or3A_292 : i1 to i32
        %cond3A_294 = arith.constant 0 : i32
        %cond3A_295 = arith.cmpi ne, %convert_element_type3A_293, %cond3A_294 : i32
        scf.if %cond3A_295 {
          "tpu.trace_start"() <{level = 10 : i32, message = "ep_wait_in"}> : () -> ()
          %mul3A_536 = arith.constant 1 : i32
          %mul3A_537 = arith.muli %mul3A_536, %add3A_193 : i32
          %rem3A_538 = arith.constant 2 : i32
          %rem3A_539 = arith.remui %scan3A_183, %rem3A_538 : i32
          %dma_wait3A_540 = arith.constant 0 : i32
          %dma_wait3A_541 = arith.constant 0 : i32
          %dma_wait3A_542 = arith.constant 0 : i32
          %dma_wait3A_543 = tpu.memref_slice %run_scoped3A_8[%rem3A_539, %dma_wait3A_540, %dma_wait3A_541, %dma_wait3A_542] : memref<2x1x1x128xi32, #tpu.memory_space<vmem>> -> memref<1x1x1x128xi32, #tpu.memory_space<vmem>>
          %dma_wait3A_544 = tpu.memref_squeeze %dma_wait3A_543 : memref<1x1x1x128xi32, #tpu.memory_space<vmem>> -> memref<1x1x128xi32, #tpu.memory_space<vmem>>
          %dma_wait3A_545 = arith.constant 0 : i32
          %dma_wait3A_546 = arith.constant 0 : i32
          %dma_wait3A_547 = tpu.memref_slice %arg5[%mul3A_537, %dma_wait3A_545, %dma_wait3A_546] : memref<1280x1x128xi32, #tpu.memory_space<hbm>> -> memref<1x1x128xi32, #tpu.memory_space<hbm>>
          %dma_wait3A_548 = tpu.memref_slice %run_scoped3A_9[%rem3A_539] : memref<2x!tpu.dma_semaphore, #tpu.memory_space<semaphore_mem>> -> memref<1x!tpu.dma_semaphore, #tpu.memory_space<semaphore_mem>>
          %dma_wait3A_549 = tpu.memref_squeeze %dma_wait3A_548 : memref<1x!tpu.dma_semaphore, #tpu.memory_space<semaphore_mem>> -> memref<!tpu.dma_semaphore, #tpu.memory_space<semaphore_mem>>
          %dma_wait3A_550 = arith.constant 0 : i32
          %dma_wait3A_551 = arith.constant 0 : i32
          %dma_wait3A_552 = arith.constant 0 : i32
          %dma_wait3A_553 = tpu.memref_slice %run_scoped3A_8[%rem3A_539, %dma_wait3A_550, %dma_wait3A_551, %dma_wait3A_552] : memref<2x1x1x128xi32, #tpu.memory_space<vmem>> -> memref<1x1x1x128xi32, #tpu.memory_space<vmem>>
          %dma_wait3A_554 = tpu.memref_squeeze %dma_wait3A_553 : memref<1x1x1x128xi32, #tpu.memory_space<vmem>> -> memref<1x1x128xi32, #tpu.memory_space<vmem>>
          %dma_wait3A_555 = arith.constant 0 : i32
          %dma_wait3A_556 = arith.constant 0 : i32
          %dma_wait3A_557 = tpu.memref_slice %arg5[%mul3A_537, %dma_wait3A_555, %dma_wait3A_556] : memref<1280x1x128xi32, #tpu.memory_space<hbm>> -> memref<1x1x128xi32, #tpu.memory_space<hbm>>
          tpu.wait_dma2 semaphore(%dma_wait3A_549 : memref<!tpu.dma_semaphore, #tpu.memory_space<semaphore_mem>>) src(%dma_wait3A_557 : memref<1x1x128xi32, #tpu.memory_space<hbm>>) dst(%dma_wait3A_554 : memref<1x1x128xi32, #tpu.memory_space<vmem>>)
          "tpu.trace_stop"() : () -> ()
        } else {
        }
        %ne3A_296 = arith.cmpi ne, %add3A_193, %add3A_202 : i32
        %or3A_297 = arith.constant false
        %or3A_298 = arith.ori %or3A_297, %ne3A_296 : i1
        %or3A_299 = arith.constant false
        %or3A_300 = arith.ori %or3A_298, %or3A_299 : i1
        %or3A_301 = arith.ori %or3A_300, %eq3A_190 : i1
        %convert_element_type3A_302 = arith.extui %or3A_301 : i1 to i32
        %cond3A_303 = arith.constant 0 : i32
        %cond3A_304 = arith.cmpi ne, %convert_element_type3A_302, %cond3A_303 : i32
        scf.if %cond3A_304 {
        } else {
        }
        %ne3A_305 = arith.cmpi ne, %add3A_193, %add3A_202 : i32
        %or3A_306 = arith.constant false
        %or3A_307 = arith.ori %or3A_306, %ne3A_305 : i1
        %or3A_308 = arith.constant false
        %or3A_309 = arith.ori %or3A_307, %or3A_308 : i1
        %or3A_310 = arith.ori %or3A_309, %eq3A_190 : i1
        %convert_element_type3A_311 = arith.extui %or3A_310 : i1 to i32
        %cond3A_312 = arith.constant 0 : i32
        %cond3A_313 = arith.cmpi ne, %convert_element_type3A_311, %cond3A_312 : i32
        scf.if %cond3A_313 {
        } else {
        }
        %rem3A_314 = arith.constant 2 : i32
        %rem3A_315 = arith.remui %scan3A_181, %rem3A_314 : i32
        %rem3A_316 = arith.constant 2 : i32
        %rem3A_317 = arith.remui %scan3A_183, %rem3A_316 : i32
        %rem3A_318 = arith.constant 2 : i32
        %rem3A_319 = arith.remui %scan3A_184, %rem3A_318 : i32
        %rem3A_320 = arith.constant 2 : i32
        %rem3A_321 = arith.remui %scan3A_186, %rem3A_320 : i32
        %dma_start3A_322 = arith.constant 0 : i32
        %dma_start3A_323 = arith.constant 0 : i32
        "tpu.trace_start"() <{level = 10 : i32, message = "ep_run_kernel"}> : () -> ()
        %dma_start3A_324 = arith.constant 0 : i32
        %dma_start3A_325 = arith.constant 0 : i32
        %dma_start3A_326 = tpu.memref_slice %run_scoped3A_10[%rem3A_319, %dma_start3A_324, %dma_start3A_325] : memref<2x128x128xi32, #tpu.memory_space<vmem>> -> memref<1x128x128xi32, #tpu.memory_space<vmem>>
        %dma_start3A_327 = tpu.memref_squeeze %dma_start3A_326 : memref<1x128x128xi32, #tpu.memory_space<vmem>> -> memref<128x128xi32, #tpu.memory_space<vmem>>
        %dma_start3A_328 = arith.constant 0 : i32
        %dma_start3A_329 = arith.constant 0 : i32
        %dma_start3A_330 = arith.constant 0 : i32
        %dma_start3A_331 = tpu.memref_slice %run_scoped3A[%rem3A_315, %dma_start3A_328, %dma_start3A_329, %dma_start3A_330] : memref<2x1x1x128xi32, #tpu.memory_space<vmem>> -> memref<1x1x1x128xi32, #tpu.memory_space<vmem>>
        %dma_start3A_332 = tpu.memref_squeeze %dma_start3A_331 : memref<1x1x1x128xi32, #tpu.memory_space<vmem>> -> memref<1x1x128xi32, #tpu.memory_space<vmem>>
        %dma_start3A_333 = arith.constant 0 : i32
        %dma_start3A_334 = tpu.memref_slice %dma_start3A_332[%dma_start3A_322, %dma_start3A_323, %dma_start3A_333] : memref<1x1x128xi32, #tpu.memory_space<vmem>> -> memref<1x1x128xi32, #tpu.memory_space<vmem>>
        %dma_start3A_335 = tpu.memref_squeeze %dma_start3A_334 : memref<1x1x128xi32, #tpu.memory_space<vmem>> -> memref<128xi32, #tpu.memory_space<vmem>>
        %dma_start3A_336 = arith.constant 0 : i32
        %dma_start3A_337 = arith.constant 0 : i32
        %dma_start3A_338 = tpu.memref_slice %arg2[%dma_start3A_336, %dma_start3A_337] : memref<10000x128xi32, #tpu.memory_space<hbm>> -> memref<10000x128xi32, #tpu.memory_space<hbm>>
        tpu.enqueue_indirect_dma source(%dma_start3A_338 : memref<10000x128xi32, #tpu.memory_space<hbm>>) target(%dma_start3A_327 : memref<128x128xi32, #tpu.memory_space<vmem>>) offsets(%dma_start3A_335 : memref<128xi32, #tpu.memory_space<vmem>>) semaphore(%arg8 : memref<!tpu.dma_semaphore, #tpu.memory_space<semaphore_mem>>)
        %dma_start3A_339 = arith.constant 0 : i32
        %dma_start3A_340 = arith.constant 0 : i32
        %dma_start3A_341 = arith.constant 0 : i32
        %dma_start3A_342 = arith.constant 0 : i32
        %dma_start3A_343 = tpu.memref_slice %run_scoped3A_12[%rem3A_321, %dma_start3A_341, %dma_start3A_342] : memref<2x128x128xi32, #tpu.memory_space<vmem>> -> memref<1x128x128xi32, #tpu.memory_space<vmem>>
        %dma_start3A_344 = tpu.memref_squeeze %dma_start3A_343 : memref<1x128x128xi32, #tpu.memory_space<vmem>> -> memref<128x128xi32, #tpu.memory_space<vmem>>
        %dma_start3A_345 = arith.constant 0 : i32
        %dma_start3A_346 = arith.constant 0 : i32
        %dma_start3A_347 = arith.constant 0 : i32
        %dma_start3A_348 = tpu.memref_slice %run_scoped3A_8[%rem3A_317, %dma_start3A_345, %dma_start3A_346, %dma_start3A_347] : memref<2x1x1x128xi32, #tpu.memory_space<vmem>> -> memref<1x1x1x128xi32, #tpu.memory_space<vmem>>
        %dma_start3A_349 = tpu.memref_squeeze %dma_start3A_348 : memref<1x1x1x128xi32, #tpu.memory_space<vmem>> -> memref<1x1x128xi32, #tpu.memory_space<vmem>>
        %dma_start3A_350 = arith.constant 0 : i32
        %dma_start3A_351 = tpu.memref_slice %dma_start3A_349[%dma_start3A_339, %dma_start3A_340, %dma_start3A_350] : memref<1x1x128xi32, #tpu.memory_space<vmem>> -> memref<1x1x128xi32, #tpu.memory_space<vmem>>
        %dma_start3A_352 = tpu.memref_squeeze %dma_start3A_351 : memref<1x1x128xi32, #tpu.memory_space<vmem>> -> memref<128xi32, #tpu.memory_space<vmem>>
        %dma_start3A_353 = arith.constant 0 : i32
        %dma_start3A_354 = arith.constant 0 : i32
        %dma_start3A_355 = tpu.memref_slice %arg3[%dma_start3A_353, %dma_start3A_354] : memref<10000x128xi32, #tpu.memory_space<hbm>> -> memref<10000x128xi32, #tpu.memory_space<hbm>>
        tpu.enqueue_indirect_dma source(%dma_start3A_355 : memref<10000x128xi32, #tpu.memory_space<hbm>>) target(%dma_start3A_344 : memref<128x128xi32, #tpu.memory_space<vmem>>) offsets(%dma_start3A_352 : memref<128xi32, #tpu.memory_space<vmem>>) semaphore(%arg8 : memref<!tpu.dma_semaphore, #tpu.memory_space<semaphore_mem>>)
        %dma_wait3A_356 = arith.constant 0 : i32
        %dma_wait3A_357 = arith.constant 0 : i32
        %dma_wait3A_358 = arith.constant 0 : i32
        %dma_wait3A_359 = arith.constant 0 : i32
        %dma_wait3A_360 = tpu.memref_slice %run_scoped3A_10[%rem3A_319, %dma_wait3A_358, %dma_wait3A_359] : memref<2x128x128xi32, #tpu.memory_space<vmem>> -> memref<1x128x128xi32, #tpu.memory_space<vmem>>
        %dma_wait3A_361 = tpu.memref_squeeze %dma_wait3A_360 : memref<1x128x128xi32, #tpu.memory_space<vmem>> -> memref<128x128xi32, #tpu.memory_space<vmem>>
        %dma_wait3A_362 = arith.constant 0 : i32
        %dma_wait3A_363 = arith.constant 0 : i32
        %dma_wait3A_364 = arith.constant 0 : i32
        %dma_wait3A_365 = tpu.memref_slice %run_scoped3A[%rem3A_315, %dma_wait3A_362, %dma_wait3A_363, %dma_wait3A_364] : memref<2x1x1x128xi32, #tpu.memory_space<vmem>> -> memref<1x1x1x128xi32, #tpu.memory_space<vmem>>
        %dma_wait3A_366 = tpu.memref_squeeze %dma_wait3A_365 : memref<1x1x1x128xi32, #tpu.memory_space<vmem>> -> memref<1x1x128xi32, #tpu.memory_space<vmem>>
        %dma_wait3A_367 = arith.constant 0 : i32
        %dma_wait3A_368 = tpu.memref_slice %dma_wait3A_366[%dma_wait3A_356, %dma_wait3A_357, %dma_wait3A_367] : memref<1x1x128xi32, #tpu.memory_space<vmem>> -> memref<1x1x128xi32, #tpu.memory_space<vmem>>
        %dma_wait3A_369 = tpu.memref_squeeze %dma_wait3A_368 : memref<1x1x128xi32, #tpu.memory_space<vmem>> -> memref<128xi32, #tpu.memory_space<vmem>>
        %dma_wait3A_370 = arith.constant 0 : i32
        %dma_wait3A_371 = arith.constant 0 : i32
        %dma_wait3A_372 = tpu.memref_slice %arg2[%dma_wait3A_370, %dma_wait3A_371] : memref<10000x128xi32, #tpu.memory_space<hbm>> -> memref<10000x128xi32, #tpu.memory_space<hbm>>
        tpu.wait_indirect_dma semaphore(%arg8 : memref<!tpu.dma_semaphore, #tpu.memory_space<semaphore_mem>>) src(%dma_wait3A_372 : memref<10000x128xi32, #tpu.memory_space<hbm>>) dst(%dma_wait3A_361 : memref<128x128xi32, #tpu.memory_space<vmem>>)
        %dma_wait3A_373 = arith.constant 0 : i32
        %dma_wait3A_374 = arith.constant 0 : i32
        %dma_wait3A_375 = arith.constant 0 : i32
        %dma_wait3A_376 = arith.constant 0 : i32
        %dma_wait3A_377 = tpu.memref_slice %run_scoped3A_12[%rem3A_321, %dma_wait3A_375, %dma_wait3A_376] : memref<2x128x128xi32, #tpu.memory_space<vmem>> -> memref<1x128x128xi32, #tpu.memory_space<vmem>>
        %dma_wait3A_378 = tpu.memref_squeeze %dma_wait3A_377 : memref<1x128x128xi32, #tpu.memory_space<vmem>> -> memref<128x128xi32, #tpu.memory_space<vmem>>
        %dma_wait3A_379 = arith.constant 0 : i32
        %dma_wait3A_380 = arith.constant 0 : i32
        %dma_wait3A_381 = arith.constant 0 : i32
        %dma_wait3A_382 = tpu.memref_slice %run_scoped3A_8[%rem3A_317, %dma_wait3A_379, %dma_wait3A_380, %dma_wait3A_381] : memref<2x1x1x128xi32, #tpu.memory_space<vmem>> -> memref<1x1x1x128xi32, #tpu.memory_space<vmem>>
        %dma_wait3A_383 = tpu.memref_squeeze %dma_wait3A_382 : memref<1x1x1x128xi32, #tpu.memory_space<vmem>> -> memref<1x1x128xi32, #tpu.memory_space<vmem>>
        %dma_wait3A_384 = arith.constant 0 : i32
        %dma_wait3A_385 = tpu.memref_slice %dma_wait3A_383[%dma_wait3A_373, %dma_wait3A_374, %dma_wait3A_384] : memref<1x1x128xi32, #tpu.memory_space<vmem>> -> memref<1x1x128xi32, #tpu.memory_space<vmem>>
        %dma_wait3A_386 = tpu.memref_squeeze %dma_wait3A_385 : memref<1x1x128xi32, #tpu.memory_space<vmem>> -> memref<128xi32, #tpu.memory_space<vmem>>
        %dma_wait3A_387 = arith.constant 0 : i32
        %dma_wait3A_388 = arith.constant 0 : i32
        %dma_wait3A_389 = tpu.memref_slice %arg3[%dma_wait3A_387, %dma_wait3A_388] : memref<10000x128xi32, #tpu.memory_space<hbm>> -> memref<10000x128xi32, #tpu.memory_space<hbm>>
        tpu.wait_indirect_dma semaphore(%arg8 : memref<!tpu.dma_semaphore, #tpu.memory_space<semaphore_mem>>) src(%dma_wait3A_389 : memref<10000x128xi32, #tpu.memory_space<hbm>>) dst(%dma_wait3A_378 : memref<128x128xi32, #tpu.memory_space<vmem>>)
        "tpu.trace_stop"() : () -> ()
        %ne3A_390 = arith.cmpi ne, %add3A_193, %add3A_211 : i32
        %or3A_391 = arith.constant false
        %or3A_392 = arith.ori %or3A_391, %ne3A_390 : i1
        %or3A_393 = arith.constant false
        %or3A_394 = arith.ori %or3A_392, %or3A_393 : i1
        %or3A_395 = arith.constant false
        %or3A_396 = arith.ori %or3A_394, %or3A_395 : i1
        %or3A_397 = arith.ori %or3A_396, %eq3A_192 : i1
        %convert_element_type3A_398 = arith.extui %or3A_397 : i1 to i32
        %cond3A_399 = arith.constant 0 : i32
        %cond3A_400 = arith.cmpi ne, %convert_element_type3A_398, %cond3A_399 : i32
        scf.if %cond3A_400 {
        } else {
        }
        %and3A_401 = arith.constant false
        %and3A_402 = arith.andi %or3A_397, %and3A_401 : i1
        %ne3A_403 = arith.cmpi ne, %add3A_193, %add3A_211 : i32
        %or3A_404 = arith.constant false
        %or3A_405 = arith.ori %or3A_404, %ne3A_403 : i1
        %or3A_406 = arith.constant false
        %or3A_407 = arith.ori %or3A_405, %or3A_406 : i1
        %or3A_408 = arith.constant false
        %or3A_409 = arith.ori %or3A_407, %or3A_408 : i1
        %or3A_410 = arith.ori %or3A_409, %eq3A_192 : i1
        %convert_element_type3A_411 = arith.extui %or3A_410 : i1 to i32
        %cond3A_412 = arith.constant 0 : i32
        %cond3A_413 = arith.cmpi ne, %convert_element_type3A_411, %cond3A_412 : i32
        scf.if %cond3A_413 {
        } else {
        }
        %and3A_414 = arith.constant false
        %and3A_415 = arith.andi %or3A_410, %and3A_414 : i1
        %ne3A_416 = arith.cmpi ne, %add3A_193, %add3A_211 : i32
        %or3A_417 = arith.constant false
        %or3A_418 = arith.ori %or3A_417, %ne3A_416 : i1
        %or3A_419 = arith.constant false
        %or3A_420 = arith.ori %or3A_418, %or3A_419 : i1
        %or3A_421 = arith.ori %or3A_420, %eq3A_192 : i1
        %convert_element_type3A_422 = arith.extui %or3A_421 : i1 to i32
        %cond3A_423 = arith.constant 0 : i32
        %cond3A_424 = arith.cmpi ne, %convert_element_type3A_422, %cond3A_423 : i32
        scf.if %cond3A_424 {
          "tpu.trace_start"() <{level = 10 : i32, message = "ep_copy_out"}> : () -> ()
          %rem3A_536 = arith.constant 2 : i32
          %rem3A_537 = arith.remui %scan3A_184, %rem3A_536 : i32
          %mul3A_538 = arith.constant 128 : i32
          %mul3A_539 = arith.muli %mul3A_538, %add3A_193 : i32
          %dma_start3A_540 = arith.constant 0 : i32
          %dma_start3A_541 = arith.constant 0 : i32
          %dma_start3A_542 = tpu.memref_slice %run_scoped3A_10[%rem3A_537, %dma_start3A_540, %dma_start3A_541] : memref<2x128x128xi32, #tpu.memory_space<vmem>> -> memref<1x128x128xi32, #tpu.memory_space<vmem>>
          %dma_start3A_543 = tpu.memref_squeeze %dma_start3A_542 : memref<1x128x128xi32, #tpu.memory_space<vmem>> -> memref<128x128xi32, #tpu.memory_space<vmem>>
          %dma_start3A_544 = arith.constant 0 : i32
          %dma_start3A_545 = tpu.memref_slice %arg6[%mul3A_539, %dma_start3A_544] : memref<163840x128xi32, #tpu.memory_space<hbm>> -> memref<128x128xi32, #tpu.memory_space<hbm>>
          %dma_start3A_546 = tpu.memref_slice %run_scoped3A_11[%rem3A_537] : memref<2x!tpu.dma_semaphore, #tpu.memory_space<semaphore_mem>> -> memref<1x!tpu.dma_semaphore, #tpu.memory_space<semaphore_mem>>
          %dma_start3A_547 = tpu.memref_squeeze %dma_start3A_546 : memref<1x!tpu.dma_semaphore, #tpu.memory_space<semaphore_mem>> -> memref<!tpu.dma_semaphore, #tpu.memory_space<semaphore_mem>>
          %dma_start3A_548 = arith.constant 0 : i32
          %dma_start3A_549 = tpu.memref_slice %arg6[%mul3A_539, %dma_start3A_548] : memref<163840x128xi32, #tpu.memory_space<hbm>> -> memref<128x128xi32, #tpu.memory_space<hbm>>
          %dma_start3A_550 = arith.constant 0 : i32
          %dma_start3A_551 = arith.constant 0 : i32
          %dma_start3A_552 = tpu.memref_slice %run_scoped3A_10[%rem3A_537, %dma_start3A_550, %dma_start3A_551] : memref<2x128x128xi32, #tpu.memory_space<vmem>> -> memref<1x128x128xi32, #tpu.memory_space<vmem>>
          %dma_start3A_553 = tpu.memref_squeeze %dma_start3A_552 : memref<1x128x128xi32, #tpu.memory_space<vmem>> -> memref<128x128xi32, #tpu.memory_space<vmem>>
          tpu.enqueue_dma source(%dma_start3A_553 : memref<128x128xi32, #tpu.memory_space<vmem>>) target(%dma_start3A_549 : memref<128x128xi32, #tpu.memory_space<hbm>>) target_semaphore(%dma_start3A_547 : memref<!tpu.dma_semaphore, #tpu.memory_space<semaphore_mem>>)
          "tpu.trace_stop"() : () -> ()
        } else {
        }
        %and3A_425 = arith.constant true
        %and3A_426 = arith.andi %or3A_421, %and3A_425 : i1
        %add3A_427 = arith.constant 1 : i32
        %add3A_428 = arith.addi %scan3A_184, %add3A_427 : i32
        %select_n3A_429 = arith.select %and3A_426, %add3A_428, %scan3A_184 : i32
        %ne3A_430 = arith.cmpi ne, %add3A_193, %add3A_211 : i32
        %or3A_431 = arith.constant false
        %or3A_432 = arith.ori %or3A_431, %ne3A_430 : i1
        %or3A_433 = arith.constant false
        %or3A_434 = arith.ori %or3A_432, %or3A_433 : i1
        %or3A_435 = arith.ori %or3A_434, %eq3A_192 : i1
        %convert_element_type3A_436 = arith.extui %or3A_435 : i1 to i32
        %cond3A_437 = arith.constant 0 : i32
        %cond3A_438 = arith.cmpi ne, %convert_element_type3A_436, %cond3A_437 : i32
        scf.if %cond3A_438 {
          "tpu.trace_start"() <{level = 10 : i32, message = "ep_copy_out"}> : () -> ()
          %rem3A_536 = arith.constant 2 : i32
          %rem3A_537 = arith.remui %scan3A_186, %rem3A_536 : i32
          %mul3A_538 = arith.constant 128 : i32
          %mul3A_539 = arith.muli %mul3A_538, %add3A_193 : i32
          %dma_start3A_540 = arith.constant 0 : i32
          %dma_start3A_541 = arith.constant 0 : i32
          %dma_start3A_542 = tpu.memref_slice %run_scoped3A_12[%rem3A_537, %dma_start3A_540, %dma_start3A_541] : memref<2x128x128xi32, #tpu.memory_space<vmem>> -> memref<1x128x128xi32, #tpu.memory_space<vmem>>
          %dma_start3A_543 = tpu.memref_squeeze %dma_start3A_542 : memref<1x128x128xi32, #tpu.memory_space<vmem>> -> memref<128x128xi32, #tpu.memory_space<vmem>>
          %dma_start3A_544 = arith.constant 0 : i32
          %dma_start3A_545 = tpu.memref_slice %arg7[%mul3A_539, %dma_start3A_544] : memref<163840x128xi32, #tpu.memory_space<hbm>> -> memref<128x128xi32, #tpu.memory_space<hbm>>
          %dma_start3A_546 = tpu.memref_slice %run_scoped3A_13[%rem3A_537] : memref<2x!tpu.dma_semaphore, #tpu.memory_space<semaphore_mem>> -> memref<1x!tpu.dma_semaphore, #tpu.memory_space<semaphore_mem>>
          %dma_start3A_547 = tpu.memref_squeeze %dma_start3A_546 : memref<1x!tpu.dma_semaphore, #tpu.memory_space<semaphore_mem>> -> memref<!tpu.dma_semaphore, #tpu.memory_space<semaphore_mem>>
          %dma_start3A_548 = arith.constant 0 : i32
          %dma_start3A_549 = tpu.memref_slice %arg7[%mul3A_539, %dma_start3A_548] : memref<163840x128xi32, #tpu.memory_space<hbm>> -> memref<128x128xi32, #tpu.memory_space<hbm>>
          %dma_start3A_550 = arith.constant 0 : i32
          %dma_start3A_551 = arith.constant 0 : i32
          %dma_start3A_552 = tpu.memref_slice %run_scoped3A_12[%rem3A_537, %dma_start3A_550, %dma_start3A_551] : memref<2x128x128xi32, #tpu.memory_space<vmem>> -> memref<1x128x128xi32, #tpu.memory_space<vmem>>
          %dma_start3A_553 = tpu.memref_squeeze %dma_start3A_552 : memref<1x128x128xi32, #tpu.memory_space<vmem>> -> memref<128x128xi32, #tpu.memory_space<vmem>>
          tpu.enqueue_dma source(%dma_start3A_553 : memref<128x128xi32, #tpu.memory_space<vmem>>) target(%dma_start3A_549 : memref<128x128xi32, #tpu.memory_space<hbm>>) target_semaphore(%dma_start3A_547 : memref<!tpu.dma_semaphore, #tpu.memory_space<semaphore_mem>>)
          "tpu.trace_stop"() : () -> ()
        } else {
        }
        %and3A_439 = arith.constant true
        %and3A_440 = arith.andi %or3A_435, %and3A_439 : i1
        %add3A_441 = arith.constant 1 : i32
        %add3A_442 = arith.addi %scan3A_186, %add3A_441 : i32
        %select_n3A_443 = arith.select %and3A_440, %add3A_442, %scan3A_186 : i32
        %ne3A_444 = arith.cmpi ne, %add3A_193, %add3A_202 : i32
        %or3A_445 = arith.constant false
        %or3A_446 = arith.ori %or3A_445, %ne3A_444 : i1
        %or3A_447 = arith.constant false
        %or3A_448 = arith.ori %or3A_446, %or3A_447 : i1
        %or3A_449 = arith.constant false
        %or3A_450 = arith.ori %or3A_448, %or3A_449 : i1
        %not3A_451 = arith.constant true
        %not3A_452 = arith.xori %eq3A_190, %not3A_451 : i1
        %and3A_453 = arith.andi %or3A_450, %not3A_452 : i1
        %convert_element_type3A_454 = arith.extui %and3A_453 : i1 to i32
        %cond3A_455 = arith.constant 0 : i32
        %cond3A_456 = arith.cmpi ne, %convert_element_type3A_454, %cond3A_455 : i32
        scf.if %cond3A_456 {
        } else {
        }
        %and3A_457 = arith.constant false
        %and3A_458 = arith.andi %and3A_453, %and3A_457 : i1
        %ne3A_459 = arith.cmpi ne, %add3A_193, %add3A_202 : i32
        %or3A_460 = arith.constant false
        %or3A_461 = arith.ori %or3A_460, %ne3A_459 : i1
        %or3A_462 = arith.constant false
        %or3A_463 = arith.ori %or3A_461, %or3A_462 : i1
        %or3A_464 = arith.constant false
        %or3A_465 = arith.ori %or3A_463, %or3A_464 : i1
        %not3A_466 = arith.constant true
        %not3A_467 = arith.xori %eq3A_190, %not3A_466 : i1
        %and3A_468 = arith.andi %or3A_465, %not3A_467 : i1
        %convert_element_type3A_469 = arith.extui %and3A_468 : i1 to i32
        %cond3A_470 = arith.constant 0 : i32
        %cond3A_471 = arith.cmpi ne, %convert_element_type3A_469, %cond3A_470 : i32
        scf.if %cond3A_471 {
        } else {
        }
        %and3A_472 = arith.constant false
        %and3A_473 = arith.andi %and3A_468, %and3A_472 : i1
        %ne3A_474 = arith.cmpi ne, %add3A_193, %add3A_202 : i32
        %or3A_475 = arith.constant false
        %or3A_476 = arith.ori %or3A_475, %ne3A_474 : i1
        %or3A_477 = arith.constant false
        %or3A_478 = arith.ori %or3A_476, %or3A_477 : i1
        %not3A_479 = arith.constant true
        %not3A_480 = arith.xori %eq3A_190, %not3A_479 : i1
        %and3A_481 = arith.andi %or3A_478, %not3A_480 : i1
        %convert_element_type3A_482 = arith.extui %and3A_481 : i1 to i32
        %cond3A_483 = arith.constant 0 : i32
        %cond3A_484 = arith.cmpi ne, %convert_element_type3A_482, %cond3A_483 : i32
        scf.if %cond3A_484 {
          "tpu.trace_start"() <{level = 10 : i32, message = "ep_wait_out"}> : () -> ()
          %rem3A_536 = arith.constant 2 : i32
          %rem3A_537 = arith.remui %scan3A_185, %rem3A_536 : i32
          %mul3A_538 = arith.constant 128 : i32
          %mul3A_539 = arith.muli %mul3A_538, %add3A_202 : i32
          %dma_wait3A_540 = arith.constant 0 : i32
          %dma_wait3A_541 = arith.constant 0 : i32
          %dma_wait3A_542 = tpu.memref_slice %run_scoped3A_10[%rem3A_537, %dma_wait3A_540, %dma_wait3A_541] : memref<2x128x128xi32, #tpu.memory_space<vmem>> -> memref<1x128x128xi32, #tpu.memory_space<vmem>>
          %dma_wait3A_543 = tpu.memref_squeeze %dma_wait3A_542 : memref<1x128x128xi32, #tpu.memory_space<vmem>> -> memref<128x128xi32, #tpu.memory_space<vmem>>
          %dma_wait3A_544 = arith.constant 0 : i32
          %dma_wait3A_545 = tpu.memref_slice %arg6[%mul3A_539, %dma_wait3A_544] : memref<163840x128xi32, #tpu.memory_space<hbm>> -> memref<128x128xi32, #tpu.memory_space<hbm>>
          %dma_wait3A_546 = tpu.memref_slice %run_scoped3A_11[%rem3A_537] : memref<2x!tpu.dma_semaphore, #tpu.memory_space<semaphore_mem>> -> memref<1x!tpu.dma_semaphore, #tpu.memory_space<semaphore_mem>>
          %dma_wait3A_547 = tpu.memref_squeeze %dma_wait3A_546 : memref<1x!tpu.dma_semaphore, #tpu.memory_space<semaphore_mem>> -> memref<!tpu.dma_semaphore, #tpu.memory_space<semaphore_mem>>
          %dma_wait3A_548 = arith.constant 0 : i32
          %dma_wait3A_549 = tpu.memref_slice %arg6[%mul3A_539, %dma_wait3A_548] : memref<163840x128xi32, #tpu.memory_space<hbm>> -> memref<128x128xi32, #tpu.memory_space<hbm>>
          %dma_wait3A_550 = arith.constant 0 : i32
          %dma_wait3A_551 = arith.constant 0 : i32
          %dma_wait3A_552 = tpu.memref_slice %run_scoped3A_10[%rem3A_537, %dma_wait3A_550, %dma_wait3A_551] : memref<2x128x128xi32, #tpu.memory_space<vmem>> -> memref<1x128x128xi32, #tpu.memory_space<vmem>>
          %dma_wait3A_553 = tpu.memref_squeeze %dma_wait3A_552 : memref<1x128x128xi32, #tpu.memory_space<vmem>> -> memref<128x128xi32, #tpu.memory_space<vmem>>
          tpu.wait_dma2 semaphore(%dma_wait3A_547 : memref<!tpu.dma_semaphore, #tpu.memory_space<semaphore_mem>>) src(%dma_wait3A_553 : memref<128x128xi32, #tpu.memory_space<vmem>>) dst(%dma_wait3A_549 : memref<128x128xi32, #tpu.memory_space<hbm>>)
          "tpu.trace_stop"() : () -> ()
        } else {
        }
        %and3A_485 = arith.constant true
        %and3A_486 = arith.andi %and3A_481, %and3A_485 : i1
        %add3A_487 = arith.constant 1 : i32
        %add3A_488 = arith.addi %scan3A_185, %add3A_487 : i32
        %select_n3A_489 = arith.select %and3A_486, %add3A_488, %scan3A_185 : i32
        %ne3A_490 = arith.cmpi ne, %add3A_193, %add3A_202 : i32
        %or3A_491 = arith.constant false
        %or3A_492 = arith.ori %or3A_491, %ne3A_490 : i1
        %or3A_493 = arith.constant false
        %or3A_494 = arith.ori %or3A_492, %or3A_493 : i1
        %not3A_495 = arith.constant true
        %not3A_496 = arith.xori %eq3A_190, %not3A_495 : i1
        %and3A_497 = arith.andi %or3A_494, %not3A_496 : i1
        %convert_element_type3A_498 = arith.extui %and3A_497 : i1 to i32
        %cond3A_499 = arith.constant 0 : i32
        %cond3A_500 = arith.cmpi ne, %convert_element_type3A_498, %cond3A_499 : i32
        scf.if %cond3A_500 {
          "tpu.trace_start"() <{level = 10 : i32, message = "ep_wait_out"}> : () -> ()
          %rem3A_536 = arith.constant 2 : i32
          %rem3A_537 = arith.remui %scan3A_187, %rem3A_536 : i32
          %mul3A_538 = arith.constant 128 : i32
          %mul3A_539 = arith.muli %mul3A_538, %add3A_202 : i32
          %dma_wait3A_540 = arith.constant 0 : i32
          %dma_wait3A_541 = arith.constant 0 : i32
          %dma_wait3A_542 = tpu.memref_slice %run_scoped3A_12[%rem3A_537, %dma_wait3A_540, %dma_wait3A_541] : memref<2x128x128xi32, #tpu.memory_space<vmem>> -> memref<1x128x128xi32, #tpu.memory_space<vmem>>
          %dma_wait3A_543 = tpu.memref_squeeze %dma_wait3A_542 : memref<1x128x128xi32, #tpu.memory_space<vmem>> -> memref<128x128xi32, #tpu.memory_space<vmem>>
          %dma_wait3A_544 = arith.constant 0 : i32
          %dma_wait3A_545 = tpu.memref_slice %arg7[%mul3A_539, %dma_wait3A_544] : memref<163840x128xi32, #tpu.memory_space<hbm>> -> memref<128x128xi32, #tpu.memory_space<hbm>>
          %dma_wait3A_546 = tpu.memref_slice %run_scoped3A_13[%rem3A_537] : memref<2x!tpu.dma_semaphore, #tpu.memory_space<semaphore_mem>> -> memref<1x!tpu.dma_semaphore, #tpu.memory_space<semaphore_mem>>
          %dma_wait3A_547 = tpu.memref_squeeze %dma_wait3A_546 : memref<1x!tpu.dma_semaphore, #tpu.memory_space<semaphore_mem>> -> memref<!tpu.dma_semaphore, #tpu.memory_space<semaphore_mem>>
          %dma_wait3A_548 = arith.constant 0 : i32
          %dma_wait3A_549 = tpu.memref_slice %arg7[%mul3A_539, %dma_wait3A_548] : memref<163840x128xi32, #tpu.memory_space<hbm>> -> memref<128x128xi32, #tpu.memory_space<hbm>>
          %dma_wait3A_550 = arith.constant 0 : i32
          %dma_wait3A_551 = arith.constant 0 : i32
          %dma_wait3A_552 = tpu.memref_slice %run_scoped3A_12[%rem3A_537, %dma_wait3A_550, %dma_wait3A_551] : memref<2x128x128xi32, #tpu.memory_space<vmem>> -> memref<1x128x128xi32, #tpu.memory_space<vmem>>
          %dma_wait3A_553 = tpu.memref_squeeze %dma_wait3A_552 : memref<1x128x128xi32, #tpu.memory_space<vmem>> -> memref<128x128xi32, #tpu.memory_space<vmem>>
          tpu.wait_dma2 semaphore(%dma_wait3A_547 : memref<!tpu.dma_semaphore, #tpu.memory_space<semaphore_mem>>) src(%dma_wait3A_553 : memref<128x128xi32, #tpu.memory_space<vmem>>) dst(%dma_wait3A_549 : memref<128x128xi32, #tpu.memory_space<hbm>>)
          "tpu.trace_stop"() : () -> ()
        } else {
        }
        %and3A_501 = arith.constant true
        %and3A_502 = arith.andi %and3A_497, %and3A_501 : i1
        %add3A_503 = arith.constant 1 : i32
        %add3A_504 = arith.addi %scan3A_187, %add3A_503 : i32
        %select_n3A_505 = arith.select %and3A_502, %add3A_504, %scan3A_187 : i32
        %ne3A_506 = arith.cmpi ne, %add3A_193, %add3A_211 : i32
        %or3A_507 = arith.constant false
        %or3A_508 = arith.ori %or3A_507, %ne3A_506 : i1
        %or3A_509 = arith.constant false
        %or3A_510 = arith.ori %or3A_508, %or3A_509 : i1
        %or3A_511 = arith.constant false
        %or3A_512 = arith.ori %or3A_510, %or3A_511 : i1
        %or3A_513 = arith.ori %or3A_512, %eq3A_192 : i1
        %add3A_514 = arith.constant 1 : i32
        %add3A_515 = arith.addi %scan3A_181, %add3A_514 : i32
        %select_n3A_516 = arith.select %or3A_513, %add3A_515, %scan3A_181 : i32
        %ne3A_517 = arith.cmpi ne, %add3A_193, %add3A_211 : i32
        %or3A_518 = arith.constant false
        %or3A_519 = arith.ori %or3A_518, %ne3A_517 : i1
        %or3A_520 = arith.constant false
        %or3A_521 = arith.ori %or3A_519, %or3A_520 : i1
        %or3A_522 = arith.constant false
        %or3A_523 = arith.ori %or3A_521, %or3A_522 : i1
        %or3A_524 = arith.ori %or3A_523, %eq3A_192 : i1
        %add3A_525 = arith.constant 1 : i32
        %add3A_526 = arith.addi %scan3A_183, %add3A_525 : i32
        %select_n3A_527 = arith.select %or3A_524, %add3A_526, %scan3A_183 : i32
        %add3A_528 = arith.constant 1 : i32
        %add3A_529 = arith.addi %scan3A_188, %add3A_528 : i32
        %select_n3A_530 = arith.constant true
        %select_n3A_531 = arith.select %select_n3A_530, %add3A_529, %scan3A_188 : i32
        %eq3A_532 = arith.constant 40 : i32
        %eq3A_533 = arith.cmpi eq, %select_n3A_531, %eq3A_532 : i32
        %select_n3A_534 = arith.constant 0 : i32
        %select_n3A_535 = arith.select %eq3A_533, %select_n3A_534, %select_n3A_531 : i32
        scf.yield %select_n3A_233, %select_n3A_516, %select_n3A_253, %select_n3A_527, %select_n3A_429, %select_n3A_489, %select_n3A_443, %select_n3A_505, %select_n3A_535 : i32, i32, i32, i32, i32, i32, i32, i32, i32
      }
      %scan3A_108 = arith.constant 40 : i32
      %sub3A = arith.constant 1 : i32
      %sub3A_109 = arith.subi %scan3A_107#8, %sub3A : i32
      %select_n3A_110 = arith.constant true
      %select_n3A_111 = arith.select %select_n3A_110, %sub3A_109, %scan3A_107#8 : i32
      %eq3A_112 = arith.constant -1 : i32
      %eq3A_113 = arith.cmpi eq, %select_n3A_111, %eq3A_112 : i32
      %select_n3A_114 = arith.constant 39 : i32
      %select_n3A_115 = arith.select %eq3A_113, %select_n3A_114, %select_n3A_111 : i32
      %add3A_116 = arith.addi %select_n3A_115, %mul3A_6 : i32
      %sub3A_117 = arith.constant 1 : i32
      %sub3A_118 = arith.subi %select_n3A_115, %sub3A_117 : i32
      %select_n3A_119 = arith.constant true
      %select_n3A_120 = arith.select %select_n3A_119, %sub3A_118, %select_n3A_115 : i32
      %eq3A_121 = arith.constant -1 : i32
      %eq3A_122 = arith.cmpi eq, %select_n3A_120, %eq3A_121 : i32
      %select_n3A_123 = arith.constant 39 : i32
      %select_n3A_124 = arith.select %eq3A_122, %select_n3A_123, %select_n3A_120 : i32
      %add3A_125 = arith.addi %select_n3A_124, %mul3A_6 : i32
      %add3A_126 = arith.constant 1 : i32
      %add3A_127 = arith.addi %select_n3A_115, %add3A_126 : i32
      %select_n3A_128 = arith.constant true
      %select_n3A_129 = arith.select %select_n3A_128, %add3A_127, %select_n3A_115 : i32
      %eq3A_130 = arith.constant 40 : i32
      %eq3A_131 = arith.cmpi eq, %select_n3A_129, %eq3A_130 : i32
      %select_n3A_132 = arith.constant 0 : i32
      %select_n3A_133 = arith.select %eq3A_131, %select_n3A_132, %select_n3A_129 : i32
      %add3A_134 = arith.addi %select_n3A_133, %mul3A_6 : i32
      %add3A_135 = arith.constant 1 : i32
      %add3A_136 = arith.addi %select_n3A_133, %add3A_135 : i32
      %select_n3A_137 = arith.constant true
      %select_n3A_138 = arith.select %select_n3A_137, %add3A_136, %select_n3A_133 : i32
      %eq3A_139 = arith.constant 40 : i32
      %eq3A_140 = arith.cmpi eq, %select_n3A_138, %eq3A_139 : i32
      %select_n3A_141 = arith.constant 0 : i32
      %select_n3A_142 = arith.select %eq3A_140, %select_n3A_141, %select_n3A_138 : i32
      %add3A_143 = arith.addi %select_n3A_142, %mul3A_6 : i32
      "tpu.trace_start"() <{level = 10 : i32, message = "ep_finalize"}> : () -> ()
      %rem3A_144 = arith.constant 2 : i32
      %rem3A_145 = arith.remui %scan3A_107#5, %rem3A_144 : i32
      %mul3A_146 = arith.constant 128 : i32
      %mul3A_147 = arith.muli %mul3A_146, %add3A_116 : i32
      %dma_wait3A = arith.constant 0 : i32
      %dma_wait3A_148 = arith.constant 0 : i32
      %dma_wait3A_149 = tpu.memref_slice %run_scoped3A_10[%rem3A_145, %dma_wait3A, %dma_wait3A_148] : memref<2x128x128xi32, #tpu.memory_space<vmem>> -> memref<1x128x128xi32, #tpu.memory_space<vmem>>
      %dma_wait3A_150 = tpu.memref_squeeze %dma_wait3A_149 : memref<1x128x128xi32, #tpu.memory_space<vmem>> -> memref<128x128xi32, #tpu.memory_space<vmem>>
      %dma_wait3A_151 = arith.constant 0 : i32
      %dma_wait3A_152 = tpu.memref_slice %arg6[%mul3A_147, %dma_wait3A_151] : memref<163840x128xi32, #tpu.memory_space<hbm>> -> memref<128x128xi32, #tpu.memory_space<hbm>>
      %dma_wait3A_153 = tpu.memref_slice %run_scoped3A_11[%rem3A_145] : memref<2x!tpu.dma_semaphore, #tpu.memory_space<semaphore_mem>> -> memref<1x!tpu.dma_semaphore, #tpu.memory_space<semaphore_mem>>
      %dma_wait3A_154 = tpu.memref_squeeze %dma_wait3A_153 : memref<1x!tpu.dma_semaphore, #tpu.memory_space<semaphore_mem>> -> memref<!tpu.dma_semaphore, #tpu.memory_space<semaphore_mem>>
      %dma_wait3A_155 = arith.constant 0 : i32
      %dma_wait3A_156 = tpu.memref_slice %arg6[%mul3A_147, %dma_wait3A_155] : memref<163840x128xi32, #tpu.memory_space<hbm>> -> memref<128x128xi32, #tpu.memory_space<hbm>>
      %dma_wait3A_157 = arith.constant 0 : i32
      %dma_wait3A_158 = arith.constant 0 : i32
      %dma_wait3A_159 = tpu.memref_slice %run_scoped3A_10[%rem3A_145, %dma_wait3A_157, %dma_wait3A_158] : memref<2x128x128xi32, #tpu.memory_space<vmem>> -> memref<1x128x128xi32, #tpu.memory_space<vmem>>
      %dma_wait3A_160 = tpu.memref_squeeze %dma_wait3A_159 : memref<1x128x128xi32, #tpu.memory_space<vmem>> -> memref<128x128xi32, #tpu.memory_space<vmem>>
      tpu.wait_dma2 semaphore(%dma_wait3A_154 : memref<!tpu.dma_semaphore, #tpu.memory_space<semaphore_mem>>) src(%dma_wait3A_160 : memref<128x128xi32, #tpu.memory_space<vmem>>) dst(%dma_wait3A_156 : memref<128x128xi32, #tpu.memory_space<hbm>>)
      %rem3A_161 = arith.constant 2 : i32
      %rem3A_162 = arith.remui %scan3A_107#7, %rem3A_161 : i32
      %mul3A_163 = arith.constant 128 : i32
      %mul3A_164 = arith.muli %mul3A_163, %add3A_116 : i32
      %dma_wait3A_165 = arith.constant 0 : i32
      %dma_wait3A_166 = arith.constant 0 : i32
      %dma_wait3A_167 = tpu.memref_slice %run_scoped3A_12[%rem3A_162, %dma_wait3A_165, %dma_wait3A_166] : memref<2x128x128xi32, #tpu.memory_space<vmem>> -> memref<1x128x128xi32, #tpu.memory_space<vmem>>
      %dma_wait3A_168 = tpu.memref_squeeze %dma_wait3A_167 : memref<1x128x128xi32, #tpu.memory_space<vmem>> -> memref<128x128xi32, #tpu.memory_space<vmem>>
      %dma_wait3A_169 = arith.constant 0 : i32
      %dma_wait3A_170 = tpu.memref_slice %arg7[%mul3A_164, %dma_wait3A_169] : memref<163840x128xi32, #tpu.memory_space<hbm>> -> memref<128x128xi32, #tpu.memory_space<hbm>>
      %dma_wait3A_171 = tpu.memref_slice %run_scoped3A_13[%rem3A_162] : memref<2x!tpu.dma_semaphore, #tpu.memory_space<semaphore_mem>> -> memref<1x!tpu.dma_semaphore, #tpu.memory_space<semaphore_mem>>
      %dma_wait3A_172 = tpu.memref_squeeze %dma_wait3A_171 : memref<1x!tpu.dma_semaphore, #tpu.memory_space<semaphore_mem>> -> memref<!tpu.dma_semaphore, #tpu.memory_space<semaphore_mem>>
      %dma_wait3A_173 = arith.constant 0 : i32
      %dma_wait3A_174 = tpu.memref_slice %arg7[%mul3A_164, %dma_wait3A_173] : memref<163840x128xi32, #tpu.memory_space<hbm>> -> memref<128x128xi32, #tpu.memory_space<hbm>>
      %dma_wait3A_175 = arith.constant 0 : i32
      %dma_wait3A_176 = arith.constant 0 : i32
      %dma_wait3A_177 = tpu.memref_slice %run_scoped3A_12[%rem3A_162, %dma_wait3A_175, %dma_wait3A_176] : memref<2x128x128xi32, #tpu.memory_space<vmem>> -> memref<1x128x128xi32, #tpu.memory_space<vmem>>
      %dma_wait3A_178 = tpu.memref_squeeze %dma_wait3A_177 : memref<1x128x128xi32, #tpu.memory_space<vmem>> -> memref<128x128xi32, #tpu.memory_space<vmem>>
      tpu.wait_dma2 semaphore(%dma_wait3A_172 : memref<!tpu.dma_semaphore, #tpu.memory_space<semaphore_mem>>) src(%dma_wait3A_178 : memref<128x128xi32, #tpu.memory_space<vmem>>) dst(%dma_wait3A_174 : memref<128x128xi32, #tpu.memory_space<hbm>>)
      "tpu.trace_stop"() : () -> ()
      tpu.yield
    }) : () -> ()
    return
  }
}

#map = affine_map<(d0, d1) -> (0, 0)>
#map1 = affine_map<(d0, d1) -> (0, 0, 0)>
module attributes {stable_mosaic.version = 14 : i64} {
  func.func @k(%arg0: i32, %arg1: i32, %arg2: memref<163840x128xf32, #tpu.memory_space<hbm>>, %arg3: memref<1280x1x128xi32, #tpu.memory_space<hbm>>, %arg4: memref<10000x128xf32, #tpu.memory_space<hbm>>, %arg5: memref<2x10000x128xf32, #tpu.memory_space<hbm>>, %arg6: memref<10000x128xf32, #tpu.memory_space<vmem_shared>>) attributes {dimension_semantics = [#tpu.dimension_semantics<core_parallel>, #tpu.dimension_semantics<subcore_parallel>], iteration_bounds = array<i64: 2, 16>, scalar_prefetch = 0 : i64, scratch_operands = 1 : i64, tpu.core_type = #tpu.core_type<sc_vector_subcore>, window_params = [{transform_indices = #map}, {transform_indices = #map1}, {transform_indices = #map}, {transform_indices = #map1}]} {
    %eq3A = arith.constant 0 : i32
    %eq3A_0 = arith.cmpi eq, %arg1, %eq3A : i32
    %convert_element_type3A = arith.extui %eq3A_0 : i1 to i32
    %cond3A = arith.constant 0 : i32
    %cond3A_1 = arith.cmpi ne, %convert_element_type3A, %cond3A : i32
    scf.if %cond3A_1 {
      "tpu.region"() ({
        %run_scoped3A = tpu.sem_alloc : memref<!tpu.dma_semaphore, #tpu.memory_space<semaphore_mem>>
        tpu.enqueue_dma source(%arg4 : memref<10000x128xf32, #tpu.memory_space<hbm>>) target(%arg6 : memref<10000x128xf32, #tpu.memory_space<vmem_shared>>) target_semaphore(%run_scoped3A : memref<!tpu.dma_semaphore, #tpu.memory_space<semaphore_mem>>)
        tpu.wait_dma2 semaphore(%run_scoped3A : memref<!tpu.dma_semaphore, #tpu.memory_space<semaphore_mem>>) src(%arg4 : memref<10000x128xf32, #tpu.memory_space<hbm>>) dst(%arg6 : memref<10000x128xf32, #tpu.memory_space<vmem_shared>>)
        tpu.yield
      }) : () -> ()
    } else {
    }
    %barrier3A = arith.constant 0 : index
    tpu.barrier barrier_id(%barrier3A)
    %mul3A = arith.constant 1 : i32
    %mul3A_2 = arith.muli %arg1, %mul3A : i32
    %add3A = arith.constant 0 : i32
    %add3A_3 = arith.addi %add3A, %mul3A_2 : i32
    %mul3A_4 = arith.constant 16 : i32
    %mul3A_5 = arith.muli %arg0, %mul3A_4 : i32
    %add3A_6 = arith.addi %add3A_3, %mul3A_5 : i32
    %mul3A_7 = arith.constant 40 : i32
    %mul3A_8 = arith.muli %add3A_6, %mul3A_7 : i32
    "tpu.region"() ({
      %run_scoped3A = memref.alloca() : memref<2x128x128xf32, #tpu.memory_space<vmem>>
      %run_scoped3A_15 = tpu.sem_alloc : memref<2x!tpu.dma_semaphore, #tpu.memory_space<semaphore_mem>>
      %run_scoped3A_16 = memref.alloca() : memref<2x1x1x128xi32, #tpu.memory_space<vmem>>
      %run_scoped3A_17 = tpu.sem_alloc : memref<2x!tpu.dma_semaphore, #tpu.memory_space<semaphore_mem>>
      %add3A_18 = arith.constant 0 : i32
      %add3A_19 = arith.addi %add3A_18, %mul3A_8 : i32
      %select_n3A = arith.constant true
      %select_n3A_20 = arith.constant 0 : i32
      %select_n3A_21 = arith.constant -1 : i32
      %select_n3A_22 = arith.select %select_n3A, %select_n3A_21, %select_n3A_20 : i32
      %eq3A_23 = arith.constant -1 : i32
      %eq3A_24 = arith.cmpi eq, %select_n3A_22, %eq3A_23 : i32
      %select_n3A_25 = arith.constant 39 : i32
      %select_n3A_26 = arith.select %eq3A_24, %select_n3A_25, %select_n3A_22 : i32
      %add3A_27 = arith.addi %select_n3A_26, %mul3A_8 : i32
      %select_n3A_28 = arith.constant true
      %select_n3A_29 = arith.constant 0 : i32
      %select_n3A_30 = arith.constant 1 : i32
      %select_n3A_31 = arith.select %select_n3A_28, %select_n3A_30, %select_n3A_29 : i32
      %eq3A_32 = arith.constant 40 : i32
      %eq3A_33 = arith.cmpi eq, %select_n3A_31, %eq3A_32 : i32
      %select_n3A_34 = arith.constant 0 : i32
      %select_n3A_35 = arith.select %eq3A_33, %select_n3A_34, %select_n3A_31 : i32
      %add3A_36 = arith.addi %select_n3A_35, %mul3A_8 : i32
      %add3A_37 = arith.constant 1 : i32
      %add3A_38 = arith.addi %select_n3A_35, %add3A_37 : i32
      %select_n3A_39 = arith.constant true
      %select_n3A_40 = arith.select %select_n3A_39, %add3A_38, %select_n3A_35 : i32
      %eq3A_41 = arith.constant 40 : i32
      %eq3A_42 = arith.cmpi eq, %select_n3A_40, %eq3A_41 : i32
      %select_n3A_43 = arith.constant 0 : i32
      %select_n3A_44 = arith.select %eq3A_42, %select_n3A_43, %select_n3A_40 : i32
      %add3A_45 = arith.addi %select_n3A_44, %mul3A_8 : i32
      "tpu.trace_start"() <{level = 10 : i32, message = "ep_initialize_0"}> : () -> ()
      %rem3A = arith.constant 0 : i32
      %rem3A_46 = arith.constant 2 : i32
      %rem3A_47 = arith.remui %rem3A, %rem3A_46 : i32
      %mul3A_48 = arith.constant 128 : i32
      %mul3A_49 = arith.muli %mul3A_48, %add3A_19 : i32
      %dma_start3A = arith.constant 0 : i32
      %dma_start3A_50 = arith.constant 0 : i32
      %dma_start3A_51 = tpu.memref_slice %run_scoped3A[%rem3A_47, %dma_start3A, %dma_start3A_50] : memref<2x128x128xf32, #tpu.memory_space<vmem>> -> memref<1x128x128xf32, #tpu.memory_space<vmem>>
      %dma_start3A_52 = tpu.memref_squeeze %dma_start3A_51 : memref<1x128x128xf32, #tpu.memory_space<vmem>> -> memref<128x128xf32, #tpu.memory_space<vmem>>
      %dma_start3A_53 = arith.constant 0 : i32
      %dma_start3A_54 = tpu.memref_slice %arg2[%mul3A_49, %dma_start3A_53] : memref<163840x128xf32, #tpu.memory_space<hbm>> -> memref<128x128xf32, #tpu.memory_space<hbm>>
      %dma_start3A_55 = tpu.memref_slice %run_scoped3A_15[%rem3A_47] : memref<2x!tpu.dma_semaphore, #tpu.memory_space<semaphore_mem>> -> memref<1x!tpu.dma_semaphore, #tpu.memory_space<semaphore_mem>>
      %dma_start3A_56 = tpu.memref_squeeze %dma_start3A_55 : memref<1x!tpu.dma_semaphore, #tpu.memory_space<semaphore_mem>> -> memref<!tpu.dma_semaphore, #tpu.memory_space<semaphore_mem>>
      %dma_start3A_57 = arith.constant 0 : i32
      %dma_start3A_58 = arith.constant 0 : i32
      %dma_start3A_59 = tpu.memref_slice %run_scoped3A[%rem3A_47, %dma_start3A_57, %dma_start3A_58] : memref<2x128x128xf32, #tpu.memory_space<vmem>> -> memref<1x128x128xf32, #tpu.memory_space<vmem>>
      %dma_start3A_60 = tpu.memref_squeeze %dma_start3A_59 : memref<1x128x128xf32, #tpu.memory_space<vmem>> -> memref<128x128xf32, #tpu.memory_space<vmem>>
      %dma_start3A_61 = arith.constant 0 : i32
      %dma_start3A_62 = tpu.memref_slice %arg2[%mul3A_49, %dma_start3A_61] : memref<163840x128xf32, #tpu.memory_space<hbm>> -> memref<128x128xf32, #tpu.memory_space<hbm>>
      tpu.enqueue_dma source(%dma_start3A_62 : memref<128x128xf32, #tpu.memory_space<hbm>>) target(%dma_start3A_60 : memref<128x128xf32, #tpu.memory_space<vmem>>) target_semaphore(%dma_start3A_56 : memref<!tpu.dma_semaphore, #tpu.memory_space<semaphore_mem>>)
      %add3A_63 = arith.constant 0 : i32
      %add3A_64 = arith.constant 1 : i32
      %add3A_65 = arith.addi %add3A_63, %add3A_64 : i32
      %select_n3A_66 = arith.constant true
      %select_n3A_67 = arith.constant 0 : i32
      %select_n3A_68 = arith.select %select_n3A_66, %add3A_65, %select_n3A_67 : i32
      %rem3A_69 = arith.constant 0 : i32
      %rem3A_70 = arith.constant 2 : i32
      %rem3A_71 = arith.remui %rem3A_69, %rem3A_70 : i32
      %mul3A_72 = arith.constant 1 : i32
      %mul3A_73 = arith.muli %mul3A_72, %add3A_19 : i32
      %dma_start3A_74 = arith.constant 0 : i32
      %dma_start3A_75 = arith.constant 0 : i32
      %dma_start3A_76 = arith.constant 0 : i32
      %dma_start3A_77 = tpu.memref_slice %run_scoped3A_16[%rem3A_71, %dma_start3A_74, %dma_start3A_75, %dma_start3A_76] : memref<2x1x1x128xi32, #tpu.memory_space<vmem>> -> memref<1x1x1x128xi32, #tpu.memory_space<vmem>>
      %dma_start3A_78 = tpu.memref_squeeze %dma_start3A_77 : memref<1x1x1x128xi32, #tpu.memory_space<vmem>> -> memref<1x1x128xi32, #tpu.memory_space<vmem>>
      %dma_start3A_79 = arith.constant 0 : i32
      %dma_start3A_80 = arith.constant 0 : i32
      %dma_start3A_81 = tpu.memref_slice %arg3[%mul3A_73, %dma_start3A_79, %dma_start3A_80] : memref<1280x1x128xi32, #tpu.memory_space<hbm>> -> memref<1x1x128xi32, #tpu.memory_space<hbm>>
      %dma_start3A_82 = tpu.memref_slice %run_scoped3A_17[%rem3A_71] : memref<2x!tpu.dma_semaphore, #tpu.memory_space<semaphore_mem>> -> memref<1x!tpu.dma_semaphore, #tpu.memory_space<semaphore_mem>>
      %dma_start3A_83 = tpu.memref_squeeze %dma_start3A_82 : memref<1x!tpu.dma_semaphore, #tpu.memory_space<semaphore_mem>> -> memref<!tpu.dma_semaphore, #tpu.memory_space<semaphore_mem>>
      %dma_start3A_84 = arith.constant 0 : i32
      %dma_start3A_85 = arith.constant 0 : i32
      %dma_start3A_86 = arith.constant 0 : i32
      %dma_start3A_87 = tpu.memref_slice %run_scoped3A_16[%rem3A_71, %dma_start3A_84, %dma_start3A_85, %dma_start3A_86] : memref<2x1x1x128xi32, #tpu.memory_space<vmem>> -> memref<1x1x1x128xi32, #tpu.memory_space<vmem>>
      %dma_start3A_88 = tpu.memref_squeeze %dma_start3A_87 : memref<1x1x1x128xi32, #tpu.memory_space<vmem>> -> memref<1x1x128xi32, #tpu.memory_space<vmem>>
      %dma_start3A_89 = arith.constant 0 : i32
      %dma_start3A_90 = arith.constant 0 : i32
      %dma_start3A_91 = tpu.memref_slice %arg3[%mul3A_73, %dma_start3A_89, %dma_start3A_90] : memref<1280x1x128xi32, #tpu.memory_space<hbm>> -> memref<1x1x128xi32, #tpu.memory_space<hbm>>
      tpu.enqueue_dma source(%dma_start3A_91 : memref<1x1x128xi32, #tpu.memory_space<hbm>>) target(%dma_start3A_88 : memref<1x1x128xi32, #tpu.memory_space<vmem>>) target_semaphore(%dma_start3A_83 : memref<!tpu.dma_semaphore, #tpu.memory_space<semaphore_mem>>)
      %add3A_92 = arith.constant 0 : i32
      %add3A_93 = arith.constant 1 : i32
      %add3A_94 = arith.addi %add3A_92, %add3A_93 : i32
      %select_n3A_95 = arith.constant true
      %select_n3A_96 = arith.constant 0 : i32
      %select_n3A_97 = arith.select %select_n3A_95, %add3A_94, %select_n3A_96 : i32
      "tpu.trace_stop"() : () -> ()
      %scan3A = arith.constant 0 : i32
      %scan3A_98 = arith.constant 0 : i32
      %scan3A_99 = arith.constant 0 : i32
      %scan3A_100 = arith.constant 0 : i32
      %scan3A_101 = arith.constant 40 : i32
      %scan3A_102 = arith.addi %scan3A_100, %scan3A_101 : i32
      %scan3A_103 = arith.constant 1 : i32
      %scan3A_104:5 = scf.for %scan3A_141 = %scan3A_100 to %scan3A_102 step %scan3A_103 iter_args(%scan3A_142 = %select_n3A_68, %scan3A_143 = %scan3A, %scan3A_144 = %select_n3A_97, %scan3A_145 = %scan3A_98, %scan3A_146 = %scan3A_99) -> (i32, i32, i32, i32, i32)  : i32 {
        %eq3A_147 = arith.constant 0 : i32
        %eq3A_148 = arith.cmpi eq, %scan3A_141, %eq3A_147 : i32
        %eq3A_149 = arith.constant 39 : i32
        %eq3A_150 = arith.cmpi eq, %scan3A_141, %eq3A_149 : i32
        %add3A_151 = arith.addi %scan3A_146, %mul3A_8 : i32
        %sub3A_152 = arith.constant 1 : i32
        %sub3A_153 = arith.subi %scan3A_146, %sub3A_152 : i32
        %select_n3A_154 = arith.constant true
        %select_n3A_155 = arith.select %select_n3A_154, %sub3A_153, %scan3A_146 : i32
        %eq3A_156 = arith.constant -1 : i32
        %eq3A_157 = arith.cmpi eq, %select_n3A_155, %eq3A_156 : i32
        %select_n3A_158 = arith.constant 39 : i32
        %select_n3A_159 = arith.select %eq3A_157, %select_n3A_158, %select_n3A_155 : i32
        %add3A_160 = arith.addi %select_n3A_159, %mul3A_8 : i32
        %add3A_161 = arith.constant 1 : i32
        %add3A_162 = arith.addi %scan3A_146, %add3A_161 : i32
        %select_n3A_163 = arith.constant true
        %select_n3A_164 = arith.select %select_n3A_163, %add3A_162, %scan3A_146 : i32
        %eq3A_165 = arith.constant 40 : i32
        %eq3A_166 = arith.cmpi eq, %select_n3A_164, %eq3A_165 : i32
        %select_n3A_167 = arith.constant 0 : i32
        %select_n3A_168 = arith.select %eq3A_166, %select_n3A_167, %select_n3A_164 : i32
        %add3A_169 = arith.addi %select_n3A_168, %mul3A_8 : i32
        %add3A_170 = arith.constant 1 : i32
        %add3A_171 = arith.addi %select_n3A_168, %add3A_170 : i32
        %select_n3A_172 = arith.constant true
        %select_n3A_173 = arith.select %select_n3A_172, %add3A_171, %select_n3A_168 : i32
        %eq3A_174 = arith.constant 40 : i32
        %eq3A_175 = arith.cmpi eq, %select_n3A_173, %eq3A_174 : i32
        %select_n3A_176 = arith.constant 0 : i32
        %select_n3A_177 = arith.select %eq3A_175, %select_n3A_176, %select_n3A_173 : i32
        %add3A_178 = arith.addi %select_n3A_177, %mul3A_8 : i32
        %ne3A = arith.cmpi ne, %add3A_151, %add3A_169 : i32
        %or3A = arith.constant false
        %or3A_179 = arith.ori %or3A, %ne3A : i1
        %or3A_180 = arith.constant false
        %or3A_181 = arith.ori %or3A_179, %or3A_180 : i1
        %ge3A = arith.constant 39 : i32
        %ge3A_182 = arith.cmpi sge, %scan3A_141, %ge3A : i32
        %not3A = arith.constant true
        %not3A_183 = arith.xori %ge3A_182, %not3A : i1
        %and3A = arith.andi %or3A_181, %not3A_183 : i1
        %convert_element_type3A_184 = arith.extui %and3A : i1 to i32
        %cond3A_185 = arith.constant 0 : i32
        %cond3A_186 = arith.cmpi ne, %convert_element_type3A_184, %cond3A_185 : i32
        scf.if %cond3A_186 {
          "tpu.trace_start"() <{level = 10 : i32, message = "ep_copy_in"}> : () -> ()
          %rem3A_318 = arith.constant 2 : i32
          %rem3A_319 = arith.remui %scan3A_142, %rem3A_318 : i32
          %mul3A_320 = arith.constant 128 : i32
          %mul3A_321 = arith.muli %mul3A_320, %add3A_169 : i32
          %dma_start3A_322 = arith.constant 0 : i32
          %dma_start3A_323 = arith.constant 0 : i32
          %dma_start3A_324 = tpu.memref_slice %run_scoped3A[%rem3A_319, %dma_start3A_322, %dma_start3A_323] : memref<2x128x128xf32, #tpu.memory_space<vmem>> -> memref<1x128x128xf32, #tpu.memory_space<vmem>>
          %dma_start3A_325 = tpu.memref_squeeze %dma_start3A_324 : memref<1x128x128xf32, #tpu.memory_space<vmem>> -> memref<128x128xf32, #tpu.memory_space<vmem>>
          %dma_start3A_326 = arith.constant 0 : i32
          %dma_start3A_327 = tpu.memref_slice %arg2[%mul3A_321, %dma_start3A_326] : memref<163840x128xf32, #tpu.memory_space<hbm>> -> memref<128x128xf32, #tpu.memory_space<hbm>>
          %dma_start3A_328 = tpu.memref_slice %run_scoped3A_15[%rem3A_319] : memref<2x!tpu.dma_semaphore, #tpu.memory_space<semaphore_mem>> -> memref<1x!tpu.dma_semaphore, #tpu.memory_space<semaphore_mem>>
          %dma_start3A_329 = tpu.memref_squeeze %dma_start3A_328 : memref<1x!tpu.dma_semaphore, #tpu.memory_space<semaphore_mem>> -> memref<!tpu.dma_semaphore, #tpu.memory_space<semaphore_mem>>
          %dma_start3A_330 = arith.constant 0 : i32
          %dma_start3A_331 = arith.constant 0 : i32
          %dma_start3A_332 = tpu.memref_slice %run_scoped3A[%rem3A_319, %dma_start3A_330, %dma_start3A_331] : memref<2x128x128xf32, #tpu.memory_space<vmem>> -> memref<1x128x128xf32, #tpu.memory_space<vmem>>
          %dma_start3A_333 = tpu.memref_squeeze %dma_start3A_332 : memref<1x128x128xf32, #tpu.memory_space<vmem>> -> memref<128x128xf32, #tpu.memory_space<vmem>>
          %dma_start3A_334 = arith.constant 0 : i32
          %dma_start3A_335 = tpu.memref_slice %arg2[%mul3A_321, %dma_start3A_334] : memref<163840x128xf32, #tpu.memory_space<hbm>> -> memref<128x128xf32, #tpu.memory_space<hbm>>
          tpu.enqueue_dma source(%dma_start3A_335 : memref<128x128xf32, #tpu.memory_space<hbm>>) target(%dma_start3A_333 : memref<128x128xf32, #tpu.memory_space<vmem>>) target_semaphore(%dma_start3A_329 : memref<!tpu.dma_semaphore, #tpu.memory_space<semaphore_mem>>)
          "tpu.trace_stop"() : () -> ()
        } else {
        }
        %and3A_187 = arith.constant true
        %and3A_188 = arith.andi %and3A, %and3A_187 : i1
        %add3A_189 = arith.constant 1 : i32
        %add3A_190 = arith.addi %scan3A_142, %add3A_189 : i32
        %select_n3A_191 = arith.select %and3A_188, %add3A_190, %scan3A_142 : i32
        %ne3A_192 = arith.cmpi ne, %add3A_151, %add3A_169 : i32
        %or3A_193 = arith.constant false
        %or3A_194 = arith.ori %or3A_193, %ne3A_192 : i1
        %or3A_195 = arith.constant false
        %or3A_196 = arith.ori %or3A_194, %or3A_195 : i1
        %or3A_197 = arith.constant false
        %or3A_198 = arith.ori %or3A_196, %or3A_197 : i1
        %ge3A_199 = arith.constant 39 : i32
        %ge3A_200 = arith.cmpi sge, %scan3A_141, %ge3A_199 : i32
        %not3A_201 = arith.constant true
        %not3A_202 = arith.xori %ge3A_200, %not3A_201 : i1
        %and3A_203 = arith.andi %or3A_198, %not3A_202 : i1
        %convert_element_type3A_204 = arith.extui %and3A_203 : i1 to i32
        %cond3A_205 = arith.constant 0 : i32
        %cond3A_206 = arith.cmpi ne, %convert_element_type3A_204, %cond3A_205 : i32
        scf.if %cond3A_206 {
          "tpu.trace_start"() <{level = 10 : i32, message = "ep_copy_in"}> : () -> ()
          %rem3A_318 = arith.constant 2 : i32
          %rem3A_319 = arith.remui %scan3A_144, %rem3A_318 : i32
          %mul3A_320 = arith.constant 1 : i32
          %mul3A_321 = arith.muli %mul3A_320, %add3A_169 : i32
          %dma_start3A_322 = arith.constant 0 : i32
          %dma_start3A_323 = arith.constant 0 : i32
          %dma_start3A_324 = arith.constant 0 : i32
          %dma_start3A_325 = tpu.memref_slice %run_scoped3A_16[%rem3A_319, %dma_start3A_322, %dma_start3A_323, %dma_start3A_324] : memref<2x1x1x128xi32, #tpu.memory_space<vmem>> -> memref<1x1x1x128xi32, #tpu.memory_space<vmem>>
          %dma_start3A_326 = tpu.memref_squeeze %dma_start3A_325 : memref<1x1x1x128xi32, #tpu.memory_space<vmem>> -> memref<1x1x128xi32, #tpu.memory_space<vmem>>
          %dma_start3A_327 = arith.constant 0 : i32
          %dma_start3A_328 = arith.constant 0 : i32
          %dma_start3A_329 = tpu.memref_slice %arg3[%mul3A_321, %dma_start3A_327, %dma_start3A_328] : memref<1280x1x128xi32, #tpu.memory_space<hbm>> -> memref<1x1x128xi32, #tpu.memory_space<hbm>>
          %dma_start3A_330 = tpu.memref_slice %run_scoped3A_17[%rem3A_319] : memref<2x!tpu.dma_semaphore, #tpu.memory_space<semaphore_mem>> -> memref<1x!tpu.dma_semaphore, #tpu.memory_space<semaphore_mem>>
          %dma_start3A_331 = tpu.memref_squeeze %dma_start3A_330 : memref<1x!tpu.dma_semaphore, #tpu.memory_space<semaphore_mem>> -> memref<!tpu.dma_semaphore, #tpu.memory_space<semaphore_mem>>
          %dma_start3A_332 = arith.constant 0 : i32
          %dma_start3A_333 = arith.constant 0 : i32
          %dma_start3A_334 = arith.constant 0 : i32
          %dma_start3A_335 = tpu.memref_slice %run_scoped3A_16[%rem3A_319, %dma_start3A_332, %dma_start3A_333, %dma_start3A_334] : memref<2x1x1x128xi32, #tpu.memory_space<vmem>> -> memref<1x1x1x128xi32, #tpu.memory_space<vmem>>
          %dma_start3A_336 = tpu.memref_squeeze %dma_start3A_335 : memref<1x1x1x128xi32, #tpu.memory_space<vmem>> -> memref<1x1x128xi32, #tpu.memory_space<vmem>>
          %dma_start3A_337 = arith.constant 0 : i32
          %dma_start3A_338 = arith.constant 0 : i32
          %dma_start3A_339 = tpu.memref_slice %arg3[%mul3A_321, %dma_start3A_337, %dma_start3A_338] : memref<1280x1x128xi32, #tpu.memory_space<hbm>> -> memref<1x1x128xi32, #tpu.memory_space<hbm>>
          tpu.enqueue_dma source(%dma_start3A_339 : memref<1x1x128xi32, #tpu.memory_space<hbm>>) target(%dma_start3A_336 : memref<1x1x128xi32, #tpu.memory_space<vmem>>) target_semaphore(%dma_start3A_331 : memref<!tpu.dma_semaphore, #tpu.memory_space<semaphore_mem>>)
          "tpu.trace_stop"() : () -> ()
        } else {
        }
        %and3A_207 = arith.constant true
        %and3A_208 = arith.andi %and3A_203, %and3A_207 : i1
        %add3A_209 = arith.constant 1 : i32
        %add3A_210 = arith.addi %scan3A_144, %add3A_209 : i32
        %select_n3A_211 = arith.select %and3A_208, %add3A_210, %scan3A_144 : i32
        %ne3A_212 = arith.cmpi ne, %add3A_151, %add3A_160 : i32
        %or3A_213 = arith.constant false
        %or3A_214 = arith.ori %or3A_213, %ne3A_212 : i1
        %or3A_215 = arith.constant false
        %or3A_216 = arith.ori %or3A_214, %or3A_215 : i1
        %or3A_217 = arith.ori %or3A_216, %eq3A_148 : i1
        %convert_element_type3A_218 = arith.extui %or3A_217 : i1 to i32
        %cond3A_219 = arith.constant 0 : i32
        %cond3A_220 = arith.cmpi ne, %convert_element_type3A_218, %cond3A_219 : i32
        scf.if %cond3A_220 {
          "tpu.trace_start"() <{level = 10 : i32, message = "ep_wait_in"}> : () -> ()
          %mul3A_318 = arith.constant 128 : i32
          %mul3A_319 = arith.muli %mul3A_318, %add3A_151 : i32
          %rem3A_320 = arith.constant 2 : i32
          %rem3A_321 = arith.remui %scan3A_143, %rem3A_320 : i32
          %dma_wait3A = arith.constant 0 : i32
          %dma_wait3A_322 = arith.constant 0 : i32
          %dma_wait3A_323 = tpu.memref_slice %run_scoped3A[%rem3A_321, %dma_wait3A, %dma_wait3A_322] : memref<2x128x128xf32, #tpu.memory_space<vmem>> -> memref<1x128x128xf32, #tpu.memory_space<vmem>>
          %dma_wait3A_324 = tpu.memref_squeeze %dma_wait3A_323 : memref<1x128x128xf32, #tpu.memory_space<vmem>> -> memref<128x128xf32, #tpu.memory_space<vmem>>
          %dma_wait3A_325 = arith.constant 0 : i32
          %dma_wait3A_326 = tpu.memref_slice %arg2[%mul3A_319, %dma_wait3A_325] : memref<163840x128xf32, #tpu.memory_space<hbm>> -> memref<128x128xf32, #tpu.memory_space<hbm>>
          %dma_wait3A_327 = tpu.memref_slice %run_scoped3A_15[%rem3A_321] : memref<2x!tpu.dma_semaphore, #tpu.memory_space<semaphore_mem>> -> memref<1x!tpu.dma_semaphore, #tpu.memory_space<semaphore_mem>>
          %dma_wait3A_328 = tpu.memref_squeeze %dma_wait3A_327 : memref<1x!tpu.dma_semaphore, #tpu.memory_space<semaphore_mem>> -> memref<!tpu.dma_semaphore, #tpu.memory_space<semaphore_mem>>
          %dma_wait3A_329 = arith.constant 0 : i32
          %dma_wait3A_330 = arith.constant 0 : i32
          %dma_wait3A_331 = tpu.memref_slice %run_scoped3A[%rem3A_321, %dma_wait3A_329, %dma_wait3A_330] : memref<2x128x128xf32, #tpu.memory_space<vmem>> -> memref<1x128x128xf32, #tpu.memory_space<vmem>>
          %dma_wait3A_332 = tpu.memref_squeeze %dma_wait3A_331 : memref<1x128x128xf32, #tpu.memory_space<vmem>> -> memref<128x128xf32, #tpu.memory_space<vmem>>
          %dma_wait3A_333 = arith.constant 0 : i32
          %dma_wait3A_334 = tpu.memref_slice %arg2[%mul3A_319, %dma_wait3A_333] : memref<163840x128xf32, #tpu.memory_space<hbm>> -> memref<128x128xf32, #tpu.memory_space<hbm>>
          tpu.wait_dma2 semaphore(%dma_wait3A_328 : memref<!tpu.dma_semaphore, #tpu.memory_space<semaphore_mem>>) src(%dma_wait3A_334 : memref<128x128xf32, #tpu.memory_space<hbm>>) dst(%dma_wait3A_332 : memref<128x128xf32, #tpu.memory_space<vmem>>)
          "tpu.trace_stop"() : () -> ()
        } else {
        }
        %ne3A_221 = arith.cmpi ne, %add3A_151, %add3A_160 : i32
        %or3A_222 = arith.constant false
        %or3A_223 = arith.ori %or3A_222, %ne3A_221 : i1
        %or3A_224 = arith.constant false
        %or3A_225 = arith.ori %or3A_223, %or3A_224 : i1
        %or3A_226 = arith.constant false
        %or3A_227 = arith.ori %or3A_225, %or3A_226 : i1
        %or3A_228 = arith.ori %or3A_227, %eq3A_148 : i1
        %convert_element_type3A_229 = arith.extui %or3A_228 : i1 to i32
        %cond3A_230 = arith.constant 0 : i32
        %cond3A_231 = arith.cmpi ne, %convert_element_type3A_229, %cond3A_230 : i32
        scf.if %cond3A_231 {
          "tpu.trace_start"() <{level = 10 : i32, message = "ep_wait_in"}> : () -> ()
          %mul3A_318 = arith.constant 1 : i32
          %mul3A_319 = arith.muli %mul3A_318, %add3A_151 : i32
          %rem3A_320 = arith.constant 2 : i32
          %rem3A_321 = arith.remui %scan3A_145, %rem3A_320 : i32
          %dma_wait3A = arith.constant 0 : i32
          %dma_wait3A_322 = arith.constant 0 : i32
          %dma_wait3A_323 = arith.constant 0 : i32
          %dma_wait3A_324 = tpu.memref_slice %run_scoped3A_16[%rem3A_321, %dma_wait3A, %dma_wait3A_322, %dma_wait3A_323] : memref<2x1x1x128xi32, #tpu.memory_space<vmem>> -> memref<1x1x1x128xi32, #tpu.memory_space<vmem>>
          %dma_wait3A_325 = tpu.memref_squeeze %dma_wait3A_324 : memref<1x1x1x128xi32, #tpu.memory_space<vmem>> -> memref<1x1x128xi32, #tpu.memory_space<vmem>>
          %dma_wait3A_326 = arith.constant 0 : i32
          %dma_wait3A_327 = arith.constant 0 : i32
          %dma_wait3A_328 = tpu.memref_slice %arg3[%mul3A_319, %dma_wait3A_326, %dma_wait3A_327] : memref<1280x1x128xi32, #tpu.memory_space<hbm>> -> memref<1x1x128xi32, #tpu.memory_space<hbm>>
          %dma_wait3A_329 = tpu.memref_slice %run_scoped3A_17[%rem3A_321] : memref<2x!tpu.dma_semaphore, #tpu.memory_space<semaphore_mem>> -> memref<1x!tpu.dma_semaphore, #tpu.memory_space<semaphore_mem>>
          %dma_wait3A_330 = tpu.memref_squeeze %dma_wait3A_329 : memref<1x!tpu.dma_semaphore, #tpu.memory_space<semaphore_mem>> -> memref<!tpu.dma_semaphore, #tpu.memory_space<semaphore_mem>>
          %dma_wait3A_331 = arith.constant 0 : i32
          %dma_wait3A_332 = arith.constant 0 : i32
          %dma_wait3A_333 = arith.constant 0 : i32
          %dma_wait3A_334 = tpu.memref_slice %run_scoped3A_16[%rem3A_321, %dma_wait3A_331, %dma_wait3A_332, %dma_wait3A_333] : memref<2x1x1x128xi32, #tpu.memory_space<vmem>> -> memref<1x1x1x128xi32, #tpu.memory_space<vmem>>
          %dma_wait3A_335 = tpu.memref_squeeze %dma_wait3A_334 : memref<1x1x1x128xi32, #tpu.memory_space<vmem>> -> memref<1x1x128xi32, #tpu.memory_space<vmem>>
          %dma_wait3A_336 = arith.constant 0 : i32
          %dma_wait3A_337 = arith.constant 0 : i32
          %dma_wait3A_338 = tpu.memref_slice %arg3[%mul3A_319, %dma_wait3A_336, %dma_wait3A_337] : memref<1280x1x128xi32, #tpu.memory_space<hbm>> -> memref<1x1x128xi32, #tpu.memory_space<hbm>>
          tpu.wait_dma2 semaphore(%dma_wait3A_330 : memref<!tpu.dma_semaphore, #tpu.memory_space<semaphore_mem>>) src(%dma_wait3A_338 : memref<1x1x128xi32, #tpu.memory_space<hbm>>) dst(%dma_wait3A_335 : memref<1x1x128xi32, #tpu.memory_space<vmem>>)
          "tpu.trace_stop"() : () -> ()
        } else {
        }
        %rem3A_232 = arith.constant 2 : i32
        %rem3A_233 = arith.remui %scan3A_143, %rem3A_232 : i32
        %rem3A_234 = arith.constant 2 : i32
        %rem3A_235 = arith.remui %scan3A_145, %rem3A_234 : i32
        %run_scoped3A_236 = arith.constant 0 : i32
        %run_scoped3A_237 = arith.constant 0 : i32
        "tpu.trace_start"() <{level = 10 : i32, message = "ep_run_kernel"}> : () -> ()
        "tpu.region"() ({
          %run_scoped3A_318 = tpu.sem_alloc : memref<!tpu.dma_semaphore, #tpu.memory_space<semaphore_mem>>
          %dma_start3A_319 = arith.constant 0 : i32
          %dma_start3A_320 = arith.constant 0 : i32
          %dma_start3A_321 = tpu.memref_slice %run_scoped3A[%rem3A_233, %dma_start3A_319, %dma_start3A_320] : memref<2x128x128xf32, #tpu.memory_space<vmem>> -> memref<1x128x128xf32, #tpu.memory_space<vmem>>
          %dma_start3A_322 = tpu.memref_squeeze %dma_start3A_321 : memref<1x128x128xf32, #tpu.memory_space<vmem>> -> memref<128x128xf32, #tpu.memory_space<vmem>>
          %dma_start3A_323 = arith.constant 0 : i32
          %dma_start3A_324 = arith.constant 0 : i32
          %dma_start3A_325 = arith.constant 0 : i32
          %dma_start3A_326 = tpu.memref_slice %run_scoped3A_16[%rem3A_235, %dma_start3A_323, %dma_start3A_324, %dma_start3A_325] : memref<2x1x1x128xi32, #tpu.memory_space<vmem>> -> memref<1x1x1x128xi32, #tpu.memory_space<vmem>>
          %dma_start3A_327 = tpu.memref_squeeze %dma_start3A_326 : memref<1x1x1x128xi32, #tpu.memory_space<vmem>> -> memref<1x1x128xi32, #tpu.memory_space<vmem>>
          %dma_start3A_328 = arith.constant 0 : i32
          %dma_start3A_329 = tpu.memref_slice %dma_start3A_327[%run_scoped3A_236, %run_scoped3A_237, %dma_start3A_328] : memref<1x1x128xi32, #tpu.memory_space<vmem>> -> memref<1x1x128xi32, #tpu.memory_space<vmem>>
          %dma_start3A_330 = tpu.memref_squeeze %dma_start3A_329 : memref<1x1x128xi32, #tpu.memory_space<vmem>> -> memref<128xi32, #tpu.memory_space<vmem>>
          %dma_start3A_331 = arith.constant 0 : i32
          %dma_start3A_332 = arith.constant 0 : i32
          %dma_start3A_333 = tpu.memref_slice %arg6[%dma_start3A_331, %dma_start3A_332] : memref<10000x128xf32, #tpu.memory_space<vmem_shared>> -> memref<10000x128xf32, #tpu.memory_space<vmem_shared>>
          tpu.enqueue_indirect_dma source(%dma_start3A_322 : memref<128x128xf32, #tpu.memory_space<vmem>>) target(%dma_start3A_333 : memref<10000x128xf32, #tpu.memory_space<vmem_shared>>) offsets(%dma_start3A_330 : memref<128xi32, #tpu.memory_space<vmem>>) semaphore(%run_scoped3A_318 : memref<!tpu.dma_semaphore, #tpu.memory_space<semaphore_mem>>) {add = true}
          %dma_wait3A = arith.constant 0 : i32
          %dma_wait3A_334 = arith.constant 0 : i32
          %dma_wait3A_335 = tpu.memref_slice %run_scoped3A[%rem3A_233, %dma_wait3A, %dma_wait3A_334] : memref<2x128x128xf32, #tpu.memory_space<vmem>> -> memref<1x128x128xf32, #tpu.memory_space<vmem>>
          %dma_wait3A_336 = tpu.memref_squeeze %dma_wait3A_335 : memref<1x128x128xf32, #tpu.memory_space<vmem>> -> memref<128x128xf32, #tpu.memory_space<vmem>>
          %dma_wait3A_337 = arith.constant 0 : i32
          %dma_wait3A_338 = arith.constant 0 : i32
          %dma_wait3A_339 = arith.constant 0 : i32
          %dma_wait3A_340 = tpu.memref_slice %run_scoped3A_16[%rem3A_235, %dma_wait3A_337, %dma_wait3A_338, %dma_wait3A_339] : memref<2x1x1x128xi32, #tpu.memory_space<vmem>> -> memref<1x1x1x128xi32, #tpu.memory_space<vmem>>
          %dma_wait3A_341 = tpu.memref_squeeze %dma_wait3A_340 : memref<1x1x1x128xi32, #tpu.memory_space<vmem>> -> memref<1x1x128xi32, #tpu.memory_space<vmem>>
          %dma_wait3A_342 = arith.constant 0 : i32
          %dma_wait3A_343 = tpu.memref_slice %dma_wait3A_341[%run_scoped3A_236, %run_scoped3A_237, %dma_wait3A_342] : memref<1x1x128xi32, #tpu.memory_space<vmem>> -> memref<1x1x128xi32, #tpu.memory_space<vmem>>
          %dma_wait3A_344 = tpu.memref_squeeze %dma_wait3A_343 : memref<1x1x128xi32, #tpu.memory_space<vmem>> -> memref<128xi32, #tpu.memory_space<vmem>>
          %dma_wait3A_345 = arith.constant 0 : i32
          %dma_wait3A_346 = arith.constant 0 : i32
          %dma_wait3A_347 = tpu.memref_slice %arg6[%dma_wait3A_345, %dma_wait3A_346] : memref<10000x128xf32, #tpu.memory_space<vmem_shared>> -> memref<10000x128xf32, #tpu.memory_space<vmem_shared>>
          tpu.wait_indirect_dma semaphore(%run_scoped3A_318 : memref<!tpu.dma_semaphore, #tpu.memory_space<semaphore_mem>>) src(%dma_wait3A_336 : memref<128x128xf32, #tpu.memory_space<vmem>>) dst(%dma_wait3A_347 : memref<10000x128xf32, #tpu.memory_space<vmem_shared>>)
          tpu.yield
        }) : () -> ()
        "tpu.trace_stop"() : () -> ()
        %ne3A_238 = arith.cmpi ne, %add3A_151, %add3A_169 : i32
        %or3A_239 = arith.constant false
        %or3A_240 = arith.ori %or3A_239, %ne3A_238 : i1
        %or3A_241 = arith.constant false
        %or3A_242 = arith.ori %or3A_240, %or3A_241 : i1
        %or3A_243 = arith.ori %or3A_242, %eq3A_150 : i1
        %convert_element_type3A_244 = arith.extui %or3A_243 : i1 to i32
        %cond3A_245 = arith.constant 0 : i32
        %cond3A_246 = arith.cmpi ne, %convert_element_type3A_244, %cond3A_245 : i32
        scf.if %cond3A_246 {
        } else {
        }
        %and3A_247 = arith.constant false
        %and3A_248 = arith.andi %or3A_243, %and3A_247 : i1
        %ne3A_249 = arith.cmpi ne, %add3A_151, %add3A_169 : i32
        %or3A_250 = arith.constant false
        %or3A_251 = arith.ori %or3A_250, %ne3A_249 : i1
        %or3A_252 = arith.constant false
        %or3A_253 = arith.ori %or3A_251, %or3A_252 : i1
        %or3A_254 = arith.constant false
        %or3A_255 = arith.ori %or3A_253, %or3A_254 : i1
        %or3A_256 = arith.ori %or3A_255, %eq3A_150 : i1
        %convert_element_type3A_257 = arith.extui %or3A_256 : i1 to i32
        %cond3A_258 = arith.constant 0 : i32
        %cond3A_259 = arith.cmpi ne, %convert_element_type3A_257, %cond3A_258 : i32
        scf.if %cond3A_259 {
        } else {
        }
        %and3A_260 = arith.constant false
        %and3A_261 = arith.andi %or3A_256, %and3A_260 : i1
        %ne3A_262 = arith.cmpi ne, %add3A_151, %add3A_160 : i32
        %or3A_263 = arith.constant false
        %or3A_264 = arith.ori %or3A_263, %ne3A_262 : i1
        %or3A_265 = arith.constant false
        %or3A_266 = arith.ori %or3A_264, %or3A_265 : i1
        %not3A_267 = arith.constant true
        %not3A_268 = arith.xori %eq3A_148, %not3A_267 : i1
        %and3A_269 = arith.andi %or3A_266, %not3A_268 : i1
        %convert_element_type3A_270 = arith.extui %and3A_269 : i1 to i32
        %cond3A_271 = arith.constant 0 : i32
        %cond3A_272 = arith.cmpi ne, %convert_element_type3A_270, %cond3A_271 : i32
        scf.if %cond3A_272 {
        } else {
        }
        %and3A_273 = arith.constant false
        %and3A_274 = arith.andi %and3A_269, %and3A_273 : i1
        %ne3A_275 = arith.cmpi ne, %add3A_151, %add3A_160 : i32
        %or3A_276 = arith.constant false
        %or3A_277 = arith.ori %or3A_276, %ne3A_275 : i1
        %or3A_278 = arith.constant false
        %or3A_279 = arith.ori %or3A_277, %or3A_278 : i1
        %or3A_280 = arith.constant false
        %or3A_281 = arith.ori %or3A_279, %or3A_280 : i1
        %not3A_282 = arith.constant true
        %not3A_283 = arith.xori %eq3A_148, %not3A_282 : i1
        %and3A_284 = arith.andi %or3A_281, %not3A_283 : i1
        %convert_element_type3A_285 = arith.extui %and3A_284 : i1 to i32
        %cond3A_286 = arith.constant 0 : i32
        %cond3A_287 = arith.cmpi ne, %convert_element_type3A_285, %cond3A_286 : i32
        scf.if %cond3A_287 {
        } else {
        }
        %and3A_288 = arith.constant false
        %and3A_289 = arith.andi %and3A_284, %and3A_288 : i1
        %ne3A_290 = arith.cmpi ne, %add3A_151, %add3A_169 : i32
        %or3A_291 = arith.constant false
        %or3A_292 = arith.ori %or3A_291, %ne3A_290 : i1
        %or3A_293 = arith.constant false
        %or3A_294 = arith.ori %or3A_292, %or3A_293 : i1
        %or3A_295 = arith.ori %or3A_294, %eq3A_150 : i1
        %add3A_296 = arith.constant 1 : i32
        %add3A_297 = arith.addi %scan3A_143, %add3A_296 : i32
        %select_n3A_298 = arith.select %or3A_295, %add3A_297, %scan3A_143 : i32
        %ne3A_299 = arith.cmpi ne, %add3A_151, %add3A_169 : i32
        %or3A_300 = arith.constant false
        %or3A_301 = arith.ori %or3A_300, %ne3A_299 : i1
        %or3A_302 = arith.constant false
        %or3A_303 = arith.ori %or3A_301, %or3A_302 : i1
        %or3A_304 = arith.constant false
        %or3A_305 = arith.ori %or3A_303, %or3A_304 : i1
        %or3A_306 = arith.ori %or3A_305, %eq3A_150 : i1
        %add3A_307 = arith.constant 1 : i32
        %add3A_308 = arith.addi %scan3A_145, %add3A_307 : i32
        %select_n3A_309 = arith.select %or3A_306, %add3A_308, %scan3A_145 : i32
        %add3A_310 = arith.constant 1 : i32
        %add3A_311 = arith.addi %scan3A_146, %add3A_310 : i32
        %select_n3A_312 = arith.constant true
        %select_n3A_313 = arith.select %select_n3A_312, %add3A_311, %scan3A_146 : i32
        %eq3A_314 = arith.constant 40 : i32
        %eq3A_315 = arith.cmpi eq, %select_n3A_313, %eq3A_314 : i32
        %select_n3A_316 = arith.constant 0 : i32
        %select_n3A_317 = arith.select %eq3A_315, %select_n3A_316, %select_n3A_313 : i32
        scf.yield %select_n3A_191, %select_n3A_298, %select_n3A_211, %select_n3A_309, %select_n3A_317 : i32, i32, i32, i32, i32
      }
      %scan3A_105 = arith.constant 40 : i32
      %sub3A = arith.constant 1 : i32
      %sub3A_106 = arith.subi %scan3A_104#4, %sub3A : i32
      %select_n3A_107 = arith.constant true
      %select_n3A_108 = arith.select %select_n3A_107, %sub3A_106, %scan3A_104#4 : i32
      %eq3A_109 = arith.constant -1 : i32
      %eq3A_110 = arith.cmpi eq, %select_n3A_108, %eq3A_109 : i32
      %select_n3A_111 = arith.constant 39 : i32
      %select_n3A_112 = arith.select %eq3A_110, %select_n3A_111, %select_n3A_108 : i32
      %add3A_113 = arith.addi %select_n3A_112, %mul3A_8 : i32
      %sub3A_114 = arith.constant 1 : i32
      %sub3A_115 = arith.subi %select_n3A_112, %sub3A_114 : i32
      %select_n3A_116 = arith.constant true
      %select_n3A_117 = arith.select %select_n3A_116, %sub3A_115, %select_n3A_112 : i32
      %eq3A_118 = arith.constant -1 : i32
      %eq3A_119 = arith.cmpi eq, %select_n3A_117, %eq3A_118 : i32
      %select_n3A_120 = arith.constant 39 : i32
      %select_n3A_121 = arith.select %eq3A_119, %select_n3A_120, %select_n3A_117 : i32
      %add3A_122 = arith.addi %select_n3A_121, %mul3A_8 : i32
      %add3A_123 = arith.constant 1 : i32
      %add3A_124 = arith.addi %select_n3A_112, %add3A_123 : i32
      %select_n3A_125 = arith.constant true
      %select_n3A_126 = arith.select %select_n3A_125, %add3A_124, %select_n3A_112 : i32
      %eq3A_127 = arith.constant 40 : i32
      %eq3A_128 = arith.cmpi eq, %select_n3A_126, %eq3A_127 : i32
      %select_n3A_129 = arith.constant 0 : i32
      %select_n3A_130 = arith.select %eq3A_128, %select_n3A_129, %select_n3A_126 : i32
      %add3A_131 = arith.addi %select_n3A_130, %mul3A_8 : i32
      %add3A_132 = arith.constant 1 : i32
      %add3A_133 = arith.addi %select_n3A_130, %add3A_132 : i32
      %select_n3A_134 = arith.constant true
      %select_n3A_135 = arith.select %select_n3A_134, %add3A_133, %select_n3A_130 : i32
      %eq3A_136 = arith.constant 40 : i32
      %eq3A_137 = arith.cmpi eq, %select_n3A_135, %eq3A_136 : i32
      %select_n3A_138 = arith.constant 0 : i32
      %select_n3A_139 = arith.select %eq3A_137, %select_n3A_138, %select_n3A_135 : i32
      %add3A_140 = arith.addi %select_n3A_139, %mul3A_8 : i32
      tpu.yield
    }) : () -> ()
    %barrier3A_9 = arith.constant 0 : index
    tpu.barrier barrier_id(%barrier3A_9)
    %eq3A_10 = arith.constant 0 : i32
    %eq3A_11 = arith.cmpi eq, %arg1, %eq3A_10 : i32
    %convert_element_type3A_12 = arith.extui %eq3A_11 : i1 to i32
    %cond3A_13 = arith.constant 0 : i32
    %cond3A_14 = arith.cmpi ne, %convert_element_type3A_12, %cond3A_13 : i32
    scf.if %cond3A_14 {
      "tpu.region"() ({
        %run_scoped3A = tpu.sem_alloc : memref<!tpu.dma_semaphore, #tpu.memory_space<semaphore_mem>>
        %dma_start3A = arith.constant 0 : i32
        %dma_start3A_15 = arith.constant 0 : i32
        %dma_start3A_16 = tpu.memref_slice %arg5[%arg0, %dma_start3A, %dma_start3A_15] : memref<2x10000x128xf32, #tpu.memory_space<hbm>> -> memref<1x10000x128xf32, #tpu.memory_space<hbm>>
        %dma_start3A_17 = tpu.memref_squeeze %dma_start3A_16 : memref<1x10000x128xf32, #tpu.memory_space<hbm>> -> memref<10000x128xf32, #tpu.memory_space<hbm>>
        tpu.enqueue_dma source(%arg6 : memref<10000x128xf32, #tpu.memory_space<vmem_shared>>) target(%dma_start3A_17 : memref<10000x128xf32, #tpu.memory_space<hbm>>) target_semaphore(%run_scoped3A : memref<!tpu.dma_semaphore, #tpu.memory_space<semaphore_mem>>)
        %dma_wait3A = arith.constant 0 : i32
        %dma_wait3A_18 = arith.constant 0 : i32
        %dma_wait3A_19 = tpu.memref_slice %arg5[%arg0, %dma_wait3A, %dma_wait3A_18] : memref<2x10000x128xf32, #tpu.memory_space<hbm>> -> memref<1x10000x128xf32, #tpu.memory_space<hbm>>
        %dma_wait3A_20 = tpu.memref_squeeze %dma_wait3A_19 : memref<1x10000x128xf32, #tpu.memory_space<hbm>> -> memref<10000x128xf32, #tpu.memory_space<hbm>>
        tpu.wait_dma2 semaphore(%run_scoped3A : memref<!tpu.dma_semaphore, #tpu.memory_space<semaphore_mem>>) src(%arg6 : memref<10000x128xf32, #tpu.memory_space<vmem_shared>>) dst(%dma_wait3A_20 : memref<10000x128xf32, #tpu.memory_space<hbm>>)
        tpu.yield
      }) : () -> ()
    } else {
    }
    return
  }
}

#map = affine_map<(d0, d1) -> (0, 0)>
#map1 = affine_map<(d0, d1) -> (0, 0, 0)>
module attributes {stable_mosaic.version = 14 : i64} {
  func.func @k(%arg0: i32, %arg1: i32, %arg2: memref<10000x128xi32, #tpu.memory_space<hbm>>, %arg3: memref<10000x128xi32, #tpu.memory_space<hbm>>, %arg4: memref<32x1x16xi32, #tpu.memory_space<hbm>>, %arg5: memref<32x1x16xi32, #tpu.memory_space<hbm>>, %arg6: memref<512x128xi32, #tpu.memory_space<hbm>>, %arg7: memref<512x128xi32, #tpu.memory_space<hbm>>, %arg8: memref<!tpu.dma_semaphore, #tpu.memory_space<semaphore_mem>>) attributes {dimension_semantics = [#tpu.dimension_semantics<core_parallel>, #tpu.dimension_semantics<subcore_parallel>], iteration_bounds = array<i64: 2, 16>, scalar_prefetch = 0 : i64, scratch_operands = 1 : i64, tpu.core_type = #tpu.core_type<sc_vector_subcore>, window_params = [{transform_indices = #map}, {transform_indices = #map}, {transform_indices = #map1}, {transform_indices = #map1}, {transform_indices = #map}, {transform_indices = #map}]} {
    %mul3A = arith.constant 1 : i32
    %mul3A_0 = arith.muli %arg1, %mul3A : i32
    %add3A = arith.constant 0 : i32
    %add3A_1 = arith.addi %add3A, %mul3A_0 : i32
    %mul3A_2 = arith.constant 16 : i32
    %mul3A_3 = arith.muli %arg0, %mul3A_2 : i32
    %add3A_4 = arith.addi %add3A_1, %mul3A_3 : i32
    %mul3A_5 = arith.constant 1 : i32
    %mul3A_6 = arith.muli %add3A_4, %mul3A_5 : i32
    "tpu.region"() ({
      %run_scoped3A = memref.alloca() : memref<2x1x1x16xi32, #tpu.memory_space<vmem>>
      %run_scoped3A_7 = tpu.sem_alloc : memref<2x!tpu.dma_semaphore, #tpu.memory_space<semaphore_mem>>
      %run_scoped3A_8 = memref.alloca() : memref<2x1x1x16xi32, #tpu.memory_space<vmem>>
      %run_scoped3A_9 = tpu.sem_alloc : memref<2x!tpu.dma_semaphore, #tpu.memory_space<semaphore_mem>>
      %run_scoped3A_10 = memref.alloca() : memref<2x16x128xi32, #tpu.memory_space<vmem>>
      %run_scoped3A_11 = tpu.sem_alloc : memref<2x!tpu.dma_semaphore, #tpu.memory_space<semaphore_mem>>
      %run_scoped3A_12 = memref.alloca() : memref<2x16x128xi32, #tpu.memory_space<vmem>>
      %run_scoped3A_13 = tpu.sem_alloc : memref<2x!tpu.dma_semaphore, #tpu.memory_space<semaphore_mem>>
      %add3A_14 = arith.constant 0 : i32
      %add3A_15 = arith.addi %add3A_14, %mul3A_6 : i32
      %select_n3A = arith.constant true
      %select_n3A_16 = arith.constant 0 : i32
      %select_n3A_17 = arith.constant -1 : i32
      %select_n3A_18 = arith.select %select_n3A, %select_n3A_17, %select_n3A_16 : i32
      %eq3A = arith.constant -1 : i32
      %eq3A_19 = arith.cmpi eq, %select_n3A_18, %eq3A : i32
      %select_n3A_20 = arith.constant 0 : i32
      %select_n3A_21 = arith.select %eq3A_19, %select_n3A_20, %select_n3A_18 : i32
      %add3A_22 = arith.constant 0 : i32
      %add3A_23 = arith.addi %add3A_22, %mul3A_6 : i32
      %select_n3A_24 = arith.constant true
      %select_n3A_25 = arith.constant 0 : i32
      %select_n3A_26 = arith.constant 1 : i32
      %select_n3A_27 = arith.select %select_n3A_24, %select_n3A_26, %select_n3A_25 : i32
      %eq3A_28 = arith.constant 1 : i32
      %eq3A_29 = arith.cmpi eq, %select_n3A_27, %eq3A_28 : i32
      %select_n3A_30 = arith.constant 0 : i32
      %select_n3A_31 = arith.select %eq3A_29, %select_n3A_30, %select_n3A_27 : i32
      %add3A_32 = arith.constant 0 : i32
      %add3A_33 = arith.addi %add3A_32, %mul3A_6 : i32
      %select_n3A_34 = arith.constant true
      %select_n3A_35 = arith.constant 0 : i32
      %select_n3A_36 = arith.constant 1 : i32
      %select_n3A_37 = arith.select %select_n3A_34, %select_n3A_36, %select_n3A_35 : i32
      %eq3A_38 = arith.constant 1 : i32
      %eq3A_39 = arith.cmpi eq, %select_n3A_37, %eq3A_38 : i32
      %select_n3A_40 = arith.constant 0 : i32
      %select_n3A_41 = arith.select %eq3A_39, %select_n3A_40, %select_n3A_37 : i32
      %add3A_42 = arith.constant 0 : i32
      %add3A_43 = arith.addi %add3A_42, %mul3A_6 : i32
      "tpu.trace_start"() <{level = 10 : i32, message = "ep_initialize_0"}> : () -> ()
      %rem3A = arith.constant 0 : i32
      %rem3A_44 = arith.constant 2 : i32
      %rem3A_45 = arith.remui %rem3A, %rem3A_44 : i32
      %mul3A_46 = arith.constant 1 : i32
      %mul3A_47 = arith.muli %mul3A_46, %add3A_15 : i32
      %dma_start3A = arith.constant 0 : i32
      %dma_start3A_48 = arith.constant 0 : i32
      %dma_start3A_49 = arith.constant 0 : i32
      %dma_start3A_50 = tpu.memref_slice %run_scoped3A[%rem3A_45, %dma_start3A, %dma_start3A_48, %dma_start3A_49] : memref<2x1x1x16xi32, #tpu.memory_space<vmem>> -> memref<1x1x1x16xi32, #tpu.memory_space<vmem>>
      %dma_start3A_51 = tpu.memref_squeeze %dma_start3A_50 : memref<1x1x1x16xi32, #tpu.memory_space<vmem>> -> memref<1x1x16xi32, #tpu.memory_space<vmem>>
      %dma_start3A_52 = arith.constant 0 : i32
      %dma_start3A_53 = arith.constant 0 : i32
      %dma_start3A_54 = tpu.memref_slice %arg4[%mul3A_47, %dma_start3A_52, %dma_start3A_53] : memref<32x1x16xi32, #tpu.memory_space<hbm>> -> memref<1x1x16xi32, #tpu.memory_space<hbm>>
      %dma_start3A_55 = tpu.memref_slice %run_scoped3A_7[%rem3A_45] : memref<2x!tpu.dma_semaphore, #tpu.memory_space<semaphore_mem>> -> memref<1x!tpu.dma_semaphore, #tpu.memory_space<semaphore_mem>>
      %dma_start3A_56 = tpu.memref_squeeze %dma_start3A_55 : memref<1x!tpu.dma_semaphore, #tpu.memory_space<semaphore_mem>> -> memref<!tpu.dma_semaphore, #tpu.memory_space<semaphore_mem>>
      %dma_start3A_57 = arith.constant 0 : i32
      %dma_start3A_58 = arith.constant 0 : i32
      %dma_start3A_59 = arith.constant 0 : i32
      %dma_start3A_60 = tpu.memref_slice %run_scoped3A[%rem3A_45, %dma_start3A_57, %dma_start3A_58, %dma_start3A_59] : memref<2x1x1x16xi32, #tpu.memory_space<vmem>> -> memref<1x1x1x16xi32, #tpu.memory_space<vmem>>
      %dma_start3A_61 = tpu.memref_squeeze %dma_start3A_60 : memref<1x1x1x16xi32, #tpu.memory_space<vmem>> -> memref<1x1x16xi32, #tpu.memory_space<vmem>>
      %dma_start3A_62 = arith.constant 0 : i32
      %dma_start3A_63 = arith.constant 0 : i32
      %dma_start3A_64 = tpu.memref_slice %arg4[%mul3A_47, %dma_start3A_62, %dma_start3A_63] : memref<32x1x16xi32, #tpu.memory_space<hbm>> -> memref<1x1x16xi32, #tpu.memory_space<hbm>>
      tpu.enqueue_dma source(%dma_start3A_64 : memref<1x1x16xi32, #tpu.memory_space<hbm>>) target(%dma_start3A_61 : memref<1x1x16xi32, #tpu.memory_space<vmem>>) target_semaphore(%dma_start3A_56 : memref<!tpu.dma_semaphore, #tpu.memory_space<semaphore_mem>>)
      %add3A_65 = arith.constant 0 : i32
      %add3A_66 = arith.constant 1 : i32
      %add3A_67 = arith.addi %add3A_65, %add3A_66 : i32
      %select_n3A_68 = arith.constant true
      %select_n3A_69 = arith.constant 0 : i32
      %select_n3A_70 = arith.select %select_n3A_68, %add3A_67, %select_n3A_69 : i32
      %rem3A_71 = arith.constant 0 : i32
      %rem3A_72 = arith.constant 2 : i32
      %rem3A_73 = arith.remui %rem3A_71, %rem3A_72 : i32
      %mul3A_74 = arith.constant 1 : i32
      %mul3A_75 = arith.muli %mul3A_74, %add3A_15 : i32
      %dma_start3A_76 = arith.constant 0 : i32
      %dma_start3A_77 = arith.constant 0 : i32
      %dma_start3A_78 = arith.constant 0 : i32
      %dma_start3A_79 = tpu.memref_slice %run_scoped3A_8[%rem3A_73, %dma_start3A_76, %dma_start3A_77, %dma_start3A_78] : memref<2x1x1x16xi32, #tpu.memory_space<vmem>> -> memref<1x1x1x16xi32, #tpu.memory_space<vmem>>
      %dma_start3A_80 = tpu.memref_squeeze %dma_start3A_79 : memref<1x1x1x16xi32, #tpu.memory_space<vmem>> -> memref<1x1x16xi32, #tpu.memory_space<vmem>>
      %dma_start3A_81 = arith.constant 0 : i32
      %dma_start3A_82 = arith.constant 0 : i32
      %dma_start3A_83 = tpu.memref_slice %arg5[%mul3A_75, %dma_start3A_81, %dma_start3A_82] : memref<32x1x16xi32, #tpu.memory_space<hbm>> -> memref<1x1x16xi32, #tpu.memory_space<hbm>>
      %dma_start3A_84 = tpu.memref_slice %run_scoped3A_9[%rem3A_73] : memref<2x!tpu.dma_semaphore, #tpu.memory_space<semaphore_mem>> -> memref<1x!tpu.dma_semaphore, #tpu.memory_space<semaphore_mem>>
      %dma_start3A_85 = tpu.memref_squeeze %dma_start3A_84 : memref<1x!tpu.dma_semaphore, #tpu.memory_space<semaphore_mem>> -> memref<!tpu.dma_semaphore, #tpu.memory_space<semaphore_mem>>
      %dma_start3A_86 = arith.constant 0 : i32
      %dma_start3A_87 = arith.constant 0 : i32
      %dma_start3A_88 = arith.constant 0 : i32
      %dma_start3A_89 = tpu.memref_slice %run_scoped3A_8[%rem3A_73, %dma_start3A_86, %dma_start3A_87, %dma_start3A_88] : memref<2x1x1x16xi32, #tpu.memory_space<vmem>> -> memref<1x1x1x16xi32, #tpu.memory_space<vmem>>
      %dma_start3A_90 = tpu.memref_squeeze %dma_start3A_89 : memref<1x1x1x16xi32, #tpu.memory_space<vmem>> -> memref<1x1x16xi32, #tpu.memory_space<vmem>>
      %dma_start3A_91 = arith.constant 0 : i32
      %dma_start3A_92 = arith.constant 0 : i32
      %dma_start3A_93 = tpu.memref_slice %arg5[%mul3A_75, %dma_start3A_91, %dma_start3A_92] : memref<32x1x16xi32, #tpu.memory_space<hbm>> -> memref<1x1x16xi32, #tpu.memory_space<hbm>>
      tpu.enqueue_dma source(%dma_start3A_93 : memref<1x1x16xi32, #tpu.memory_space<hbm>>) target(%dma_start3A_90 : memref<1x1x16xi32, #tpu.memory_space<vmem>>) target_semaphore(%dma_start3A_85 : memref<!tpu.dma_semaphore, #tpu.memory_space<semaphore_mem>>)
      %add3A_94 = arith.constant 0 : i32
      %add3A_95 = arith.constant 1 : i32
      %add3A_96 = arith.addi %add3A_94, %add3A_95 : i32
      %select_n3A_97 = arith.constant true
      %select_n3A_98 = arith.constant 0 : i32
      %select_n3A_99 = arith.select %select_n3A_97, %add3A_96, %select_n3A_98 : i32
      "tpu.trace_stop"() : () -> ()
      %scan3A = arith.constant 0 : i32
      %scan3A_100 = arith.constant 0 : i32
      %scan3A_101 = arith.constant 0 : i32
      %scan3A_102 = arith.constant 0 : i32
      %scan3A_103 = arith.constant 0 : i32
      %scan3A_104 = arith.constant 0 : i32
      %scan3A_105 = arith.constant 0 : i32
      %scan3A_106 = arith.constant 0 : i32
      %eq3A_107 = arith.constant 0 : i32
      %eq3A_108 = arith.cmpi eq, %scan3A_106, %eq3A_107 : i32
      %eq3A_109 = arith.constant 0 : i32
      %eq3A_110 = arith.cmpi eq, %scan3A_106, %eq3A_109 : i32
      %add3A_111 = arith.constant 0 : i32
      %add3A_112 = arith.addi %add3A_111, %mul3A_6 : i32
      %select_n3A_113 = arith.constant true
      %select_n3A_114 = arith.constant 0 : i32
      %select_n3A_115 = arith.constant -1 : i32
      %select_n3A_116 = arith.select %select_n3A_113, %select_n3A_115, %select_n3A_114 : i32
      %eq3A_117 = arith.constant -1 : i32
      %eq3A_118 = arith.cmpi eq, %select_n3A_116, %eq3A_117 : i32
      %select_n3A_119 = arith.constant 0 : i32
      %select_n3A_120 = arith.select %eq3A_118, %select_n3A_119, %select_n3A_116 : i32
      %add3A_121 = arith.constant 0 : i32
      %add3A_122 = arith.addi %add3A_121, %mul3A_6 : i32
      %select_n3A_123 = arith.constant true
      %select_n3A_124 = arith.constant 0 : i32
      %select_n3A_125 = arith.constant 1 : i32
      %select_n3A_126 = arith.select %select_n3A_123, %select_n3A_125, %select_n3A_124 : i32
      %eq3A_127 = arith.constant 1 : i32
      %eq3A_128 = arith.cmpi eq, %select_n3A_126, %eq3A_127 : i32
      %select_n3A_129 = arith.constant 0 : i32
      %select_n3A_130 = arith.select %eq3A_128, %select_n3A_129, %select_n3A_126 : i32
      %add3A_131 = arith.constant 0 : i32
      %add3A_132 = arith.addi %add3A_131, %mul3A_6 : i32
      %select_n3A_133 = arith.constant true
      %select_n3A_134 = arith.constant 0 : i32
      %select_n3A_135 = arith.constant 1 : i32
      %select_n3A_136 = arith.select %select_n3A_133, %select_n3A_135, %select_n3A_134 : i32
      %eq3A_137 = arith.constant 1 : i32
      %eq3A_138 = arith.cmpi eq, %select_n3A_136, %eq3A_137 : i32
      %select_n3A_139 = arith.constant 0 : i32
      %select_n3A_140 = arith.select %eq3A_138, %select_n3A_139, %select_n3A_136 : i32
      %add3A_141 = arith.constant 0 : i32
      %add3A_142 = arith.addi %add3A_141, %mul3A_6 : i32
      %ne3A = arith.cmpi ne, %add3A_112, %add3A_132 : i32
      %or3A = arith.constant false
      %or3A_143 = arith.ori %or3A, %ne3A : i1
      %or3A_144 = arith.constant false
      %or3A_145 = arith.ori %or3A_143, %or3A_144 : i1
      %or3A_146 = arith.constant false
      %or3A_147 = arith.ori %or3A_145, %or3A_146 : i1
      %ge3A = arith.constant 0 : i32
      %ge3A_148 = arith.cmpi sge, %scan3A_106, %ge3A : i32
      %not3A = arith.constant true
      %not3A_149 = arith.xori %ge3A_148, %not3A : i1
      %and3A = arith.andi %or3A_147, %not3A_149 : i1
      %convert_element_type3A = arith.extui %and3A : i1 to i32
      %cond3A = arith.constant 0 : i32
      %cond3A_150 = arith.cmpi ne, %convert_element_type3A, %cond3A : i32
      scf.if %cond3A_150 {
        "tpu.trace_start"() <{level = 10 : i32, message = "ep_copy_in"}> : () -> ()
        %rem3A_534 = arith.constant 2 : i32
        %rem3A_535 = arith.remui %select_n3A_70, %rem3A_534 : i32
        %mul3A_536 = arith.constant 1 : i32
        %mul3A_537 = arith.muli %mul3A_536, %add3A_132 : i32
        %dma_start3A_538 = arith.constant 0 : i32
        %dma_start3A_539 = arith.constant 0 : i32
        %dma_start3A_540 = arith.constant 0 : i32
        %dma_start3A_541 = tpu.memref_slice %run_scoped3A[%rem3A_535, %dma_start3A_538, %dma_start3A_539, %dma_start3A_540] : memref<2x1x1x16xi32, #tpu.memory_space<vmem>> -> memref<1x1x1x16xi32, #tpu.memory_space<vmem>>
        %dma_start3A_542 = tpu.memref_squeeze %dma_start3A_541 : memref<1x1x1x16xi32, #tpu.memory_space<vmem>> -> memref<1x1x16xi32, #tpu.memory_space<vmem>>
        %dma_start3A_543 = arith.constant 0 : i32
        %dma_start3A_544 = arith.constant 0 : i32
        %dma_start3A_545 = tpu.memref_slice %arg4[%mul3A_537, %dma_start3A_543, %dma_start3A_544] : memref<32x1x16xi32, #tpu.memory_space<hbm>> -> memref<1x1x16xi32, #tpu.memory_space<hbm>>
        %dma_start3A_546 = tpu.memref_slice %run_scoped3A_7[%rem3A_535] : memref<2x!tpu.dma_semaphore, #tpu.memory_space<semaphore_mem>> -> memref<1x!tpu.dma_semaphore, #tpu.memory_space<semaphore_mem>>
        %dma_start3A_547 = tpu.memref_squeeze %dma_start3A_546 : memref<1x!tpu.dma_semaphore, #tpu.memory_space<semaphore_mem>> -> memref<!tpu.dma_semaphore, #tpu.memory_space<semaphore_mem>>
        %dma_start3A_548 = arith.constant 0 : i32
        %dma_start3A_549 = arith.constant 0 : i32
        %dma_start3A_550 = arith.constant 0 : i32
        %dma_start3A_551 = tpu.memref_slice %run_scoped3A[%rem3A_535, %dma_start3A_548, %dma_start3A_549, %dma_start3A_550] : memref<2x1x1x16xi32, #tpu.memory_space<vmem>> -> memref<1x1x1x16xi32, #tpu.memory_space<vmem>>
        %dma_start3A_552 = tpu.memref_squeeze %dma_start3A_551 : memref<1x1x1x16xi32, #tpu.memory_space<vmem>> -> memref<1x1x16xi32, #tpu.memory_space<vmem>>
        %dma_start3A_553 = arith.constant 0 : i32
        %dma_start3A_554 = arith.constant 0 : i32
        %dma_start3A_555 = tpu.memref_slice %arg4[%mul3A_537, %dma_start3A_553, %dma_start3A_554] : memref<32x1x16xi32, #tpu.memory_space<hbm>> -> memref<1x1x16xi32, #tpu.memory_space<hbm>>
        tpu.enqueue_dma source(%dma_start3A_555 : memref<1x1x16xi32, #tpu.memory_space<hbm>>) target(%dma_start3A_552 : memref<1x1x16xi32, #tpu.memory_space<vmem>>) target_semaphore(%dma_start3A_547 : memref<!tpu.dma_semaphore, #tpu.memory_space<semaphore_mem>>)
        "tpu.trace_stop"() : () -> ()
      } else {
      }
      %and3A_151 = arith.constant true
      %and3A_152 = arith.andi %and3A, %and3A_151 : i1
      %add3A_153 = arith.constant 1 : i32
      %add3A_154 = arith.addi %select_n3A_70, %add3A_153 : i32
      %select_n3A_155 = arith.select %and3A_152, %add3A_154, %select_n3A_70 : i32
      %ne3A_156 = arith.cmpi ne, %add3A_112, %add3A_132 : i32
      %or3A_157 = arith.constant false
      %or3A_158 = arith.ori %or3A_157, %ne3A_156 : i1
      %or3A_159 = arith.constant false
      %or3A_160 = arith.ori %or3A_158, %or3A_159 : i1
      %or3A_161 = arith.constant false
      %or3A_162 = arith.ori %or3A_160, %or3A_161 : i1
      %ge3A_163 = arith.constant 0 : i32
      %ge3A_164 = arith.cmpi sge, %scan3A_106, %ge3A_163 : i32
      %not3A_165 = arith.constant true
      %not3A_166 = arith.xori %ge3A_164, %not3A_165 : i1
      %and3A_167 = arith.andi %or3A_162, %not3A_166 : i1
      %convert_element_type3A_168 = arith.extui %and3A_167 : i1 to i32
      %cond3A_169 = arith.constant 0 : i32
      %cond3A_170 = arith.cmpi ne, %convert_element_type3A_168, %cond3A_169 : i32
      scf.if %cond3A_170 {
        "tpu.trace_start"() <{level = 10 : i32, message = "ep_copy_in"}> : () -> ()
        %rem3A_534 = arith.constant 2 : i32
        %rem3A_535 = arith.remui %select_n3A_99, %rem3A_534 : i32
        %mul3A_536 = arith.constant 1 : i32
        %mul3A_537 = arith.muli %mul3A_536, %add3A_132 : i32
        %dma_start3A_538 = arith.constant 0 : i32
        %dma_start3A_539 = arith.constant 0 : i32
        %dma_start3A_540 = arith.constant 0 : i32
        %dma_start3A_541 = tpu.memref_slice %run_scoped3A_8[%rem3A_535, %dma_start3A_538, %dma_start3A_539, %dma_start3A_540] : memref<2x1x1x16xi32, #tpu.memory_space<vmem>> -> memref<1x1x1x16xi32, #tpu.memory_space<vmem>>
        %dma_start3A_542 = tpu.memref_squeeze %dma_start3A_541 : memref<1x1x1x16xi32, #tpu.memory_space<vmem>> -> memref<1x1x16xi32, #tpu.memory_space<vmem>>
        %dma_start3A_543 = arith.constant 0 : i32
        %dma_start3A_544 = arith.constant 0 : i32
        %dma_start3A_545 = tpu.memref_slice %arg5[%mul3A_537, %dma_start3A_543, %dma_start3A_544] : memref<32x1x16xi32, #tpu.memory_space<hbm>> -> memref<1x1x16xi32, #tpu.memory_space<hbm>>
        %dma_start3A_546 = tpu.memref_slice %run_scoped3A_9[%rem3A_535] : memref<2x!tpu.dma_semaphore, #tpu.memory_space<semaphore_mem>> -> memref<1x!tpu.dma_semaphore, #tpu.memory_space<semaphore_mem>>
        %dma_start3A_547 = tpu.memref_squeeze %dma_start3A_546 : memref<1x!tpu.dma_semaphore, #tpu.memory_space<semaphore_mem>> -> memref<!tpu.dma_semaphore, #tpu.memory_space<semaphore_mem>>
        %dma_start3A_548 = arith.constant 0 : i32
        %dma_start3A_549 = arith.constant 0 : i32
        %dma_start3A_550 = arith.constant 0 : i32
        %dma_start3A_551 = tpu.memref_slice %run_scoped3A_8[%rem3A_535, %dma_start3A_548, %dma_start3A_549, %dma_start3A_550] : memref<2x1x1x16xi32, #tpu.memory_space<vmem>> -> memref<1x1x1x16xi32, #tpu.memory_space<vmem>>
        %dma_start3A_552 = tpu.memref_squeeze %dma_start3A_551 : memref<1x1x1x16xi32, #tpu.memory_space<vmem>> -> memref<1x1x16xi32, #tpu.memory_space<vmem>>
        %dma_start3A_553 = arith.constant 0 : i32
        %dma_start3A_554 = arith.constant 0 : i32
        %dma_start3A_555 = tpu.memref_slice %arg5[%mul3A_537, %dma_start3A_553, %dma_start3A_554] : memref<32x1x16xi32, #tpu.memory_space<hbm>> -> memref<1x1x16xi32, #tpu.memory_space<hbm>>
        tpu.enqueue_dma source(%dma_start3A_555 : memref<1x1x16xi32, #tpu.memory_space<hbm>>) target(%dma_start3A_552 : memref<1x1x16xi32, #tpu.memory_space<vmem>>) target_semaphore(%dma_start3A_547 : memref<!tpu.dma_semaphore, #tpu.memory_space<semaphore_mem>>)
        "tpu.trace_stop"() : () -> ()
      } else {
      }
      %and3A_171 = arith.constant true
      %and3A_172 = arith.andi %and3A_167, %and3A_171 : i1
      %add3A_173 = arith.constant 1 : i32
      %add3A_174 = arith.addi %select_n3A_99, %add3A_173 : i32
      %select_n3A_175 = arith.select %and3A_172, %add3A_174, %select_n3A_99 : i32
      %ne3A_176 = arith.cmpi ne, %add3A_112, %add3A_132 : i32
      %or3A_177 = arith.constant false
      %or3A_178 = arith.ori %or3A_177, %ne3A_176 : i1
      %or3A_179 = arith.constant false
      %or3A_180 = arith.ori %or3A_178, %or3A_179 : i1
      %ge3A_181 = arith.constant 0 : i32
      %ge3A_182 = arith.cmpi sge, %scan3A_106, %ge3A_181 : i32
      %not3A_183 = arith.constant true
      %not3A_184 = arith.xori %ge3A_182, %not3A_183 : i1
      %and3A_185 = arith.andi %or3A_180, %not3A_184 : i1
      %ne3A_186 = arith.cmpi ne, %add3A_112, %add3A_132 : i32
      %or3A_187 = arith.constant false
      %or3A_188 = arith.ori %or3A_187, %ne3A_186 : i1
      %or3A_189 = arith.constant false
      %or3A_190 = arith.ori %or3A_188, %or3A_189 : i1
      %ge3A_191 = arith.constant 0 : i32
      %ge3A_192 = arith.cmpi sge, %scan3A_106, %ge3A_191 : i32
      %not3A_193 = arith.constant true
      %not3A_194 = arith.xori %ge3A_192, %not3A_193 : i1
      %and3A_195 = arith.andi %or3A_190, %not3A_194 : i1
      %ne3A_196 = arith.cmpi ne, %add3A_112, %add3A_122 : i32
      %or3A_197 = arith.constant false
      %or3A_198 = arith.ori %or3A_197, %ne3A_196 : i1
      %or3A_199 = arith.constant false
      %or3A_200 = arith.ori %or3A_198, %or3A_199 : i1
      %or3A_201 = arith.constant false
      %or3A_202 = arith.ori %or3A_200, %or3A_201 : i1
      %or3A_203 = arith.ori %or3A_202, %eq3A_108 : i1
      %convert_element_type3A_204 = arith.extui %or3A_203 : i1 to i32
      %cond3A_205 = arith.constant 0 : i32
      %cond3A_206 = arith.cmpi ne, %convert_element_type3A_204, %cond3A_205 : i32
      scf.if %cond3A_206 {
        "tpu.trace_start"() <{level = 10 : i32, message = "ep_wait_in"}> : () -> ()
        %mul3A_534 = arith.constant 1 : i32
        %mul3A_535 = arith.muli %mul3A_534, %add3A_112 : i32
        %rem3A_536 = arith.constant 2 : i32
        %rem3A_537 = arith.remui %scan3A, %rem3A_536 : i32
        %dma_wait3A_538 = arith.constant 0 : i32
        %dma_wait3A_539 = arith.constant 0 : i32
        %dma_wait3A_540 = arith.constant 0 : i32
        %dma_wait3A_541 = tpu.memref_slice %run_scoped3A[%rem3A_537, %dma_wait3A_538, %dma_wait3A_539, %dma_wait3A_540] : memref<2x1x1x16xi32, #tpu.memory_space<vmem>> -> memref<1x1x1x16xi32, #tpu.memory_space<vmem>>
        %dma_wait3A_542 = tpu.memref_squeeze %dma_wait3A_541 : memref<1x1x1x16xi32, #tpu.memory_space<vmem>> -> memref<1x1x16xi32, #tpu.memory_space<vmem>>
        %dma_wait3A_543 = arith.constant 0 : i32
        %dma_wait3A_544 = arith.constant 0 : i32
        %dma_wait3A_545 = tpu.memref_slice %arg4[%mul3A_535, %dma_wait3A_543, %dma_wait3A_544] : memref<32x1x16xi32, #tpu.memory_space<hbm>> -> memref<1x1x16xi32, #tpu.memory_space<hbm>>
        %dma_wait3A_546 = tpu.memref_slice %run_scoped3A_7[%rem3A_537] : memref<2x!tpu.dma_semaphore, #tpu.memory_space<semaphore_mem>> -> memref<1x!tpu.dma_semaphore, #tpu.memory_space<semaphore_mem>>
        %dma_wait3A_547 = tpu.memref_squeeze %dma_wait3A_546 : memref<1x!tpu.dma_semaphore, #tpu.memory_space<semaphore_mem>> -> memref<!tpu.dma_semaphore, #tpu.memory_space<semaphore_mem>>
        %dma_wait3A_548 = arith.constant 0 : i32
        %dma_wait3A_549 = arith.constant 0 : i32
        %dma_wait3A_550 = arith.constant 0 : i32
        %dma_wait3A_551 = tpu.memref_slice %run_scoped3A[%rem3A_537, %dma_wait3A_548, %dma_wait3A_549, %dma_wait3A_550] : memref<2x1x1x16xi32, #tpu.memory_space<vmem>> -> memref<1x1x1x16xi32, #tpu.memory_space<vmem>>
        %dma_wait3A_552 = tpu.memref_squeeze %dma_wait3A_551 : memref<1x1x1x16xi32, #tpu.memory_space<vmem>> -> memref<1x1x16xi32, #tpu.memory_space<vmem>>
        %dma_wait3A_553 = arith.constant 0 : i32
        %dma_wait3A_554 = arith.constant 0 : i32
        %dma_wait3A_555 = tpu.memref_slice %arg4[%mul3A_535, %dma_wait3A_553, %dma_wait3A_554] : memref<32x1x16xi32, #tpu.memory_space<hbm>> -> memref<1x1x16xi32, #tpu.memory_space<hbm>>
        tpu.wait_dma2 semaphore(%dma_wait3A_547 : memref<!tpu.dma_semaphore, #tpu.memory_space<semaphore_mem>>) src(%dma_wait3A_555 : memref<1x1x16xi32, #tpu.memory_space<hbm>>) dst(%dma_wait3A_552 : memref<1x1x16xi32, #tpu.memory_space<vmem>>)
        "tpu.trace_stop"() : () -> ()
      } else {
      }
      %ne3A_207 = arith.cmpi ne, %add3A_112, %add3A_122 : i32
      %or3A_208 = arith.constant false
      %or3A_209 = arith.ori %or3A_208, %ne3A_207 : i1
      %or3A_210 = arith.constant false
      %or3A_211 = arith.ori %or3A_209, %or3A_210 : i1
      %or3A_212 = arith.constant false
      %or3A_213 = arith.ori %or3A_211, %or3A_212 : i1
      %or3A_214 = arith.ori %or3A_213, %eq3A_108 : i1
      %convert_element_type3A_215 = arith.extui %or3A_214 : i1 to i32
      %cond3A_216 = arith.constant 0 : i32
      %cond3A_217 = arith.cmpi ne, %convert_element_type3A_215, %cond3A_216 : i32
      scf.if %cond3A_217 {
        "tpu.trace_start"() <{level = 10 : i32, message = "ep_wait_in"}> : () -> ()
        %mul3A_534 = arith.constant 1 : i32
        %mul3A_535 = arith.muli %mul3A_534, %add3A_112 : i32
        %rem3A_536 = arith.constant 2 : i32
        %rem3A_537 = arith.remui %scan3A_100, %rem3A_536 : i32
        %dma_wait3A_538 = arith.constant 0 : i32
        %dma_wait3A_539 = arith.constant 0 : i32
        %dma_wait3A_540 = arith.constant 0 : i32
        %dma_wait3A_541 = tpu.memref_slice %run_scoped3A_8[%rem3A_537, %dma_wait3A_538, %dma_wait3A_539, %dma_wait3A_540] : memref<2x1x1x16xi32, #tpu.memory_space<vmem>> -> memref<1x1x1x16xi32, #tpu.memory_space<vmem>>
        %dma_wait3A_542 = tpu.memref_squeeze %dma_wait3A_541 : memref<1x1x1x16xi32, #tpu.memory_space<vmem>> -> memref<1x1x16xi32, #tpu.memory_space<vmem>>
        %dma_wait3A_543 = arith.constant 0 : i32
        %dma_wait3A_544 = arith.constant 0 : i32
        %dma_wait3A_545 = tpu.memref_slice %arg5[%mul3A_535, %dma_wait3A_543, %dma_wait3A_544] : memref<32x1x16xi32, #tpu.memory_space<hbm>> -> memref<1x1x16xi32, #tpu.memory_space<hbm>>
        %dma_wait3A_546 = tpu.memref_slice %run_scoped3A_9[%rem3A_537] : memref<2x!tpu.dma_semaphore, #tpu.memory_space<semaphore_mem>> -> memref<1x!tpu.dma_semaphore, #tpu.memory_space<semaphore_mem>>
        %dma_wait3A_547 = tpu.memref_squeeze %dma_wait3A_546 : memref<1x!tpu.dma_semaphore, #tpu.memory_space<semaphore_mem>> -> memref<!tpu.dma_semaphore, #tpu.memory_space<semaphore_mem>>
        %dma_wait3A_548 = arith.constant 0 : i32
        %dma_wait3A_549 = arith.constant 0 : i32
        %dma_wait3A_550 = arith.constant 0 : i32
        %dma_wait3A_551 = tpu.memref_slice %run_scoped3A_8[%rem3A_537, %dma_wait3A_548, %dma_wait3A_549, %dma_wait3A_550] : memref<2x1x1x16xi32, #tpu.memory_space<vmem>> -> memref<1x1x1x16xi32, #tpu.memory_space<vmem>>
        %dma_wait3A_552 = tpu.memref_squeeze %dma_wait3A_551 : memref<1x1x1x16xi32, #tpu.memory_space<vmem>> -> memref<1x1x16xi32, #tpu.memory_space<vmem>>
        %dma_wait3A_553 = arith.constant 0 : i32
        %dma_wait3A_554 = arith.constant 0 : i32
        %dma_wait3A_555 = tpu.memref_slice %arg5[%mul3A_535, %dma_wait3A_553, %dma_wait3A_554] : memref<32x1x16xi32, #tpu.memory_space<hbm>> -> memref<1x1x16xi32, #tpu.memory_space<hbm>>
        tpu.wait_dma2 semaphore(%dma_wait3A_547 : memref<!tpu.dma_semaphore, #tpu.memory_space<semaphore_mem>>) src(%dma_wait3A_555 : memref<1x1x16xi32, #tpu.memory_space<hbm>>) dst(%dma_wait3A_552 : memref<1x1x16xi32, #tpu.memory_space<vmem>>)
        "tpu.trace_stop"() : () -> ()
      } else {
      }
      %ne3A_218 = arith.cmpi ne, %add3A_112, %add3A_122 : i32
      %or3A_219 = arith.constant false
      %or3A_220 = arith.ori %or3A_219, %ne3A_218 : i1
      %or3A_221 = arith.constant false
      %or3A_222 = arith.ori %or3A_220, %or3A_221 : i1
      %or3A_223 = arith.ori %or3A_222, %eq3A_108 : i1
      %convert_element_type3A_224 = arith.extui %or3A_223 : i1 to i32
      %cond3A_225 = arith.constant 0 : i32
      %cond3A_226 = arith.cmpi ne, %convert_element_type3A_224, %cond3A_225 : i32
      scf.if %cond3A_226 {
      } else {
      }
      %ne3A_227 = arith.cmpi ne, %add3A_112, %add3A_122 : i32
      %or3A_228 = arith.constant false
      %or3A_229 = arith.ori %or3A_228, %ne3A_227 : i1
      %or3A_230 = arith.constant false
      %or3A_231 = arith.ori %or3A_229, %or3A_230 : i1
      %or3A_232 = arith.ori %or3A_231, %eq3A_108 : i1
      %convert_element_type3A_233 = arith.extui %or3A_232 : i1 to i32
      %cond3A_234 = arith.constant 0 : i32
      %cond3A_235 = arith.cmpi ne, %convert_element_type3A_233, %cond3A_234 : i32
      scf.if %cond3A_235 {
      } else {
      }
      %rem3A_236 = arith.constant 2 : i32
      %rem3A_237 = arith.remui %scan3A, %rem3A_236 : i32
      %rem3A_238 = arith.constant 2 : i32
      %rem3A_239 = arith.remui %scan3A_100, %rem3A_238 : i32
      %rem3A_240 = arith.constant 2 : i32
      %rem3A_241 = arith.remui %scan3A_101, %rem3A_240 : i32
      %rem3A_242 = arith.constant 2 : i32
      %rem3A_243 = arith.remui %scan3A_103, %rem3A_242 : i32
      %dma_start3A_244 = arith.constant 0 : i32
      %dma_start3A_245 = arith.constant 0 : i32
      "tpu.trace_start"() <{level = 10 : i32, message = "ep_run_kernel"}> : () -> ()
      %dma_start3A_246 = arith.constant 0 : i32
      %dma_start3A_247 = arith.constant 0 : i32
      %dma_start3A_248 = tpu.memref_slice %run_scoped3A_10[%rem3A_241, %dma_start3A_246, %dma_start3A_247] : memref<2x16x128xi32, #tpu.memory_space<vmem>> -> memref<1x16x128xi32, #tpu.memory_space<vmem>>
      %dma_start3A_249 = tpu.memref_squeeze %dma_start3A_248 : memref<1x16x128xi32, #tpu.memory_space<vmem>> -> memref<16x128xi32, #tpu.memory_space<vmem>>
      %dma_start3A_250 = arith.constant 0 : i32
      %dma_start3A_251 = arith.constant 0 : i32
      %dma_start3A_252 = arith.constant 0 : i32
      %dma_start3A_253 = tpu.memref_slice %run_scoped3A[%rem3A_237, %dma_start3A_250, %dma_start3A_251, %dma_start3A_252] : memref<2x1x1x16xi32, #tpu.memory_space<vmem>> -> memref<1x1x1x16xi32, #tpu.memory_space<vmem>>
      %dma_start3A_254 = tpu.memref_squeeze %dma_start3A_253 : memref<1x1x1x16xi32, #tpu.memory_space<vmem>> -> memref<1x1x16xi32, #tpu.memory_space<vmem>>
      %dma_start3A_255 = arith.constant 0 : i32
      %dma_start3A_256 = tpu.memref_slice %dma_start3A_254[%dma_start3A_244, %dma_start3A_245, %dma_start3A_255] : memref<1x1x16xi32, #tpu.memory_space<vmem>> -> memref<1x1x16xi32, #tpu.memory_space<vmem>>
      %dma_start3A_257 = tpu.memref_squeeze %dma_start3A_256 : memref<1x1x16xi32, #tpu.memory_space<vmem>> -> memref<16xi32, #tpu.memory_space<vmem>>
      %dma_start3A_258 = arith.constant 0 : i32
      %dma_start3A_259 = arith.constant 0 : i32
      %dma_start3A_260 = tpu.memref_slice %arg2[%dma_start3A_258, %dma_start3A_259] : memref<10000x128xi32, #tpu.memory_space<hbm>> -> memref<10000x128xi32, #tpu.memory_space<hbm>>
      tpu.enqueue_indirect_dma source(%dma_start3A_260 : memref<10000x128xi32, #tpu.memory_space<hbm>>) target(%dma_start3A_249 : memref<16x128xi32, #tpu.memory_space<vmem>>) offsets(%dma_start3A_257 : memref<16xi32, #tpu.memory_space<vmem>>) semaphore(%arg8 : memref<!tpu.dma_semaphore, #tpu.memory_space<semaphore_mem>>)
      %dma_start3A_261 = arith.constant 0 : i32
      %dma_start3A_262 = arith.constant 0 : i32
      %dma_start3A_263 = arith.constant 0 : i32
      %dma_start3A_264 = arith.constant 0 : i32
      %dma_start3A_265 = tpu.memref_slice %run_scoped3A_12[%rem3A_243, %dma_start3A_263, %dma_start3A_264] : memref<2x16x128xi32, #tpu.memory_space<vmem>> -> memref<1x16x128xi32, #tpu.memory_space<vmem>>
      %dma_start3A_266 = tpu.memref_squeeze %dma_start3A_265 : memref<1x16x128xi32, #tpu.memory_space<vmem>> -> memref<16x128xi32, #tpu.memory_space<vmem>>
      %dma_start3A_267 = arith.constant 0 : i32
      %dma_start3A_268 = arith.constant 0 : i32
      %dma_start3A_269 = arith.constant 0 : i32
      %dma_start3A_270 = tpu.memref_slice %run_scoped3A_8[%rem3A_239, %dma_start3A_267, %dma_start3A_268, %dma_start3A_269] : memref<2x1x1x16xi32, #tpu.memory_space<vmem>> -> memref<1x1x1x16xi32, #tpu.memory_space<vmem>>
      %dma_start3A_271 = tpu.memref_squeeze %dma_start3A_270 : memref<1x1x1x16xi32, #tpu.memory_space<vmem>> -> memref<1x1x16xi32, #tpu.memory_space<vmem>>
      %dma_start3A_272 = arith.constant 0 : i32
      %dma_start3A_273 = tpu.memref_slice %dma_start3A_271[%dma_start3A_261, %dma_start3A_262, %dma_start3A_272] : memref<1x1x16xi32, #tpu.memory_space<vmem>> -> memref<1x1x16xi32, #tpu.memory_space<vmem>>
      %dma_start3A_274 = tpu.memref_squeeze %dma_start3A_273 : memref<1x1x16xi32, #tpu.memory_space<vmem>> -> memref<16xi32, #tpu.memory_space<vmem>>
      %dma_start3A_275 = arith.constant 0 : i32
      %dma_start3A_276 = arith.constant 0 : i32
      %dma_start3A_277 = tpu.memref_slice %arg3[%dma_start3A_275, %dma_start3A_276] : memref<10000x128xi32, #tpu.memory_space<hbm>> -> memref<10000x128xi32, #tpu.memory_space<hbm>>
      tpu.enqueue_indirect_dma source(%dma_start3A_277 : memref<10000x128xi32, #tpu.memory_space<hbm>>) target(%dma_start3A_266 : memref<16x128xi32, #tpu.memory_space<vmem>>) offsets(%dma_start3A_274 : memref<16xi32, #tpu.memory_space<vmem>>) semaphore(%arg8 : memref<!tpu.dma_semaphore, #tpu.memory_space<semaphore_mem>>)
      %dma_wait3A = arith.constant 0 : i32
      %dma_wait3A_278 = arith.constant 0 : i32
      %dma_wait3A_279 = arith.constant 0 : i32
      %dma_wait3A_280 = arith.constant 0 : i32
      %dma_wait3A_281 = tpu.memref_slice %run_scoped3A_10[%rem3A_241, %dma_wait3A_279, %dma_wait3A_280] : memref<2x16x128xi32, #tpu.memory_space<vmem>> -> memref<1x16x128xi32, #tpu.memory_space<vmem>>
      %dma_wait3A_282 = tpu.memref_squeeze %dma_wait3A_281 : memref<1x16x128xi32, #tpu.memory_space<vmem>> -> memref<16x128xi32, #tpu.memory_space<vmem>>
      %dma_wait3A_283 = arith.constant 0 : i32
      %dma_wait3A_284 = arith.constant 0 : i32
      %dma_wait3A_285 = arith.constant 0 : i32
      %dma_wait3A_286 = tpu.memref_slice %run_scoped3A[%rem3A_237, %dma_wait3A_283, %dma_wait3A_284, %dma_wait3A_285] : memref<2x1x1x16xi32, #tpu.memory_space<vmem>> -> memref<1x1x1x16xi32, #tpu.memory_space<vmem>>
      %dma_wait3A_287 = tpu.memref_squeeze %dma_wait3A_286 : memref<1x1x1x16xi32, #tpu.memory_space<vmem>> -> memref<1x1x16xi32, #tpu.memory_space<vmem>>
      %dma_wait3A_288 = arith.constant 0 : i32
      %dma_wait3A_289 = tpu.memref_slice %dma_wait3A_287[%dma_wait3A, %dma_wait3A_278, %dma_wait3A_288] : memref<1x1x16xi32, #tpu.memory_space<vmem>> -> memref<1x1x16xi32, #tpu.memory_space<vmem>>
      %dma_wait3A_290 = tpu.memref_squeeze %dma_wait3A_289 : memref<1x1x16xi32, #tpu.memory_space<vmem>> -> memref<16xi32, #tpu.memory_space<vmem>>
      %dma_wait3A_291 = arith.constant 0 : i32
      %dma_wait3A_292 = arith.constant 0 : i32
      %dma_wait3A_293 = tpu.memref_slice %arg2[%dma_wait3A_291, %dma_wait3A_292] : memref<10000x128xi32, #tpu.memory_space<hbm>> -> memref<10000x128xi32, #tpu.memory_space<hbm>>
      tpu.wait_indirect_dma semaphore(%arg8 : memref<!tpu.dma_semaphore, #tpu.memory_space<semaphore_mem>>) src(%dma_wait3A_293 : memref<10000x128xi32, #tpu.memory_space<hbm>>) dst(%dma_wait3A_282 : memref<16x128xi32, #tpu.memory_space<vmem>>)
      %dma_wait3A_294 = arith.constant 0 : i32
      %dma_wait3A_295 = arith.constant 0 : i32
      %dma_wait3A_296 = arith.constant 0 : i32
      %dma_wait3A_297 = arith.constant 0 : i32
      %dma_wait3A_298 = tpu.memref_slice %run_scoped3A_12[%rem3A_243, %dma_wait3A_296, %dma_wait3A_297] : memref<2x16x128xi32, #tpu.memory_space<vmem>> -> memref<1x16x128xi32, #tpu.memory_space<vmem>>
      %dma_wait3A_299 = tpu.memref_squeeze %dma_wait3A_298 : memref<1x16x128xi32, #tpu.memory_space<vmem>> -> memref<16x128xi32, #tpu.memory_space<vmem>>
      %dma_wait3A_300 = arith.constant 0 : i32
      %dma_wait3A_301 = arith.constant 0 : i32
      %dma_wait3A_302 = arith.constant 0 : i32
      %dma_wait3A_303 = tpu.memref_slice %run_scoped3A_8[%rem3A_239, %dma_wait3A_300, %dma_wait3A_301, %dma_wait3A_302] : memref<2x1x1x16xi32, #tpu.memory_space<vmem>> -> memref<1x1x1x16xi32, #tpu.memory_space<vmem>>
      %dma_wait3A_304 = tpu.memref_squeeze %dma_wait3A_303 : memref<1x1x1x16xi32, #tpu.memory_space<vmem>> -> memref<1x1x16xi32, #tpu.memory_space<vmem>>
      %dma_wait3A_305 = arith.constant 0 : i32
      %dma_wait3A_306 = tpu.memref_slice %dma_wait3A_304[%dma_wait3A_294, %dma_wait3A_295, %dma_wait3A_305] : memref<1x1x16xi32, #tpu.memory_space<vmem>> -> memref<1x1x16xi32, #tpu.memory_space<vmem>>
      %dma_wait3A_307 = tpu.memref_squeeze %dma_wait3A_306 : memref<1x1x16xi32, #tpu.memory_space<vmem>> -> memref<16xi32, #tpu.memory_space<vmem>>
      %dma_wait3A_308 = arith.constant 0 : i32
      %dma_wait3A_309 = arith.constant 0 : i32
      %dma_wait3A_310 = tpu.memref_slice %arg3[%dma_wait3A_308, %dma_wait3A_309] : memref<10000x128xi32, #tpu.memory_space<hbm>> -> memref<10000x128xi32, #tpu.memory_space<hbm>>
      tpu.wait_indirect_dma semaphore(%arg8 : memref<!tpu.dma_semaphore, #tpu.memory_space<semaphore_mem>>) src(%dma_wait3A_310 : memref<10000x128xi32, #tpu.memory_space<hbm>>) dst(%dma_wait3A_299 : memref<16x128xi32, #tpu.memory_space<vmem>>)
      "tpu.trace_stop"() : () -> ()
      %ne3A_311 = arith.cmpi ne, %add3A_112, %add3A_132 : i32
      %or3A_312 = arith.constant false
      %or3A_313 = arith.ori %or3A_312, %ne3A_311 : i1
      %or3A_314 = arith.constant false
      %or3A_315 = arith.ori %or3A_313, %or3A_314 : i1
      %or3A_316 = arith.constant false
      %or3A_317 = arith.ori %or3A_315, %or3A_316 : i1
      %or3A_318 = arith.ori %or3A_317, %eq3A_110 : i1
      %convert_element_type3A_319 = arith.extui %or3A_318 : i1 to i32
      %cond3A_320 = arith.constant 0 : i32
      %cond3A_321 = arith.cmpi ne, %convert_element_type3A_319, %cond3A_320 : i32
      scf.if %cond3A_321 {
      } else {
      }
      %and3A_322 = arith.constant false
      %and3A_323 = arith.andi %or3A_318, %and3A_322 : i1
      %ne3A_324 = arith.cmpi ne, %add3A_112, %add3A_132 : i32
      %or3A_325 = arith.constant false
      %or3A_326 = arith.ori %or3A_325, %ne3A_324 : i1
      %or3A_327 = arith.constant false
      %or3A_328 = arith.ori %or3A_326, %or3A_327 : i1
      %or3A_329 = arith.constant false
      %or3A_330 = arith.ori %or3A_328, %or3A_329 : i1
      %or3A_331 = arith.ori %or3A_330, %eq3A_110 : i1
      %convert_element_type3A_332 = arith.extui %or3A_331 : i1 to i32
      %cond3A_333 = arith.constant 0 : i32
      %cond3A_334 = arith.cmpi ne, %convert_element_type3A_332, %cond3A_333 : i32
      scf.if %cond3A_334 {
      } else {
      }
      %and3A_335 = arith.constant false
      %and3A_336 = arith.andi %or3A_331, %and3A_335 : i1
      %ne3A_337 = arith.cmpi ne, %add3A_112, %add3A_132 : i32
      %or3A_338 = arith.constant false
      %or3A_339 = arith.ori %or3A_338, %ne3A_337 : i1
      %or3A_340 = arith.constant false
      %or3A_341 = arith.ori %or3A_339, %or3A_340 : i1
      %or3A_342 = arith.ori %or3A_341, %eq3A_110 : i1
      %convert_element_type3A_343 = arith.extui %or3A_342 : i1 to i32
      %cond3A_344 = arith.constant 0 : i32
      %cond3A_345 = arith.cmpi ne, %convert_element_type3A_343, %cond3A_344 : i32
      scf.if %cond3A_345 {
        "tpu.trace_start"() <{level = 10 : i32, message = "ep_copy_out"}> : () -> ()
        %rem3A_534 = arith.constant 2 : i32
        %rem3A_535 = arith.remui %scan3A_101, %rem3A_534 : i32
        %mul3A_536 = arith.constant 16 : i32
        %mul3A_537 = arith.muli %mul3A_536, %add3A_112 : i32
        %dma_start3A_538 = arith.constant 0 : i32
        %dma_start3A_539 = arith.constant 0 : i32
        %dma_start3A_540 = tpu.memref_slice %run_scoped3A_10[%rem3A_535, %dma_start3A_538, %dma_start3A_539] : memref<2x16x128xi32, #tpu.memory_space<vmem>> -> memref<1x16x128xi32, #tpu.memory_space<vmem>>
        %dma_start3A_541 = tpu.memref_squeeze %dma_start3A_540 : memref<1x16x128xi32, #tpu.memory_space<vmem>> -> memref<16x128xi32, #tpu.memory_space<vmem>>
        %dma_start3A_542 = arith.constant 0 : i32
        %dma_start3A_543 = tpu.memref_slice %arg6[%mul3A_537, %dma_start3A_542] : memref<512x128xi32, #tpu.memory_space<hbm>> -> memref<16x128xi32, #tpu.memory_space<hbm>>
        %dma_start3A_544 = tpu.memref_slice %run_scoped3A_11[%rem3A_535] : memref<2x!tpu.dma_semaphore, #tpu.memory_space<semaphore_mem>> -> memref<1x!tpu.dma_semaphore, #tpu.memory_space<semaphore_mem>>
        %dma_start3A_545 = tpu.memref_squeeze %dma_start3A_544 : memref<1x!tpu.dma_semaphore, #tpu.memory_space<semaphore_mem>> -> memref<!tpu.dma_semaphore, #tpu.memory_space<semaphore_mem>>
        %dma_start3A_546 = arith.constant 0 : i32
        %dma_start3A_547 = tpu.memref_slice %arg6[%mul3A_537, %dma_start3A_546] : memref<512x128xi32, #tpu.memory_space<hbm>> -> memref<16x128xi32, #tpu.memory_space<hbm>>
        %dma_start3A_548 = arith.constant 0 : i32
        %dma_start3A_549 = arith.constant 0 : i32
        %dma_start3A_550 = tpu.memref_slice %run_scoped3A_10[%rem3A_535, %dma_start3A_548, %dma_start3A_549] : memref<2x16x128xi32, #tpu.memory_space<vmem>> -> memref<1x16x128xi32, #tpu.memory_space<vmem>>
        %dma_start3A_551 = tpu.memref_squeeze %dma_start3A_550 : memref<1x16x128xi32, #tpu.memory_space<vmem>> -> memref<16x128xi32, #tpu.memory_space<vmem>>
        tpu.enqueue_dma source(%dma_start3A_551 : memref<16x128xi32, #tpu.memory_space<vmem>>) target(%dma_start3A_547 : memref<16x128xi32, #tpu.memory_space<hbm>>) target_semaphore(%dma_start3A_545 : memref<!tpu.dma_semaphore, #tpu.memory_space<semaphore_mem>>)
        "tpu.trace_stop"() : () -> ()
      } else {
      }
      %and3A_346 = arith.constant true
      %and3A_347 = arith.andi %or3A_342, %and3A_346 : i1
      %add3A_348 = arith.constant 1 : i32
      %add3A_349 = arith.addi %scan3A_101, %add3A_348 : i32
      %select_n3A_350 = arith.select %and3A_347, %add3A_349, %scan3A_101 : i32
      %ne3A_351 = arith.cmpi ne, %add3A_112, %add3A_132 : i32
      %or3A_352 = arith.constant false
      %or3A_353 = arith.ori %or3A_352, %ne3A_351 : i1
      %or3A_354 = arith.constant false
      %or3A_355 = arith.ori %or3A_353, %or3A_354 : i1
      %or3A_356 = arith.ori %or3A_355, %eq3A_110 : i1
      %convert_element_type3A_357 = arith.extui %or3A_356 : i1 to i32
      %cond3A_358 = arith.constant 0 : i32
      %cond3A_359 = arith.cmpi ne, %convert_element_type3A_357, %cond3A_358 : i32
      scf.if %cond3A_359 {
        "tpu.trace_start"() <{level = 10 : i32, message = "ep_copy_out"}> : () -> ()
        %rem3A_534 = arith.constant 2 : i32
        %rem3A_535 = arith.remui %scan3A_103, %rem3A_534 : i32
        %mul3A_536 = arith.constant 16 : i32
        %mul3A_537 = arith.muli %mul3A_536, %add3A_112 : i32
        %dma_start3A_538 = arith.constant 0 : i32
        %dma_start3A_539 = arith.constant 0 : i32
        %dma_start3A_540 = tpu.memref_slice %run_scoped3A_12[%rem3A_535, %dma_start3A_538, %dma_start3A_539] : memref<2x16x128xi32, #tpu.memory_space<vmem>> -> memref<1x16x128xi32, #tpu.memory_space<vmem>>
        %dma_start3A_541 = tpu.memref_squeeze %dma_start3A_540 : memref<1x16x128xi32, #tpu.memory_space<vmem>> -> memref<16x128xi32, #tpu.memory_space<vmem>>
        %dma_start3A_542 = arith.constant 0 : i32
        %dma_start3A_543 = tpu.memref_slice %arg7[%mul3A_537, %dma_start3A_542] : memref<512x128xi32, #tpu.memory_space<hbm>> -> memref<16x128xi32, #tpu.memory_space<hbm>>
        %dma_start3A_544 = tpu.memref_slice %run_scoped3A_13[%rem3A_535] : memref<2x!tpu.dma_semaphore, #tpu.memory_space<semaphore_mem>> -> memref<1x!tpu.dma_semaphore, #tpu.memory_space<semaphore_mem>>
        %dma_start3A_545 = tpu.memref_squeeze %dma_start3A_544 : memref<1x!tpu.dma_semaphore, #tpu.memory_space<semaphore_mem>> -> memref<!tpu.dma_semaphore, #tpu.memory_space<semaphore_mem>>
        %dma_start3A_546 = arith.constant 0 : i32
        %dma_start3A_547 = tpu.memref_slice %arg7[%mul3A_537, %dma_start3A_546] : memref<512x128xi32, #tpu.memory_space<hbm>> -> memref<16x128xi32, #tpu.memory_space<hbm>>
        %dma_start3A_548 = arith.constant 0 : i32
        %dma_start3A_549 = arith.constant 0 : i32
        %dma_start3A_550 = tpu.memref_slice %run_scoped3A_12[%rem3A_535, %dma_start3A_548, %dma_start3A_549] : memref<2x16x128xi32, #tpu.memory_space<vmem>> -> memref<1x16x128xi32, #tpu.memory_space<vmem>>
        %dma_start3A_551 = tpu.memref_squeeze %dma_start3A_550 : memref<1x16x128xi32, #tpu.memory_space<vmem>> -> memref<16x128xi32, #tpu.memory_space<vmem>>
        tpu.enqueue_dma source(%dma_start3A_551 : memref<16x128xi32, #tpu.memory_space<vmem>>) target(%dma_start3A_547 : memref<16x128xi32, #tpu.memory_space<hbm>>) target_semaphore(%dma_start3A_545 : memref<!tpu.dma_semaphore, #tpu.memory_space<semaphore_mem>>)
        "tpu.trace_stop"() : () -> ()
      } else {
      }
      %and3A_360 = arith.constant true
      %and3A_361 = arith.andi %or3A_356, %and3A_360 : i1
      %add3A_362 = arith.constant 1 : i32
      %add3A_363 = arith.addi %scan3A_103, %add3A_362 : i32
      %select_n3A_364 = arith.select %and3A_361, %add3A_363, %scan3A_103 : i32
      %ne3A_365 = arith.cmpi ne, %add3A_112, %add3A_122 : i32
      %or3A_366 = arith.constant false
      %or3A_367 = arith.ori %or3A_366, %ne3A_365 : i1
      %or3A_368 = arith.constant false
      %or3A_369 = arith.ori %or3A_367, %or3A_368 : i1
      %or3A_370 = arith.constant false
      %or3A_371 = arith.ori %or3A_369, %or3A_370 : i1
      %not3A_372 = arith.constant true
      %not3A_373 = arith.xori %eq3A_108, %not3A_372 : i1
      %and3A_374 = arith.andi %or3A_371, %not3A_373 : i1
      %convert_element_type3A_375 = arith.extui %and3A_374 : i1 to i32
      %cond3A_376 = arith.constant 0 : i32
      %cond3A_377 = arith.cmpi ne, %convert_element_type3A_375, %cond3A_376 : i32
      scf.if %cond3A_377 {
      } else {
      }
      %and3A_378 = arith.constant false
      %and3A_379 = arith.andi %and3A_374, %and3A_378 : i1
      %ne3A_380 = arith.cmpi ne, %add3A_112, %add3A_122 : i32
      %or3A_381 = arith.constant false
      %or3A_382 = arith.ori %or3A_381, %ne3A_380 : i1
      %or3A_383 = arith.constant false
      %or3A_384 = arith.ori %or3A_382, %or3A_383 : i1
      %or3A_385 = arith.constant false
      %or3A_386 = arith.ori %or3A_384, %or3A_385 : i1
      %not3A_387 = arith.constant true
      %not3A_388 = arith.xori %eq3A_108, %not3A_387 : i1
      %and3A_389 = arith.andi %or3A_386, %not3A_388 : i1
      %convert_element_type3A_390 = arith.extui %and3A_389 : i1 to i32
      %cond3A_391 = arith.constant 0 : i32
      %cond3A_392 = arith.cmpi ne, %convert_element_type3A_390, %cond3A_391 : i32
      scf.if %cond3A_392 {
      } else {
      }
      %and3A_393 = arith.constant false
      %and3A_394 = arith.andi %and3A_389, %and3A_393 : i1
      %ne3A_395 = arith.cmpi ne, %add3A_112, %add3A_122 : i32
      %or3A_396 = arith.constant false
      %or3A_397 = arith.ori %or3A_396, %ne3A_395 : i1
      %or3A_398 = arith.constant false
      %or3A_399 = arith.ori %or3A_397, %or3A_398 : i1
      %not3A_400 = arith.constant true
      %not3A_401 = arith.xori %eq3A_108, %not3A_400 : i1
      %and3A_402 = arith.andi %or3A_399, %not3A_401 : i1
      %convert_element_type3A_403 = arith.extui %and3A_402 : i1 to i32
      %cond3A_404 = arith.constant 0 : i32
      %cond3A_405 = arith.cmpi ne, %convert_element_type3A_403, %cond3A_404 : i32
      scf.if %cond3A_405 {
        "tpu.trace_start"() <{level = 10 : i32, message = "ep_wait_out"}> : () -> ()
        %rem3A_534 = arith.constant 2 : i32
        %rem3A_535 = arith.remui %scan3A_102, %rem3A_534 : i32
        %mul3A_536 = arith.constant 16 : i32
        %mul3A_537 = arith.muli %mul3A_536, %add3A_122 : i32
        %dma_wait3A_538 = arith.constant 0 : i32
        %dma_wait3A_539 = arith.constant 0 : i32
        %dma_wait3A_540 = tpu.memref_slice %run_scoped3A_10[%rem3A_535, %dma_wait3A_538, %dma_wait3A_539] : memref<2x16x128xi32, #tpu.memory_space<vmem>> -> memref<1x16x128xi32, #tpu.memory_space<vmem>>
        %dma_wait3A_541 = tpu.memref_squeeze %dma_wait3A_540 : memref<1x16x128xi32, #tpu.memory_space<vmem>> -> memref<16x128xi32, #tpu.memory_space<vmem>>
        %dma_wait3A_542 = arith.constant 0 : i32
        %dma_wait3A_543 = tpu.memref_slice %arg6[%mul3A_537, %dma_wait3A_542] : memref<512x128xi32, #tpu.memory_space<hbm>> -> memref<16x128xi32, #tpu.memory_space<hbm>>
        %dma_wait3A_544 = tpu.memref_slice %run_scoped3A_11[%rem3A_535] : memref<2x!tpu.dma_semaphore, #tpu.memory_space<semaphore_mem>> -> memref<1x!tpu.dma_semaphore, #tpu.memory_space<semaphore_mem>>
        %dma_wait3A_545 = tpu.memref_squeeze %dma_wait3A_544 : memref<1x!tpu.dma_semaphore, #tpu.memory_space<semaphore_mem>> -> memref<!tpu.dma_semaphore, #tpu.memory_space<semaphore_mem>>
        %dma_wait3A_546 = arith.constant 0 : i32
        %dma_wait3A_547 = tpu.memref_slice %arg6[%mul3A_537, %dma_wait3A_546] : memref<512x128xi32, #tpu.memory_space<hbm>> -> memref<16x128xi32, #tpu.memory_space<hbm>>
        %dma_wait3A_548 = arith.constant 0 : i32
        %dma_wait3A_549 = arith.constant 0 : i32
        %dma_wait3A_550 = tpu.memref_slice %run_scoped3A_10[%rem3A_535, %dma_wait3A_548, %dma_wait3A_549] : memref<2x16x128xi32, #tpu.memory_space<vmem>> -> memref<1x16x128xi32, #tpu.memory_space<vmem>>
        %dma_wait3A_551 = tpu.memref_squeeze %dma_wait3A_550 : memref<1x16x128xi32, #tpu.memory_space<vmem>> -> memref<16x128xi32, #tpu.memory_space<vmem>>
        tpu.wait_dma2 semaphore(%dma_wait3A_545 : memref<!tpu.dma_semaphore, #tpu.memory_space<semaphore_mem>>) src(%dma_wait3A_551 : memref<16x128xi32, #tpu.memory_space<vmem>>) dst(%dma_wait3A_547 : memref<16x128xi32, #tpu.memory_space<hbm>>)
        "tpu.trace_stop"() : () -> ()
      } else {
      }
      %and3A_406 = arith.constant true
      %and3A_407 = arith.andi %and3A_402, %and3A_406 : i1
      %add3A_408 = arith.constant 1 : i32
      %add3A_409 = arith.addi %scan3A_102, %add3A_408 : i32
      %select_n3A_410 = arith.select %and3A_407, %add3A_409, %scan3A_102 : i32
      %ne3A_411 = arith.cmpi ne, %add3A_112, %add3A_122 : i32
      %or3A_412 = arith.constant false
      %or3A_413 = arith.ori %or3A_412, %ne3A_411 : i1
      %or3A_414 = arith.constant false
      %or3A_415 = arith.ori %or3A_413, %or3A_414 : i1
      %not3A_416 = arith.constant true
      %not3A_417 = arith.xori %eq3A_108, %not3A_416 : i1
      %and3A_418 = arith.andi %or3A_415, %not3A_417 : i1
      %convert_element_type3A_419 = arith.extui %and3A_418 : i1 to i32
      %cond3A_420 = arith.constant 0 : i32
      %cond3A_421 = arith.cmpi ne, %convert_element_type3A_419, %cond3A_420 : i32
      scf.if %cond3A_421 {
        "tpu.trace_start"() <{level = 10 : i32, message = "ep_wait_out"}> : () -> ()
        %rem3A_534 = arith.constant 2 : i32
        %rem3A_535 = arith.remui %scan3A_104, %rem3A_534 : i32
        %mul3A_536 = arith.constant 16 : i32
        %mul3A_537 = arith.muli %mul3A_536, %add3A_122 : i32
        %dma_wait3A_538 = arith.constant 0 : i32
        %dma_wait3A_539 = arith.constant 0 : i32
        %dma_wait3A_540 = tpu.memref_slice %run_scoped3A_12[%rem3A_535, %dma_wait3A_538, %dma_wait3A_539] : memref<2x16x128xi32, #tpu.memory_space<vmem>> -> memref<1x16x128xi32, #tpu.memory_space<vmem>>
        %dma_wait3A_541 = tpu.memref_squeeze %dma_wait3A_540 : memref<1x16x128xi32, #tpu.memory_space<vmem>> -> memref<16x128xi32, #tpu.memory_space<vmem>>
        %dma_wait3A_542 = arith.constant 0 : i32
        %dma_wait3A_543 = tpu.memref_slice %arg7[%mul3A_537, %dma_wait3A_542] : memref<512x128xi32, #tpu.memory_space<hbm>> -> memref<16x128xi32, #tpu.memory_space<hbm>>
        %dma_wait3A_544 = tpu.memref_slice %run_scoped3A_13[%rem3A_535] : memref<2x!tpu.dma_semaphore, #tpu.memory_space<semaphore_mem>> -> memref<1x!tpu.dma_semaphore, #tpu.memory_space<semaphore_mem>>
        %dma_wait3A_545 = tpu.memref_squeeze %dma_wait3A_544 : memref<1x!tpu.dma_semaphore, #tpu.memory_space<semaphore_mem>> -> memref<!tpu.dma_semaphore, #tpu.memory_space<semaphore_mem>>
        %dma_wait3A_546 = arith.constant 0 : i32
        %dma_wait3A_547 = tpu.memref_slice %arg7[%mul3A_537, %dma_wait3A_546] : memref<512x128xi32, #tpu.memory_space<hbm>> -> memref<16x128xi32, #tpu.memory_space<hbm>>
        %dma_wait3A_548 = arith.constant 0 : i32
        %dma_wait3A_549 = arith.constant 0 : i32
        %dma_wait3A_550 = tpu.memref_slice %run_scoped3A_12[%rem3A_535, %dma_wait3A_548, %dma_wait3A_549] : memref<2x16x128xi32, #tpu.memory_space<vmem>> -> memref<1x16x128xi32, #tpu.memory_space<vmem>>
        %dma_wait3A_551 = tpu.memref_squeeze %dma_wait3A_550 : memref<1x16x128xi32, #tpu.memory_space<vmem>> -> memref<16x128xi32, #tpu.memory_space<vmem>>
        tpu.wait_dma2 semaphore(%dma_wait3A_545 : memref<!tpu.dma_semaphore, #tpu.memory_space<semaphore_mem>>) src(%dma_wait3A_551 : memref<16x128xi32, #tpu.memory_space<vmem>>) dst(%dma_wait3A_547 : memref<16x128xi32, #tpu.memory_space<hbm>>)
        "tpu.trace_stop"() : () -> ()
      } else {
      }
      %and3A_422 = arith.constant true
      %and3A_423 = arith.andi %and3A_418, %and3A_422 : i1
      %add3A_424 = arith.constant 1 : i32
      %add3A_425 = arith.addi %scan3A_104, %add3A_424 : i32
      %select_n3A_426 = arith.select %and3A_423, %add3A_425, %scan3A_104 : i32
      %ne3A_427 = arith.cmpi ne, %add3A_112, %add3A_132 : i32
      %or3A_428 = arith.constant false
      %or3A_429 = arith.ori %or3A_428, %ne3A_427 : i1
      %or3A_430 = arith.constant false
      %or3A_431 = arith.ori %or3A_429, %or3A_430 : i1
      %or3A_432 = arith.constant false
      %or3A_433 = arith.ori %or3A_431, %or3A_432 : i1
      %or3A_434 = arith.ori %or3A_433, %eq3A_110 : i1
      %add3A_435 = arith.constant 1 : i32
      %add3A_436 = arith.addi %scan3A, %add3A_435 : i32
      %select_n3A_437 = arith.select %or3A_434, %add3A_436, %scan3A : i32
      %ne3A_438 = arith.cmpi ne, %add3A_112, %add3A_132 : i32
      %or3A_439 = arith.constant false
      %or3A_440 = arith.ori %or3A_439, %ne3A_438 : i1
      %or3A_441 = arith.constant false
      %or3A_442 = arith.ori %or3A_440, %or3A_441 : i1
      %or3A_443 = arith.constant false
      %or3A_444 = arith.ori %or3A_442, %or3A_443 : i1
      %or3A_445 = arith.ori %or3A_444, %eq3A_110 : i1
      %add3A_446 = arith.constant 1 : i32
      %add3A_447 = arith.addi %scan3A_100, %add3A_446 : i32
      %select_n3A_448 = arith.select %or3A_445, %add3A_447, %scan3A_100 : i32
      %select_n3A_449 = arith.constant true
      %select_n3A_450 = arith.constant 0 : i32
      %select_n3A_451 = arith.constant 1 : i32
      %select_n3A_452 = arith.select %select_n3A_449, %select_n3A_451, %select_n3A_450 : i32
      %eq3A_453 = arith.constant 1 : i32
      %eq3A_454 = arith.cmpi eq, %select_n3A_452, %eq3A_453 : i32
      %select_n3A_455 = arith.constant 0 : i32
      %select_n3A_456 = arith.select %eq3A_454, %select_n3A_455, %select_n3A_452 : i32
      %scan3A_457 = arith.constant 0 : i32
      %scan3A_458 = arith.constant 1 : i32
      %sub3A = arith.constant 1 : i32
      %sub3A_459 = arith.subi %scan3A_457, %sub3A : i32
      %select_n3A_460 = arith.constant true
      %select_n3A_461 = arith.select %select_n3A_460, %sub3A_459, %scan3A_457 : i32
      %eq3A_462 = arith.constant -1 : i32
      %eq3A_463 = arith.cmpi eq, %select_n3A_461, %eq3A_462 : i32
      %select_n3A_464 = arith.constant 0 : i32
      %select_n3A_465 = arith.select %eq3A_463, %select_n3A_464, %select_n3A_461 : i32
      %add3A_466 = arith.constant 0 : i32
      %add3A_467 = arith.addi %add3A_466, %mul3A_6 : i32
      %select_n3A_468 = arith.constant true
      %select_n3A_469 = arith.constant 0 : i32
      %select_n3A_470 = arith.constant -1 : i32
      %select_n3A_471 = arith.select %select_n3A_468, %select_n3A_470, %select_n3A_469 : i32
      %eq3A_472 = arith.constant -1 : i32
      %eq3A_473 = arith.cmpi eq, %select_n3A_471, %eq3A_472 : i32
      %select_n3A_474 = arith.constant 0 : i32
      %select_n3A_475 = arith.select %eq3A_473, %select_n3A_474, %select_n3A_471 : i32
      %add3A_476 = arith.constant 0 : i32
      %add3A_477 = arith.addi %add3A_476, %mul3A_6 : i32
      %select_n3A_478 = arith.constant true
      %select_n3A_479 = arith.constant 0 : i32
      %select_n3A_480 = arith.constant 1 : i32
      %select_n3A_481 = arith.select %select_n3A_478, %select_n3A_480, %select_n3A_479 : i32
      %eq3A_482 = arith.constant 1 : i32
      %eq3A_483 = arith.cmpi eq, %select_n3A_481, %eq3A_482 : i32
      %select_n3A_484 = arith.constant 0 : i32
      %select_n3A_485 = arith.select %eq3A_483, %select_n3A_484, %select_n3A_481 : i32
      %add3A_486 = arith.constant 0 : i32
      %add3A_487 = arith.addi %add3A_486, %mul3A_6 : i32
      %select_n3A_488 = arith.constant true
      %select_n3A_489 = arith.constant 0 : i32
      %select_n3A_490 = arith.constant 1 : i32
      %select_n3A_491 = arith.select %select_n3A_488, %select_n3A_490, %select_n3A_489 : i32
      %eq3A_492 = arith.constant 1 : i32
      %eq3A_493 = arith.cmpi eq, %select_n3A_491, %eq3A_492 : i32
      %select_n3A_494 = arith.constant 0 : i32
      %select_n3A_495 = arith.select %eq3A_493, %select_n3A_494, %select_n3A_491 : i32
      %add3A_496 = arith.constant 0 : i32
      %add3A_497 = arith.addi %add3A_496, %mul3A_6 : i32
      "tpu.trace_start"() <{level = 10 : i32, message = "ep_finalize"}> : () -> ()
      %rem3A_498 = arith.constant 2 : i32
      %rem3A_499 = arith.remui %select_n3A_410, %rem3A_498 : i32
      %mul3A_500 = arith.constant 16 : i32
      %mul3A_501 = arith.muli %mul3A_500, %add3A_467 : i32
      %dma_wait3A_502 = arith.constant 0 : i32
      %dma_wait3A_503 = arith.constant 0 : i32
      %dma_wait3A_504 = tpu.memref_slice %run_scoped3A_10[%rem3A_499, %dma_wait3A_502, %dma_wait3A_503] : memref<2x16x128xi32, #tpu.memory_space<vmem>> -> memref<1x16x128xi32, #tpu.memory_space<vmem>>
      %dma_wait3A_505 = tpu.memref_squeeze %dma_wait3A_504 : memref<1x16x128xi32, #tpu.memory_space<vmem>> -> memref<16x128xi32, #tpu.memory_space<vmem>>
      %dma_wait3A_506 = arith.constant 0 : i32
      %dma_wait3A_507 = tpu.memref_slice %arg6[%mul3A_501, %dma_wait3A_506] : memref<512x128xi32, #tpu.memory_space<hbm>> -> memref<16x128xi32, #tpu.memory_space<hbm>>
      %dma_wait3A_508 = tpu.memref_slice %run_scoped3A_11[%rem3A_499] : memref<2x!tpu.dma_semaphore, #tpu.memory_space<semaphore_mem>> -> memref<1x!tpu.dma_semaphore, #tpu.memory_space<semaphore_mem>>
      %dma_wait3A_509 = tpu.memref_squeeze %dma_wait3A_508 : memref<1x!tpu.dma_semaphore, #tpu.memory_space<semaphore_mem>> -> memref<!tpu.dma_semaphore, #tpu.memory_space<semaphore_mem>>
      %dma_wait3A_510 = arith.constant 0 : i32
      %dma_wait3A_511 = tpu.memref_slice %arg6[%mul3A_501, %dma_wait3A_510] : memref<512x128xi32, #tpu.memory_space<hbm>> -> memref<16x128xi32, #tpu.memory_space<hbm>>
      %dma_wait3A_512 = arith.constant 0 : i32
      %dma_wait3A_513 = arith.constant 0 : i32
      %dma_wait3A_514 = tpu.memref_slice %run_scoped3A_10[%rem3A_499, %dma_wait3A_512, %dma_wait3A_513] : memref<2x16x128xi32, #tpu.memory_space<vmem>> -> memref<1x16x128xi32, #tpu.memory_space<vmem>>
      %dma_wait3A_515 = tpu.memref_squeeze %dma_wait3A_514 : memref<1x16x128xi32, #tpu.memory_space<vmem>> -> memref<16x128xi32, #tpu.memory_space<vmem>>
      tpu.wait_dma2 semaphore(%dma_wait3A_509 : memref<!tpu.dma_semaphore, #tpu.memory_space<semaphore_mem>>) src(%dma_wait3A_515 : memref<16x128xi32, #tpu.memory_space<vmem>>) dst(%dma_wait3A_511 : memref<16x128xi32, #tpu.memory_space<hbm>>)
      %rem3A_516 = arith.constant 2 : i32
      %rem3A_517 = arith.remui %select_n3A_426, %rem3A_516 : i32
      %mul3A_518 = arith.constant 16 : i32
      %mul3A_519 = arith.muli %mul3A_518, %add3A_467 : i32
      %dma_wait3A_520 = arith.constant 0 : i32
      %dma_wait3A_521 = arith.constant 0 : i32
      %dma_wait3A_522 = tpu.memref_slice %run_scoped3A_12[%rem3A_517, %dma_wait3A_520, %dma_wait3A_521] : memref<2x16x128xi32, #tpu.memory_space<vmem>> -> memref<1x16x128xi32, #tpu.memory_space<vmem>>
      %dma_wait3A_523 = tpu.memref_squeeze %dma_wait3A_522 : memref<1x16x128xi32, #tpu.memory_space<vmem>> -> memref<16x128xi32, #tpu.memory_space<vmem>>
      %dma_wait3A_524 = arith.constant 0 : i32
      %dma_wait3A_525 = tpu.memref_slice %arg7[%mul3A_519, %dma_wait3A_524] : memref<512x128xi32, #tpu.memory_space<hbm>> -> memref<16x128xi32, #tpu.memory_space<hbm>>
      %dma_wait3A_526 = tpu.memref_slice %run_scoped3A_13[%rem3A_517] : memref<2x!tpu.dma_semaphore, #tpu.memory_space<semaphore_mem>> -> memref<1x!tpu.dma_semaphore, #tpu.memory_space<semaphore_mem>>
      %dma_wait3A_527 = tpu.memref_squeeze %dma_wait3A_526 : memref<1x!tpu.dma_semaphore, #tpu.memory_space<semaphore_mem>> -> memref<!tpu.dma_semaphore, #tpu.memory_space<semaphore_mem>>
      %dma_wait3A_528 = arith.constant 0 : i32
      %dma_wait3A_529 = tpu.memref_slice %arg7[%mul3A_519, %dma_wait3A_528] : memref<512x128xi32, #tpu.memory_space<hbm>> -> memref<16x128xi32, #tpu.memory_space<hbm>>
      %dma_wait3A_530 = arith.constant 0 : i32
      %dma_wait3A_531 = arith.constant 0 : i32
      %dma_wait3A_532 = tpu.memref_slice %run_scoped3A_12[%rem3A_517, %dma_wait3A_530, %dma_wait3A_531] : memref<2x16x128xi32, #tpu.memory_space<vmem>> -> memref<1x16x128xi32, #tpu.memory_space<vmem>>
      %dma_wait3A_533 = tpu.memref_squeeze %dma_wait3A_532 : memref<1x16x128xi32, #tpu.memory_space<vmem>> -> memref<16x128xi32, #tpu.memory_space<vmem>>
      tpu.wait_dma2 semaphore(%dma_wait3A_527 : memref<!tpu.dma_semaphore, #tpu.memory_space<semaphore_mem>>) src(%dma_wait3A_533 : memref<16x128xi32, #tpu.memory_space<vmem>>) dst(%dma_wait3A_529 : memref<16x128xi32, #tpu.memory_space<hbm>>)
      "tpu.trace_stop"() : () -> ()
      tpu.yield
    }) : () -> ()
    return
  }
}

#map = affine_map<(d0, d1) -> (0, 0)>
#map1 = affine_map<(d0, d1) -> (0, 0, 0)>
module attributes {stable_mosaic.version = 14 : i64} {
  func.func @k(%arg0: i32, %arg1: i32, %arg2: memref<10000x128xi32, #tpu.memory_space<hbm>>, %arg3: memref<10000x128xi32, #tpu.memory_space<hbm>>, %arg4: memref<1216x1x128xi32, #tpu.memory_space<hbm>>, %arg5: memref<1216x1x128xi32, #tpu.memory_space<hbm>>, %arg6: memref<155648x128xi32, #tpu.memory_space<hbm>>, %arg7: memref<155648x128xi32, #tpu.memory_space<hbm>>, %arg8: memref<!tpu.dma_semaphore, #tpu.memory_space<semaphore_mem>>) attributes {dimension_semantics = [#tpu.dimension_semantics<core_parallel>, #tpu.dimension_semantics<subcore_parallel>], iteration_bounds = array<i64: 2, 16>, scalar_prefetch = 0 : i64, scratch_operands = 1 : i64, tpu.core_type = #tpu.core_type<sc_vector_subcore>, window_params = [{transform_indices = #map}, {transform_indices = #map}, {transform_indices = #map1}, {transform_indices = #map1}, {transform_indices = #map}, {transform_indices = #map}]} {
    %mul3A = arith.constant 1 : i32
    %mul3A_0 = arith.muli %arg1, %mul3A : i32
    %add3A = arith.constant 0 : i32
    %add3A_1 = arith.addi %add3A, %mul3A_0 : i32
    %mul3A_2 = arith.constant 16 : i32
    %mul3A_3 = arith.muli %arg0, %mul3A_2 : i32
    %add3A_4 = arith.addi %add3A_1, %mul3A_3 : i32
    %mul3A_5 = arith.constant 38 : i32
    %mul3A_6 = arith.muli %add3A_4, %mul3A_5 : i32
    "tpu.region"() ({
      %run_scoped3A = memref.alloca() : memref<2x1x1x128xi32, #tpu.memory_space<vmem>>
      %run_scoped3A_7 = tpu.sem_alloc : memref<2x!tpu.dma_semaphore, #tpu.memory_space<semaphore_mem>>
      %run_scoped3A_8 = memref.alloca() : memref<2x1x1x128xi32, #tpu.memory_space<vmem>>
      %run_scoped3A_9 = tpu.sem_alloc : memref<2x!tpu.dma_semaphore, #tpu.memory_space<semaphore_mem>>
      %run_scoped3A_10 = memref.alloca() : memref<2x128x128xi32, #tpu.memory_space<vmem>>
      %run_scoped3A_11 = tpu.sem_alloc : memref<2x!tpu.dma_semaphore, #tpu.memory_space<semaphore_mem>>
      %run_scoped3A_12 = memref.alloca() : memref<2x128x128xi32, #tpu.memory_space<vmem>>
      %run_scoped3A_13 = tpu.sem_alloc : memref<2x!tpu.dma_semaphore, #tpu.memory_space<semaphore_mem>>
      %add3A_14 = arith.constant 0 : i32
      %add3A_15 = arith.addi %add3A_14, %mul3A_6 : i32
      %select_n3A = arith.constant true
      %select_n3A_16 = arith.constant 0 : i32
      %select_n3A_17 = arith.constant -1 : i32
      %select_n3A_18 = arith.select %select_n3A, %select_n3A_17, %select_n3A_16 : i32
      %eq3A = arith.constant -1 : i32
      %eq3A_19 = arith.cmpi eq, %select_n3A_18, %eq3A : i32
      %select_n3A_20 = arith.constant 37 : i32
      %select_n3A_21 = arith.select %eq3A_19, %select_n3A_20, %select_n3A_18 : i32
      %add3A_22 = arith.addi %select_n3A_21, %mul3A_6 : i32
      %select_n3A_23 = arith.constant true
      %select_n3A_24 = arith.constant 0 : i32
      %select_n3A_25 = arith.constant 1 : i32
      %select_n3A_26 = arith.select %select_n3A_23, %select_n3A_25, %select_n3A_24 : i32
      %eq3A_27 = arith.constant 38 : i32
      %eq3A_28 = arith.cmpi eq, %select_n3A_26, %eq3A_27 : i32
      %select_n3A_29 = arith.constant 0 : i32
      %select_n3A_30 = arith.select %eq3A_28, %select_n3A_29, %select_n3A_26 : i32
      %add3A_31 = arith.addi %select_n3A_30, %mul3A_6 : i32
      %add3A_32 = arith.constant 1 : i32
      %add3A_33 = arith.addi %select_n3A_30, %add3A_32 : i32
      %select_n3A_34 = arith.constant true
      %select_n3A_35 = arith.select %select_n3A_34, %add3A_33, %select_n3A_30 : i32
      %eq3A_36 = arith.constant 38 : i32
      %eq3A_37 = arith.cmpi eq, %select_n3A_35, %eq3A_36 : i32
      %select_n3A_38 = arith.constant 0 : i32
      %select_n3A_39 = arith.select %eq3A_37, %select_n3A_38, %select_n3A_35 : i32
      %add3A_40 = arith.addi %select_n3A_39, %mul3A_6 : i32
      "tpu.trace_start"() <{level = 10 : i32, message = "ep_initialize_0"}> : () -> ()
      %rem3A = arith.constant 0 : i32
      %rem3A_41 = arith.constant 2 : i32
      %rem3A_42 = arith.remui %rem3A, %rem3A_41 : i32
      %mul3A_43 = arith.constant 1 : i32
      %mul3A_44 = arith.muli %mul3A_43, %add3A_15 : i32
      %dma_start3A = arith.constant 0 : i32
      %dma_start3A_45 = arith.constant 0 : i32
      %dma_start3A_46 = arith.constant 0 : i32
      %dma_start3A_47 = tpu.memref_slice %run_scoped3A[%rem3A_42, %dma_start3A, %dma_start3A_45, %dma_start3A_46] : memref<2x1x1x128xi32, #tpu.memory_space<vmem>> -> memref<1x1x1x128xi32, #tpu.memory_space<vmem>>
      %dma_start3A_48 = tpu.memref_squeeze %dma_start3A_47 : memref<1x1x1x128xi32, #tpu.memory_space<vmem>> -> memref<1x1x128xi32, #tpu.memory_space<vmem>>
      %dma_start3A_49 = arith.constant 0 : i32
      %dma_start3A_50 = arith.constant 0 : i32
      %dma_start3A_51 = tpu.memref_slice %arg4[%mul3A_44, %dma_start3A_49, %dma_start3A_50] : memref<1216x1x128xi32, #tpu.memory_space<hbm>> -> memref<1x1x128xi32, #tpu.memory_space<hbm>>
      %dma_start3A_52 = tpu.memref_slice %run_scoped3A_7[%rem3A_42] : memref<2x!tpu.dma_semaphore, #tpu.memory_space<semaphore_mem>> -> memref<1x!tpu.dma_semaphore, #tpu.memory_space<semaphore_mem>>
      %dma_start3A_53 = tpu.memref_squeeze %dma_start3A_52 : memref<1x!tpu.dma_semaphore, #tpu.memory_space<semaphore_mem>> -> memref<!tpu.dma_semaphore, #tpu.memory_space<semaphore_mem>>
      %dma_start3A_54 = arith.constant 0 : i32
      %dma_start3A_55 = arith.constant 0 : i32
      %dma_start3A_56 = arith.constant 0 : i32
      %dma_start3A_57 = tpu.memref_slice %run_scoped3A[%rem3A_42, %dma_start3A_54, %dma_start3A_55, %dma_start3A_56] : memref<2x1x1x128xi32, #tpu.memory_space<vmem>> -> memref<1x1x1x128xi32, #tpu.memory_space<vmem>>
      %dma_start3A_58 = tpu.memref_squeeze %dma_start3A_57 : memref<1x1x1x128xi32, #tpu.memory_space<vmem>> -> memref<1x1x128xi32, #tpu.memory_space<vmem>>
      %dma_start3A_59 = arith.constant 0 : i32
      %dma_start3A_60 = arith.constant 0 : i32
      %dma_start3A_61 = tpu.memref_slice %arg4[%mul3A_44, %dma_start3A_59, %dma_start3A_60] : memref<1216x1x128xi32, #tpu.memory_space<hbm>> -> memref<1x1x128xi32, #tpu.memory_space<hbm>>
      tpu.enqueue_dma source(%dma_start3A_61 : memref<1x1x128xi32, #tpu.memory_space<hbm>>) target(%dma_start3A_58 : memref<1x1x128xi32, #tpu.memory_space<vmem>>) target_semaphore(%dma_start3A_53 : memref<!tpu.dma_semaphore, #tpu.memory_space<semaphore_mem>>)
      %add3A_62 = arith.constant 0 : i32
      %add3A_63 = arith.constant 1 : i32
      %add3A_64 = arith.addi %add3A_62, %add3A_63 : i32
      %select_n3A_65 = arith.constant true
      %select_n3A_66 = arith.constant 0 : i32
      %select_n3A_67 = arith.select %select_n3A_65, %add3A_64, %select_n3A_66 : i32
      %rem3A_68 = arith.constant 0 : i32
      %rem3A_69 = arith.constant 2 : i32
      %rem3A_70 = arith.remui %rem3A_68, %rem3A_69 : i32
      %mul3A_71 = arith.constant 1 : i32
      %mul3A_72 = arith.muli %mul3A_71, %add3A_15 : i32
      %dma_start3A_73 = arith.constant 0 : i32
      %dma_start3A_74 = arith.constant 0 : i32
      %dma_start3A_75 = arith.constant 0 : i32
      %dma_start3A_76 = tpu.memref_slice %run_scoped3A_8[%rem3A_70, %dma_start3A_73, %dma_start3A_74, %dma_start3A_75] : memref<2x1x1x128xi32, #tpu.memory_space<vmem>> -> memref<1x1x1x128xi32, #tpu.memory_space<vmem>>
      %dma_start3A_77 = tpu.memref_squeeze %dma_start3A_76 : memref<1x1x1x128xi32, #tpu.memory_space<vmem>> -> memref<1x1x128xi32, #tpu.memory_space<vmem>>
      %dma_start3A_78 = arith.constant 0 : i32
      %dma_start3A_79 = arith.constant 0 : i32
      %dma_start3A_80 = tpu.memref_slice %arg5[%mul3A_72, %dma_start3A_78, %dma_start3A_79] : memref<1216x1x128xi32, #tpu.memory_space<hbm>> -> memref<1x1x128xi32, #tpu.memory_space<hbm>>
      %dma_start3A_81 = tpu.memref_slice %run_scoped3A_9[%rem3A_70] : memref<2x!tpu.dma_semaphore, #tpu.memory_space<semaphore_mem>> -> memref<1x!tpu.dma_semaphore, #tpu.memory_space<semaphore_mem>>
      %dma_start3A_82 = tpu.memref_squeeze %dma_start3A_81 : memref<1x!tpu.dma_semaphore, #tpu.memory_space<semaphore_mem>> -> memref<!tpu.dma_semaphore, #tpu.memory_space<semaphore_mem>>
      %dma_start3A_83 = arith.constant 0 : i32
      %dma_start3A_84 = arith.constant 0 : i32
      %dma_start3A_85 = arith.constant 0 : i32
      %dma_start3A_86 = tpu.memref_slice %run_scoped3A_8[%rem3A_70, %dma_start3A_83, %dma_start3A_84, %dma_start3A_85] : memref<2x1x1x128xi32, #tpu.memory_space<vmem>> -> memref<1x1x1x128xi32, #tpu.memory_space<vmem>>
      %dma_start3A_87 = tpu.memref_squeeze %dma_start3A_86 : memref<1x1x1x128xi32, #tpu.memory_space<vmem>> -> memref<1x1x128xi32, #tpu.memory_space<vmem>>
      %dma_start3A_88 = arith.constant 0 : i32
      %dma_start3A_89 = arith.constant 0 : i32
      %dma_start3A_90 = tpu.memref_slice %arg5[%mul3A_72, %dma_start3A_88, %dma_start3A_89] : memref<1216x1x128xi32, #tpu.memory_space<hbm>> -> memref<1x1x128xi32, #tpu.memory_space<hbm>>
      tpu.enqueue_dma source(%dma_start3A_90 : memref<1x1x128xi32, #tpu.memory_space<hbm>>) target(%dma_start3A_87 : memref<1x1x128xi32, #tpu.memory_space<vmem>>) target_semaphore(%dma_start3A_82 : memref<!tpu.dma_semaphore, #tpu.memory_space<semaphore_mem>>)
      %add3A_91 = arith.constant 0 : i32
      %add3A_92 = arith.constant 1 : i32
      %add3A_93 = arith.addi %add3A_91, %add3A_92 : i32
      %select_n3A_94 = arith.constant true
      %select_n3A_95 = arith.constant 0 : i32
      %select_n3A_96 = arith.select %select_n3A_94, %add3A_93, %select_n3A_95 : i32
      "tpu.trace_stop"() : () -> ()
      %scan3A = arith.constant 0 : i32
      %scan3A_97 = arith.constant 0 : i32
      %scan3A_98 = arith.constant 0 : i32
      %scan3A_99 = arith.constant 0 : i32
      %scan3A_100 = arith.constant 0 : i32
      %scan3A_101 = arith.constant 0 : i32
      %scan3A_102 = arith.constant 0 : i32
      %scan3A_103 = arith.constant 0 : i32
      %scan3A_104 = arith.constant 38 : i32
      %scan3A_105 = arith.addi %scan3A_103, %scan3A_104 : i32
      %scan3A_106 = arith.constant 1 : i32
      %scan3A_107:9 = scf.for %scan3A_179 = %scan3A_103 to %scan3A_105 step %scan3A_106 iter_args(%scan3A_180 = %select_n3A_67, %scan3A_181 = %scan3A, %scan3A_182 = %select_n3A_96, %scan3A_183 = %scan3A_97, %scan3A_184 = %scan3A_98, %scan3A_185 = %scan3A_99, %scan3A_186 = %scan3A_100, %scan3A_187 = %scan3A_101, %scan3A_188 = %scan3A_102) -> (i32, i32, i32, i32, i32, i32, i32, i32, i32)  : i32 {
        %eq3A_189 = arith.constant 0 : i32
        %eq3A_190 = arith.cmpi eq, %scan3A_179, %eq3A_189 : i32
        %eq3A_191 = arith.constant 37 : i32
        %eq3A_192 = arith.cmpi eq, %scan3A_179, %eq3A_191 : i32
        %add3A_193 = arith.addi %scan3A_188, %mul3A_6 : i32
        %sub3A_194 = arith.constant 1 : i32
        %sub3A_195 = arith.subi %scan3A_188, %sub3A_194 : i32
        %select_n3A_196 = arith.constant true
        %select_n3A_197 = arith.select %select_n3A_196, %sub3A_195, %scan3A_188 : i32
        %eq3A_198 = arith.constant -1 : i32
        %eq3A_199 = arith.cmpi eq, %select_n3A_197, %eq3A_198 : i32
        %select_n3A_200 = arith.constant 37 : i32
        %select_n3A_201 = arith.select %eq3A_199, %select_n3A_200, %select_n3A_197 : i32
        %add3A_202 = arith.addi %select_n3A_201, %mul3A_6 : i32
        %add3A_203 = arith.constant 1 : i32
        %add3A_204 = arith.addi %scan3A_188, %add3A_203 : i32
        %select_n3A_205 = arith.constant true
        %select_n3A_206 = arith.select %select_n3A_205, %add3A_204, %scan3A_188 : i32
        %eq3A_207 = arith.constant 38 : i32
        %eq3A_208 = arith.cmpi eq, %select_n3A_206, %eq3A_207 : i32
        %select_n3A_209 = arith.constant 0 : i32
        %select_n3A_210 = arith.select %eq3A_208, %select_n3A_209, %select_n3A_206 : i32
        %add3A_211 = arith.addi %select_n3A_210, %mul3A_6 : i32
        %add3A_212 = arith.constant 1 : i32
        %add3A_213 = arith.addi %select_n3A_210, %add3A_212 : i32
        %select_n3A_214 = arith.constant true
        %select_n3A_215 = arith.select %select_n3A_214, %add3A_213, %select_n3A_210 : i32
        %eq3A_216 = arith.constant 38 : i32
        %eq3A_217 = arith.cmpi eq, %select_n3A_215, %eq3A_216 : i32
        %select_n3A_218 = arith.constant 0 : i32
        %select_n3A_219 = arith.select %eq3A_217, %select_n3A_218, %select_n3A_215 : i32
        %add3A_220 = arith.addi %select_n3A_219, %mul3A_6 : i32
        %ne3A = arith.cmpi ne, %add3A_193, %add3A_211 : i32
        %or3A = arith.constant false
        %or3A_221 = arith.ori %or3A, %ne3A : i1
        %or3A_222 = arith.constant false
        %or3A_223 = arith.ori %or3A_221, %or3A_222 : i1
        %or3A_224 = arith.constant false
        %or3A_225 = arith.ori %or3A_223, %or3A_224 : i1
        %ge3A = arith.constant 37 : i32
        %ge3A_226 = arith.cmpi sge, %scan3A_179, %ge3A : i32
        %not3A = arith.constant true
        %not3A_227 = arith.xori %ge3A_226, %not3A : i1
        %and3A = arith.andi %or3A_225, %not3A_227 : i1
        %convert_element_type3A = arith.extui %and3A : i1 to i32
        %cond3A = arith.constant 0 : i32
        %cond3A_228 = arith.cmpi ne, %convert_element_type3A, %cond3A : i32
        scf.if %cond3A_228 {
          "tpu.trace_start"() <{level = 10 : i32, message = "ep_copy_in"}> : () -> ()
          %rem3A_536 = arith.constant 2 : i32
          %rem3A_537 = arith.remui %scan3A_180, %rem3A_536 : i32
          %mul3A_538 = arith.constant 1 : i32
          %mul3A_539 = arith.muli %mul3A_538, %add3A_211 : i32
          %dma_start3A_540 = arith.constant 0 : i32
          %dma_start3A_541 = arith.constant 0 : i32
          %dma_start3A_542 = arith.constant 0 : i32
          %dma_start3A_543 = tpu.memref_slice %run_scoped3A[%rem3A_537, %dma_start3A_540, %dma_start3A_541, %dma_start3A_542] : memref<2x1x1x128xi32, #tpu.memory_space<vmem>> -> memref<1x1x1x128xi32, #tpu.memory_space<vmem>>
          %dma_start3A_544 = tpu.memref_squeeze %dma_start3A_543 : memref<1x1x1x128xi32, #tpu.memory_space<vmem>> -> memref<1x1x128xi32, #tpu.memory_space<vmem>>
          %dma_start3A_545 = arith.constant 0 : i32
          %dma_start3A_546 = arith.constant 0 : i32
          %dma_start3A_547 = tpu.memref_slice %arg4[%mul3A_539, %dma_start3A_545, %dma_start3A_546] : memref<1216x1x128xi32, #tpu.memory_space<hbm>> -> memref<1x1x128xi32, #tpu.memory_space<hbm>>
          %dma_start3A_548 = tpu.memref_slice %run_scoped3A_7[%rem3A_537] : memref<2x!tpu.dma_semaphore, #tpu.memory_space<semaphore_mem>> -> memref<1x!tpu.dma_semaphore, #tpu.memory_space<semaphore_mem>>
          %dma_start3A_549 = tpu.memref_squeeze %dma_start3A_548 : memref<1x!tpu.dma_semaphore, #tpu.memory_space<semaphore_mem>> -> memref<!tpu.dma_semaphore, #tpu.memory_space<semaphore_mem>>
          %dma_start3A_550 = arith.constant 0 : i32
          %dma_start3A_551 = arith.constant 0 : i32
          %dma_start3A_552 = arith.constant 0 : i32
          %dma_start3A_553 = tpu.memref_slice %run_scoped3A[%rem3A_537, %dma_start3A_550, %dma_start3A_551, %dma_start3A_552] : memref<2x1x1x128xi32, #tpu.memory_space<vmem>> -> memref<1x1x1x128xi32, #tpu.memory_space<vmem>>
          %dma_start3A_554 = tpu.memref_squeeze %dma_start3A_553 : memref<1x1x1x128xi32, #tpu.memory_space<vmem>> -> memref<1x1x128xi32, #tpu.memory_space<vmem>>
          %dma_start3A_555 = arith.constant 0 : i32
          %dma_start3A_556 = arith.constant 0 : i32
          %dma_start3A_557 = tpu.memref_slice %arg4[%mul3A_539, %dma_start3A_555, %dma_start3A_556] : memref<1216x1x128xi32, #tpu.memory_space<hbm>> -> memref<1x1x128xi32, #tpu.memory_space<hbm>>
          tpu.enqueue_dma source(%dma_start3A_557 : memref<1x1x128xi32, #tpu.memory_space<hbm>>) target(%dma_start3A_554 : memref<1x1x128xi32, #tpu.memory_space<vmem>>) target_semaphore(%dma_start3A_549 : memref<!tpu.dma_semaphore, #tpu.memory_space<semaphore_mem>>)
          "tpu.trace_stop"() : () -> ()
        } else {
        }
        %and3A_229 = arith.constant true
        %and3A_230 = arith.andi %and3A, %and3A_229 : i1
        %add3A_231 = arith.constant 1 : i32
        %add3A_232 = arith.addi %scan3A_180, %add3A_231 : i32
        %select_n3A_233 = arith.select %and3A_230, %add3A_232, %scan3A_180 : i32
        %ne3A_234 = arith.cmpi ne, %add3A_193, %add3A_211 : i32
        %or3A_235 = arith.constant false
        %or3A_236 = arith.ori %or3A_235, %ne3A_234 : i1
        %or3A_237 = arith.constant false
        %or3A_238 = arith.ori %or3A_236, %or3A_237 : i1
        %or3A_239 = arith.constant false
        %or3A_240 = arith.ori %or3A_238, %or3A_239 : i1
        %ge3A_241 = arith.constant 37 : i32
        %ge3A_242 = arith.cmpi sge, %scan3A_179, %ge3A_241 : i32
        %not3A_243 = arith.constant true
        %not3A_244 = arith.xori %ge3A_242, %not3A_243 : i1
        %and3A_245 = arith.andi %or3A_240, %not3A_244 : i1
        %convert_element_type3A_246 = arith.extui %and3A_245 : i1 to i32
        %cond3A_247 = arith.constant 0 : i32
        %cond3A_248 = arith.cmpi ne, %convert_element_type3A_246, %cond3A_247 : i32
        scf.if %cond3A_248 {
          "tpu.trace_start"() <{level = 10 : i32, message = "ep_copy_in"}> : () -> ()
          %rem3A_536 = arith.constant 2 : i32
          %rem3A_537 = arith.remui %scan3A_182, %rem3A_536 : i32
          %mul3A_538 = arith.constant 1 : i32
          %mul3A_539 = arith.muli %mul3A_538, %add3A_211 : i32
          %dma_start3A_540 = arith.constant 0 : i32
          %dma_start3A_541 = arith.constant 0 : i32
          %dma_start3A_542 = arith.constant 0 : i32
          %dma_start3A_543 = tpu.memref_slice %run_scoped3A_8[%rem3A_537, %dma_start3A_540, %dma_start3A_541, %dma_start3A_542] : memref<2x1x1x128xi32, #tpu.memory_space<vmem>> -> memref<1x1x1x128xi32, #tpu.memory_space<vmem>>
          %dma_start3A_544 = tpu.memref_squeeze %dma_start3A_543 : memref<1x1x1x128xi32, #tpu.memory_space<vmem>> -> memref<1x1x128xi32, #tpu.memory_space<vmem>>
          %dma_start3A_545 = arith.constant 0 : i32
          %dma_start3A_546 = arith.constant 0 : i32
          %dma_start3A_547 = tpu.memref_slice %arg5[%mul3A_539, %dma_start3A_545, %dma_start3A_546] : memref<1216x1x128xi32, #tpu.memory_space<hbm>> -> memref<1x1x128xi32, #tpu.memory_space<hbm>>
          %dma_start3A_548 = tpu.memref_slice %run_scoped3A_9[%rem3A_537] : memref<2x!tpu.dma_semaphore, #tpu.memory_space<semaphore_mem>> -> memref<1x!tpu.dma_semaphore, #tpu.memory_space<semaphore_mem>>
          %dma_start3A_549 = tpu.memref_squeeze %dma_start3A_548 : memref<1x!tpu.dma_semaphore, #tpu.memory_space<semaphore_mem>> -> memref<!tpu.dma_semaphore, #tpu.memory_space<semaphore_mem>>
          %dma_start3A_550 = arith.constant 0 : i32
          %dma_start3A_551 = arith.constant 0 : i32
          %dma_start3A_552 = arith.constant 0 : i32
          %dma_start3A_553 = tpu.memref_slice %run_scoped3A_8[%rem3A_537, %dma_start3A_550, %dma_start3A_551, %dma_start3A_552] : memref<2x1x1x128xi32, #tpu.memory_space<vmem>> -> memref<1x1x1x128xi32, #tpu.memory_space<vmem>>
          %dma_start3A_554 = tpu.memref_squeeze %dma_start3A_553 : memref<1x1x1x128xi32, #tpu.memory_space<vmem>> -> memref<1x1x128xi32, #tpu.memory_space<vmem>>
          %dma_start3A_555 = arith.constant 0 : i32
          %dma_start3A_556 = arith.constant 0 : i32
          %dma_start3A_557 = tpu.memref_slice %arg5[%mul3A_539, %dma_start3A_555, %dma_start3A_556] : memref<1216x1x128xi32, #tpu.memory_space<hbm>> -> memref<1x1x128xi32, #tpu.memory_space<hbm>>
          tpu.enqueue_dma source(%dma_start3A_557 : memref<1x1x128xi32, #tpu.memory_space<hbm>>) target(%dma_start3A_554 : memref<1x1x128xi32, #tpu.memory_space<vmem>>) target_semaphore(%dma_start3A_549 : memref<!tpu.dma_semaphore, #tpu.memory_space<semaphore_mem>>)
          "tpu.trace_stop"() : () -> ()
        } else {
        }
        %and3A_249 = arith.constant true
        %and3A_250 = arith.andi %and3A_245, %and3A_249 : i1
        %add3A_251 = arith.constant 1 : i32
        %add3A_252 = arith.addi %scan3A_182, %add3A_251 : i32
        %select_n3A_253 = arith.select %and3A_250, %add3A_252, %scan3A_182 : i32
        %ne3A_254 = arith.cmpi ne, %add3A_193, %add3A_211 : i32
        %or3A_255 = arith.constant false
        %or3A_256 = arith.ori %or3A_255, %ne3A_254 : i1
        %or3A_257 = arith.constant false
        %or3A_258 = arith.ori %or3A_256, %or3A_257 : i1
        %ge3A_259 = arith.constant 37 : i32
        %ge3A_260 = arith.cmpi sge, %scan3A_179, %ge3A_259 : i32
        %not3A_261 = arith.constant true
        %not3A_262 = arith.xori %ge3A_260, %not3A_261 : i1
        %and3A_263 = arith.andi %or3A_258, %not3A_262 : i1
        %ne3A_264 = arith.cmpi ne, %add3A_193, %add3A_211 : i32
        %or3A_265 = arith.constant false
        %or3A_266 = arith.ori %or3A_265, %ne3A_264 : i1
        %or3A_267 = arith.constant false
        %or3A_268 = arith.ori %or3A_266, %or3A_267 : i1
        %ge3A_269 = arith.constant 37 : i32
        %ge3A_270 = arith.cmpi sge, %scan3A_179, %ge3A_269 : i32
        %not3A_271 = arith.constant true
        %not3A_272 = arith.xori %ge3A_270, %not3A_271 : i1
        %and3A_273 = arith.andi %or3A_268, %not3A_272 : i1
        %ne3A_274 = arith.cmpi ne, %add3A_193, %add3A_202 : i32
        %or3A_275 = arith.constant false
        %or3A_276 = arith.ori %or3A_275, %ne3A_274 : i1
        %or3A_277 = arith.constant false
        %or3A_278 = arith.ori %or3A_276, %or3A_277 : i1
        %or3A_279 = arith.constant false
        %or3A_280 = arith.ori %or3A_278, %or3A_279 : i1
        %or3A_281 = arith.ori %or3A_280, %eq3A_190 : i1
        %convert_element_type3A_282 = arith.extui %or3A_281 : i1 to i32
        %cond3A_283 = arith.constant 0 : i32
        %cond3A_284 = arith.cmpi ne, %convert_element_type3A_282, %cond3A_283 : i32
        scf.if %cond3A_284 {
          "tpu.trace_start"() <{level = 10 : i32, message = "ep_wait_in"}> : () -> ()
          %mul3A_536 = arith.constant 1 : i32
          %mul3A_537 = arith.muli %mul3A_536, %add3A_193 : i32
          %rem3A_538 = arith.constant 2 : i32
          %rem3A_539 = arith.remui %scan3A_181, %rem3A_538 : i32
          %dma_wait3A_540 = arith.constant 0 : i32
          %dma_wait3A_541 = arith.constant 0 : i32
          %dma_wait3A_542 = arith.constant 0 : i32
          %dma_wait3A_543 = tpu.memref_slice %run_scoped3A[%rem3A_539, %dma_wait3A_540, %dma_wait3A_541, %dma_wait3A_542] : memref<2x1x1x128xi32, #tpu.memory_space<vmem>> -> memref<1x1x1x128xi32, #tpu.memory_space<vmem>>
          %dma_wait3A_544 = tpu.memref_squeeze %dma_wait3A_543 : memref<1x1x1x128xi32, #tpu.memory_space<vmem>> -> memref<1x1x128xi32, #tpu.memory_space<vmem>>
          %dma_wait3A_545 = arith.constant 0 : i32
          %dma_wait3A_546 = arith.constant 0 : i32
          %dma_wait3A_547 = tpu.memref_slice %arg4[%mul3A_537, %dma_wait3A_545, %dma_wait3A_546] : memref<1216x1x128xi32, #tpu.memory_space<hbm>> -> memref<1x1x128xi32, #tpu.memory_space<hbm>>
          %dma_wait3A_548 = tpu.memref_slice %run_scoped3A_7[%rem3A_539] : memref<2x!tpu.dma_semaphore, #tpu.memory_space<semaphore_mem>> -> memref<1x!tpu.dma_semaphore, #tpu.memory_space<semaphore_mem>>
          %dma_wait3A_549 = tpu.memref_squeeze %dma_wait3A_548 : memref<1x!tpu.dma_semaphore, #tpu.memory_space<semaphore_mem>> -> memref<!tpu.dma_semaphore, #tpu.memory_space<semaphore_mem>>
          %dma_wait3A_550 = arith.constant 0 : i32
          %dma_wait3A_551 = arith.constant 0 : i32
          %dma_wait3A_552 = arith.constant 0 : i32
          %dma_wait3A_553 = tpu.memref_slice %run_scoped3A[%rem3A_539, %dma_wait3A_550, %dma_wait3A_551, %dma_wait3A_552] : memref<2x1x1x128xi32, #tpu.memory_space<vmem>> -> memref<1x1x1x128xi32, #tpu.memory_space<vmem>>
          %dma_wait3A_554 = tpu.memref_squeeze %dma_wait3A_553 : memref<1x1x1x128xi32, #tpu.memory_space<vmem>> -> memref<1x1x128xi32, #tpu.memory_space<vmem>>
          %dma_wait3A_555 = arith.constant 0 : i32
          %dma_wait3A_556 = arith.constant 0 : i32
          %dma_wait3A_557 = tpu.memref_slice %arg4[%mul3A_537, %dma_wait3A_555, %dma_wait3A_556] : memref<1216x1x128xi32, #tpu.memory_space<hbm>> -> memref<1x1x128xi32, #tpu.memory_space<hbm>>
          tpu.wait_dma2 semaphore(%dma_wait3A_549 : memref<!tpu.dma_semaphore, #tpu.memory_space<semaphore_mem>>) src(%dma_wait3A_557 : memref<1x1x128xi32, #tpu.memory_space<hbm>>) dst(%dma_wait3A_554 : memref<1x1x128xi32, #tpu.memory_space<vmem>>)
          "tpu.trace_stop"() : () -> ()
        } else {
        }
        %ne3A_285 = arith.cmpi ne, %add3A_193, %add3A_202 : i32
        %or3A_286 = arith.constant false
        %or3A_287 = arith.ori %or3A_286, %ne3A_285 : i1
        %or3A_288 = arith.constant false
        %or3A_289 = arith.ori %or3A_287, %or3A_288 : i1
        %or3A_290 = arith.constant false
        %or3A_291 = arith.ori %or3A_289, %or3A_290 : i1
        %or3A_292 = arith.ori %or3A_291, %eq3A_190 : i1
        %convert_element_type3A_293 = arith.extui %or3A_292 : i1 to i32
        %cond3A_294 = arith.constant 0 : i32
        %cond3A_295 = arith.cmpi ne, %convert_element_type3A_293, %cond3A_294 : i32
        scf.if %cond3A_295 {
          "tpu.trace_start"() <{level = 10 : i32, message = "ep_wait_in"}> : () -> ()
          %mul3A_536 = arith.constant 1 : i32
          %mul3A_537 = arith.muli %mul3A_536, %add3A_193 : i32
          %rem3A_538 = arith.constant 2 : i32
          %rem3A_539 = arith.remui %scan3A_183, %rem3A_538 : i32
          %dma_wait3A_540 = arith.constant 0 : i32
          %dma_wait3A_541 = arith.constant 0 : i32
          %dma_wait3A_542 = arith.constant 0 : i32
          %dma_wait3A_543 = tpu.memref_slice %run_scoped3A_8[%rem3A_539, %dma_wait3A_540, %dma_wait3A_541, %dma_wait3A_542] : memref<2x1x1x128xi32, #tpu.memory_space<vmem>> -> memref<1x1x1x128xi32, #tpu.memory_space<vmem>>
          %dma_wait3A_544 = tpu.memref_squeeze %dma_wait3A_543 : memref<1x1x1x128xi32, #tpu.memory_space<vmem>> -> memref<1x1x128xi32, #tpu.memory_space<vmem>>
          %dma_wait3A_545 = arith.constant 0 : i32
          %dma_wait3A_546 = arith.constant 0 : i32
          %dma_wait3A_547 = tpu.memref_slice %arg5[%mul3A_537, %dma_wait3A_545, %dma_wait3A_546] : memref<1216x1x128xi32, #tpu.memory_space<hbm>> -> memref<1x1x128xi32, #tpu.memory_space<hbm>>
          %dma_wait3A_548 = tpu.memref_slice %run_scoped3A_9[%rem3A_539] : memref<2x!tpu.dma_semaphore, #tpu.memory_space<semaphore_mem>> -> memref<1x!tpu.dma_semaphore, #tpu.memory_space<semaphore_mem>>
          %dma_wait3A_549 = tpu.memref_squeeze %dma_wait3A_548 : memref<1x!tpu.dma_semaphore, #tpu.memory_space<semaphore_mem>> -> memref<!tpu.dma_semaphore, #tpu.memory_space<semaphore_mem>>
          %dma_wait3A_550 = arith.constant 0 : i32
          %dma_wait3A_551 = arith.constant 0 : i32
          %dma_wait3A_552 = arith.constant 0 : i32
          %dma_wait3A_553 = tpu.memref_slice %run_scoped3A_8[%rem3A_539, %dma_wait3A_550, %dma_wait3A_551, %dma_wait3A_552] : memref<2x1x1x128xi32, #tpu.memory_space<vmem>> -> memref<1x1x1x128xi32, #tpu.memory_space<vmem>>
          %dma_wait3A_554 = tpu.memref_squeeze %dma_wait3A_553 : memref<1x1x1x128xi32, #tpu.memory_space<vmem>> -> memref<1x1x128xi32, #tpu.memory_space<vmem>>
          %dma_wait3A_555 = arith.constant 0 : i32
          %dma_wait3A_556 = arith.constant 0 : i32
          %dma_wait3A_557 = tpu.memref_slice %arg5[%mul3A_537, %dma_wait3A_555, %dma_wait3A_556] : memref<1216x1x128xi32, #tpu.memory_space<hbm>> -> memref<1x1x128xi32, #tpu.memory_space<hbm>>
          tpu.wait_dma2 semaphore(%dma_wait3A_549 : memref<!tpu.dma_semaphore, #tpu.memory_space<semaphore_mem>>) src(%dma_wait3A_557 : memref<1x1x128xi32, #tpu.memory_space<hbm>>) dst(%dma_wait3A_554 : memref<1x1x128xi32, #tpu.memory_space<vmem>>)
          "tpu.trace_stop"() : () -> ()
        } else {
        }
        %ne3A_296 = arith.cmpi ne, %add3A_193, %add3A_202 : i32
        %or3A_297 = arith.constant false
        %or3A_298 = arith.ori %or3A_297, %ne3A_296 : i1
        %or3A_299 = arith.constant false
        %or3A_300 = arith.ori %or3A_298, %or3A_299 : i1
        %or3A_301 = arith.ori %or3A_300, %eq3A_190 : i1
        %convert_element_type3A_302 = arith.extui %or3A_301 : i1 to i32
        %cond3A_303 = arith.constant 0 : i32
        %cond3A_304 = arith.cmpi ne, %convert_element_type3A_302, %cond3A_303 : i32
        scf.if %cond3A_304 {
        } else {
        }
        %ne3A_305 = arith.cmpi ne, %add3A_193, %add3A_202 : i32
        %or3A_306 = arith.constant false
        %or3A_307 = arith.ori %or3A_306, %ne3A_305 : i1
        %or3A_308 = arith.constant false
        %or3A_309 = arith.ori %or3A_307, %or3A_308 : i1
        %or3A_310 = arith.ori %or3A_309, %eq3A_190 : i1
        %convert_element_type3A_311 = arith.extui %or3A_310 : i1 to i32
        %cond3A_312 = arith.constant 0 : i32
        %cond3A_313 = arith.cmpi ne, %convert_element_type3A_311, %cond3A_312 : i32
        scf.if %cond3A_313 {
        } else {
        }
        %rem3A_314 = arith.constant 2 : i32
        %rem3A_315 = arith.remui %scan3A_181, %rem3A_314 : i32
        %rem3A_316 = arith.constant 2 : i32
        %rem3A_317 = arith.remui %scan3A_183, %rem3A_316 : i32
        %rem3A_318 = arith.constant 2 : i32
        %rem3A_319 = arith.remui %scan3A_184, %rem3A_318 : i32
        %rem3A_320 = arith.constant 2 : i32
        %rem3A_321 = arith.remui %scan3A_186, %rem3A_320 : i32
        %dma_start3A_322 = arith.constant 0 : i32
        %dma_start3A_323 = arith.constant 0 : i32
        "tpu.trace_start"() <{level = 10 : i32, message = "ep_run_kernel"}> : () -> ()
        %dma_start3A_324 = arith.constant 0 : i32
        %dma_start3A_325 = arith.constant 0 : i32
        %dma_start3A_326 = tpu.memref_slice %run_scoped3A_10[%rem3A_319, %dma_start3A_324, %dma_start3A_325] : memref<2x128x128xi32, #tpu.memory_space<vmem>> -> memref<1x128x128xi32, #tpu.memory_space<vmem>>
        %dma_start3A_327 = tpu.memref_squeeze %dma_start3A_326 : memref<1x128x128xi32, #tpu.memory_space<vmem>> -> memref<128x128xi32, #tpu.memory_space<vmem>>
        %dma_start3A_328 = arith.constant 0 : i32
        %dma_start3A_329 = arith.constant 0 : i32
        %dma_start3A_330 = arith.constant 0 : i32
        %dma_start3A_331 = tpu.memref_slice %run_scoped3A[%rem3A_315, %dma_start3A_328, %dma_start3A_329, %dma_start3A_330] : memref<2x1x1x128xi32, #tpu.memory_space<vmem>> -> memref<1x1x1x128xi32, #tpu.memory_space<vmem>>
        %dma_start3A_332 = tpu.memref_squeeze %dma_start3A_331 : memref<1x1x1x128xi32, #tpu.memory_space<vmem>> -> memref<1x1x128xi32, #tpu.memory_space<vmem>>
        %dma_start3A_333 = arith.constant 0 : i32
        %dma_start3A_334 = tpu.memref_slice %dma_start3A_332[%dma_start3A_322, %dma_start3A_323, %dma_start3A_333] : memref<1x1x128xi32, #tpu.memory_space<vmem>> -> memref<1x1x128xi32, #tpu.memory_space<vmem>>
        %dma_start3A_335 = tpu.memref_squeeze %dma_start3A_334 : memref<1x1x128xi32, #tpu.memory_space<vmem>> -> memref<128xi32, #tpu.memory_space<vmem>>
        %dma_start3A_336 = arith.constant 0 : i32
        %dma_start3A_337 = arith.constant 0 : i32
        %dma_start3A_338 = tpu.memref_slice %arg2[%dma_start3A_336, %dma_start3A_337] : memref<10000x128xi32, #tpu.memory_space<hbm>> -> memref<10000x128xi32, #tpu.memory_space<hbm>>
        tpu.enqueue_indirect_dma source(%dma_start3A_338 : memref<10000x128xi32, #tpu.memory_space<hbm>>) target(%dma_start3A_327 : memref<128x128xi32, #tpu.memory_space<vmem>>) offsets(%dma_start3A_335 : memref<128xi32, #tpu.memory_space<vmem>>) semaphore(%arg8 : memref<!tpu.dma_semaphore, #tpu.memory_space<semaphore_mem>>)
        %dma_start3A_339 = arith.constant 0 : i32
        %dma_start3A_340 = arith.constant 0 : i32
        %dma_start3A_341 = arith.constant 0 : i32
        %dma_start3A_342 = arith.constant 0 : i32
        %dma_start3A_343 = tpu.memref_slice %run_scoped3A_12[%rem3A_321, %dma_start3A_341, %dma_start3A_342] : memref<2x128x128xi32, #tpu.memory_space<vmem>> -> memref<1x128x128xi32, #tpu.memory_space<vmem>>
        %dma_start3A_344 = tpu.memref_squeeze %dma_start3A_343 : memref<1x128x128xi32, #tpu.memory_space<vmem>> -> memref<128x128xi32, #tpu.memory_space<vmem>>
        %dma_start3A_345 = arith.constant 0 : i32
        %dma_start3A_346 = arith.constant 0 : i32
        %dma_start3A_347 = arith.constant 0 : i32
        %dma_start3A_348 = tpu.memref_slice %run_scoped3A_8[%rem3A_317, %dma_start3A_345, %dma_start3A_346, %dma_start3A_347] : memref<2x1x1x128xi32, #tpu.memory_space<vmem>> -> memref<1x1x1x128xi32, #tpu.memory_space<vmem>>
        %dma_start3A_349 = tpu.memref_squeeze %dma_start3A_348 : memref<1x1x1x128xi32, #tpu.memory_space<vmem>> -> memref<1x1x128xi32, #tpu.memory_space<vmem>>
        %dma_start3A_350 = arith.constant 0 : i32
        %dma_start3A_351 = tpu.memref_slice %dma_start3A_349[%dma_start3A_339, %dma_start3A_340, %dma_start3A_350] : memref<1x1x128xi32, #tpu.memory_space<vmem>> -> memref<1x1x128xi32, #tpu.memory_space<vmem>>
        %dma_start3A_352 = tpu.memref_squeeze %dma_start3A_351 : memref<1x1x128xi32, #tpu.memory_space<vmem>> -> memref<128xi32, #tpu.memory_space<vmem>>
        %dma_start3A_353 = arith.constant 0 : i32
        %dma_start3A_354 = arith.constant 0 : i32
        %dma_start3A_355 = tpu.memref_slice %arg3[%dma_start3A_353, %dma_start3A_354] : memref<10000x128xi32, #tpu.memory_space<hbm>> -> memref<10000x128xi32, #tpu.memory_space<hbm>>
        tpu.enqueue_indirect_dma source(%dma_start3A_355 : memref<10000x128xi32, #tpu.memory_space<hbm>>) target(%dma_start3A_344 : memref<128x128xi32, #tpu.memory_space<vmem>>) offsets(%dma_start3A_352 : memref<128xi32, #tpu.memory_space<vmem>>) semaphore(%arg8 : memref<!tpu.dma_semaphore, #tpu.memory_space<semaphore_mem>>)
        %dma_wait3A_356 = arith.constant 0 : i32
        %dma_wait3A_357 = arith.constant 0 : i32
        %dma_wait3A_358 = arith.constant 0 : i32
        %dma_wait3A_359 = arith.constant 0 : i32
        %dma_wait3A_360 = tpu.memref_slice %run_scoped3A_10[%rem3A_319, %dma_wait3A_358, %dma_wait3A_359] : memref<2x128x128xi32, #tpu.memory_space<vmem>> -> memref<1x128x128xi32, #tpu.memory_space<vmem>>
        %dma_wait3A_361 = tpu.memref_squeeze %dma_wait3A_360 : memref<1x128x128xi32, #tpu.memory_space<vmem>> -> memref<128x128xi32, #tpu.memory_space<vmem>>
        %dma_wait3A_362 = arith.constant 0 : i32
        %dma_wait3A_363 = arith.constant 0 : i32
        %dma_wait3A_364 = arith.constant 0 : i32
        %dma_wait3A_365 = tpu.memref_slice %run_scoped3A[%rem3A_315, %dma_wait3A_362, %dma_wait3A_363, %dma_wait3A_364] : memref<2x1x1x128xi32, #tpu.memory_space<vmem>> -> memref<1x1x1x128xi32, #tpu.memory_space<vmem>>
        %dma_wait3A_366 = tpu.memref_squeeze %dma_wait3A_365 : memref<1x1x1x128xi32, #tpu.memory_space<vmem>> -> memref<1x1x128xi32, #tpu.memory_space<vmem>>
        %dma_wait3A_367 = arith.constant 0 : i32
        %dma_wait3A_368 = tpu.memref_slice %dma_wait3A_366[%dma_wait3A_356, %dma_wait3A_357, %dma_wait3A_367] : memref<1x1x128xi32, #tpu.memory_space<vmem>> -> memref<1x1x128xi32, #tpu.memory_space<vmem>>
        %dma_wait3A_369 = tpu.memref_squeeze %dma_wait3A_368 : memref<1x1x128xi32, #tpu.memory_space<vmem>> -> memref<128xi32, #tpu.memory_space<vmem>>
        %dma_wait3A_370 = arith.constant 0 : i32
        %dma_wait3A_371 = arith.constant 0 : i32
        %dma_wait3A_372 = tpu.memref_slice %arg2[%dma_wait3A_370, %dma_wait3A_371] : memref<10000x128xi32, #tpu.memory_space<hbm>> -> memref<10000x128xi32, #tpu.memory_space<hbm>>
        tpu.wait_indirect_dma semaphore(%arg8 : memref<!tpu.dma_semaphore, #tpu.memory_space<semaphore_mem>>) src(%dma_wait3A_372 : memref<10000x128xi32, #tpu.memory_space<hbm>>) dst(%dma_wait3A_361 : memref<128x128xi32, #tpu.memory_space<vmem>>)
        %dma_wait3A_373 = arith.constant 0 : i32
        %dma_wait3A_374 = arith.constant 0 : i32
        %dma_wait3A_375 = arith.constant 0 : i32
        %dma_wait3A_376 = arith.constant 0 : i32
        %dma_wait3A_377 = tpu.memref_slice %run_scoped3A_12[%rem3A_321, %dma_wait3A_375, %dma_wait3A_376] : memref<2x128x128xi32, #tpu.memory_space<vmem>> -> memref<1x128x128xi32, #tpu.memory_space<vmem>>
        %dma_wait3A_378 = tpu.memref_squeeze %dma_wait3A_377 : memref<1x128x128xi32, #tpu.memory_space<vmem>> -> memref<128x128xi32, #tpu.memory_space<vmem>>
        %dma_wait3A_379 = arith.constant 0 : i32
        %dma_wait3A_380 = arith.constant 0 : i32
        %dma_wait3A_381 = arith.constant 0 : i32
        %dma_wait3A_382 = tpu.memref_slice %run_scoped3A_8[%rem3A_317, %dma_wait3A_379, %dma_wait3A_380, %dma_wait3A_381] : memref<2x1x1x128xi32, #tpu.memory_space<vmem>> -> memref<1x1x1x128xi32, #tpu.memory_space<vmem>>
        %dma_wait3A_383 = tpu.memref_squeeze %dma_wait3A_382 : memref<1x1x1x128xi32, #tpu.memory_space<vmem>> -> memref<1x1x128xi32, #tpu.memory_space<vmem>>
        %dma_wait3A_384 = arith.constant 0 : i32
        %dma_wait3A_385 = tpu.memref_slice %dma_wait3A_383[%dma_wait3A_373, %dma_wait3A_374, %dma_wait3A_384] : memref<1x1x128xi32, #tpu.memory_space<vmem>> -> memref<1x1x128xi32, #tpu.memory_space<vmem>>
        %dma_wait3A_386 = tpu.memref_squeeze %dma_wait3A_385 : memref<1x1x128xi32, #tpu.memory_space<vmem>> -> memref<128xi32, #tpu.memory_space<vmem>>
        %dma_wait3A_387 = arith.constant 0 : i32
        %dma_wait3A_388 = arith.constant 0 : i32
        %dma_wait3A_389 = tpu.memref_slice %arg3[%dma_wait3A_387, %dma_wait3A_388] : memref<10000x128xi32, #tpu.memory_space<hbm>> -> memref<10000x128xi32, #tpu.memory_space<hbm>>
        tpu.wait_indirect_dma semaphore(%arg8 : memref<!tpu.dma_semaphore, #tpu.memory_space<semaphore_mem>>) src(%dma_wait3A_389 : memref<10000x128xi32, #tpu.memory_space<hbm>>) dst(%dma_wait3A_378 : memref<128x128xi32, #tpu.memory_space<vmem>>)
        "tpu.trace_stop"() : () -> ()
        %ne3A_390 = arith.cmpi ne, %add3A_193, %add3A_211 : i32
        %or3A_391 = arith.constant false
        %or3A_392 = arith.ori %or3A_391, %ne3A_390 : i1
        %or3A_393 = arith.constant false
        %or3A_394 = arith.ori %or3A_392, %or3A_393 : i1
        %or3A_395 = arith.constant false
        %or3A_396 = arith.ori %or3A_394, %or3A_395 : i1
        %or3A_397 = arith.ori %or3A_396, %eq3A_192 : i1
        %convert_element_type3A_398 = arith.extui %or3A_397 : i1 to i32
        %cond3A_399 = arith.constant 0 : i32
        %cond3A_400 = arith.cmpi ne, %convert_element_type3A_398, %cond3A_399 : i32
        scf.if %cond3A_400 {
        } else {
        }
        %and3A_401 = arith.constant false
        %and3A_402 = arith.andi %or3A_397, %and3A_401 : i1
        %ne3A_403 = arith.cmpi ne, %add3A_193, %add3A_211 : i32
        %or3A_404 = arith.constant false
        %or3A_405 = arith.ori %or3A_404, %ne3A_403 : i1
        %or3A_406 = arith.constant false
        %or3A_407 = arith.ori %or3A_405, %or3A_406 : i1
        %or3A_408 = arith.constant false
        %or3A_409 = arith.ori %or3A_407, %or3A_408 : i1
        %or3A_410 = arith.ori %or3A_409, %eq3A_192 : i1
        %convert_element_type3A_411 = arith.extui %or3A_410 : i1 to i32
        %cond3A_412 = arith.constant 0 : i32
        %cond3A_413 = arith.cmpi ne, %convert_element_type3A_411, %cond3A_412 : i32
        scf.if %cond3A_413 {
        } else {
        }
        %and3A_414 = arith.constant false
        %and3A_415 = arith.andi %or3A_410, %and3A_414 : i1
        %ne3A_416 = arith.cmpi ne, %add3A_193, %add3A_211 : i32
        %or3A_417 = arith.constant false
        %or3A_418 = arith.ori %or3A_417, %ne3A_416 : i1
        %or3A_419 = arith.constant false
        %or3A_420 = arith.ori %or3A_418, %or3A_419 : i1
        %or3A_421 = arith.ori %or3A_420, %eq3A_192 : i1
        %convert_element_type3A_422 = arith.extui %or3A_421 : i1 to i32
        %cond3A_423 = arith.constant 0 : i32
        %cond3A_424 = arith.cmpi ne, %convert_element_type3A_422, %cond3A_423 : i32
        scf.if %cond3A_424 {
          "tpu.trace_start"() <{level = 10 : i32, message = "ep_copy_out"}> : () -> ()
          %rem3A_536 = arith.constant 2 : i32
          %rem3A_537 = arith.remui %scan3A_184, %rem3A_536 : i32
          %mul3A_538 = arith.constant 128 : i32
          %mul3A_539 = arith.muli %mul3A_538, %add3A_193 : i32
          %dma_start3A_540 = arith.constant 0 : i32
          %dma_start3A_541 = arith.constant 0 : i32
          %dma_start3A_542 = tpu.memref_slice %run_scoped3A_10[%rem3A_537, %dma_start3A_540, %dma_start3A_541] : memref<2x128x128xi32, #tpu.memory_space<vmem>> -> memref<1x128x128xi32, #tpu.memory_space<vmem>>
          %dma_start3A_543 = tpu.memref_squeeze %dma_start3A_542 : memref<1x128x128xi32, #tpu.memory_space<vmem>> -> memref<128x128xi32, #tpu.memory_space<vmem>>
          %dma_start3A_544 = arith.constant 0 : i32
          %dma_start3A_545 = tpu.memref_slice %arg6[%mul3A_539, %dma_start3A_544] : memref<155648x128xi32, #tpu.memory_space<hbm>> -> memref<128x128xi32, #tpu.memory_space<hbm>>
          %dma_start3A_546 = tpu.memref_slice %run_scoped3A_11[%rem3A_537] : memref<2x!tpu.dma_semaphore, #tpu.memory_space<semaphore_mem>> -> memref<1x!tpu.dma_semaphore, #tpu.memory_space<semaphore_mem>>
          %dma_start3A_547 = tpu.memref_squeeze %dma_start3A_546 : memref<1x!tpu.dma_semaphore, #tpu.memory_space<semaphore_mem>> -> memref<!tpu.dma_semaphore, #tpu.memory_space<semaphore_mem>>
          %dma_start3A_548 = arith.constant 0 : i32
          %dma_start3A_549 = tpu.memref_slice %arg6[%mul3A_539, %dma_start3A_548] : memref<155648x128xi32, #tpu.memory_space<hbm>> -> memref<128x128xi32, #tpu.memory_space<hbm>>
          %dma_start3A_550 = arith.constant 0 : i32
          %dma_start3A_551 = arith.constant 0 : i32
          %dma_start3A_552 = tpu.memref_slice %run_scoped3A_10[%rem3A_537, %dma_start3A_550, %dma_start3A_551] : memref<2x128x128xi32, #tpu.memory_space<vmem>> -> memref<1x128x128xi32, #tpu.memory_space<vmem>>
          %dma_start3A_553 = tpu.memref_squeeze %dma_start3A_552 : memref<1x128x128xi32, #tpu.memory_space<vmem>> -> memref<128x128xi32, #tpu.memory_space<vmem>>
          tpu.enqueue_dma source(%dma_start3A_553 : memref<128x128xi32, #tpu.memory_space<vmem>>) target(%dma_start3A_549 : memref<128x128xi32, #tpu.memory_space<hbm>>) target_semaphore(%dma_start3A_547 : memref<!tpu.dma_semaphore, #tpu.memory_space<semaphore_mem>>)
          "tpu.trace_stop"() : () -> ()
        } else {
        }
        %and3A_425 = arith.constant true
        %and3A_426 = arith.andi %or3A_421, %and3A_425 : i1
        %add3A_427 = arith.constant 1 : i32
        %add3A_428 = arith.addi %scan3A_184, %add3A_427 : i32
        %select_n3A_429 = arith.select %and3A_426, %add3A_428, %scan3A_184 : i32
        %ne3A_430 = arith.cmpi ne, %add3A_193, %add3A_211 : i32
        %or3A_431 = arith.constant false
        %or3A_432 = arith.ori %or3A_431, %ne3A_430 : i1
        %or3A_433 = arith.constant false
        %or3A_434 = arith.ori %or3A_432, %or3A_433 : i1
        %or3A_435 = arith.ori %or3A_434, %eq3A_192 : i1
        %convert_element_type3A_436 = arith.extui %or3A_435 : i1 to i32
        %cond3A_437 = arith.constant 0 : i32
        %cond3A_438 = arith.cmpi ne, %convert_element_type3A_436, %cond3A_437 : i32
        scf.if %cond3A_438 {
          "tpu.trace_start"() <{level = 10 : i32, message = "ep_copy_out"}> : () -> ()
          %rem3A_536 = arith.constant 2 : i32
          %rem3A_537 = arith.remui %scan3A_186, %rem3A_536 : i32
          %mul3A_538 = arith.constant 128 : i32
          %mul3A_539 = arith.muli %mul3A_538, %add3A_193 : i32
          %dma_start3A_540 = arith.constant 0 : i32
          %dma_start3A_541 = arith.constant 0 : i32
          %dma_start3A_542 = tpu.memref_slice %run_scoped3A_12[%rem3A_537, %dma_start3A_540, %dma_start3A_541] : memref<2x128x128xi32, #tpu.memory_space<vmem>> -> memref<1x128x128xi32, #tpu.memory_space<vmem>>
          %dma_start3A_543 = tpu.memref_squeeze %dma_start3A_542 : memref<1x128x128xi32, #tpu.memory_space<vmem>> -> memref<128x128xi32, #tpu.memory_space<vmem>>
          %dma_start3A_544 = arith.constant 0 : i32
          %dma_start3A_545 = tpu.memref_slice %arg7[%mul3A_539, %dma_start3A_544] : memref<155648x128xi32, #tpu.memory_space<hbm>> -> memref<128x128xi32, #tpu.memory_space<hbm>>
          %dma_start3A_546 = tpu.memref_slice %run_scoped3A_13[%rem3A_537] : memref<2x!tpu.dma_semaphore, #tpu.memory_space<semaphore_mem>> -> memref<1x!tpu.dma_semaphore, #tpu.memory_space<semaphore_mem>>
          %dma_start3A_547 = tpu.memref_squeeze %dma_start3A_546 : memref<1x!tpu.dma_semaphore, #tpu.memory_space<semaphore_mem>> -> memref<!tpu.dma_semaphore, #tpu.memory_space<semaphore_mem>>
          %dma_start3A_548 = arith.constant 0 : i32
          %dma_start3A_549 = tpu.memref_slice %arg7[%mul3A_539, %dma_start3A_548] : memref<155648x128xi32, #tpu.memory_space<hbm>> -> memref<128x128xi32, #tpu.memory_space<hbm>>
          %dma_start3A_550 = arith.constant 0 : i32
          %dma_start3A_551 = arith.constant 0 : i32
          %dma_start3A_552 = tpu.memref_slice %run_scoped3A_12[%rem3A_537, %dma_start3A_550, %dma_start3A_551] : memref<2x128x128xi32, #tpu.memory_space<vmem>> -> memref<1x128x128xi32, #tpu.memory_space<vmem>>
          %dma_start3A_553 = tpu.memref_squeeze %dma_start3A_552 : memref<1x128x128xi32, #tpu.memory_space<vmem>> -> memref<128x128xi32, #tpu.memory_space<vmem>>
          tpu.enqueue_dma source(%dma_start3A_553 : memref<128x128xi32, #tpu.memory_space<vmem>>) target(%dma_start3A_549 : memref<128x128xi32, #tpu.memory_space<hbm>>) target_semaphore(%dma_start3A_547 : memref<!tpu.dma_semaphore, #tpu.memory_space<semaphore_mem>>)
          "tpu.trace_stop"() : () -> ()
        } else {
        }
        %and3A_439 = arith.constant true
        %and3A_440 = arith.andi %or3A_435, %and3A_439 : i1
        %add3A_441 = arith.constant 1 : i32
        %add3A_442 = arith.addi %scan3A_186, %add3A_441 : i32
        %select_n3A_443 = arith.select %and3A_440, %add3A_442, %scan3A_186 : i32
        %ne3A_444 = arith.cmpi ne, %add3A_193, %add3A_202 : i32
        %or3A_445 = arith.constant false
        %or3A_446 = arith.ori %or3A_445, %ne3A_444 : i1
        %or3A_447 = arith.constant false
        %or3A_448 = arith.ori %or3A_446, %or3A_447 : i1
        %or3A_449 = arith.constant false
        %or3A_450 = arith.ori %or3A_448, %or3A_449 : i1
        %not3A_451 = arith.constant true
        %not3A_452 = arith.xori %eq3A_190, %not3A_451 : i1
        %and3A_453 = arith.andi %or3A_450, %not3A_452 : i1
        %convert_element_type3A_454 = arith.extui %and3A_453 : i1 to i32
        %cond3A_455 = arith.constant 0 : i32
        %cond3A_456 = arith.cmpi ne, %convert_element_type3A_454, %cond3A_455 : i32
        scf.if %cond3A_456 {
        } else {
        }
        %and3A_457 = arith.constant false
        %and3A_458 = arith.andi %and3A_453, %and3A_457 : i1
        %ne3A_459 = arith.cmpi ne, %add3A_193, %add3A_202 : i32
        %or3A_460 = arith.constant false
        %or3A_461 = arith.ori %or3A_460, %ne3A_459 : i1
        %or3A_462 = arith.constant false
        %or3A_463 = arith.ori %or3A_461, %or3A_462 : i1
        %or3A_464 = arith.constant false
        %or3A_465 = arith.ori %or3A_463, %or3A_464 : i1
        %not3A_466 = arith.constant true
        %not3A_467 = arith.xori %eq3A_190, %not3A_466 : i1
        %and3A_468 = arith.andi %or3A_465, %not3A_467 : i1
        %convert_element_type3A_469 = arith.extui %and3A_468 : i1 to i32
        %cond3A_470 = arith.constant 0 : i32
        %cond3A_471 = arith.cmpi ne, %convert_element_type3A_469, %cond3A_470 : i32
        scf.if %cond3A_471 {
        } else {
        }
        %and3A_472 = arith.constant false
        %and3A_473 = arith.andi %and3A_468, %and3A_472 : i1
        %ne3A_474 = arith.cmpi ne, %add3A_193, %add3A_202 : i32
        %or3A_475 = arith.constant false
        %or3A_476 = arith.ori %or3A_475, %ne3A_474 : i1
        %or3A_477 = arith.constant false
        %or3A_478 = arith.ori %or3A_476, %or3A_477 : i1
        %not3A_479 = arith.constant true
        %not3A_480 = arith.xori %eq3A_190, %not3A_479 : i1
        %and3A_481 = arith.andi %or3A_478, %not3A_480 : i1
        %convert_element_type3A_482 = arith.extui %and3A_481 : i1 to i32
        %cond3A_483 = arith.constant 0 : i32
        %cond3A_484 = arith.cmpi ne, %convert_element_type3A_482, %cond3A_483 : i32
        scf.if %cond3A_484 {
          "tpu.trace_start"() <{level = 10 : i32, message = "ep_wait_out"}> : () -> ()
          %rem3A_536 = arith.constant 2 : i32
          %rem3A_537 = arith.remui %scan3A_185, %rem3A_536 : i32
          %mul3A_538 = arith.constant 128 : i32
          %mul3A_539 = arith.muli %mul3A_538, %add3A_202 : i32
          %dma_wait3A_540 = arith.constant 0 : i32
          %dma_wait3A_541 = arith.constant 0 : i32
          %dma_wait3A_542 = tpu.memref_slice %run_scoped3A_10[%rem3A_537, %dma_wait3A_540, %dma_wait3A_541] : memref<2x128x128xi32, #tpu.memory_space<vmem>> -> memref<1x128x128xi32, #tpu.memory_space<vmem>>
          %dma_wait3A_543 = tpu.memref_squeeze %dma_wait3A_542 : memref<1x128x128xi32, #tpu.memory_space<vmem>> -> memref<128x128xi32, #tpu.memory_space<vmem>>
          %dma_wait3A_544 = arith.constant 0 : i32
          %dma_wait3A_545 = tpu.memref_slice %arg6[%mul3A_539, %dma_wait3A_544] : memref<155648x128xi32, #tpu.memory_space<hbm>> -> memref<128x128xi32, #tpu.memory_space<hbm>>
          %dma_wait3A_546 = tpu.memref_slice %run_scoped3A_11[%rem3A_537] : memref<2x!tpu.dma_semaphore, #tpu.memory_space<semaphore_mem>> -> memref<1x!tpu.dma_semaphore, #tpu.memory_space<semaphore_mem>>
          %dma_wait3A_547 = tpu.memref_squeeze %dma_wait3A_546 : memref<1x!tpu.dma_semaphore, #tpu.memory_space<semaphore_mem>> -> memref<!tpu.dma_semaphore, #tpu.memory_space<semaphore_mem>>
          %dma_wait3A_548 = arith.constant 0 : i32
          %dma_wait3A_549 = tpu.memref_slice %arg6[%mul3A_539, %dma_wait3A_548] : memref<155648x128xi32, #tpu.memory_space<hbm>> -> memref<128x128xi32, #tpu.memory_space<hbm>>
          %dma_wait3A_550 = arith.constant 0 : i32
          %dma_wait3A_551 = arith.constant 0 : i32
          %dma_wait3A_552 = tpu.memref_slice %run_scoped3A_10[%rem3A_537, %dma_wait3A_550, %dma_wait3A_551] : memref<2x128x128xi32, #tpu.memory_space<vmem>> -> memref<1x128x128xi32, #tpu.memory_space<vmem>>
          %dma_wait3A_553 = tpu.memref_squeeze %dma_wait3A_552 : memref<1x128x128xi32, #tpu.memory_space<vmem>> -> memref<128x128xi32, #tpu.memory_space<vmem>>
          tpu.wait_dma2 semaphore(%dma_wait3A_547 : memref<!tpu.dma_semaphore, #tpu.memory_space<semaphore_mem>>) src(%dma_wait3A_553 : memref<128x128xi32, #tpu.memory_space<vmem>>) dst(%dma_wait3A_549 : memref<128x128xi32, #tpu.memory_space<hbm>>)
          "tpu.trace_stop"() : () -> ()
        } else {
        }
        %and3A_485 = arith.constant true
        %and3A_486 = arith.andi %and3A_481, %and3A_485 : i1
        %add3A_487 = arith.constant 1 : i32
        %add3A_488 = arith.addi %scan3A_185, %add3A_487 : i32
        %select_n3A_489 = arith.select %and3A_486, %add3A_488, %scan3A_185 : i32
        %ne3A_490 = arith.cmpi ne, %add3A_193, %add3A_202 : i32
        %or3A_491 = arith.constant false
        %or3A_492 = arith.ori %or3A_491, %ne3A_490 : i1
        %or3A_493 = arith.constant false
        %or3A_494 = arith.ori %or3A_492, %or3A_493 : i1
        %not3A_495 = arith.constant true
        %not3A_496 = arith.xori %eq3A_190, %not3A_495 : i1
        %and3A_497 = arith.andi %or3A_494, %not3A_496 : i1
        %convert_element_type3A_498 = arith.extui %and3A_497 : i1 to i32
        %cond3A_499 = arith.constant 0 : i32
        %cond3A_500 = arith.cmpi ne, %convert_element_type3A_498, %cond3A_499 : i32
        scf.if %cond3A_500 {
          "tpu.trace_start"() <{level = 10 : i32, message = "ep_wait_out"}> : () -> ()
          %rem3A_536 = arith.constant 2 : i32
          %rem3A_537 = arith.remui %scan3A_187, %rem3A_536 : i32
          %mul3A_538 = arith.constant 128 : i32
          %mul3A_539 = arith.muli %mul3A_538, %add3A_202 : i32
          %dma_wait3A_540 = arith.constant 0 : i32
          %dma_wait3A_541 = arith.constant 0 : i32
          %dma_wait3A_542 = tpu.memref_slice %run_scoped3A_12[%rem3A_537, %dma_wait3A_540, %dma_wait3A_541] : memref<2x128x128xi32, #tpu.memory_space<vmem>> -> memref<1x128x128xi32, #tpu.memory_space<vmem>>
          %dma_wait3A_543 = tpu.memref_squeeze %dma_wait3A_542 : memref<1x128x128xi32, #tpu.memory_space<vmem>> -> memref<128x128xi32, #tpu.memory_space<vmem>>
          %dma_wait3A_544 = arith.constant 0 : i32
          %dma_wait3A_545 = tpu.memref_slice %arg7[%mul3A_539, %dma_wait3A_544] : memref<155648x128xi32, #tpu.memory_space<hbm>> -> memref<128x128xi32, #tpu.memory_space<hbm>>
          %dma_wait3A_546 = tpu.memref_slice %run_scoped3A_13[%rem3A_537] : memref<2x!tpu.dma_semaphore, #tpu.memory_space<semaphore_mem>> -> memref<1x!tpu.dma_semaphore, #tpu.memory_space<semaphore_mem>>
          %dma_wait3A_547 = tpu.memref_squeeze %dma_wait3A_546 : memref<1x!tpu.dma_semaphore, #tpu.memory_space<semaphore_mem>> -> memref<!tpu.dma_semaphore, #tpu.memory_space<semaphore_mem>>
          %dma_wait3A_548 = arith.constant 0 : i32
          %dma_wait3A_549 = tpu.memref_slice %arg7[%mul3A_539, %dma_wait3A_548] : memref<155648x128xi32, #tpu.memory_space<hbm>> -> memref<128x128xi32, #tpu.memory_space<hbm>>
          %dma_wait3A_550 = arith.constant 0 : i32
          %dma_wait3A_551 = arith.constant 0 : i32
          %dma_wait3A_552 = tpu.memref_slice %run_scoped3A_12[%rem3A_537, %dma_wait3A_550, %dma_wait3A_551] : memref<2x128x128xi32, #tpu.memory_space<vmem>> -> memref<1x128x128xi32, #tpu.memory_space<vmem>>
          %dma_wait3A_553 = tpu.memref_squeeze %dma_wait3A_552 : memref<1x128x128xi32, #tpu.memory_space<vmem>> -> memref<128x128xi32, #tpu.memory_space<vmem>>
          tpu.wait_dma2 semaphore(%dma_wait3A_547 : memref<!tpu.dma_semaphore, #tpu.memory_space<semaphore_mem>>) src(%dma_wait3A_553 : memref<128x128xi32, #tpu.memory_space<vmem>>) dst(%dma_wait3A_549 : memref<128x128xi32, #tpu.memory_space<hbm>>)
          "tpu.trace_stop"() : () -> ()
        } else {
        }
        %and3A_501 = arith.constant true
        %and3A_502 = arith.andi %and3A_497, %and3A_501 : i1
        %add3A_503 = arith.constant 1 : i32
        %add3A_504 = arith.addi %scan3A_187, %add3A_503 : i32
        %select_n3A_505 = arith.select %and3A_502, %add3A_504, %scan3A_187 : i32
        %ne3A_506 = arith.cmpi ne, %add3A_193, %add3A_211 : i32
        %or3A_507 = arith.constant false
        %or3A_508 = arith.ori %or3A_507, %ne3A_506 : i1
        %or3A_509 = arith.constant false
        %or3A_510 = arith.ori %or3A_508, %or3A_509 : i1
        %or3A_511 = arith.constant false
        %or3A_512 = arith.ori %or3A_510, %or3A_511 : i1
        %or3A_513 = arith.ori %or3A_512, %eq3A_192 : i1
        %add3A_514 = arith.constant 1 : i32
        %add3A_515 = arith.addi %scan3A_181, %add3A_514 : i32
        %select_n3A_516 = arith.select %or3A_513, %add3A_515, %scan3A_181 : i32
        %ne3A_517 = arith.cmpi ne, %add3A_193, %add3A_211 : i32
        %or3A_518 = arith.constant false
        %or3A_519 = arith.ori %or3A_518, %ne3A_517 : i1
        %or3A_520 = arith.constant false
        %or3A_521 = arith.ori %or3A_519, %or3A_520 : i1
        %or3A_522 = arith.constant false
        %or3A_523 = arith.ori %or3A_521, %or3A_522 : i1
        %or3A_524 = arith.ori %or3A_523, %eq3A_192 : i1
        %add3A_525 = arith.constant 1 : i32
        %add3A_526 = arith.addi %scan3A_183, %add3A_525 : i32
        %select_n3A_527 = arith.select %or3A_524, %add3A_526, %scan3A_183 : i32
        %add3A_528 = arith.constant 1 : i32
        %add3A_529 = arith.addi %scan3A_188, %add3A_528 : i32
        %select_n3A_530 = arith.constant true
        %select_n3A_531 = arith.select %select_n3A_530, %add3A_529, %scan3A_188 : i32
        %eq3A_532 = arith.constant 38 : i32
        %eq3A_533 = arith.cmpi eq, %select_n3A_531, %eq3A_532 : i32
        %select_n3A_534 = arith.constant 0 : i32
        %select_n3A_535 = arith.select %eq3A_533, %select_n3A_534, %select_n3A_531 : i32
        scf.yield %select_n3A_233, %select_n3A_516, %select_n3A_253, %select_n3A_527, %select_n3A_429, %select_n3A_489, %select_n3A_443, %select_n3A_505, %select_n3A_535 : i32, i32, i32, i32, i32, i32, i32, i32, i32
      }
      %scan3A_108 = arith.constant 38 : i32
      %sub3A = arith.constant 1 : i32
      %sub3A_109 = arith.subi %scan3A_107#8, %sub3A : i32
      %select_n3A_110 = arith.constant true
      %select_n3A_111 = arith.select %select_n3A_110, %sub3A_109, %scan3A_107#8 : i32
      %eq3A_112 = arith.constant -1 : i32
      %eq3A_113 = arith.cmpi eq, %select_n3A_111, %eq3A_112 : i32
      %select_n3A_114 = arith.constant 37 : i32
      %select_n3A_115 = arith.select %eq3A_113, %select_n3A_114, %select_n3A_111 : i32
      %add3A_116 = arith.addi %select_n3A_115, %mul3A_6 : i32
      %sub3A_117 = arith.constant 1 : i32
      %sub3A_118 = arith.subi %select_n3A_115, %sub3A_117 : i32
      %select_n3A_119 = arith.constant true
      %select_n3A_120 = arith.select %select_n3A_119, %sub3A_118, %select_n3A_115 : i32
      %eq3A_121 = arith.constant -1 : i32
      %eq3A_122 = arith.cmpi eq, %select_n3A_120, %eq3A_121 : i32
      %select_n3A_123 = arith.constant 37 : i32
      %select_n3A_124 = arith.select %eq3A_122, %select_n3A_123, %select_n3A_120 : i32
      %add3A_125 = arith.addi %select_n3A_124, %mul3A_6 : i32
      %add3A_126 = arith.constant 1 : i32
      %add3A_127 = arith.addi %select_n3A_115, %add3A_126 : i32
      %select_n3A_128 = arith.constant true
      %select_n3A_129 = arith.select %select_n3A_128, %add3A_127, %select_n3A_115 : i32
      %eq3A_130 = arith.constant 38 : i32
      %eq3A_131 = arith.cmpi eq, %select_n3A_129, %eq3A_130 : i32
      %select_n3A_132 = arith.constant 0 : i32
      %select_n3A_133 = arith.select %eq3A_131, %select_n3A_132, %select_n3A_129 : i32
      %add3A_134 = arith.addi %select_n3A_133, %mul3A_6 : i32
      %add3A_135 = arith.constant 1 : i32
      %add3A_136 = arith.addi %select_n3A_133, %add3A_135 : i32
      %select_n3A_137 = arith.constant true
      %select_n3A_138 = arith.select %select_n3A_137, %add3A_136, %select_n3A_133 : i32
      %eq3A_139 = arith.constant 38 : i32
      %eq3A_140 = arith.cmpi eq, %select_n3A_138, %eq3A_139 : i32
      %select_n3A_141 = arith.constant 0 : i32
      %select_n3A_142 = arith.select %eq3A_140, %select_n3A_141, %select_n3A_138 : i32
      %add3A_143 = arith.addi %select_n3A_142, %mul3A_6 : i32
      "tpu.trace_start"() <{level = 10 : i32, message = "ep_finalize"}> : () -> ()
      %rem3A_144 = arith.constant 2 : i32
      %rem3A_145 = arith.remui %scan3A_107#5, %rem3A_144 : i32
      %mul3A_146 = arith.constant 128 : i32
      %mul3A_147 = arith.muli %mul3A_146, %add3A_116 : i32
      %dma_wait3A = arith.constant 0 : i32
      %dma_wait3A_148 = arith.constant 0 : i32
      %dma_wait3A_149 = tpu.memref_slice %run_scoped3A_10[%rem3A_145, %dma_wait3A, %dma_wait3A_148] : memref<2x128x128xi32, #tpu.memory_space<vmem>> -> memref<1x128x128xi32, #tpu.memory_space<vmem>>
      %dma_wait3A_150 = tpu.memref_squeeze %dma_wait3A_149 : memref<1x128x128xi32, #tpu.memory_space<vmem>> -> memref<128x128xi32, #tpu.memory_space<vmem>>
      %dma_wait3A_151 = arith.constant 0 : i32
      %dma_wait3A_152 = tpu.memref_slice %arg6[%mul3A_147, %dma_wait3A_151] : memref<155648x128xi32, #tpu.memory_space<hbm>> -> memref<128x128xi32, #tpu.memory_space<hbm>>
      %dma_wait3A_153 = tpu.memref_slice %run_scoped3A_11[%rem3A_145] : memref<2x!tpu.dma_semaphore, #tpu.memory_space<semaphore_mem>> -> memref<1x!tpu.dma_semaphore, #tpu.memory_space<semaphore_mem>>
      %dma_wait3A_154 = tpu.memref_squeeze %dma_wait3A_153 : memref<1x!tpu.dma_semaphore, #tpu.memory_space<semaphore_mem>> -> memref<!tpu.dma_semaphore, #tpu.memory_space<semaphore_mem>>
      %dma_wait3A_155 = arith.constant 0 : i32
      %dma_wait3A_156 = tpu.memref_slice %arg6[%mul3A_147, %dma_wait3A_155] : memref<155648x128xi32, #tpu.memory_space<hbm>> -> memref<128x128xi32, #tpu.memory_space<hbm>>
      %dma_wait3A_157 = arith.constant 0 : i32
      %dma_wait3A_158 = arith.constant 0 : i32
      %dma_wait3A_159 = tpu.memref_slice %run_scoped3A_10[%rem3A_145, %dma_wait3A_157, %dma_wait3A_158] : memref<2x128x128xi32, #tpu.memory_space<vmem>> -> memref<1x128x128xi32, #tpu.memory_space<vmem>>
      %dma_wait3A_160 = tpu.memref_squeeze %dma_wait3A_159 : memref<1x128x128xi32, #tpu.memory_space<vmem>> -> memref<128x128xi32, #tpu.memory_space<vmem>>
      tpu.wait_dma2 semaphore(%dma_wait3A_154 : memref<!tpu.dma_semaphore, #tpu.memory_space<semaphore_mem>>) src(%dma_wait3A_160 : memref<128x128xi32, #tpu.memory_space<vmem>>) dst(%dma_wait3A_156 : memref<128x128xi32, #tpu.memory_space<hbm>>)
      %rem3A_161 = arith.constant 2 : i32
      %rem3A_162 = arith.remui %scan3A_107#7, %rem3A_161 : i32
      %mul3A_163 = arith.constant 128 : i32
      %mul3A_164 = arith.muli %mul3A_163, %add3A_116 : i32
      %dma_wait3A_165 = arith.constant 0 : i32
      %dma_wait3A_166 = arith.constant 0 : i32
      %dma_wait3A_167 = tpu.memref_slice %run_scoped3A_12[%rem3A_162, %dma_wait3A_165, %dma_wait3A_166] : memref<2x128x128xi32, #tpu.memory_space<vmem>> -> memref<1x128x128xi32, #tpu.memory_space<vmem>>
      %dma_wait3A_168 = tpu.memref_squeeze %dma_wait3A_167 : memref<1x128x128xi32, #tpu.memory_space<vmem>> -> memref<128x128xi32, #tpu.memory_space<vmem>>
      %dma_wait3A_169 = arith.constant 0 : i32
      %dma_wait3A_170 = tpu.memref_slice %arg7[%mul3A_164, %dma_wait3A_169] : memref<155648x128xi32, #tpu.memory_space<hbm>> -> memref<128x128xi32, #tpu.memory_space<hbm>>
      %dma_wait3A_171 = tpu.memref_slice %run_scoped3A_13[%rem3A_162] : memref<2x!tpu.dma_semaphore, #tpu.memory_space<semaphore_mem>> -> memref<1x!tpu.dma_semaphore, #tpu.memory_space<semaphore_mem>>
      %dma_wait3A_172 = tpu.memref_squeeze %dma_wait3A_171 : memref<1x!tpu.dma_semaphore, #tpu.memory_space<semaphore_mem>> -> memref<!tpu.dma_semaphore, #tpu.memory_space<semaphore_mem>>
      %dma_wait3A_173 = arith.constant 0 : i32
      %dma_wait3A_174 = tpu.memref_slice %arg7[%mul3A_164, %dma_wait3A_173] : memref<155648x128xi32, #tpu.memory_space<hbm>> -> memref<128x128xi32, #tpu.memory_space<hbm>>
      %dma_wait3A_175 = arith.constant 0 : i32
      %dma_wait3A_176 = arith.constant 0 : i32
      %dma_wait3A_177 = tpu.memref_slice %run_scoped3A_12[%rem3A_162, %dma_wait3A_175, %dma_wait3A_176] : memref<2x128x128xi32, #tpu.memory_space<vmem>> -> memref<1x128x128xi32, #tpu.memory_space<vmem>>
      %dma_wait3A_178 = tpu.memref_squeeze %dma_wait3A_177 : memref<1x128x128xi32, #tpu.memory_space<vmem>> -> memref<128x128xi32, #tpu.memory_space<vmem>>
      tpu.wait_dma2 semaphore(%dma_wait3A_172 : memref<!tpu.dma_semaphore, #tpu.memory_space<semaphore_mem>>) src(%dma_wait3A_178 : memref<128x128xi32, #tpu.memory_space<vmem>>) dst(%dma_wait3A_174 : memref<128x128xi32, #tpu.memory_space<hbm>>)
      "tpu.trace_stop"() : () -> ()
      tpu.yield
    }) : () -> ()
    return
  }
}

#map = affine_map<(d0, d1) -> (0, 0)>
#map1 = affine_map<(d0, d1) -> (0, 0, 0)>
module attributes {stable_mosaic.version = 14 : i64} {
  func.func @k(%arg0: i32, %arg1: i32, %arg2: memref<155648x128xf32, #tpu.memory_space<hbm>>, %arg3: memref<1216x1x128xi32, #tpu.memory_space<hbm>>, %arg4: memref<10000x128xf32, #tpu.memory_space<hbm>>, %arg5: memref<2x10000x128xf32, #tpu.memory_space<hbm>>, %arg6: memref<10000x128xf32, #tpu.memory_space<vmem_shared>>) attributes {dimension_semantics = [#tpu.dimension_semantics<core_parallel>, #tpu.dimension_semantics<subcore_parallel>], iteration_bounds = array<i64: 2, 16>, scalar_prefetch = 0 : i64, scratch_operands = 1 : i64, tpu.core_type = #tpu.core_type<sc_vector_subcore>, window_params = [{transform_indices = #map}, {transform_indices = #map1}, {transform_indices = #map}, {transform_indices = #map1}]} {
    %eq3A = arith.constant 0 : i32
    %eq3A_0 = arith.cmpi eq, %arg1, %eq3A : i32
    %convert_element_type3A = arith.extui %eq3A_0 : i1 to i32
    %cond3A = arith.constant 0 : i32
    %cond3A_1 = arith.cmpi ne, %convert_element_type3A, %cond3A : i32
    scf.if %cond3A_1 {
      "tpu.region"() ({
        %run_scoped3A = tpu.sem_alloc : memref<!tpu.dma_semaphore, #tpu.memory_space<semaphore_mem>>
        tpu.enqueue_dma source(%arg4 : memref<10000x128xf32, #tpu.memory_space<hbm>>) target(%arg6 : memref<10000x128xf32, #tpu.memory_space<vmem_shared>>) target_semaphore(%run_scoped3A : memref<!tpu.dma_semaphore, #tpu.memory_space<semaphore_mem>>)
        tpu.wait_dma2 semaphore(%run_scoped3A : memref<!tpu.dma_semaphore, #tpu.memory_space<semaphore_mem>>) src(%arg4 : memref<10000x128xf32, #tpu.memory_space<hbm>>) dst(%arg6 : memref<10000x128xf32, #tpu.memory_space<vmem_shared>>)
        tpu.yield
      }) : () -> ()
    } else {
    }
    %barrier3A = arith.constant 0 : index
    tpu.barrier barrier_id(%barrier3A)
    %mul3A = arith.constant 1 : i32
    %mul3A_2 = arith.muli %arg1, %mul3A : i32
    %add3A = arith.constant 0 : i32
    %add3A_3 = arith.addi %add3A, %mul3A_2 : i32
    %mul3A_4 = arith.constant 16 : i32
    %mul3A_5 = arith.muli %arg0, %mul3A_4 : i32
    %add3A_6 = arith.addi %add3A_3, %mul3A_5 : i32
    %mul3A_7 = arith.constant 38 : i32
    %mul3A_8 = arith.muli %add3A_6, %mul3A_7 : i32
    "tpu.region"() ({
      %run_scoped3A = memref.alloca() : memref<2x128x128xf32, #tpu.memory_space<vmem>>
      %run_scoped3A_15 = tpu.sem_alloc : memref<2x!tpu.dma_semaphore, #tpu.memory_space<semaphore_mem>>
      %run_scoped3A_16 = memref.alloca() : memref<2x1x1x128xi32, #tpu.memory_space<vmem>>
      %run_scoped3A_17 = tpu.sem_alloc : memref<2x!tpu.dma_semaphore, #tpu.memory_space<semaphore_mem>>
      %add3A_18 = arith.constant 0 : i32
      %add3A_19 = arith.addi %add3A_18, %mul3A_8 : i32
      %select_n3A = arith.constant true
      %select_n3A_20 = arith.constant 0 : i32
      %select_n3A_21 = arith.constant -1 : i32
      %select_n3A_22 = arith.select %select_n3A, %select_n3A_21, %select_n3A_20 : i32
      %eq3A_23 = arith.constant -1 : i32
      %eq3A_24 = arith.cmpi eq, %select_n3A_22, %eq3A_23 : i32
      %select_n3A_25 = arith.constant 37 : i32
      %select_n3A_26 = arith.select %eq3A_24, %select_n3A_25, %select_n3A_22 : i32
      %add3A_27 = arith.addi %select_n3A_26, %mul3A_8 : i32
      %select_n3A_28 = arith.constant true
      %select_n3A_29 = arith.constant 0 : i32
      %select_n3A_30 = arith.constant 1 : i32
      %select_n3A_31 = arith.select %select_n3A_28, %select_n3A_30, %select_n3A_29 : i32
      %eq3A_32 = arith.constant 38 : i32
      %eq3A_33 = arith.cmpi eq, %select_n3A_31, %eq3A_32 : i32
      %select_n3A_34 = arith.constant 0 : i32
      %select_n3A_35 = arith.select %eq3A_33, %select_n3A_34, %select_n3A_31 : i32
      %add3A_36 = arith.addi %select_n3A_35, %mul3A_8 : i32
      %add3A_37 = arith.constant 1 : i32
      %add3A_38 = arith.addi %select_n3A_35, %add3A_37 : i32
      %select_n3A_39 = arith.constant true
      %select_n3A_40 = arith.select %select_n3A_39, %add3A_38, %select_n3A_35 : i32
      %eq3A_41 = arith.constant 38 : i32
      %eq3A_42 = arith.cmpi eq, %select_n3A_40, %eq3A_41 : i32
      %select_n3A_43 = arith.constant 0 : i32
      %select_n3A_44 = arith.select %eq3A_42, %select_n3A_43, %select_n3A_40 : i32
      %add3A_45 = arith.addi %select_n3A_44, %mul3A_8 : i32
      "tpu.trace_start"() <{level = 10 : i32, message = "ep_initialize_0"}> : () -> ()
      %rem3A = arith.constant 0 : i32
      %rem3A_46 = arith.constant 2 : i32
      %rem3A_47 = arith.remui %rem3A, %rem3A_46 : i32
      %mul3A_48 = arith.constant 128 : i32
      %mul3A_49 = arith.muli %mul3A_48, %add3A_19 : i32
      %dma_start3A = arith.constant 0 : i32
      %dma_start3A_50 = arith.constant 0 : i32
      %dma_start3A_51 = tpu.memref_slice %run_scoped3A[%rem3A_47, %dma_start3A, %dma_start3A_50] : memref<2x128x128xf32, #tpu.memory_space<vmem>> -> memref<1x128x128xf32, #tpu.memory_space<vmem>>
      %dma_start3A_52 = tpu.memref_squeeze %dma_start3A_51 : memref<1x128x128xf32, #tpu.memory_space<vmem>> -> memref<128x128xf32, #tpu.memory_space<vmem>>
      %dma_start3A_53 = arith.constant 0 : i32
      %dma_start3A_54 = tpu.memref_slice %arg2[%mul3A_49, %dma_start3A_53] : memref<155648x128xf32, #tpu.memory_space<hbm>> -> memref<128x128xf32, #tpu.memory_space<hbm>>
      %dma_start3A_55 = tpu.memref_slice %run_scoped3A_15[%rem3A_47] : memref<2x!tpu.dma_semaphore, #tpu.memory_space<semaphore_mem>> -> memref<1x!tpu.dma_semaphore, #tpu.memory_space<semaphore_mem>>
      %dma_start3A_56 = tpu.memref_squeeze %dma_start3A_55 : memref<1x!tpu.dma_semaphore, #tpu.memory_space<semaphore_mem>> -> memref<!tpu.dma_semaphore, #tpu.memory_space<semaphore_mem>>
      %dma_start3A_57 = arith.constant 0 : i32
      %dma_start3A_58 = arith.constant 0 : i32
      %dma_start3A_59 = tpu.memref_slice %run_scoped3A[%rem3A_47, %dma_start3A_57, %dma_start3A_58] : memref<2x128x128xf32, #tpu.memory_space<vmem>> -> memref<1x128x128xf32, #tpu.memory_space<vmem>>
      %dma_start3A_60 = tpu.memref_squeeze %dma_start3A_59 : memref<1x128x128xf32, #tpu.memory_space<vmem>> -> memref<128x128xf32, #tpu.memory_space<vmem>>
      %dma_start3A_61 = arith.constant 0 : i32
      %dma_start3A_62 = tpu.memref_slice %arg2[%mul3A_49, %dma_start3A_61] : memref<155648x128xf32, #tpu.memory_space<hbm>> -> memref<128x128xf32, #tpu.memory_space<hbm>>
      tpu.enqueue_dma source(%dma_start3A_62 : memref<128x128xf32, #tpu.memory_space<hbm>>) target(%dma_start3A_60 : memref<128x128xf32, #tpu.memory_space<vmem>>) target_semaphore(%dma_start3A_56 : memref<!tpu.dma_semaphore, #tpu.memory_space<semaphore_mem>>)
      %add3A_63 = arith.constant 0 : i32
      %add3A_64 = arith.constant 1 : i32
      %add3A_65 = arith.addi %add3A_63, %add3A_64 : i32
      %select_n3A_66 = arith.constant true
      %select_n3A_67 = arith.constant 0 : i32
      %select_n3A_68 = arith.select %select_n3A_66, %add3A_65, %select_n3A_67 : i32
      %rem3A_69 = arith.constant 0 : i32
      %rem3A_70 = arith.constant 2 : i32
      %rem3A_71 = arith.remui %rem3A_69, %rem3A_70 : i32
      %mul3A_72 = arith.constant 1 : i32
      %mul3A_73 = arith.muli %mul3A_72, %add3A_19 : i32
      %dma_start3A_74 = arith.constant 0 : i32
      %dma_start3A_75 = arith.constant 0 : i32
      %dma_start3A_76 = arith.constant 0 : i32
      %dma_start3A_77 = tpu.memref_slice %run_scoped3A_16[%rem3A_71, %dma_start3A_74, %dma_start3A_75, %dma_start3A_76] : memref<2x1x1x128xi32, #tpu.memory_space<vmem>> -> memref<1x1x1x128xi32, #tpu.memory_space<vmem>>
      %dma_start3A_78 = tpu.memref_squeeze %dma_start3A_77 : memref<1x1x1x128xi32, #tpu.memory_space<vmem>> -> memref<1x1x128xi32, #tpu.memory_space<vmem>>
      %dma_start3A_79 = arith.constant 0 : i32
      %dma_start3A_80 = arith.constant 0 : i32
      %dma_start3A_81 = tpu.memref_slice %arg3[%mul3A_73, %dma_start3A_79, %dma_start3A_80] : memref<1216x1x128xi32, #tpu.memory_space<hbm>> -> memref<1x1x128xi32, #tpu.memory_space<hbm>>
      %dma_start3A_82 = tpu.memref_slice %run_scoped3A_17[%rem3A_71] : memref<2x!tpu.dma_semaphore, #tpu.memory_space<semaphore_mem>> -> memref<1x!tpu.dma_semaphore, #tpu.memory_space<semaphore_mem>>
      %dma_start3A_83 = tpu.memref_squeeze %dma_start3A_82 : memref<1x!tpu.dma_semaphore, #tpu.memory_space<semaphore_mem>> -> memref<!tpu.dma_semaphore, #tpu.memory_space<semaphore_mem>>
      %dma_start3A_84 = arith.constant 0 : i32
      %dma_start3A_85 = arith.constant 0 : i32
      %dma_start3A_86 = arith.constant 0 : i32
      %dma_start3A_87 = tpu.memref_slice %run_scoped3A_16[%rem3A_71, %dma_start3A_84, %dma_start3A_85, %dma_start3A_86] : memref<2x1x1x128xi32, #tpu.memory_space<vmem>> -> memref<1x1x1x128xi32, #tpu.memory_space<vmem>>
      %dma_start3A_88 = tpu.memref_squeeze %dma_start3A_87 : memref<1x1x1x128xi32, #tpu.memory_space<vmem>> -> memref<1x1x128xi32, #tpu.memory_space<vmem>>
      %dma_start3A_89 = arith.constant 0 : i32
      %dma_start3A_90 = arith.constant 0 : i32
      %dma_start3A_91 = tpu.memref_slice %arg3[%mul3A_73, %dma_start3A_89, %dma_start3A_90] : memref<1216x1x128xi32, #tpu.memory_space<hbm>> -> memref<1x1x128xi32, #tpu.memory_space<hbm>>
      tpu.enqueue_dma source(%dma_start3A_91 : memref<1x1x128xi32, #tpu.memory_space<hbm>>) target(%dma_start3A_88 : memref<1x1x128xi32, #tpu.memory_space<vmem>>) target_semaphore(%dma_start3A_83 : memref<!tpu.dma_semaphore, #tpu.memory_space<semaphore_mem>>)
      %add3A_92 = arith.constant 0 : i32
      %add3A_93 = arith.constant 1 : i32
      %add3A_94 = arith.addi %add3A_92, %add3A_93 : i32
      %select_n3A_95 = arith.constant true
      %select_n3A_96 = arith.constant 0 : i32
      %select_n3A_97 = arith.select %select_n3A_95, %add3A_94, %select_n3A_96 : i32
      "tpu.trace_stop"() : () -> ()
      %scan3A = arith.constant 0 : i32
      %scan3A_98 = arith.constant 0 : i32
      %scan3A_99 = arith.constant 0 : i32
      %scan3A_100 = arith.constant 0 : i32
      %scan3A_101 = arith.constant 38 : i32
      %scan3A_102 = arith.addi %scan3A_100, %scan3A_101 : i32
      %scan3A_103 = arith.constant 1 : i32
      %scan3A_104:5 = scf.for %scan3A_141 = %scan3A_100 to %scan3A_102 step %scan3A_103 iter_args(%scan3A_142 = %select_n3A_68, %scan3A_143 = %scan3A, %scan3A_144 = %select_n3A_97, %scan3A_145 = %scan3A_98, %scan3A_146 = %scan3A_99) -> (i32, i32, i32, i32, i32)  : i32 {
        %eq3A_147 = arith.constant 0 : i32
        %eq3A_148 = arith.cmpi eq, %scan3A_141, %eq3A_147 : i32
        %eq3A_149 = arith.constant 37 : i32
        %eq3A_150 = arith.cmpi eq, %scan3A_141, %eq3A_149 : i32
        %add3A_151 = arith.addi %scan3A_146, %mul3A_8 : i32
        %sub3A_152 = arith.constant 1 : i32
        %sub3A_153 = arith.subi %scan3A_146, %sub3A_152 : i32
        %select_n3A_154 = arith.constant true
        %select_n3A_155 = arith.select %select_n3A_154, %sub3A_153, %scan3A_146 : i32
        %eq3A_156 = arith.constant -1 : i32
        %eq3A_157 = arith.cmpi eq, %select_n3A_155, %eq3A_156 : i32
        %select_n3A_158 = arith.constant 37 : i32
        %select_n3A_159 = arith.select %eq3A_157, %select_n3A_158, %select_n3A_155 : i32
        %add3A_160 = arith.addi %select_n3A_159, %mul3A_8 : i32
        %add3A_161 = arith.constant 1 : i32
        %add3A_162 = arith.addi %scan3A_146, %add3A_161 : i32
        %select_n3A_163 = arith.constant true
        %select_n3A_164 = arith.select %select_n3A_163, %add3A_162, %scan3A_146 : i32
        %eq3A_165 = arith.constant 38 : i32
        %eq3A_166 = arith.cmpi eq, %select_n3A_164, %eq3A_165 : i32
        %select_n3A_167 = arith.constant 0 : i32
        %select_n3A_168 = arith.select %eq3A_166, %select_n3A_167, %select_n3A_164 : i32
        %add3A_169 = arith.addi %select_n3A_168, %mul3A_8 : i32
        %add3A_170 = arith.constant 1 : i32
        %add3A_171 = arith.addi %select_n3A_168, %add3A_170 : i32
        %select_n3A_172 = arith.constant true
        %select_n3A_173 = arith.select %select_n3A_172, %add3A_171, %select_n3A_168 : i32
        %eq3A_174 = arith.constant 38 : i32
        %eq3A_175 = arith.cmpi eq, %select_n3A_173, %eq3A_174 : i32
        %select_n3A_176 = arith.constant 0 : i32
        %select_n3A_177 = arith.select %eq3A_175, %select_n3A_176, %select_n3A_173 : i32
        %add3A_178 = arith.addi %select_n3A_177, %mul3A_8 : i32
        %ne3A = arith.cmpi ne, %add3A_151, %add3A_169 : i32
        %or3A = arith.constant false
        %or3A_179 = arith.ori %or3A, %ne3A : i1
        %or3A_180 = arith.constant false
        %or3A_181 = arith.ori %or3A_179, %or3A_180 : i1
        %ge3A = arith.constant 37 : i32
        %ge3A_182 = arith.cmpi sge, %scan3A_141, %ge3A : i32
        %not3A = arith.constant true
        %not3A_183 = arith.xori %ge3A_182, %not3A : i1
        %and3A = arith.andi %or3A_181, %not3A_183 : i1
        %convert_element_type3A_184 = arith.extui %and3A : i1 to i32
        %cond3A_185 = arith.constant 0 : i32
        %cond3A_186 = arith.cmpi ne, %convert_element_type3A_184, %cond3A_185 : i32
        scf.if %cond3A_186 {
          "tpu.trace_start"() <{level = 10 : i32, message = "ep_copy_in"}> : () -> ()
          %rem3A_318 = arith.constant 2 : i32
          %rem3A_319 = arith.remui %scan3A_142, %rem3A_318 : i32
          %mul3A_320 = arith.constant 128 : i32
          %mul3A_321 = arith.muli %mul3A_320, %add3A_169 : i32
          %dma_start3A_322 = arith.constant 0 : i32
          %dma_start3A_323 = arith.constant 0 : i32
          %dma_start3A_324 = tpu.memref_slice %run_scoped3A[%rem3A_319, %dma_start3A_322, %dma_start3A_323] : memref<2x128x128xf32, #tpu.memory_space<vmem>> -> memref<1x128x128xf32, #tpu.memory_space<vmem>>
          %dma_start3A_325 = tpu.memref_squeeze %dma_start3A_324 : memref<1x128x128xf32, #tpu.memory_space<vmem>> -> memref<128x128xf32, #tpu.memory_space<vmem>>
          %dma_start3A_326 = arith.constant 0 : i32
          %dma_start3A_327 = tpu.memref_slice %arg2[%mul3A_321, %dma_start3A_326] : memref<155648x128xf32, #tpu.memory_space<hbm>> -> memref<128x128xf32, #tpu.memory_space<hbm>>
          %dma_start3A_328 = tpu.memref_slice %run_scoped3A_15[%rem3A_319] : memref<2x!tpu.dma_semaphore, #tpu.memory_space<semaphore_mem>> -> memref<1x!tpu.dma_semaphore, #tpu.memory_space<semaphore_mem>>
          %dma_start3A_329 = tpu.memref_squeeze %dma_start3A_328 : memref<1x!tpu.dma_semaphore, #tpu.memory_space<semaphore_mem>> -> memref<!tpu.dma_semaphore, #tpu.memory_space<semaphore_mem>>
          %dma_start3A_330 = arith.constant 0 : i32
          %dma_start3A_331 = arith.constant 0 : i32
          %dma_start3A_332 = tpu.memref_slice %run_scoped3A[%rem3A_319, %dma_start3A_330, %dma_start3A_331] : memref<2x128x128xf32, #tpu.memory_space<vmem>> -> memref<1x128x128xf32, #tpu.memory_space<vmem>>
          %dma_start3A_333 = tpu.memref_squeeze %dma_start3A_332 : memref<1x128x128xf32, #tpu.memory_space<vmem>> -> memref<128x128xf32, #tpu.memory_space<vmem>>
          %dma_start3A_334 = arith.constant 0 : i32
          %dma_start3A_335 = tpu.memref_slice %arg2[%mul3A_321, %dma_start3A_334] : memref<155648x128xf32, #tpu.memory_space<hbm>> -> memref<128x128xf32, #tpu.memory_space<hbm>>
          tpu.enqueue_dma source(%dma_start3A_335 : memref<128x128xf32, #tpu.memory_space<hbm>>) target(%dma_start3A_333 : memref<128x128xf32, #tpu.memory_space<vmem>>) target_semaphore(%dma_start3A_329 : memref<!tpu.dma_semaphore, #tpu.memory_space<semaphore_mem>>)
          "tpu.trace_stop"() : () -> ()
        } else {
        }
        %and3A_187 = arith.constant true
        %and3A_188 = arith.andi %and3A, %and3A_187 : i1
        %add3A_189 = arith.constant 1 : i32
        %add3A_190 = arith.addi %scan3A_142, %add3A_189 : i32
        %select_n3A_191 = arith.select %and3A_188, %add3A_190, %scan3A_142 : i32
        %ne3A_192 = arith.cmpi ne, %add3A_151, %add3A_169 : i32
        %or3A_193 = arith.constant false
        %or3A_194 = arith.ori %or3A_193, %ne3A_192 : i1
        %or3A_195 = arith.constant false
        %or3A_196 = arith.ori %or3A_194, %or3A_195 : i1
        %or3A_197 = arith.constant false
        %or3A_198 = arith.ori %or3A_196, %or3A_197 : i1
        %ge3A_199 = arith.constant 37 : i32
        %ge3A_200 = arith.cmpi sge, %scan3A_141, %ge3A_199 : i32
        %not3A_201 = arith.constant true
        %not3A_202 = arith.xori %ge3A_200, %not3A_201 : i1
        %and3A_203 = arith.andi %or3A_198, %not3A_202 : i1
        %convert_element_type3A_204 = arith.extui %and3A_203 : i1 to i32
        %cond3A_205 = arith.constant 0 : i32
        %cond3A_206 = arith.cmpi ne, %convert_element_type3A_204, %cond3A_205 : i32
        scf.if %cond3A_206 {
          "tpu.trace_start"() <{level = 10 : i32, message = "ep_copy_in"}> : () -> ()
          %rem3A_318 = arith.constant 2 : i32
          %rem3A_319 = arith.remui %scan3A_144, %rem3A_318 : i32
          %mul3A_320 = arith.constant 1 : i32
          %mul3A_321 = arith.muli %mul3A_320, %add3A_169 : i32
          %dma_start3A_322 = arith.constant 0 : i32
          %dma_start3A_323 = arith.constant 0 : i32
          %dma_start3A_324 = arith.constant 0 : i32
          %dma_start3A_325 = tpu.memref_slice %run_scoped3A_16[%rem3A_319, %dma_start3A_322, %dma_start3A_323, %dma_start3A_324] : memref<2x1x1x128xi32, #tpu.memory_space<vmem>> -> memref<1x1x1x128xi32, #tpu.memory_space<vmem>>
          %dma_start3A_326 = tpu.memref_squeeze %dma_start3A_325 : memref<1x1x1x128xi32, #tpu.memory_space<vmem>> -> memref<1x1x128xi32, #tpu.memory_space<vmem>>
          %dma_start3A_327 = arith.constant 0 : i32
          %dma_start3A_328 = arith.constant 0 : i32
          %dma_start3A_329 = tpu.memref_slice %arg3[%mul3A_321, %dma_start3A_327, %dma_start3A_328] : memref<1216x1x128xi32, #tpu.memory_space<hbm>> -> memref<1x1x128xi32, #tpu.memory_space<hbm>>
          %dma_start3A_330 = tpu.memref_slice %run_scoped3A_17[%rem3A_319] : memref<2x!tpu.dma_semaphore, #tpu.memory_space<semaphore_mem>> -> memref<1x!tpu.dma_semaphore, #tpu.memory_space<semaphore_mem>>
          %dma_start3A_331 = tpu.memref_squeeze %dma_start3A_330 : memref<1x!tpu.dma_semaphore, #tpu.memory_space<semaphore_mem>> -> memref<!tpu.dma_semaphore, #tpu.memory_space<semaphore_mem>>
          %dma_start3A_332 = arith.constant 0 : i32
          %dma_start3A_333 = arith.constant 0 : i32
          %dma_start3A_334 = arith.constant 0 : i32
          %dma_start3A_335 = tpu.memref_slice %run_scoped3A_16[%rem3A_319, %dma_start3A_332, %dma_start3A_333, %dma_start3A_334] : memref<2x1x1x128xi32, #tpu.memory_space<vmem>> -> memref<1x1x1x128xi32, #tpu.memory_space<vmem>>
          %dma_start3A_336 = tpu.memref_squeeze %dma_start3A_335 : memref<1x1x1x128xi32, #tpu.memory_space<vmem>> -> memref<1x1x128xi32, #tpu.memory_space<vmem>>
          %dma_start3A_337 = arith.constant 0 : i32
          %dma_start3A_338 = arith.constant 0 : i32
          %dma_start3A_339 = tpu.memref_slice %arg3[%mul3A_321, %dma_start3A_337, %dma_start3A_338] : memref<1216x1x128xi32, #tpu.memory_space<hbm>> -> memref<1x1x128xi32, #tpu.memory_space<hbm>>
          tpu.enqueue_dma source(%dma_start3A_339 : memref<1x1x128xi32, #tpu.memory_space<hbm>>) target(%dma_start3A_336 : memref<1x1x128xi32, #tpu.memory_space<vmem>>) target_semaphore(%dma_start3A_331 : memref<!tpu.dma_semaphore, #tpu.memory_space<semaphore_mem>>)
          "tpu.trace_stop"() : () -> ()
        } else {
        }
        %and3A_207 = arith.constant true
        %and3A_208 = arith.andi %and3A_203, %and3A_207 : i1
        %add3A_209 = arith.constant 1 : i32
        %add3A_210 = arith.addi %scan3A_144, %add3A_209 : i32
        %select_n3A_211 = arith.select %and3A_208, %add3A_210, %scan3A_144 : i32
        %ne3A_212 = arith.cmpi ne, %add3A_151, %add3A_160 : i32
        %or3A_213 = arith.constant false
        %or3A_214 = arith.ori %or3A_213, %ne3A_212 : i1
        %or3A_215 = arith.constant false
        %or3A_216 = arith.ori %or3A_214, %or3A_215 : i1
        %or3A_217 = arith.ori %or3A_216, %eq3A_148 : i1
        %convert_element_type3A_218 = arith.extui %or3A_217 : i1 to i32
        %cond3A_219 = arith.constant 0 : i32
        %cond3A_220 = arith.cmpi ne, %convert_element_type3A_218, %cond3A_219 : i32
        scf.if %cond3A_220 {
          "tpu.trace_start"() <{level = 10 : i32, message = "ep_wait_in"}> : () -> ()
          %mul3A_318 = arith.constant 128 : i32
          %mul3A_319 = arith.muli %mul3A_318, %add3A_151 : i32
          %rem3A_320 = arith.constant 2 : i32
          %rem3A_321 = arith.remui %scan3A_143, %rem3A_320 : i32
          %dma_wait3A = arith.constant 0 : i32
          %dma_wait3A_322 = arith.constant 0 : i32
          %dma_wait3A_323 = tpu.memref_slice %run_scoped3A[%rem3A_321, %dma_wait3A, %dma_wait3A_322] : memref<2x128x128xf32, #tpu.memory_space<vmem>> -> memref<1x128x128xf32, #tpu.memory_space<vmem>>
          %dma_wait3A_324 = tpu.memref_squeeze %dma_wait3A_323 : memref<1x128x128xf32, #tpu.memory_space<vmem>> -> memref<128x128xf32, #tpu.memory_space<vmem>>
          %dma_wait3A_325 = arith.constant 0 : i32
          %dma_wait3A_326 = tpu.memref_slice %arg2[%mul3A_319, %dma_wait3A_325] : memref<155648x128xf32, #tpu.memory_space<hbm>> -> memref<128x128xf32, #tpu.memory_space<hbm>>
          %dma_wait3A_327 = tpu.memref_slice %run_scoped3A_15[%rem3A_321] : memref<2x!tpu.dma_semaphore, #tpu.memory_space<semaphore_mem>> -> memref<1x!tpu.dma_semaphore, #tpu.memory_space<semaphore_mem>>
          %dma_wait3A_328 = tpu.memref_squeeze %dma_wait3A_327 : memref<1x!tpu.dma_semaphore, #tpu.memory_space<semaphore_mem>> -> memref<!tpu.dma_semaphore, #tpu.memory_space<semaphore_mem>>
          %dma_wait3A_329 = arith.constant 0 : i32
          %dma_wait3A_330 = arith.constant 0 : i32
          %dma_wait3A_331 = tpu.memref_slice %run_scoped3A[%rem3A_321, %dma_wait3A_329, %dma_wait3A_330] : memref<2x128x128xf32, #tpu.memory_space<vmem>> -> memref<1x128x128xf32, #tpu.memory_space<vmem>>
          %dma_wait3A_332 = tpu.memref_squeeze %dma_wait3A_331 : memref<1x128x128xf32, #tpu.memory_space<vmem>> -> memref<128x128xf32, #tpu.memory_space<vmem>>
          %dma_wait3A_333 = arith.constant 0 : i32
          %dma_wait3A_334 = tpu.memref_slice %arg2[%mul3A_319, %dma_wait3A_333] : memref<155648x128xf32, #tpu.memory_space<hbm>> -> memref<128x128xf32, #tpu.memory_space<hbm>>
          tpu.wait_dma2 semaphore(%dma_wait3A_328 : memref<!tpu.dma_semaphore, #tpu.memory_space<semaphore_mem>>) src(%dma_wait3A_334 : memref<128x128xf32, #tpu.memory_space<hbm>>) dst(%dma_wait3A_332 : memref<128x128xf32, #tpu.memory_space<vmem>>)
          "tpu.trace_stop"() : () -> ()
        } else {
        }
        %ne3A_221 = arith.cmpi ne, %add3A_151, %add3A_160 : i32
        %or3A_222 = arith.constant false
        %or3A_223 = arith.ori %or3A_222, %ne3A_221 : i1
        %or3A_224 = arith.constant false
        %or3A_225 = arith.ori %or3A_223, %or3A_224 : i1
        %or3A_226 = arith.constant false
        %or3A_227 = arith.ori %or3A_225, %or3A_226 : i1
        %or3A_228 = arith.ori %or3A_227, %eq3A_148 : i1
        %convert_element_type3A_229 = arith.extui %or3A_228 : i1 to i32
        %cond3A_230 = arith.constant 0 : i32
        %cond3A_231 = arith.cmpi ne, %convert_element_type3A_229, %cond3A_230 : i32
        scf.if %cond3A_231 {
          "tpu.trace_start"() <{level = 10 : i32, message = "ep_wait_in"}> : () -> ()
          %mul3A_318 = arith.constant 1 : i32
          %mul3A_319 = arith.muli %mul3A_318, %add3A_151 : i32
          %rem3A_320 = arith.constant 2 : i32
          %rem3A_321 = arith.remui %scan3A_145, %rem3A_320 : i32
          %dma_wait3A = arith.constant 0 : i32
          %dma_wait3A_322 = arith.constant 0 : i32
          %dma_wait3A_323 = arith.constant 0 : i32
          %dma_wait3A_324 = tpu.memref_slice %run_scoped3A_16[%rem3A_321, %dma_wait3A, %dma_wait3A_322, %dma_wait3A_323] : memref<2x1x1x128xi32, #tpu.memory_space<vmem>> -> memref<1x1x1x128xi32, #tpu.memory_space<vmem>>
          %dma_wait3A_325 = tpu.memref_squeeze %dma_wait3A_324 : memref<1x1x1x128xi32, #tpu.memory_space<vmem>> -> memref<1x1x128xi32, #tpu.memory_space<vmem>>
          %dma_wait3A_326 = arith.constant 0 : i32
          %dma_wait3A_327 = arith.constant 0 : i32
          %dma_wait3A_328 = tpu.memref_slice %arg3[%mul3A_319, %dma_wait3A_326, %dma_wait3A_327] : memref<1216x1x128xi32, #tpu.memory_space<hbm>> -> memref<1x1x128xi32, #tpu.memory_space<hbm>>
          %dma_wait3A_329 = tpu.memref_slice %run_scoped3A_17[%rem3A_321] : memref<2x!tpu.dma_semaphore, #tpu.memory_space<semaphore_mem>> -> memref<1x!tpu.dma_semaphore, #tpu.memory_space<semaphore_mem>>
          %dma_wait3A_330 = tpu.memref_squeeze %dma_wait3A_329 : memref<1x!tpu.dma_semaphore, #tpu.memory_space<semaphore_mem>> -> memref<!tpu.dma_semaphore, #tpu.memory_space<semaphore_mem>>
          %dma_wait3A_331 = arith.constant 0 : i32
          %dma_wait3A_332 = arith.constant 0 : i32
          %dma_wait3A_333 = arith.constant 0 : i32
          %dma_wait3A_334 = tpu.memref_slice %run_scoped3A_16[%rem3A_321, %dma_wait3A_331, %dma_wait3A_332, %dma_wait3A_333] : memref<2x1x1x128xi32, #tpu.memory_space<vmem>> -> memref<1x1x1x128xi32, #tpu.memory_space<vmem>>
          %dma_wait3A_335 = tpu.memref_squeeze %dma_wait3A_334 : memref<1x1x1x128xi32, #tpu.memory_space<vmem>> -> memref<1x1x128xi32, #tpu.memory_space<vmem>>
          %dma_wait3A_336 = arith.constant 0 : i32
          %dma_wait3A_337 = arith.constant 0 : i32
          %dma_wait3A_338 = tpu.memref_slice %arg3[%mul3A_319, %dma_wait3A_336, %dma_wait3A_337] : memref<1216x1x128xi32, #tpu.memory_space<hbm>> -> memref<1x1x128xi32, #tpu.memory_space<hbm>>
          tpu.wait_dma2 semaphore(%dma_wait3A_330 : memref<!tpu.dma_semaphore, #tpu.memory_space<semaphore_mem>>) src(%dma_wait3A_338 : memref<1x1x128xi32, #tpu.memory_space<hbm>>) dst(%dma_wait3A_335 : memref<1x1x128xi32, #tpu.memory_space<vmem>>)
          "tpu.trace_stop"() : () -> ()
        } else {
        }
        %rem3A_232 = arith.constant 2 : i32
        %rem3A_233 = arith.remui %scan3A_143, %rem3A_232 : i32
        %rem3A_234 = arith.constant 2 : i32
        %rem3A_235 = arith.remui %scan3A_145, %rem3A_234 : i32
        %run_scoped3A_236 = arith.constant 0 : i32
        %run_scoped3A_237 = arith.constant 0 : i32
        "tpu.trace_start"() <{level = 10 : i32, message = "ep_run_kernel"}> : () -> ()
        "tpu.region"() ({
          %run_scoped3A_318 = tpu.sem_alloc : memref<!tpu.dma_semaphore, #tpu.memory_space<semaphore_mem>>
          %dma_start3A_319 = arith.constant 0 : i32
          %dma_start3A_320 = arith.constant 0 : i32
          %dma_start3A_321 = tpu.memref_slice %run_scoped3A[%rem3A_233, %dma_start3A_319, %dma_start3A_320] : memref<2x128x128xf32, #tpu.memory_space<vmem>> -> memref<1x128x128xf32, #tpu.memory_space<vmem>>
          %dma_start3A_322 = tpu.memref_squeeze %dma_start3A_321 : memref<1x128x128xf32, #tpu.memory_space<vmem>> -> memref<128x128xf32, #tpu.memory_space<vmem>>
          %dma_start3A_323 = arith.constant 0 : i32
          %dma_start3A_324 = arith.constant 0 : i32
          %dma_start3A_325 = arith.constant 0 : i32
          %dma_start3A_326 = tpu.memref_slice %run_scoped3A_16[%rem3A_235, %dma_start3A_323, %dma_start3A_324, %dma_start3A_325] : memref<2x1x1x128xi32, #tpu.memory_space<vmem>> -> memref<1x1x1x128xi32, #tpu.memory_space<vmem>>
          %dma_start3A_327 = tpu.memref_squeeze %dma_start3A_326 : memref<1x1x1x128xi32, #tpu.memory_space<vmem>> -> memref<1x1x128xi32, #tpu.memory_space<vmem>>
          %dma_start3A_328 = arith.constant 0 : i32
          %dma_start3A_329 = tpu.memref_slice %dma_start3A_327[%run_scoped3A_236, %run_scoped3A_237, %dma_start3A_328] : memref<1x1x128xi32, #tpu.memory_space<vmem>> -> memref<1x1x128xi32, #tpu.memory_space<vmem>>
          %dma_start3A_330 = tpu.memref_squeeze %dma_start3A_329 : memref<1x1x128xi32, #tpu.memory_space<vmem>> -> memref<128xi32, #tpu.memory_space<vmem>>
          %dma_start3A_331 = arith.constant 0 : i32
          %dma_start3A_332 = arith.constant 0 : i32
          %dma_start3A_333 = tpu.memref_slice %arg6[%dma_start3A_331, %dma_start3A_332] : memref<10000x128xf32, #tpu.memory_space<vmem_shared>> -> memref<10000x128xf32, #tpu.memory_space<vmem_shared>>
          tpu.enqueue_indirect_dma source(%dma_start3A_322 : memref<128x128xf32, #tpu.memory_space<vmem>>) target(%dma_start3A_333 : memref<10000x128xf32, #tpu.memory_space<vmem_shared>>) offsets(%dma_start3A_330 : memref<128xi32, #tpu.memory_space<vmem>>) semaphore(%run_scoped3A_318 : memref<!tpu.dma_semaphore, #tpu.memory_space<semaphore_mem>>) {add = true}
          %dma_wait3A = arith.constant 0 : i32
          %dma_wait3A_334 = arith.constant 0 : i32
          %dma_wait3A_335 = tpu.memref_slice %run_scoped3A[%rem3A_233, %dma_wait3A, %dma_wait3A_334] : memref<2x128x128xf32, #tpu.memory_space<vmem>> -> memref<1x128x128xf32, #tpu.memory_space<vmem>>
          %dma_wait3A_336 = tpu.memref_squeeze %dma_wait3A_335 : memref<1x128x128xf32, #tpu.memory_space<vmem>> -> memref<128x128xf32, #tpu.memory_space<vmem>>
          %dma_wait3A_337 = arith.constant 0 : i32
          %dma_wait3A_338 = arith.constant 0 : i32
          %dma_wait3A_339 = arith.constant 0 : i32
          %dma_wait3A_340 = tpu.memref_slice %run_scoped3A_16[%rem3A_235, %dma_wait3A_337, %dma_wait3A_338, %dma_wait3A_339] : memref<2x1x1x128xi32, #tpu.memory_space<vmem>> -> memref<1x1x1x128xi32, #tpu.memory_space<vmem>>
          %dma_wait3A_341 = tpu.memref_squeeze %dma_wait3A_340 : memref<1x1x1x128xi32, #tpu.memory_space<vmem>> -> memref<1x1x128xi32, #tpu.memory_space<vmem>>
          %dma_wait3A_342 = arith.constant 0 : i32
          %dma_wait3A_343 = tpu.memref_slice %dma_wait3A_341[%run_scoped3A_236, %run_scoped3A_237, %dma_wait3A_342] : memref<1x1x128xi32, #tpu.memory_space<vmem>> -> memref<1x1x128xi32, #tpu.memory_space<vmem>>
          %dma_wait3A_344 = tpu.memref_squeeze %dma_wait3A_343 : memref<1x1x128xi32, #tpu.memory_space<vmem>> -> memref<128xi32, #tpu.memory_space<vmem>>
          %dma_wait3A_345 = arith.constant 0 : i32
          %dma_wait3A_346 = arith.constant 0 : i32
          %dma_wait3A_347 = tpu.memref_slice %arg6[%dma_wait3A_345, %dma_wait3A_346] : memref<10000x128xf32, #tpu.memory_space<vmem_shared>> -> memref<10000x128xf32, #tpu.memory_space<vmem_shared>>
          tpu.wait_indirect_dma semaphore(%run_scoped3A_318 : memref<!tpu.dma_semaphore, #tpu.memory_space<semaphore_mem>>) src(%dma_wait3A_336 : memref<128x128xf32, #tpu.memory_space<vmem>>) dst(%dma_wait3A_347 : memref<10000x128xf32, #tpu.memory_space<vmem_shared>>)
          tpu.yield
        }) : () -> ()
        "tpu.trace_stop"() : () -> ()
        %ne3A_238 = arith.cmpi ne, %add3A_151, %add3A_169 : i32
        %or3A_239 = arith.constant false
        %or3A_240 = arith.ori %or3A_239, %ne3A_238 : i1
        %or3A_241 = arith.constant false
        %or3A_242 = arith.ori %or3A_240, %or3A_241 : i1
        %or3A_243 = arith.ori %or3A_242, %eq3A_150 : i1
        %convert_element_type3A_244 = arith.extui %or3A_243 : i1 to i32
        %cond3A_245 = arith.constant 0 : i32
        %cond3A_246 = arith.cmpi ne, %convert_element_type3A_244, %cond3A_245 : i32
        scf.if %cond3A_246 {
        } else {
        }
        %and3A_247 = arith.constant false
        %and3A_248 = arith.andi %or3A_243, %and3A_247 : i1
        %ne3A_249 = arith.cmpi ne, %add3A_151, %add3A_169 : i32
        %or3A_250 = arith.constant false
        %or3A_251 = arith.ori %or3A_250, %ne3A_249 : i1
        %or3A_252 = arith.constant false
        %or3A_253 = arith.ori %or3A_251, %or3A_252 : i1
        %or3A_254 = arith.constant false
        %or3A_255 = arith.ori %or3A_253, %or3A_254 : i1
        %or3A_256 = arith.ori %or3A_255, %eq3A_150 : i1
        %convert_element_type3A_257 = arith.extui %or3A_256 : i1 to i32
        %cond3A_258 = arith.constant 0 : i32
        %cond3A_259 = arith.cmpi ne, %convert_element_type3A_257, %cond3A_258 : i32
        scf.if %cond3A_259 {
        } else {
        }
        %and3A_260 = arith.constant false
        %and3A_261 = arith.andi %or3A_256, %and3A_260 : i1
        %ne3A_262 = arith.cmpi ne, %add3A_151, %add3A_160 : i32
        %or3A_263 = arith.constant false
        %or3A_264 = arith.ori %or3A_263, %ne3A_262 : i1
        %or3A_265 = arith.constant false
        %or3A_266 = arith.ori %or3A_264, %or3A_265 : i1
        %not3A_267 = arith.constant true
        %not3A_268 = arith.xori %eq3A_148, %not3A_267 : i1
        %and3A_269 = arith.andi %or3A_266, %not3A_268 : i1
        %convert_element_type3A_270 = arith.extui %and3A_269 : i1 to i32
        %cond3A_271 = arith.constant 0 : i32
        %cond3A_272 = arith.cmpi ne, %convert_element_type3A_270, %cond3A_271 : i32
        scf.if %cond3A_272 {
        } else {
        }
        %and3A_273 = arith.constant false
        %and3A_274 = arith.andi %and3A_269, %and3A_273 : i1
        %ne3A_275 = arith.cmpi ne, %add3A_151, %add3A_160 : i32
        %or3A_276 = arith.constant false
        %or3A_277 = arith.ori %or3A_276, %ne3A_275 : i1
        %or3A_278 = arith.constant false
        %or3A_279 = arith.ori %or3A_277, %or3A_278 : i1
        %or3A_280 = arith.constant false
        %or3A_281 = arith.ori %or3A_279, %or3A_280 : i1
        %not3A_282 = arith.constant true
        %not3A_283 = arith.xori %eq3A_148, %not3A_282 : i1
        %and3A_284 = arith.andi %or3A_281, %not3A_283 : i1
        %convert_element_type3A_285 = arith.extui %and3A_284 : i1 to i32
        %cond3A_286 = arith.constant 0 : i32
        %cond3A_287 = arith.cmpi ne, %convert_element_type3A_285, %cond3A_286 : i32
        scf.if %cond3A_287 {
        } else {
        }
        %and3A_288 = arith.constant false
        %and3A_289 = arith.andi %and3A_284, %and3A_288 : i1
        %ne3A_290 = arith.cmpi ne, %add3A_151, %add3A_169 : i32
        %or3A_291 = arith.constant false
        %or3A_292 = arith.ori %or3A_291, %ne3A_290 : i1
        %or3A_293 = arith.constant false
        %or3A_294 = arith.ori %or3A_292, %or3A_293 : i1
        %or3A_295 = arith.ori %or3A_294, %eq3A_150 : i1
        %add3A_296 = arith.constant 1 : i32
        %add3A_297 = arith.addi %scan3A_143, %add3A_296 : i32
        %select_n3A_298 = arith.select %or3A_295, %add3A_297, %scan3A_143 : i32
        %ne3A_299 = arith.cmpi ne, %add3A_151, %add3A_169 : i32
        %or3A_300 = arith.constant false
        %or3A_301 = arith.ori %or3A_300, %ne3A_299 : i1
        %or3A_302 = arith.constant false
        %or3A_303 = arith.ori %or3A_301, %or3A_302 : i1
        %or3A_304 = arith.constant false
        %or3A_305 = arith.ori %or3A_303, %or3A_304 : i1
        %or3A_306 = arith.ori %or3A_305, %eq3A_150 : i1
        %add3A_307 = arith.constant 1 : i32
        %add3A_308 = arith.addi %scan3A_145, %add3A_307 : i32
        %select_n3A_309 = arith.select %or3A_306, %add3A_308, %scan3A_145 : i32
        %add3A_310 = arith.constant 1 : i32
        %add3A_311 = arith.addi %scan3A_146, %add3A_310 : i32
        %select_n3A_312 = arith.constant true
        %select_n3A_313 = arith.select %select_n3A_312, %add3A_311, %scan3A_146 : i32
        %eq3A_314 = arith.constant 38 : i32
        %eq3A_315 = arith.cmpi eq, %select_n3A_313, %eq3A_314 : i32
        %select_n3A_316 = arith.constant 0 : i32
        %select_n3A_317 = arith.select %eq3A_315, %select_n3A_316, %select_n3A_313 : i32
        scf.yield %select_n3A_191, %select_n3A_298, %select_n3A_211, %select_n3A_309, %select_n3A_317 : i32, i32, i32, i32, i32
      }
      %scan3A_105 = arith.constant 38 : i32
      %sub3A = arith.constant 1 : i32
      %sub3A_106 = arith.subi %scan3A_104#4, %sub3A : i32
      %select_n3A_107 = arith.constant true
      %select_n3A_108 = arith.select %select_n3A_107, %sub3A_106, %scan3A_104#4 : i32
      %eq3A_109 = arith.constant -1 : i32
      %eq3A_110 = arith.cmpi eq, %select_n3A_108, %eq3A_109 : i32
      %select_n3A_111 = arith.constant 37 : i32
      %select_n3A_112 = arith.select %eq3A_110, %select_n3A_111, %select_n3A_108 : i32
      %add3A_113 = arith.addi %select_n3A_112, %mul3A_8 : i32
      %sub3A_114 = arith.constant 1 : i32
      %sub3A_115 = arith.subi %select_n3A_112, %sub3A_114 : i32
      %select_n3A_116 = arith.constant true
      %select_n3A_117 = arith.select %select_n3A_116, %sub3A_115, %select_n3A_112 : i32
      %eq3A_118 = arith.constant -1 : i32
      %eq3A_119 = arith.cmpi eq, %select_n3A_117, %eq3A_118 : i32
      %select_n3A_120 = arith.constant 37 : i32
      %select_n3A_121 = arith.select %eq3A_119, %select_n3A_120, %select_n3A_117 : i32
      %add3A_122 = arith.addi %select_n3A_121, %mul3A_8 : i32
      %add3A_123 = arith.constant 1 : i32
      %add3A_124 = arith.addi %select_n3A_112, %add3A_123 : i32
      %select_n3A_125 = arith.constant true
      %select_n3A_126 = arith.select %select_n3A_125, %add3A_124, %select_n3A_112 : i32
      %eq3A_127 = arith.constant 38 : i32
      %eq3A_128 = arith.cmpi eq, %select_n3A_126, %eq3A_127 : i32
      %select_n3A_129 = arith.constant 0 : i32
      %select_n3A_130 = arith.select %eq3A_128, %select_n3A_129, %select_n3A_126 : i32
      %add3A_131 = arith.addi %select_n3A_130, %mul3A_8 : i32
      %add3A_132 = arith.constant 1 : i32
      %add3A_133 = arith.addi %select_n3A_130, %add3A_132 : i32
      %select_n3A_134 = arith.constant true
      %select_n3A_135 = arith.select %select_n3A_134, %add3A_133, %select_n3A_130 : i32
      %eq3A_136 = arith.constant 38 : i32
      %eq3A_137 = arith.cmpi eq, %select_n3A_135, %eq3A_136 : i32
      %select_n3A_138 = arith.constant 0 : i32
      %select_n3A_139 = arith.select %eq3A_137, %select_n3A_138, %select_n3A_135 : i32
      %add3A_140 = arith.addi %select_n3A_139, %mul3A_8 : i32
      tpu.yield
    }) : () -> ()
    %barrier3A_9 = arith.constant 0 : index
    tpu.barrier barrier_id(%barrier3A_9)
    %eq3A_10 = arith.constant 0 : i32
    %eq3A_11 = arith.cmpi eq, %arg1, %eq3A_10 : i32
    %convert_element_type3A_12 = arith.extui %eq3A_11 : i1 to i32
    %cond3A_13 = arith.constant 0 : i32
    %cond3A_14 = arith.cmpi ne, %convert_element_type3A_12, %cond3A_13 : i32
    scf.if %cond3A_14 {
      "tpu.region"() ({
        %run_scoped3A = tpu.sem_alloc : memref<!tpu.dma_semaphore, #tpu.memory_space<semaphore_mem>>
        %dma_start3A = arith.constant 0 : i32
        %dma_start3A_15 = arith.constant 0 : i32
        %dma_start3A_16 = tpu.memref_slice %arg5[%arg0, %dma_start3A, %dma_start3A_15] : memref<2x10000x128xf32, #tpu.memory_space<hbm>> -> memref<1x10000x128xf32, #tpu.memory_space<hbm>>
        %dma_start3A_17 = tpu.memref_squeeze %dma_start3A_16 : memref<1x10000x128xf32, #tpu.memory_space<hbm>> -> memref<10000x128xf32, #tpu.memory_space<hbm>>
        tpu.enqueue_dma source(%arg6 : memref<10000x128xf32, #tpu.memory_space<vmem_shared>>) target(%dma_start3A_17 : memref<10000x128xf32, #tpu.memory_space<hbm>>) target_semaphore(%run_scoped3A : memref<!tpu.dma_semaphore, #tpu.memory_space<semaphore_mem>>)
        %dma_wait3A = arith.constant 0 : i32
        %dma_wait3A_18 = arith.constant 0 : i32
        %dma_wait3A_19 = tpu.memref_slice %arg5[%arg0, %dma_wait3A, %dma_wait3A_18] : memref<2x10000x128xf32, #tpu.memory_space<hbm>> -> memref<1x10000x128xf32, #tpu.memory_space<hbm>>
        %dma_wait3A_20 = tpu.memref_squeeze %dma_wait3A_19 : memref<1x10000x128xf32, #tpu.memory_space<hbm>> -> memref<10000x128xf32, #tpu.memory_space<hbm>>
        tpu.wait_dma2 semaphore(%run_scoped3A : memref<!tpu.dma_semaphore, #tpu.memory_space<semaphore_mem>>) src(%arg6 : memref<10000x128xf32, #tpu.memory_space<vmem_shared>>) dst(%dma_wait3A_20 : memref<10000x128xf32, #tpu.memory_space<hbm>>)
        tpu.yield
      }) : () -> ()
    } else {
    }
    return
  }
}

#map = affine_map<(d0, d1) -> (0, 0)>
#map1 = affine_map<(d0, d1) -> (0, 0, 0)>
module attributes {stable_mosaic.version = 14 : i64} {
  func.func @k(%arg0: i32, %arg1: i32, %arg2: memref<512x128xf32, #tpu.memory_space<hbm>>, %arg3: memref<32x1x16xi32, #tpu.memory_space<hbm>>, %arg4: memref<10000x128xf32, #tpu.memory_space<hbm>>, %arg5: memref<2x10000x128xf32, #tpu.memory_space<hbm>>, %arg6: memref<10000x128xf32, #tpu.memory_space<vmem_shared>>) attributes {dimension_semantics = [#tpu.dimension_semantics<core_parallel>, #tpu.dimension_semantics<subcore_parallel>], iteration_bounds = array<i64: 2, 16>, scalar_prefetch = 0 : i64, scratch_operands = 1 : i64, tpu.core_type = #tpu.core_type<sc_vector_subcore>, window_params = [{transform_indices = #map}, {transform_indices = #map1}, {transform_indices = #map}, {transform_indices = #map1}]} {
    %eq3A = arith.constant 0 : i32
    %eq3A_0 = arith.cmpi eq, %arg1, %eq3A : i32
    %convert_element_type3A = arith.extui %eq3A_0 : i1 to i32
    %cond3A = arith.constant 0 : i32
    %cond3A_1 = arith.cmpi ne, %convert_element_type3A, %cond3A : i32
    scf.if %cond3A_1 {
      "tpu.region"() ({
        %run_scoped3A = tpu.sem_alloc : memref<!tpu.dma_semaphore, #tpu.memory_space<semaphore_mem>>
        tpu.enqueue_dma source(%arg4 : memref<10000x128xf32, #tpu.memory_space<hbm>>) target(%arg6 : memref<10000x128xf32, #tpu.memory_space<vmem_shared>>) target_semaphore(%run_scoped3A : memref<!tpu.dma_semaphore, #tpu.memory_space<semaphore_mem>>)
        tpu.wait_dma2 semaphore(%run_scoped3A : memref<!tpu.dma_semaphore, #tpu.memory_space<semaphore_mem>>) src(%arg4 : memref<10000x128xf32, #tpu.memory_space<hbm>>) dst(%arg6 : memref<10000x128xf32, #tpu.memory_space<vmem_shared>>)
        tpu.yield
      }) : () -> ()
    } else {
    }
    %barrier3A = arith.constant 0 : index
    tpu.barrier barrier_id(%barrier3A)
    %mul3A = arith.constant 1 : i32
    %mul3A_2 = arith.muli %arg1, %mul3A : i32
    %add3A = arith.constant 0 : i32
    %add3A_3 = arith.addi %add3A, %mul3A_2 : i32
    %mul3A_4 = arith.constant 16 : i32
    %mul3A_5 = arith.muli %arg0, %mul3A_4 : i32
    %add3A_6 = arith.addi %add3A_3, %mul3A_5 : i32
    %mul3A_7 = arith.constant 1 : i32
    %mul3A_8 = arith.muli %add3A_6, %mul3A_7 : i32
    "tpu.region"() ({
      %run_scoped3A = memref.alloca() : memref<2x16x128xf32, #tpu.memory_space<vmem>>
      %run_scoped3A_15 = tpu.sem_alloc : memref<2x!tpu.dma_semaphore, #tpu.memory_space<semaphore_mem>>
      %run_scoped3A_16 = memref.alloca() : memref<2x1x1x16xi32, #tpu.memory_space<vmem>>
      %run_scoped3A_17 = tpu.sem_alloc : memref<2x!tpu.dma_semaphore, #tpu.memory_space<semaphore_mem>>
      %add3A_18 = arith.constant 0 : i32
      %add3A_19 = arith.addi %add3A_18, %mul3A_8 : i32
      %select_n3A = arith.constant true
      %select_n3A_20 = arith.constant 0 : i32
      %select_n3A_21 = arith.constant -1 : i32
      %select_n3A_22 = arith.select %select_n3A, %select_n3A_21, %select_n3A_20 : i32
      %eq3A_23 = arith.constant -1 : i32
      %eq3A_24 = arith.cmpi eq, %select_n3A_22, %eq3A_23 : i32
      %select_n3A_25 = arith.constant 0 : i32
      %select_n3A_26 = arith.select %eq3A_24, %select_n3A_25, %select_n3A_22 : i32
      %add3A_27 = arith.constant 0 : i32
      %add3A_28 = arith.addi %add3A_27, %mul3A_8 : i32
      %select_n3A_29 = arith.constant true
      %select_n3A_30 = arith.constant 0 : i32
      %select_n3A_31 = arith.constant 1 : i32
      %select_n3A_32 = arith.select %select_n3A_29, %select_n3A_31, %select_n3A_30 : i32
      %eq3A_33 = arith.constant 1 : i32
      %eq3A_34 = arith.cmpi eq, %select_n3A_32, %eq3A_33 : i32
      %select_n3A_35 = arith.constant 0 : i32
      %select_n3A_36 = arith.select %eq3A_34, %select_n3A_35, %select_n3A_32 : i32
      %add3A_37 = arith.constant 0 : i32
      %add3A_38 = arith.addi %add3A_37, %mul3A_8 : i32
      %select_n3A_39 = arith.constant true
      %select_n3A_40 = arith.constant 0 : i32
      %select_n3A_41 = arith.constant 1 : i32
      %select_n3A_42 = arith.select %select_n3A_39, %select_n3A_41, %select_n3A_40 : i32
      %eq3A_43 = arith.constant 1 : i32
      %eq3A_44 = arith.cmpi eq, %select_n3A_42, %eq3A_43 : i32
      %select_n3A_45 = arith.constant 0 : i32
      %select_n3A_46 = arith.select %eq3A_44, %select_n3A_45, %select_n3A_42 : i32
      %add3A_47 = arith.constant 0 : i32
      %add3A_48 = arith.addi %add3A_47, %mul3A_8 : i32
      "tpu.trace_start"() <{level = 10 : i32, message = "ep_initialize_0"}> : () -> ()
      %rem3A = arith.constant 0 : i32
      %rem3A_49 = arith.constant 2 : i32
      %rem3A_50 = arith.remui %rem3A, %rem3A_49 : i32
      %mul3A_51 = arith.constant 16 : i32
      %mul3A_52 = arith.muli %mul3A_51, %add3A_19 : i32
      %dma_start3A = arith.constant 0 : i32
      %dma_start3A_53 = arith.constant 0 : i32
      %dma_start3A_54 = tpu.memref_slice %run_scoped3A[%rem3A_50, %dma_start3A, %dma_start3A_53] : memref<2x16x128xf32, #tpu.memory_space<vmem>> -> memref<1x16x128xf32, #tpu.memory_space<vmem>>
      %dma_start3A_55 = tpu.memref_squeeze %dma_start3A_54 : memref<1x16x128xf32, #tpu.memory_space<vmem>> -> memref<16x128xf32, #tpu.memory_space<vmem>>
      %dma_start3A_56 = arith.constant 0 : i32
      %dma_start3A_57 = tpu.memref_slice %arg2[%mul3A_52, %dma_start3A_56] : memref<512x128xf32, #tpu.memory_space<hbm>> -> memref<16x128xf32, #tpu.memory_space<hbm>>
      %dma_start3A_58 = tpu.memref_slice %run_scoped3A_15[%rem3A_50] : memref<2x!tpu.dma_semaphore, #tpu.memory_space<semaphore_mem>> -> memref<1x!tpu.dma_semaphore, #tpu.memory_space<semaphore_mem>>
      %dma_start3A_59 = tpu.memref_squeeze %dma_start3A_58 : memref<1x!tpu.dma_semaphore, #tpu.memory_space<semaphore_mem>> -> memref<!tpu.dma_semaphore, #tpu.memory_space<semaphore_mem>>
      %dma_start3A_60 = arith.constant 0 : i32
      %dma_start3A_61 = arith.constant 0 : i32
      %dma_start3A_62 = tpu.memref_slice %run_scoped3A[%rem3A_50, %dma_start3A_60, %dma_start3A_61] : memref<2x16x128xf32, #tpu.memory_space<vmem>> -> memref<1x16x128xf32, #tpu.memory_space<vmem>>
      %dma_start3A_63 = tpu.memref_squeeze %dma_start3A_62 : memref<1x16x128xf32, #tpu.memory_space<vmem>> -> memref<16x128xf32, #tpu.memory_space<vmem>>
      %dma_start3A_64 = arith.constant 0 : i32
      %dma_start3A_65 = tpu.memref_slice %arg2[%mul3A_52, %dma_start3A_64] : memref<512x128xf32, #tpu.memory_space<hbm>> -> memref<16x128xf32, #tpu.memory_space<hbm>>
      tpu.enqueue_dma source(%dma_start3A_65 : memref<16x128xf32, #tpu.memory_space<hbm>>) target(%dma_start3A_63 : memref<16x128xf32, #tpu.memory_space<vmem>>) target_semaphore(%dma_start3A_59 : memref<!tpu.dma_semaphore, #tpu.memory_space<semaphore_mem>>)
      %add3A_66 = arith.constant 0 : i32
      %add3A_67 = arith.constant 1 : i32
      %add3A_68 = arith.addi %add3A_66, %add3A_67 : i32
      %select_n3A_69 = arith.constant true
      %select_n3A_70 = arith.constant 0 : i32
      %select_n3A_71 = arith.select %select_n3A_69, %add3A_68, %select_n3A_70 : i32
      %rem3A_72 = arith.constant 0 : i32
      %rem3A_73 = arith.constant 2 : i32
      %rem3A_74 = arith.remui %rem3A_72, %rem3A_73 : i32
      %mul3A_75 = arith.constant 1 : i32
      %mul3A_76 = arith.muli %mul3A_75, %add3A_19 : i32
      %dma_start3A_77 = arith.constant 0 : i32
      %dma_start3A_78 = arith.constant 0 : i32
      %dma_start3A_79 = arith.constant 0 : i32
      %dma_start3A_80 = tpu.memref_slice %run_scoped3A_16[%rem3A_74, %dma_start3A_77, %dma_start3A_78, %dma_start3A_79] : memref<2x1x1x16xi32, #tpu.memory_space<vmem>> -> memref<1x1x1x16xi32, #tpu.memory_space<vmem>>
      %dma_start3A_81 = tpu.memref_squeeze %dma_start3A_80 : memref<1x1x1x16xi32, #tpu.memory_space<vmem>> -> memref<1x1x16xi32, #tpu.memory_space<vmem>>
      %dma_start3A_82 = arith.constant 0 : i32
      %dma_start3A_83 = arith.constant 0 : i32
      %dma_start3A_84 = tpu.memref_slice %arg3[%mul3A_76, %dma_start3A_82, %dma_start3A_83] : memref<32x1x16xi32, #tpu.memory_space<hbm>> -> memref<1x1x16xi32, #tpu.memory_space<hbm>>
      %dma_start3A_85 = tpu.memref_slice %run_scoped3A_17[%rem3A_74] : memref<2x!tpu.dma_semaphore, #tpu.memory_space<semaphore_mem>> -> memref<1x!tpu.dma_semaphore, #tpu.memory_space<semaphore_mem>>
      %dma_start3A_86 = tpu.memref_squeeze %dma_start3A_85 : memref<1x!tpu.dma_semaphore, #tpu.memory_space<semaphore_mem>> -> memref<!tpu.dma_semaphore, #tpu.memory_space<semaphore_mem>>
      %dma_start3A_87 = arith.constant 0 : i32
      %dma_start3A_88 = arith.constant 0 : i32
      %dma_start3A_89 = arith.constant 0 : i32
      %dma_start3A_90 = tpu.memref_slice %run_scoped3A_16[%rem3A_74, %dma_start3A_87, %dma_start3A_88, %dma_start3A_89] : memref<2x1x1x16xi32, #tpu.memory_space<vmem>> -> memref<1x1x1x16xi32, #tpu.memory_space<vmem>>
      %dma_start3A_91 = tpu.memref_squeeze %dma_start3A_90 : memref<1x1x1x16xi32, #tpu.memory_space<vmem>> -> memref<1x1x16xi32, #tpu.memory_space<vmem>>
      %dma_start3A_92 = arith.constant 0 : i32
      %dma_start3A_93 = arith.constant 0 : i32
      %dma_start3A_94 = tpu.memref_slice %arg3[%mul3A_76, %dma_start3A_92, %dma_start3A_93] : memref<32x1x16xi32, #tpu.memory_space<hbm>> -> memref<1x1x16xi32, #tpu.memory_space<hbm>>
      tpu.enqueue_dma source(%dma_start3A_94 : memref<1x1x16xi32, #tpu.memory_space<hbm>>) target(%dma_start3A_91 : memref<1x1x16xi32, #tpu.memory_space<vmem>>) target_semaphore(%dma_start3A_86 : memref<!tpu.dma_semaphore, #tpu.memory_space<semaphore_mem>>)
      %add3A_95 = arith.constant 0 : i32
      %add3A_96 = arith.constant 1 : i32
      %add3A_97 = arith.addi %add3A_95, %add3A_96 : i32
      %select_n3A_98 = arith.constant true
      %select_n3A_99 = arith.constant 0 : i32
      %select_n3A_100 = arith.select %select_n3A_98, %add3A_97, %select_n3A_99 : i32
      "tpu.trace_stop"() : () -> ()
      %scan3A = arith.constant 0 : i32
      %scan3A_101 = arith.constant 0 : i32
      %scan3A_102 = arith.constant 0 : i32
      %scan3A_103 = arith.constant 0 : i32
      %eq3A_104 = arith.constant 0 : i32
      %eq3A_105 = arith.cmpi eq, %scan3A_103, %eq3A_104 : i32
      %eq3A_106 = arith.constant 0 : i32
      %eq3A_107 = arith.cmpi eq, %scan3A_103, %eq3A_106 : i32
      %add3A_108 = arith.constant 0 : i32
      %add3A_109 = arith.addi %add3A_108, %mul3A_8 : i32
      %select_n3A_110 = arith.constant true
      %select_n3A_111 = arith.constant 0 : i32
      %select_n3A_112 = arith.constant -1 : i32
      %select_n3A_113 = arith.select %select_n3A_110, %select_n3A_112, %select_n3A_111 : i32
      %eq3A_114 = arith.constant -1 : i32
      %eq3A_115 = arith.cmpi eq, %select_n3A_113, %eq3A_114 : i32
      %select_n3A_116 = arith.constant 0 : i32
      %select_n3A_117 = arith.select %eq3A_115, %select_n3A_116, %select_n3A_113 : i32
      %add3A_118 = arith.constant 0 : i32
      %add3A_119 = arith.addi %add3A_118, %mul3A_8 : i32
      %select_n3A_120 = arith.constant true
      %select_n3A_121 = arith.constant 0 : i32
      %select_n3A_122 = arith.constant 1 : i32
      %select_n3A_123 = arith.select %select_n3A_120, %select_n3A_122, %select_n3A_121 : i32
      %eq3A_124 = arith.constant 1 : i32
      %eq3A_125 = arith.cmpi eq, %select_n3A_123, %eq3A_124 : i32
      %select_n3A_126 = arith.constant 0 : i32
      %select_n3A_127 = arith.select %eq3A_125, %select_n3A_126, %select_n3A_123 : i32
      %add3A_128 = arith.constant 0 : i32
      %add3A_129 = arith.addi %add3A_128, %mul3A_8 : i32
      %select_n3A_130 = arith.constant true
      %select_n3A_131 = arith.constant 0 : i32
      %select_n3A_132 = arith.constant 1 : i32
      %select_n3A_133 = arith.select %select_n3A_130, %select_n3A_132, %select_n3A_131 : i32
      %eq3A_134 = arith.constant 1 : i32
      %eq3A_135 = arith.cmpi eq, %select_n3A_133, %eq3A_134 : i32
      %select_n3A_136 = arith.constant 0 : i32
      %select_n3A_137 = arith.select %eq3A_135, %select_n3A_136, %select_n3A_133 : i32
      %add3A_138 = arith.constant 0 : i32
      %add3A_139 = arith.addi %add3A_138, %mul3A_8 : i32
      %ne3A = arith.cmpi ne, %add3A_109, %add3A_129 : i32
      %or3A = arith.constant false
      %or3A_140 = arith.ori %or3A, %ne3A : i1
      %or3A_141 = arith.constant false
      %or3A_142 = arith.ori %or3A_140, %or3A_141 : i1
      %ge3A = arith.constant 0 : i32
      %ge3A_143 = arith.cmpi sge, %scan3A_103, %ge3A : i32
      %not3A = arith.constant true
      %not3A_144 = arith.xori %ge3A_143, %not3A : i1
      %and3A = arith.andi %or3A_142, %not3A_144 : i1
      %convert_element_type3A_145 = arith.extui %and3A : i1 to i32
      %cond3A_146 = arith.constant 0 : i32
      %cond3A_147 = arith.cmpi ne, %convert_element_type3A_145, %cond3A_146 : i32
      scf.if %cond3A_147 {
        "tpu.trace_start"() <{level = 10 : i32, message = "ep_copy_in"}> : () -> ()
        %rem3A_320 = arith.constant 2 : i32
        %rem3A_321 = arith.remui %select_n3A_71, %rem3A_320 : i32
        %mul3A_322 = arith.constant 16 : i32
        %mul3A_323 = arith.muli %mul3A_322, %add3A_129 : i32
        %dma_start3A_324 = arith.constant 0 : i32
        %dma_start3A_325 = arith.constant 0 : i32
        %dma_start3A_326 = tpu.memref_slice %run_scoped3A[%rem3A_321, %dma_start3A_324, %dma_start3A_325] : memref<2x16x128xf32, #tpu.memory_space<vmem>> -> memref<1x16x128xf32, #tpu.memory_space<vmem>>
        %dma_start3A_327 = tpu.memref_squeeze %dma_start3A_326 : memref<1x16x128xf32, #tpu.memory_space<vmem>> -> memref<16x128xf32, #tpu.memory_space<vmem>>
        %dma_start3A_328 = arith.constant 0 : i32
        %dma_start3A_329 = tpu.memref_slice %arg2[%mul3A_323, %dma_start3A_328] : memref<512x128xf32, #tpu.memory_space<hbm>> -> memref<16x128xf32, #tpu.memory_space<hbm>>
        %dma_start3A_330 = tpu.memref_slice %run_scoped3A_15[%rem3A_321] : memref<2x!tpu.dma_semaphore, #tpu.memory_space<semaphore_mem>> -> memref<1x!tpu.dma_semaphore, #tpu.memory_space<semaphore_mem>>
        %dma_start3A_331 = tpu.memref_squeeze %dma_start3A_330 : memref<1x!tpu.dma_semaphore, #tpu.memory_space<semaphore_mem>> -> memref<!tpu.dma_semaphore, #tpu.memory_space<semaphore_mem>>
        %dma_start3A_332 = arith.constant 0 : i32
        %dma_start3A_333 = arith.constant 0 : i32
        %dma_start3A_334 = tpu.memref_slice %run_scoped3A[%rem3A_321, %dma_start3A_332, %dma_start3A_333] : memref<2x16x128xf32, #tpu.memory_space<vmem>> -> memref<1x16x128xf32, #tpu.memory_space<vmem>>
        %dma_start3A_335 = tpu.memref_squeeze %dma_start3A_334 : memref<1x16x128xf32, #tpu.memory_space<vmem>> -> memref<16x128xf32, #tpu.memory_space<vmem>>
        %dma_start3A_336 = arith.constant 0 : i32
        %dma_start3A_337 = tpu.memref_slice %arg2[%mul3A_323, %dma_start3A_336] : memref<512x128xf32, #tpu.memory_space<hbm>> -> memref<16x128xf32, #tpu.memory_space<hbm>>
        tpu.enqueue_dma source(%dma_start3A_337 : memref<16x128xf32, #tpu.memory_space<hbm>>) target(%dma_start3A_335 : memref<16x128xf32, #tpu.memory_space<vmem>>) target_semaphore(%dma_start3A_331 : memref<!tpu.dma_semaphore, #tpu.memory_space<semaphore_mem>>)
        "tpu.trace_stop"() : () -> ()
      } else {
      }
      %and3A_148 = arith.constant true
      %and3A_149 = arith.andi %and3A, %and3A_148 : i1
      %add3A_150 = arith.constant 1 : i32
      %add3A_151 = arith.addi %select_n3A_71, %add3A_150 : i32
      %select_n3A_152 = arith.select %and3A_149, %add3A_151, %select_n3A_71 : i32
      %ne3A_153 = arith.cmpi ne, %add3A_109, %add3A_129 : i32
      %or3A_154 = arith.constant false
      %or3A_155 = arith.ori %or3A_154, %ne3A_153 : i1
      %or3A_156 = arith.constant false
      %or3A_157 = arith.ori %or3A_155, %or3A_156 : i1
      %or3A_158 = arith.constant false
      %or3A_159 = arith.ori %or3A_157, %or3A_158 : i1
      %ge3A_160 = arith.constant 0 : i32
      %ge3A_161 = arith.cmpi sge, %scan3A_103, %ge3A_160 : i32
      %not3A_162 = arith.constant true
      %not3A_163 = arith.xori %ge3A_161, %not3A_162 : i1
      %and3A_164 = arith.andi %or3A_159, %not3A_163 : i1
      %convert_element_type3A_165 = arith.extui %and3A_164 : i1 to i32
      %cond3A_166 = arith.constant 0 : i32
      %cond3A_167 = arith.cmpi ne, %convert_element_type3A_165, %cond3A_166 : i32
      scf.if %cond3A_167 {
        "tpu.trace_start"() <{level = 10 : i32, message = "ep_copy_in"}> : () -> ()
        %rem3A_320 = arith.constant 2 : i32
        %rem3A_321 = arith.remui %select_n3A_100, %rem3A_320 : i32
        %mul3A_322 = arith.constant 1 : i32
        %mul3A_323 = arith.muli %mul3A_322, %add3A_129 : i32
        %dma_start3A_324 = arith.constant 0 : i32
        %dma_start3A_325 = arith.constant 0 : i32
        %dma_start3A_326 = arith.constant 0 : i32
        %dma_start3A_327 = tpu.memref_slice %run_scoped3A_16[%rem3A_321, %dma_start3A_324, %dma_start3A_325, %dma_start3A_326] : memref<2x1x1x16xi32, #tpu.memory_space<vmem>> -> memref<1x1x1x16xi32, #tpu.memory_space<vmem>>
        %dma_start3A_328 = tpu.memref_squeeze %dma_start3A_327 : memref<1x1x1x16xi32, #tpu.memory_space<vmem>> -> memref<1x1x16xi32, #tpu.memory_space<vmem>>
        %dma_start3A_329 = arith.constant 0 : i32
        %dma_start3A_330 = arith.constant 0 : i32
        %dma_start3A_331 = tpu.memref_slice %arg3[%mul3A_323, %dma_start3A_329, %dma_start3A_330] : memref<32x1x16xi32, #tpu.memory_space<hbm>> -> memref<1x1x16xi32, #tpu.memory_space<hbm>>
        %dma_start3A_332 = tpu.memref_slice %run_scoped3A_17[%rem3A_321] : memref<2x!tpu.dma_semaphore, #tpu.memory_space<semaphore_mem>> -> memref<1x!tpu.dma_semaphore, #tpu.memory_space<semaphore_mem>>
        %dma_start3A_333 = tpu.memref_squeeze %dma_start3A_332 : memref<1x!tpu.dma_semaphore, #tpu.memory_space<semaphore_mem>> -> memref<!tpu.dma_semaphore, #tpu.memory_space<semaphore_mem>>
        %dma_start3A_334 = arith.constant 0 : i32
        %dma_start3A_335 = arith.constant 0 : i32
        %dma_start3A_336 = arith.constant 0 : i32
        %dma_start3A_337 = tpu.memref_slice %run_scoped3A_16[%rem3A_321, %dma_start3A_334, %dma_start3A_335, %dma_start3A_336] : memref<2x1x1x16xi32, #tpu.memory_space<vmem>> -> memref<1x1x1x16xi32, #tpu.memory_space<vmem>>
        %dma_start3A_338 = tpu.memref_squeeze %dma_start3A_337 : memref<1x1x1x16xi32, #tpu.memory_space<vmem>> -> memref<1x1x16xi32, #tpu.memory_space<vmem>>
        %dma_start3A_339 = arith.constant 0 : i32
        %dma_start3A_340 = arith.constant 0 : i32
        %dma_start3A_341 = tpu.memref_slice %arg3[%mul3A_323, %dma_start3A_339, %dma_start3A_340] : memref<32x1x16xi32, #tpu.memory_space<hbm>> -> memref<1x1x16xi32, #tpu.memory_space<hbm>>
        tpu.enqueue_dma source(%dma_start3A_341 : memref<1x1x16xi32, #tpu.memory_space<hbm>>) target(%dma_start3A_338 : memref<1x1x16xi32, #tpu.memory_space<vmem>>) target_semaphore(%dma_start3A_333 : memref<!tpu.dma_semaphore, #tpu.memory_space<semaphore_mem>>)
        "tpu.trace_stop"() : () -> ()
      } else {
      }
      %and3A_168 = arith.constant true
      %and3A_169 = arith.andi %and3A_164, %and3A_168 : i1
      %add3A_170 = arith.constant 1 : i32
      %add3A_171 = arith.addi %select_n3A_100, %add3A_170 : i32
      %select_n3A_172 = arith.select %and3A_169, %add3A_171, %select_n3A_100 : i32
      %ne3A_173 = arith.cmpi ne, %add3A_109, %add3A_119 : i32
      %or3A_174 = arith.constant false
      %or3A_175 = arith.ori %or3A_174, %ne3A_173 : i1
      %or3A_176 = arith.constant false
      %or3A_177 = arith.ori %or3A_175, %or3A_176 : i1
      %or3A_178 = arith.ori %or3A_177, %eq3A_105 : i1
      %convert_element_type3A_179 = arith.extui %or3A_178 : i1 to i32
      %cond3A_180 = arith.constant 0 : i32
      %cond3A_181 = arith.cmpi ne, %convert_element_type3A_179, %cond3A_180 : i32
      scf.if %cond3A_181 {
        "tpu.trace_start"() <{level = 10 : i32, message = "ep_wait_in"}> : () -> ()
        %mul3A_320 = arith.constant 16 : i32
        %mul3A_321 = arith.muli %mul3A_320, %add3A_109 : i32
        %rem3A_322 = arith.constant 2 : i32
        %rem3A_323 = arith.remui %scan3A, %rem3A_322 : i32
        %dma_wait3A = arith.constant 0 : i32
        %dma_wait3A_324 = arith.constant 0 : i32
        %dma_wait3A_325 = tpu.memref_slice %run_scoped3A[%rem3A_323, %dma_wait3A, %dma_wait3A_324] : memref<2x16x128xf32, #tpu.memory_space<vmem>> -> memref<1x16x128xf32, #tpu.memory_space<vmem>>
        %dma_wait3A_326 = tpu.memref_squeeze %dma_wait3A_325 : memref<1x16x128xf32, #tpu.memory_space<vmem>> -> memref<16x128xf32, #tpu.memory_space<vmem>>
        %dma_wait3A_327 = arith.constant 0 : i32
        %dma_wait3A_328 = tpu.memref_slice %arg2[%mul3A_321, %dma_wait3A_327] : memref<512x128xf32, #tpu.memory_space<hbm>> -> memref<16x128xf32, #tpu.memory_space<hbm>>
        %dma_wait3A_329 = tpu.memref_slice %run_scoped3A_15[%rem3A_323] : memref<2x!tpu.dma_semaphore, #tpu.memory_space<semaphore_mem>> -> memref<1x!tpu.dma_semaphore, #tpu.memory_space<semaphore_mem>>
        %dma_wait3A_330 = tpu.memref_squeeze %dma_wait3A_329 : memref<1x!tpu.dma_semaphore, #tpu.memory_space<semaphore_mem>> -> memref<!tpu.dma_semaphore, #tpu.memory_space<semaphore_mem>>
        %dma_wait3A_331 = arith.constant 0 : i32
        %dma_wait3A_332 = arith.constant 0 : i32
        %dma_wait3A_333 = tpu.memref_slice %run_scoped3A[%rem3A_323, %dma_wait3A_331, %dma_wait3A_332] : memref<2x16x128xf32, #tpu.memory_space<vmem>> -> memref<1x16x128xf32, #tpu.memory_space<vmem>>
        %dma_wait3A_334 = tpu.memref_squeeze %dma_wait3A_333 : memref<1x16x128xf32, #tpu.memory_space<vmem>> -> memref<16x128xf32, #tpu.memory_space<vmem>>
        %dma_wait3A_335 = arith.constant 0 : i32
        %dma_wait3A_336 = tpu.memref_slice %arg2[%mul3A_321, %dma_wait3A_335] : memref<512x128xf32, #tpu.memory_space<hbm>> -> memref<16x128xf32, #tpu.memory_space<hbm>>
        tpu.wait_dma2 semaphore(%dma_wait3A_330 : memref<!tpu.dma_semaphore, #tpu.memory_space<semaphore_mem>>) src(%dma_wait3A_336 : memref<16x128xf32, #tpu.memory_space<hbm>>) dst(%dma_wait3A_334 : memref<16x128xf32, #tpu.memory_space<vmem>>)
        "tpu.trace_stop"() : () -> ()
      } else {
      }
      %ne3A_182 = arith.cmpi ne, %add3A_109, %add3A_119 : i32
      %or3A_183 = arith.constant false
      %or3A_184 = arith.ori %or3A_183, %ne3A_182 : i1
      %or3A_185 = arith.constant false
      %or3A_186 = arith.ori %or3A_184, %or3A_185 : i1
      %or3A_187 = arith.constant false
      %or3A_188 = arith.ori %or3A_186, %or3A_187 : i1
      %or3A_189 = arith.ori %or3A_188, %eq3A_105 : i1
      %convert_element_type3A_190 = arith.extui %or3A_189 : i1 to i32
      %cond3A_191 = arith.constant 0 : i32
      %cond3A_192 = arith.cmpi ne, %convert_element_type3A_190, %cond3A_191 : i32
      scf.if %cond3A_192 {
        "tpu.trace_start"() <{level = 10 : i32, message = "ep_wait_in"}> : () -> ()
        %mul3A_320 = arith.constant 1 : i32
        %mul3A_321 = arith.muli %mul3A_320, %add3A_109 : i32
        %rem3A_322 = arith.constant 2 : i32
        %rem3A_323 = arith.remui %scan3A_101, %rem3A_322 : i32
        %dma_wait3A = arith.constant 0 : i32
        %dma_wait3A_324 = arith.constant 0 : i32
        %dma_wait3A_325 = arith.constant 0 : i32
        %dma_wait3A_326 = tpu.memref_slice %run_scoped3A_16[%rem3A_323, %dma_wait3A, %dma_wait3A_324, %dma_wait3A_325] : memref<2x1x1x16xi32, #tpu.memory_space<vmem>> -> memref<1x1x1x16xi32, #tpu.memory_space<vmem>>
        %dma_wait3A_327 = tpu.memref_squeeze %dma_wait3A_326 : memref<1x1x1x16xi32, #tpu.memory_space<vmem>> -> memref<1x1x16xi32, #tpu.memory_space<vmem>>
        %dma_wait3A_328 = arith.constant 0 : i32
        %dma_wait3A_329 = arith.constant 0 : i32
        %dma_wait3A_330 = tpu.memref_slice %arg3[%mul3A_321, %dma_wait3A_328, %dma_wait3A_329] : memref<32x1x16xi32, #tpu.memory_space<hbm>> -> memref<1x1x16xi32, #tpu.memory_space<hbm>>
        %dma_wait3A_331 = tpu.memref_slice %run_scoped3A_17[%rem3A_323] : memref<2x!tpu.dma_semaphore, #tpu.memory_space<semaphore_mem>> -> memref<1x!tpu.dma_semaphore, #tpu.memory_space<semaphore_mem>>
        %dma_wait3A_332 = tpu.memref_squeeze %dma_wait3A_331 : memref<1x!tpu.dma_semaphore, #tpu.memory_space<semaphore_mem>> -> memref<!tpu.dma_semaphore, #tpu.memory_space<semaphore_mem>>
        %dma_wait3A_333 = arith.constant 0 : i32
        %dma_wait3A_334 = arith.constant 0 : i32
        %dma_wait3A_335 = arith.constant 0 : i32
        %dma_wait3A_336 = tpu.memref_slice %run_scoped3A_16[%rem3A_323, %dma_wait3A_333, %dma_wait3A_334, %dma_wait3A_335] : memref<2x1x1x16xi32, #tpu.memory_space<vmem>> -> memref<1x1x1x16xi32, #tpu.memory_space<vmem>>
        %dma_wait3A_337 = tpu.memref_squeeze %dma_wait3A_336 : memref<1x1x1x16xi32, #tpu.memory_space<vmem>> -> memref<1x1x16xi32, #tpu.memory_space<vmem>>
        %dma_wait3A_338 = arith.constant 0 : i32
        %dma_wait3A_339 = arith.constant 0 : i32
        %dma_wait3A_340 = tpu.memref_slice %arg3[%mul3A_321, %dma_wait3A_338, %dma_wait3A_339] : memref<32x1x16xi32, #tpu.memory_space<hbm>> -> memref<1x1x16xi32, #tpu.memory_space<hbm>>
        tpu.wait_dma2 semaphore(%dma_wait3A_332 : memref<!tpu.dma_semaphore, #tpu.memory_space<semaphore_mem>>) src(%dma_wait3A_340 : memref<1x1x16xi32, #tpu.memory_space<hbm>>) dst(%dma_wait3A_337 : memref<1x1x16xi32, #tpu.memory_space<vmem>>)
        "tpu.trace_stop"() : () -> ()
      } else {
      }
      %rem3A_193 = arith.constant 2 : i32
      %rem3A_194 = arith.remui %scan3A, %rem3A_193 : i32
      %rem3A_195 = arith.constant 2 : i32
      %rem3A_196 = arith.remui %scan3A_101, %rem3A_195 : i32
      %run_scoped3A_197 = arith.constant 0 : i32
      %run_scoped3A_198 = arith.constant 0 : i32
      "tpu.trace_start"() <{level = 10 : i32, message = "ep_run_kernel"}> : () -> ()
      "tpu.region"() ({
        %run_scoped3A_320 = tpu.sem_alloc : memref<!tpu.dma_semaphore, #tpu.memory_space<semaphore_mem>>
        %dma_start3A_321 = arith.constant 0 : i32
        %dma_start3A_322 = arith.constant 0 : i32
        %dma_start3A_323 = tpu.memref_slice %run_scoped3A[%rem3A_194, %dma_start3A_321, %dma_start3A_322] : memref<2x16x128xf32, #tpu.memory_space<vmem>> -> memref<1x16x128xf32, #tpu.memory_space<vmem>>
        %dma_start3A_324 = tpu.memref_squeeze %dma_start3A_323 : memref<1x16x128xf32, #tpu.memory_space<vmem>> -> memref<16x128xf32, #tpu.memory_space<vmem>>
        %dma_start3A_325 = arith.constant 0 : i32
        %dma_start3A_326 = arith.constant 0 : i32
        %dma_start3A_327 = arith.constant 0 : i32
        %dma_start3A_328 = tpu.memref_slice %run_scoped3A_16[%rem3A_196, %dma_start3A_325, %dma_start3A_326, %dma_start3A_327] : memref<2x1x1x16xi32, #tpu.memory_space<vmem>> -> memref<1x1x1x16xi32, #tpu.memory_space<vmem>>
        %dma_start3A_329 = tpu.memref_squeeze %dma_start3A_328 : memref<1x1x1x16xi32, #tpu.memory_space<vmem>> -> memref<1x1x16xi32, #tpu.memory_space<vmem>>
        %dma_start3A_330 = arith.constant 0 : i32
        %dma_start3A_331 = tpu.memref_slice %dma_start3A_329[%run_scoped3A_197, %run_scoped3A_198, %dma_start3A_330] : memref<1x1x16xi32, #tpu.memory_space<vmem>> -> memref<1x1x16xi32, #tpu.memory_space<vmem>>
        %dma_start3A_332 = tpu.memref_squeeze %dma_start3A_331 : memref<1x1x16xi32, #tpu.memory_space<vmem>> -> memref<16xi32, #tpu.memory_space<vmem>>
        %dma_start3A_333 = arith.constant 0 : i32
        %dma_start3A_334 = arith.constant 0 : i32
        %dma_start3A_335 = tpu.memref_slice %arg6[%dma_start3A_333, %dma_start3A_334] : memref<10000x128xf32, #tpu.memory_space<vmem_shared>> -> memref<10000x128xf32, #tpu.memory_space<vmem_shared>>
        tpu.enqueue_indirect_dma source(%dma_start3A_324 : memref<16x128xf32, #tpu.memory_space<vmem>>) target(%dma_start3A_335 : memref<10000x128xf32, #tpu.memory_space<vmem_shared>>) offsets(%dma_start3A_332 : memref<16xi32, #tpu.memory_space<vmem>>) semaphore(%run_scoped3A_320 : memref<!tpu.dma_semaphore, #tpu.memory_space<semaphore_mem>>) {add = true}
        %dma_wait3A = arith.constant 0 : i32
        %dma_wait3A_336 = arith.constant 0 : i32
        %dma_wait3A_337 = tpu.memref_slice %run_scoped3A[%rem3A_194, %dma_wait3A, %dma_wait3A_336] : memref<2x16x128xf32, #tpu.memory_space<vmem>> -> memref<1x16x128xf32, #tpu.memory_space<vmem>>
        %dma_wait3A_338 = tpu.memref_squeeze %dma_wait3A_337 : memref<1x16x128xf32, #tpu.memory_space<vmem>> -> memref<16x128xf32, #tpu.memory_space<vmem>>
        %dma_wait3A_339 = arith.constant 0 : i32
        %dma_wait3A_340 = arith.constant 0 : i32
        %dma_wait3A_341 = arith.constant 0 : i32
        %dma_wait3A_342 = tpu.memref_slice %run_scoped3A_16[%rem3A_196, %dma_wait3A_339, %dma_wait3A_340, %dma_wait3A_341] : memref<2x1x1x16xi32, #tpu.memory_space<vmem>> -> memref<1x1x1x16xi32, #tpu.memory_space<vmem>>
        %dma_wait3A_343 = tpu.memref_squeeze %dma_wait3A_342 : memref<1x1x1x16xi32, #tpu.memory_space<vmem>> -> memref<1x1x16xi32, #tpu.memory_space<vmem>>
        %dma_wait3A_344 = arith.constant 0 : i32
        %dma_wait3A_345 = tpu.memref_slice %dma_wait3A_343[%run_scoped3A_197, %run_scoped3A_198, %dma_wait3A_344] : memref<1x1x16xi32, #tpu.memory_space<vmem>> -> memref<1x1x16xi32, #tpu.memory_space<vmem>>
        %dma_wait3A_346 = tpu.memref_squeeze %dma_wait3A_345 : memref<1x1x16xi32, #tpu.memory_space<vmem>> -> memref<16xi32, #tpu.memory_space<vmem>>
        %dma_wait3A_347 = arith.constant 0 : i32
        %dma_wait3A_348 = arith.constant 0 : i32
        %dma_wait3A_349 = tpu.memref_slice %arg6[%dma_wait3A_347, %dma_wait3A_348] : memref<10000x128xf32, #tpu.memory_space<vmem_shared>> -> memref<10000x128xf32, #tpu.memory_space<vmem_shared>>
        tpu.wait_indirect_dma semaphore(%run_scoped3A_320 : memref<!tpu.dma_semaphore, #tpu.memory_space<semaphore_mem>>) src(%dma_wait3A_338 : memref<16x128xf32, #tpu.memory_space<vmem>>) dst(%dma_wait3A_349 : memref<10000x128xf32, #tpu.memory_space<vmem_shared>>)
        tpu.yield
      }) : () -> ()
      "tpu.trace_stop"() : () -> ()
      %ne3A_199 = arith.cmpi ne, %add3A_109, %add3A_129 : i32
      %or3A_200 = arith.constant false
      %or3A_201 = arith.ori %or3A_200, %ne3A_199 : i1
      %or3A_202 = arith.constant false
      %or3A_203 = arith.ori %or3A_201, %or3A_202 : i1
      %or3A_204 = arith.ori %or3A_203, %eq3A_107 : i1
      %convert_element_type3A_205 = arith.extui %or3A_204 : i1 to i32
      %cond3A_206 = arith.constant 0 : i32
      %cond3A_207 = arith.cmpi ne, %convert_element_type3A_205, %cond3A_206 : i32
      scf.if %cond3A_207 {
      } else {
      }
      %and3A_208 = arith.constant false
      %and3A_209 = arith.andi %or3A_204, %and3A_208 : i1
      %ne3A_210 = arith.cmpi ne, %add3A_109, %add3A_129 : i32
      %or3A_211 = arith.constant false
      %or3A_212 = arith.ori %or3A_211, %ne3A_210 : i1
      %or3A_213 = arith.constant false
      %or3A_214 = arith.ori %or3A_212, %or3A_213 : i1
      %or3A_215 = arith.constant false
      %or3A_216 = arith.ori %or3A_214, %or3A_215 : i1
      %or3A_217 = arith.ori %or3A_216, %eq3A_107 : i1
      %convert_element_type3A_218 = arith.extui %or3A_217 : i1 to i32
      %cond3A_219 = arith.constant 0 : i32
      %cond3A_220 = arith.cmpi ne, %convert_element_type3A_218, %cond3A_219 : i32
      scf.if %cond3A_220 {
      } else {
      }
      %and3A_221 = arith.constant false
      %and3A_222 = arith.andi %or3A_217, %and3A_221 : i1
      %ne3A_223 = arith.cmpi ne, %add3A_109, %add3A_119 : i32
      %or3A_224 = arith.constant false
      %or3A_225 = arith.ori %or3A_224, %ne3A_223 : i1
      %or3A_226 = arith.constant false
      %or3A_227 = arith.ori %or3A_225, %or3A_226 : i1
      %not3A_228 = arith.constant true
      %not3A_229 = arith.xori %eq3A_105, %not3A_228 : i1
      %and3A_230 = arith.andi %or3A_227, %not3A_229 : i1
      %convert_element_type3A_231 = arith.extui %and3A_230 : i1 to i32
      %cond3A_232 = arith.constant 0 : i32
      %cond3A_233 = arith.cmpi ne, %convert_element_type3A_231, %cond3A_232 : i32
      scf.if %cond3A_233 {
      } else {
      }
      %and3A_234 = arith.constant false
      %and3A_235 = arith.andi %and3A_230, %and3A_234 : i1
      %ne3A_236 = arith.cmpi ne, %add3A_109, %add3A_119 : i32
      %or3A_237 = arith.constant false
      %or3A_238 = arith.ori %or3A_237, %ne3A_236 : i1
      %or3A_239 = arith.constant false
      %or3A_240 = arith.ori %or3A_238, %or3A_239 : i1
      %or3A_241 = arith.constant false
      %or3A_242 = arith.ori %or3A_240, %or3A_241 : i1
      %not3A_243 = arith.constant true
      %not3A_244 = arith.xori %eq3A_105, %not3A_243 : i1
      %and3A_245 = arith.andi %or3A_242, %not3A_244 : i1
      %convert_element_type3A_246 = arith.extui %and3A_245 : i1 to i32
      %cond3A_247 = arith.constant 0 : i32
      %cond3A_248 = arith.cmpi ne, %convert_element_type3A_246, %cond3A_247 : i32
      scf.if %cond3A_248 {
      } else {
      }
      %and3A_249 = arith.constant false
      %and3A_250 = arith.andi %and3A_245, %and3A_249 : i1
      %ne3A_251 = arith.cmpi ne, %add3A_109, %add3A_129 : i32
      %or3A_252 = arith.constant false
      %or3A_253 = arith.ori %or3A_252, %ne3A_251 : i1
      %or3A_254 = arith.constant false
      %or3A_255 = arith.ori %or3A_253, %or3A_254 : i1
      %or3A_256 = arith.ori %or3A_255, %eq3A_107 : i1
      %add3A_257 = arith.constant 1 : i32
      %add3A_258 = arith.addi %scan3A, %add3A_257 : i32
      %select_n3A_259 = arith.select %or3A_256, %add3A_258, %scan3A : i32
      %ne3A_260 = arith.cmpi ne, %add3A_109, %add3A_129 : i32
      %or3A_261 = arith.constant false
      %or3A_262 = arith.ori %or3A_261, %ne3A_260 : i1
      %or3A_263 = arith.constant false
      %or3A_264 = arith.ori %or3A_262, %or3A_263 : i1
      %or3A_265 = arith.constant false
      %or3A_266 = arith.ori %or3A_264, %or3A_265 : i1
      %or3A_267 = arith.ori %or3A_266, %eq3A_107 : i1
      %add3A_268 = arith.constant 1 : i32
      %add3A_269 = arith.addi %scan3A_101, %add3A_268 : i32
      %select_n3A_270 = arith.select %or3A_267, %add3A_269, %scan3A_101 : i32
      %select_n3A_271 = arith.constant true
      %select_n3A_272 = arith.constant 0 : i32
      %select_n3A_273 = arith.constant 1 : i32
      %select_n3A_274 = arith.select %select_n3A_271, %select_n3A_273, %select_n3A_272 : i32
      %eq3A_275 = arith.constant 1 : i32
      %eq3A_276 = arith.cmpi eq, %select_n3A_274, %eq3A_275 : i32
      %select_n3A_277 = arith.constant 0 : i32
      %select_n3A_278 = arith.select %eq3A_276, %select_n3A_277, %select_n3A_274 : i32
      %scan3A_279 = arith.constant 0 : i32
      %scan3A_280 = arith.constant 1 : i32
      %sub3A = arith.constant 1 : i32
      %sub3A_281 = arith.subi %scan3A_279, %sub3A : i32
      %select_n3A_282 = arith.constant true
      %select_n3A_283 = arith.select %select_n3A_282, %sub3A_281, %scan3A_279 : i32
      %eq3A_284 = arith.constant -1 : i32
      %eq3A_285 = arith.cmpi eq, %select_n3A_283, %eq3A_284 : i32
      %select_n3A_286 = arith.constant 0 : i32
      %select_n3A_287 = arith.select %eq3A_285, %select_n3A_286, %select_n3A_283 : i32
      %add3A_288 = arith.constant 0 : i32
      %add3A_289 = arith.addi %add3A_288, %mul3A_8 : i32
      %select_n3A_290 = arith.constant true
      %select_n3A_291 = arith.constant 0 : i32
      %select_n3A_292 = arith.constant -1 : i32
      %select_n3A_293 = arith.select %select_n3A_290, %select_n3A_292, %select_n3A_291 : i32
      %eq3A_294 = arith.constant -1 : i32
      %eq3A_295 = arith.cmpi eq, %select_n3A_293, %eq3A_294 : i32
      %select_n3A_296 = arith.constant 0 : i32
      %select_n3A_297 = arith.select %eq3A_295, %select_n3A_296, %select_n3A_293 : i32
      %add3A_298 = arith.constant 0 : i32
      %add3A_299 = arith.addi %add3A_298, %mul3A_8 : i32
      %select_n3A_300 = arith.constant true
      %select_n3A_301 = arith.constant 0 : i32
      %select_n3A_302 = arith.constant 1 : i32
      %select_n3A_303 = arith.select %select_n3A_300, %select_n3A_302, %select_n3A_301 : i32
      %eq3A_304 = arith.constant 1 : i32
      %eq3A_305 = arith.cmpi eq, %select_n3A_303, %eq3A_304 : i32
      %select_n3A_306 = arith.constant 0 : i32
      %select_n3A_307 = arith.select %eq3A_305, %select_n3A_306, %select_n3A_303 : i32
      %add3A_308 = arith.constant 0 : i32
      %add3A_309 = arith.addi %add3A_308, %mul3A_8 : i32
      %select_n3A_310 = arith.constant true
      %select_n3A_311 = arith.constant 0 : i32
      %select_n3A_312 = arith.constant 1 : i32
      %select_n3A_313 = arith.select %select_n3A_310, %select_n3A_312, %select_n3A_311 : i32
      %eq3A_314 = arith.constant 1 : i32
      %eq3A_315 = arith.cmpi eq, %select_n3A_313, %eq3A_314 : i32
      %select_n3A_316 = arith.constant 0 : i32
      %select_n3A_317 = arith.select %eq3A_315, %select_n3A_316, %select_n3A_313 : i32
      %add3A_318 = arith.constant 0 : i32
      %add3A_319 = arith.addi %add3A_318, %mul3A_8 : i32
      tpu.yield
    }) : () -> ()
    %barrier3A_9 = arith.constant 0 : index
    tpu.barrier barrier_id(%barrier3A_9)
    %eq3A_10 = arith.constant 0 : i32
    %eq3A_11 = arith.cmpi eq, %arg1, %eq3A_10 : i32
    %convert_element_type3A_12 = arith.extui %eq3A_11 : i1 to i32
    %cond3A_13 = arith.constant 0 : i32
    %cond3A_14 = arith.cmpi ne, %convert_element_type3A_12, %cond3A_13 : i32
    scf.if %cond3A_14 {
      "tpu.region"() ({
        %run_scoped3A = tpu.sem_alloc : memref<!tpu.dma_semaphore, #tpu.memory_space<semaphore_mem>>
        %dma_start3A = arith.constant 0 : i32
        %dma_start3A_15 = arith.constant 0 : i32
        %dma_start3A_16 = tpu.memref_slice %arg5[%arg0, %dma_start3A, %dma_start3A_15] : memref<2x10000x128xf32, #tpu.memory_space<hbm>> -> memref<1x10000x128xf32, #tpu.memory_space<hbm>>
        %dma_start3A_17 = tpu.memref_squeeze %dma_start3A_16 : memref<1x10000x128xf32, #tpu.memory_space<hbm>> -> memref<10000x128xf32, #tpu.memory_space<hbm>>
        tpu.enqueue_dma source(%arg6 : memref<10000x128xf32, #tpu.memory_space<vmem_shared>>) target(%dma_start3A_17 : memref<10000x128xf32, #tpu.memory_space<hbm>>) target_semaphore(%run_scoped3A : memref<!tpu.dma_semaphore, #tpu.memory_space<semaphore_mem>>)
        %dma_wait3A = arith.constant 0 : i32
        %dma_wait3A_18 = arith.constant 0 : i32
        %dma_wait3A_19 = tpu.memref_slice %arg5[%arg0, %dma_wait3A, %dma_wait3A_18] : memref<2x10000x128xf32, #tpu.memory_space<hbm>> -> memref<1x10000x128xf32, #tpu.memory_space<hbm>>
        %dma_wait3A_20 = tpu.memref_squeeze %dma_wait3A_19 : memref<1x10000x128xf32, #tpu.memory_space<hbm>> -> memref<10000x128xf32, #tpu.memory_space<hbm>>
        tpu.wait_dma2 semaphore(%run_scoped3A : memref<!tpu.dma_semaphore, #tpu.memory_space<semaphore_mem>>) src(%arg6 : memref<10000x128xf32, #tpu.memory_space<vmem_shared>>) dst(%dma_wait3A_20 : memref<10000x128xf32, #tpu.memory_space<hbm>>)
        tpu.yield
      }) : () -> ()
    } else {
    }
    return
  }
}

module attributes {stable_mosaic.version = 14 : i64} {
  func.func @_tables_body(%arg0: memref<10000x128xf32, #tpu.memory_space<vmem>>, %arg1: memref<10000x128xf32, #tpu.memory_space<vmem>>, %arg2: memref<128x128xf32, #tpu.memory_space<vmem>>, %arg3: memref<128x128xf32, #tpu.memory_space<vmem>>, %arg4: memref<1x128xf32, #tpu.memory_space<vmem>>, %arg5: memref<1x128xf32, #tpu.memory_space<vmem>>, %arg6: memref<10000x128xi32, #tpu.memory_space<vmem>>, %arg7: memref<10000x128xi32, #tpu.memory_space<vmem>>) attributes {dimension_semantics = [], scalar_prefetch = 0 : i64, scratch_operands = 0 : i64, tpu.core_type = #tpu.core_type<tc>} {
    %get3A = arith.constant 0 : index
    %get3A_0 = arith.constant 0 : index
    %get3A_1 = vector.load %arg0[%get3A, %get3A_0] : memref<10000x128xf32, #tpu.memory_space<vmem>>, vector<10000x128xf32>
    %get3A_2 = arith.constant 0 : index
    %get3A_3 = arith.constant 0 : index
    %get3A_4 = vector.load %arg1[%get3A_2, %get3A_3] : memref<10000x128xf32, #tpu.memory_space<vmem>>, vector<10000x128xf32>
    %mul3A = arith.mulf %get3A_4, %get3A_4 : vector<10000x128xf32>
    %reduce_sum3A = arith.constant dense<0.000000e+00> : vector<10000xf32>
    %reduce_sum3A_5 = vector.multi_reduction <add>, %mul3A, %reduce_sum3A [1] : vector<10000x128xf32> to vector<10000xf32>
    %broadcast_in_dim3A = vector.shape_cast %reduce_sum3A_5 : vector<10000xf32> to vector<10000x1xf32>
    %get3A_6 = arith.constant 0 : index
    %get3A_7 = arith.constant 0 : index
    %get3A_8 = vector.load %arg5[%get3A_6, %get3A_7] : memref<1x128xf32, #tpu.memory_space<vmem>>, vector<1x128xf32>
    %mul3A_9 = vector.broadcast %broadcast_in_dim3A : vector<10000x1xf32> to vector<10000x128xf32>
    %mul3A_10 = vector.broadcast %get3A_8 : vector<1x128xf32> to vector<10000x128xf32>
    %mul3A_11 = arith.mulf %mul3A_9, %mul3A_10 : vector<10000x128xf32>
    %get3A_12 = arith.constant 0 : index
    %get3A_13 = arith.constant 0 : index
    %get3A_14 = vector.load %arg2[%get3A_12, %get3A_13] : memref<128x128xf32, #tpu.memory_space<vmem>>, vector<128x128xf32>
    %dot_general3A = arith.constant dense<0.000000e+00> : vector<10000x128xf32>
    %dot_general3A_15 = tpu.matmul %get3A_1, %get3A_14, %dot_general3A {dimension_numbers = #tpu.dot_dimension_numbers<[1], [0], [0], [1], [0, 0, 1, 1], [], []>, transpose_lhs_hint = false} : vector<10000x128xf32>, vector<128x128xf32>, vector<10000x128xf32> -> vector<10000x128xf32>
    %get3A_16 = arith.constant 0 : index
    %get3A_17 = arith.constant 0 : index
    %get3A_18 = vector.load %arg4[%get3A_16, %get3A_17] : memref<1x128xf32, #tpu.memory_space<vmem>>, vector<1x128xf32>
    %add3A = vector.broadcast %get3A_18 : vector<1x128xf32> to vector<10000x128xf32>
    %add3A_19 = arith.addf %dot_general3A_15, %add3A : vector<10000x128xf32>
    %add3A_20 = arith.addf %add3A_19, %mul3A_11 : vector<10000x128xf32>
    %get3A_21 = arith.constant 0 : index
    %get3A_22 = arith.constant 0 : index
    %get3A_23 = vector.load %arg3[%get3A_21, %get3A_22] : memref<128x128xf32, #tpu.memory_space<vmem>>, vector<128x128xf32>
    %dot_general3A_24 = arith.constant dense<0.000000e+00> : vector<10000x128xf32>
    %dot_general3A_25 = tpu.matmul %get3A_1, %get3A_23, %dot_general3A_24 {dimension_numbers = #tpu.dot_dimension_numbers<[1], [0], [0], [1], [0, 0, 1, 1], [], []>, transpose_lhs_hint = false} : vector<10000x128xf32>, vector<128x128xf32>, vector<10000x128xf32> -> vector<10000x128xf32>
    %add3A_26 = arith.addf %dot_general3A_25, %mul3A_11 : vector<10000x128xf32>
    %bitcast_convert_type3A = tpu.bitcast %get3A_4 : vector<10000x128xf32> -> vector<10000x128xi32>
    %add3A_27 = arith.constant 32767 : i32
    %add3A_28 = vector.broadcast %add3A_27 : i32 to vector<10000x128xi32>
    %add3A_29 = arith.addi %bitcast_convert_type3A, %add3A_28 : vector<10000x128xi32>
    %shift_right_logical3A = arith.constant 16 : i32
    %shift_right_logical3A_30 = vector.broadcast %shift_right_logical3A : i32 to vector<10000x128xi32>
    %shift_right_logical3A_31 = arith.shrui %bitcast_convert_type3A, %shift_right_logical3A_30 : vector<10000x128xi32>
    %and3A = arith.constant 1 : i32
    %and3A_32 = vector.broadcast %and3A : i32 to vector<10000x128xi32>
    %and3A_33 = arith.andi %shift_right_logical3A_31, %and3A_32 : vector<10000x128xi32>
    %add3A_34 = arith.addi %add3A_29, %and3A_33 : vector<10000x128xi32>
    %and3A_35 = arith.constant -65536 : i32
    %and3A_36 = vector.broadcast %and3A_35 : i32 to vector<10000x128xi32>
    %and3A_37 = arith.andi %add3A_34, %and3A_36 : vector<10000x128xi32>
    %bitcast_convert_type3A_38 = tpu.bitcast %add3A_20 : vector<10000x128xf32> -> vector<10000x128xi32>
    %add3A_39 = arith.constant 32767 : i32
    %add3A_40 = vector.broadcast %add3A_39 : i32 to vector<10000x128xi32>
    %add3A_41 = arith.addi %bitcast_convert_type3A_38, %add3A_40 : vector<10000x128xi32>
    %shift_right_logical3A_42 = arith.constant 16 : i32
    %shift_right_logical3A_43 = vector.broadcast %shift_right_logical3A_42 : i32 to vector<10000x128xi32>
    %shift_right_logical3A_44 = arith.shrui %bitcast_convert_type3A_38, %shift_right_logical3A_43 : vector<10000x128xi32>
    %and3A_45 = arith.constant 1 : i32
    %and3A_46 = vector.broadcast %and3A_45 : i32 to vector<10000x128xi32>
    %and3A_47 = arith.andi %shift_right_logical3A_44, %and3A_46 : vector<10000x128xi32>
    %add3A_48 = arith.addi %add3A_41, %and3A_47 : vector<10000x128xi32>
    %and3A_49 = arith.constant -65536 : i32
    %and3A_50 = vector.broadcast %and3A_49 : i32 to vector<10000x128xi32>
    %and3A_51 = arith.andi %add3A_48, %and3A_50 : vector<10000x128xi32>
    %shift_right_logical3A_52 = arith.constant 16 : i32
    %shift_right_logical3A_53 = vector.broadcast %shift_right_logical3A_52 : i32 to vector<10000x128xi32>
    %shift_right_logical3A_54 = arith.shrui %and3A_51, %shift_right_logical3A_53 : vector<10000x128xi32>
    %or3A = arith.ori %and3A_37, %shift_right_logical3A_54 : vector<10000x128xi32>
    %swap3A = arith.constant 0 : index
    %swap3A_55 = arith.constant 0 : index
    %swap3A_56 = vector.load %arg6[%swap3A, %swap3A_55] : memref<10000x128xi32, #tpu.memory_space<vmem>>, vector<10000x128xi32>
    tpu.vector_store %arg6[%swap3A, %swap3A_55], %or3A {strides = array<i32>} : memref<10000x128xi32, #tpu.memory_space<vmem>>, vector<10000x128xi32>,
    %mul3A_57 = arith.constant -2.000000e+00 : f32
    %mul3A_58 = vector.broadcast %mul3A_57 : f32 to vector<10000x128xf32>
    %mul3A_59 = arith.mulf %mul3A_58, %get3A_4 : vector<10000x128xf32>
    %bitcast_convert_type3A_60 = tpu.bitcast %mul3A_59 : vector<10000x128xf32> -> vector<10000x128xi32>
    %add3A_61 = arith.constant 32767 : i32
    %add3A_62 = vector.broadcast %add3A_61 : i32 to vector<10000x128xi32>
    %add3A_63 = arith.addi %bitcast_convert_type3A_60, %add3A_62 : vector<10000x128xi32>
    %shift_right_logical3A_64 = arith.constant 16 : i32
    %shift_right_logical3A_65 = vector.broadcast %shift_right_logical3A_64 : i32 to vector<10000x128xi32>
    %shift_right_logical3A_66 = arith.shrui %bitcast_convert_type3A_60, %shift_right_logical3A_65 : vector<10000x128xi32>
    %and3A_67 = arith.constant 1 : i32
    %and3A_68 = vector.broadcast %and3A_67 : i32 to vector<10000x128xi32>
    %and3A_69 = arith.andi %shift_right_logical3A_66, %and3A_68 : vector<10000x128xi32>
    %add3A_70 = arith.addi %add3A_63, %and3A_69 : vector<10000x128xi32>
    %and3A_71 = arith.constant -65536 : i32
    %and3A_72 = vector.broadcast %and3A_71 : i32 to vector<10000x128xi32>
    %and3A_73 = arith.andi %add3A_70, %and3A_72 : vector<10000x128xi32>
    %bitcast_convert_type3A_74 = tpu.bitcast %add3A_26 : vector<10000x128xf32> -> vector<10000x128xi32>
    %add3A_75 = arith.constant 32767 : i32
    %add3A_76 = vector.broadcast %add3A_75 : i32 to vector<10000x128xi32>
    %add3A_77 = arith.addi %bitcast_convert_type3A_74, %add3A_76 : vector<10000x128xi32>
    %shift_right_logical3A_78 = arith.constant 16 : i32
    %shift_right_logical3A_79 = vector.broadcast %shift_right_logical3A_78 : i32 to vector<10000x128xi32>
    %shift_right_logical3A_80 = arith.shrui %bitcast_convert_type3A_74, %shift_right_logical3A_79 : vector<10000x128xi32>
    %and3A_81 = arith.constant 1 : i32
    %and3A_82 = vector.broadcast %and3A_81 : i32 to vector<10000x128xi32>
    %and3A_83 = arith.andi %shift_right_logical3A_80, %and3A_82 : vector<10000x128xi32>
    %add3A_84 = arith.addi %add3A_77, %and3A_83 : vector<10000x128xi32>
    %and3A_85 = arith.constant -65536 : i32
    %and3A_86 = vector.broadcast %and3A_85 : i32 to vector<10000x128xi32>
    %and3A_87 = arith.andi %add3A_84, %and3A_86 : vector<10000x128xi32>
    %shift_right_logical3A_88 = arith.constant 16 : i32
    %shift_right_logical3A_89 = vector.broadcast %shift_right_logical3A_88 : i32 to vector<10000x128xi32>
    %shift_right_logical3A_90 = arith.shrui %and3A_87, %shift_right_logical3A_89 : vector<10000x128xi32>
    %or3A_91 = arith.ori %and3A_73, %shift_right_logical3A_90 : vector<10000x128xi32>
    %swap3A_92 = arith.constant 0 : index
    %swap3A_93 = arith.constant 0 : index
    %swap3A_94 = vector.load %arg7[%swap3A_92, %swap3A_93] : memref<10000x128xi32, #tpu.memory_space<vmem>>, vector<10000x128xi32>
    tpu.vector_store %arg7[%swap3A_92, %swap3A_93], %or3A_91 {strides = array<i32>} : memref<10000x128xi32, #tpu.memory_space<vmem>>, vector<10000x128xi32>,
    return
  }
}

module attributes {stable_mosaic.version = 14 : i64} {
  func.func @_edge_mlp_body(%arg0: i32, %arg1: memref<2048x128xi32, #tpu.memory_space<vmem>>, %arg2: memref<2048x128xi32, #tpu.memory_space<vmem>>, %arg3: memref<128x128xf32, #tpu.memory_space<vmem>>, %arg4: memref<1x128xf32, #tpu.memory_space<vmem>>, %arg5: memref<1x128xf32, #tpu.memory_space<vmem>>, %arg6: memref<2048x128xf32, #tpu.memory_space<vmem>>) attributes {dimension_semantics = [#tpu.dimension_semantics<arbitrary>], iteration_bounds = array<i64: 80>, scalar_prefetch = 0 : i64, scratch_operands = 0 : i64, tpu.core_type = #tpu.core_type<tc>, window_params = [{transform_indices = @transform_0, window_bounds = array<i64: 2048, 128>}, {transform_indices = @transform_1, window_bounds = array<i64: 2048, 128>}, {pipeline_mode = #tpu.pipeline_mode<synchronous>, transform_indices = @transform_2, window_bounds = array<i64: 128, 128>}, {pipeline_mode = #tpu.pipeline_mode<synchronous>, transform_indices = @transform_3, window_bounds = array<i64: 1, 128>}, {pipeline_mode = #tpu.pipeline_mode<synchronous>, transform_indices = @transform_4, window_bounds = array<i64: 1, 128>}, {transform_indices = @transform_5, window_bounds = array<i64: 2048, 128>}]} {
    %get3A = arith.constant 0 : index
    %get3A_0 = arith.constant 0 : index
    %get3A_1 = vector.load %arg1[%get3A, %get3A_0] : memref<2048x128xi32, #tpu.memory_space<vmem>>, vector<2048x128xi32>
    %get3A_2 = arith.constant 0 : index
    %get3A_3 = arith.constant 0 : index
    %get3A_4 = vector.load %arg2[%get3A_2, %get3A_3] : memref<2048x128xi32, #tpu.memory_space<vmem>>, vector<2048x128xi32>
    %shift_left3A = arith.constant 16 : i32
    %shift_left3A_5 = vector.broadcast %shift_left3A : i32 to vector<2048x128xi32>
    %shift_left3A_6 = arith.shli %get3A_1, %shift_left3A_5 : vector<2048x128xi32>
    %bitcast_convert_type3A = tpu.bitcast %shift_left3A_6 : vector<2048x128xi32> -> vector<2048x128xf32>
    %shift_left3A_7 = arith.constant 16 : i32
    %shift_left3A_8 = vector.broadcast %shift_left3A_7 : i32 to vector<2048x128xi32>
    %shift_left3A_9 = arith.shli %get3A_4, %shift_left3A_8 : vector<2048x128xi32>
    %bitcast_convert_type3A_10 = tpu.bitcast %shift_left3A_9 : vector<2048x128xi32> -> vector<2048x128xf32>
    %and3A = arith.constant -65536 : i32
    %and3A_11 = vector.broadcast %and3A : i32 to vector<2048x128xi32>
    %and3A_12 = arith.andi %get3A_1, %and3A_11 : vector<2048x128xi32>
    %bitcast_convert_type3A_13 = tpu.bitcast %and3A_12 : vector<2048x128xi32> -> vector<2048x128xf32>
    %and3A_14 = arith.constant -65536 : i32
    %and3A_15 = vector.broadcast %and3A_14 : i32 to vector<2048x128xi32>
    %and3A_16 = arith.andi %get3A_4, %and3A_15 : vector<2048x128xi32>
    %bitcast_convert_type3A_17 = tpu.bitcast %and3A_16 : vector<2048x128xi32> -> vector<2048x128xf32>
    %mul3A = arith.mulf %bitcast_convert_type3A_13, %bitcast_convert_type3A_17 : vector<2048x128xf32>
    %reduce_sum3A = arith.constant dense<0.000000e+00> : vector<2048xf32>
    %reduce_sum3A_18 = vector.multi_reduction <add>, %mul3A, %reduce_sum3A [1] : vector<2048x128xf32> to vector<2048xf32>
    %broadcast_in_dim3A = vector.shape_cast %reduce_sum3A_18 : vector<2048xf32> to vector<2048x1xf32>
    %add3A = arith.addf %bitcast_convert_type3A, %bitcast_convert_type3A_10 : vector<2048x128xf32>
    %get3A_19 = arith.constant 0 : index
    %get3A_20 = arith.constant 0 : index
    %get3A_21 = vector.load %arg4[%get3A_19, %get3A_20] : memref<1x128xf32, #tpu.memory_space<vmem>>, vector<1x128xf32>
    %mul3A_22 = vector.broadcast %broadcast_in_dim3A : vector<2048x1xf32> to vector<2048x128xf32>
    %mul3A_23 = vector.broadcast %get3A_21 : vector<1x128xf32> to vector<2048x128xf32>
    %mul3A_24 = arith.mulf %mul3A_22, %mul3A_23 : vector<2048x128xf32>
    %add3A_25 = arith.addf %add3A, %mul3A_24 : vector<2048x128xf32>
    %mul3A_26 = arith.constant 5.000000e-01 : f32
    %mul3A_27 = vector.broadcast %mul3A_26 : f32 to vector<2048x128xf32>
    %mul3A_28 = arith.mulf %mul3A_27, %add3A_25 : vector<2048x128xf32>
    %mul3A_29 = arith.constant 0.707106769 : f32
    %mul3A_30 = vector.broadcast %mul3A_29 : f32 to vector<2048x128xf32>
    %mul3A_31 = arith.mulf %add3A_25, %mul3A_30 : vector<2048x128xf32>
    %erf3A = math.erf %mul3A_31 : vector<2048x128xf32>
    %add3A_32 = arith.constant 1.000000e+00 : f32
    %add3A_33 = vector.broadcast %add3A_32 : f32 to vector<2048x128xf32>
    %add3A_34 = arith.addf %add3A_33, %erf3A : vector<2048x128xf32>
    %mul3A_35 = arith.mulf %mul3A_28, %add3A_34 : vector<2048x128xf32>
    %get3A_36 = arith.constant 0 : index
    %get3A_37 = arith.constant 0 : index
    %get3A_38 = vector.load %arg3[%get3A_36, %get3A_37] : memref<128x128xf32, #tpu.memory_space<vmem>>, vector<128x128xf32>
    %dot_general3A = arith.constant dense<0.000000e+00> : vector<2048x128xf32>
    %dot_general3A_39 = tpu.matmul %mul3A_35, %get3A_38, %dot_general3A {dimension_numbers = #tpu.dot_dimension_numbers<[1], [0], [0], [1], [0, 0, 1, 1], [], []>, transpose_lhs_hint = false} : vector<2048x128xf32>, vector<128x128xf32>, vector<2048x128xf32> -> vector<2048x128xf32>
    %get3A_40 = arith.constant 0 : index
    %get3A_41 = arith.constant 0 : index
    %get3A_42 = vector.load %arg5[%get3A_40, %get3A_41] : memref<1x128xf32, #tpu.memory_space<vmem>>, vector<1x128xf32>
    %add3A_43 = vector.broadcast %get3A_42 : vector<1x128xf32> to vector<2048x128xf32>
    %add3A_44 = arith.addf %dot_general3A_39, %add3A_43 : vector<2048x128xf32>
    %mul3A_45 = arith.constant 5.000000e-01 : f32
    %mul3A_46 = vector.broadcast %mul3A_45 : f32 to vector<2048x128xf32>
    %mul3A_47 = arith.mulf %mul3A_46, %add3A_44 : vector<2048x128xf32>
    %mul3A_48 = arith.constant 0.707106769 : f32
    %mul3A_49 = vector.broadcast %mul3A_48 : f32 to vector<2048x128xf32>
    %mul3A_50 = arith.mulf %add3A_44, %mul3A_49 : vector<2048x128xf32>
    %erf3A_51 = math.erf %mul3A_50 : vector<2048x128xf32>
    %add3A_52 = arith.constant 1.000000e+00 : f32
    %add3A_53 = vector.broadcast %add3A_52 : f32 to vector<2048x128xf32>
    %add3A_54 = arith.addf %add3A_53, %erf3A_51 : vector<2048x128xf32>
    %mul3A_55 = arith.mulf %mul3A_47, %add3A_54 : vector<2048x128xf32>
    %swap3A = arith.constant 0 : index
    %swap3A_56 = arith.constant 0 : index
    %swap3A_57 = vector.load %arg6[%swap3A, %swap3A_56] : memref<2048x128xf32, #tpu.memory_space<vmem>>, vector<2048x128xf32>
    tpu.vector_store %arg6[%swap3A, %swap3A_56], %mul3A_55 {strides = array<i32>} : memref<2048x128xf32, #tpu.memory_space<vmem>>, vector<2048x128xf32>,
    return
  }
  func.func @transform_0(%arg0: i32) -> (i32, i32) {
    %c0_i32 = arith.constant 0 : i32
    %c0_i32_0 = arith.constant 0 : i32
    return %arg0, %c0_i32 : i32, i32
  }
  func.func @transform_1(%arg0: i32) -> (i32, i32) {
    %c0_i32 = arith.constant 0 : i32
    %c0_i32_0 = arith.constant 0 : i32
    return %arg0, %c0_i32 : i32, i32
  }
  func.func @transform_2(%arg0: i32) -> (i32, i32) {
    %c0_i32 = arith.constant 0 : i32
    %c0_i32_0 = arith.constant 0 : i32
    %c0_i32_1 = arith.constant 0 : i32
    return %c0_i32, %c0_i32_0 : i32, i32
  }
  func.func @transform_3(%arg0: i32) -> (i32, i32) {
    %c0_i32 = arith.constant 0 : i32
    %c0_i32_0 = arith.constant 0 : i32
    %c0_i32_1 = arith.constant 0 : i32
    return %c0_i32, %c0_i32_0 : i32, i32
  }
  func.func @transform_4(%arg0: i32) -> (i32, i32) {
    %c0_i32 = arith.constant 0 : i32
    %c0_i32_0 = arith.constant 0 : i32
    %c0_i32_1 = arith.constant 0 : i32
    return %c0_i32, %c0_i32_0 : i32, i32
  }
  func.func @transform_5(%arg0: i32) -> (i32, i32) {
    %c0_i32 = arith.constant 0 : i32
    %c0_i32_0 = arith.constant 0 : i32
    return %arg0, %c0_i32 : i32, i32
  }
}

module attributes {stable_mosaic.version = 14 : i64} {
  func.func @_edge_mlp_body(%arg0: i32, %arg1: memref<2048x128xi32, #tpu.memory_space<vmem>>, %arg2: memref<2048x128xi32, #tpu.memory_space<vmem>>, %arg3: memref<128x128xf32, #tpu.memory_space<vmem>>, %arg4: memref<1x128xf32, #tpu.memory_space<vmem>>, %arg5: memref<1x128xf32, #tpu.memory_space<vmem>>, %arg6: memref<2048x128xf32, #tpu.memory_space<vmem>>) attributes {dimension_semantics = [#tpu.dimension_semantics<arbitrary>], iteration_bounds = array<i64: 76>, scalar_prefetch = 0 : i64, scratch_operands = 0 : i64, tpu.core_type = #tpu.core_type<tc>, window_params = [{transform_indices = @transform_0, window_bounds = array<i64: 2048, 128>}, {transform_indices = @transform_1, window_bounds = array<i64: 2048, 128>}, {pipeline_mode = #tpu.pipeline_mode<synchronous>, transform_indices = @transform_2, window_bounds = array<i64: 128, 128>}, {pipeline_mode = #tpu.pipeline_mode<synchronous>, transform_indices = @transform_3, window_bounds = array<i64: 1, 128>}, {pipeline_mode = #tpu.pipeline_mode<synchronous>, transform_indices = @transform_4, window_bounds = array<i64: 1, 128>}, {transform_indices = @transform_5, window_bounds = array<i64: 2048, 128>}]} {
    %get3A = arith.constant 0 : index
    %get3A_0 = arith.constant 0 : index
    %get3A_1 = vector.load %arg1[%get3A, %get3A_0] : memref<2048x128xi32, #tpu.memory_space<vmem>>, vector<2048x128xi32>
    %get3A_2 = arith.constant 0 : index
    %get3A_3 = arith.constant 0 : index
    %get3A_4 = vector.load %arg2[%get3A_2, %get3A_3] : memref<2048x128xi32, #tpu.memory_space<vmem>>, vector<2048x128xi32>
    %shift_left3A = arith.constant 16 : i32
    %shift_left3A_5 = vector.broadcast %shift_left3A : i32 to vector<2048x128xi32>
    %shift_left3A_6 = arith.shli %get3A_1, %shift_left3A_5 : vector<2048x128xi32>
    %bitcast_convert_type3A = tpu.bitcast %shift_left3A_6 : vector<2048x128xi32> -> vector<2048x128xf32>
    %shift_left3A_7 = arith.constant 16 : i32
    %shift_left3A_8 = vector.broadcast %shift_left3A_7 : i32 to vector<2048x128xi32>
    %shift_left3A_9 = arith.shli %get3A_4, %shift_left3A_8 : vector<2048x128xi32>
    %bitcast_convert_type3A_10 = tpu.bitcast %shift_left3A_9 : vector<2048x128xi32> -> vector<2048x128xf32>
    %and3A = arith.constant -65536 : i32
    %and3A_11 = vector.broadcast %and3A : i32 to vector<2048x128xi32>
    %and3A_12 = arith.andi %get3A_1, %and3A_11 : vector<2048x128xi32>
    %bitcast_convert_type3A_13 = tpu.bitcast %and3A_12 : vector<2048x128xi32> -> vector<2048x128xf32>
    %and3A_14 = arith.constant -65536 : i32
    %and3A_15 = vector.broadcast %and3A_14 : i32 to vector<2048x128xi32>
    %and3A_16 = arith.andi %get3A_4, %and3A_15 : vector<2048x128xi32>
    %bitcast_convert_type3A_17 = tpu.bitcast %and3A_16 : vector<2048x128xi32> -> vector<2048x128xf32>
    %mul3A = arith.mulf %bitcast_convert_type3A_13, %bitcast_convert_type3A_17 : vector<2048x128xf32>
    %reduce_sum3A = arith.constant dense<0.000000e+00> : vector<2048xf32>
    %reduce_sum3A_18 = vector.multi_reduction <add>, %mul3A, %reduce_sum3A [1] : vector<2048x128xf32> to vector<2048xf32>
    %broadcast_in_dim3A = vector.shape_cast %reduce_sum3A_18 : vector<2048xf32> to vector<2048x1xf32>
    %add3A = arith.addf %bitcast_convert_type3A, %bitcast_convert_type3A_10 : vector<2048x128xf32>
    %get3A_19 = arith.constant 0 : index
    %get3A_20 = arith.constant 0 : index
    %get3A_21 = vector.load %arg4[%get3A_19, %get3A_20] : memref<1x128xf32, #tpu.memory_space<vmem>>, vector<1x128xf32>
    %mul3A_22 = vector.broadcast %broadcast_in_dim3A : vector<2048x1xf32> to vector<2048x128xf32>
    %mul3A_23 = vector.broadcast %get3A_21 : vector<1x128xf32> to vector<2048x128xf32>
    %mul3A_24 = arith.mulf %mul3A_22, %mul3A_23 : vector<2048x128xf32>
    %add3A_25 = arith.addf %add3A, %mul3A_24 : vector<2048x128xf32>
    %mul3A_26 = arith.constant 5.000000e-01 : f32
    %mul3A_27 = vector.broadcast %mul3A_26 : f32 to vector<2048x128xf32>
    %mul3A_28 = arith.mulf %mul3A_27, %add3A_25 : vector<2048x128xf32>
    %mul3A_29 = arith.constant 0.707106769 : f32
    %mul3A_30 = vector.broadcast %mul3A_29 : f32 to vector<2048x128xf32>
    %mul3A_31 = arith.mulf %add3A_25, %mul3A_30 : vector<2048x128xf32>
    %erf3A = math.erf %mul3A_31 : vector<2048x128xf32>
    %add3A_32 = arith.constant 1.000000e+00 : f32
    %add3A_33 = vector.broadcast %add3A_32 : f32 to vector<2048x128xf32>
    %add3A_34 = arith.addf %add3A_33, %erf3A : vector<2048x128xf32>
    %mul3A_35 = arith.mulf %mul3A_28, %add3A_34 : vector<2048x128xf32>
    %get3A_36 = arith.constant 0 : index
    %get3A_37 = arith.constant 0 : index
    %get3A_38 = vector.load %arg3[%get3A_36, %get3A_37] : memref<128x128xf32, #tpu.memory_space<vmem>>, vector<128x128xf32>
    %dot_general3A = arith.constant dense<0.000000e+00> : vector<2048x128xf32>
    %dot_general3A_39 = tpu.matmul %mul3A_35, %get3A_38, %dot_general3A {dimension_numbers = #tpu.dot_dimension_numbers<[1], [0], [0], [1], [0, 0, 1, 1], [], []>, transpose_lhs_hint = false} : vector<2048x128xf32>, vector<128x128xf32>, vector<2048x128xf32> -> vector<2048x128xf32>
    %get3A_40 = arith.constant 0 : index
    %get3A_41 = arith.constant 0 : index
    %get3A_42 = vector.load %arg5[%get3A_40, %get3A_41] : memref<1x128xf32, #tpu.memory_space<vmem>>, vector<1x128xf32>
    %add3A_43 = vector.broadcast %get3A_42 : vector<1x128xf32> to vector<2048x128xf32>
    %add3A_44 = arith.addf %dot_general3A_39, %add3A_43 : vector<2048x128xf32>
    %mul3A_45 = arith.constant 5.000000e-01 : f32
    %mul3A_46 = vector.broadcast %mul3A_45 : f32 to vector<2048x128xf32>
    %mul3A_47 = arith.mulf %mul3A_46, %add3A_44 : vector<2048x128xf32>
    %mul3A_48 = arith.constant 0.707106769 : f32
    %mul3A_49 = vector.broadcast %mul3A_48 : f32 to vector<2048x128xf32>
    %mul3A_50 = arith.mulf %add3A_44, %mul3A_49 : vector<2048x128xf32>
    %erf3A_51 = math.erf %mul3A_50 : vector<2048x128xf32>
    %add3A_52 = arith.constant 1.000000e+00 : f32
    %add3A_53 = vector.broadcast %add3A_52 : f32 to vector<2048x128xf32>
    %add3A_54 = arith.addf %add3A_53, %erf3A_51 : vector<2048x128xf32>
    %mul3A_55 = arith.mulf %mul3A_47, %add3A_54 : vector<2048x128xf32>
    %swap3A = arith.constant 0 : index
    %swap3A_56 = arith.constant 0 : index
    %swap3A_57 = vector.load %arg6[%swap3A, %swap3A_56] : memref<2048x128xf32, #tpu.memory_space<vmem>>, vector<2048x128xf32>
    tpu.vector_store %arg6[%swap3A, %swap3A_56], %mul3A_55 {strides = array<i32>} : memref<2048x128xf32, #tpu.memory_space<vmem>>, vector<2048x128xf32>,
    return
  }
  func.func @transform_0(%arg0: i32) -> (i32, i32) {
    %c0_i32 = arith.constant 0 : i32
    %c0_i32_0 = arith.constant 0 : i32
    return %arg0, %c0_i32 : i32, i32
  }
  func.func @transform_1(%arg0: i32) -> (i32, i32) {
    %c0_i32 = arith.constant 0 : i32
    %c0_i32_0 = arith.constant 0 : i32
    return %arg0, %c0_i32 : i32, i32
  }
  func.func @transform_2(%arg0: i32) -> (i32, i32) {
    %c0_i32 = arith.constant 0 : i32
    %c0_i32_0 = arith.constant 0 : i32
    %c0_i32_1 = arith.constant 0 : i32
    return %c0_i32, %c0_i32_0 : i32, i32
  }
  func.func @transform_3(%arg0: i32) -> (i32, i32) {
    %c0_i32 = arith.constant 0 : i32
    %c0_i32_0 = arith.constant 0 : i32
    %c0_i32_1 = arith.constant 0 : i32
    return %c0_i32, %c0_i32_0 : i32, i32
  }
  func.func @transform_4(%arg0: i32) -> (i32, i32) {
    %c0_i32 = arith.constant 0 : i32
    %c0_i32_0 = arith.constant 0 : i32
    %c0_i32_1 = arith.constant 0 : i32
    return %c0_i32, %c0_i32_0 : i32, i32
  }
  func.func @transform_5(%arg0: i32) -> (i32, i32) {
    %c0_i32 = arith.constant 0 : i32
    %c0_i32_0 = arith.constant 0 : i32
    return %arg0, %c0_i32 : i32, i32
  }
}

module attributes {stable_mosaic.version = 14 : i64} {
  func.func @_edge_mlp_body(%arg0: i32, %arg1: memref<512x128xi32, #tpu.memory_space<vmem>>, %arg2: memref<512x128xi32, #tpu.memory_space<vmem>>, %arg3: memref<128x128xf32, #tpu.memory_space<vmem>>, %arg4: memref<1x128xf32, #tpu.memory_space<vmem>>, %arg5: memref<1x128xf32, #tpu.memory_space<vmem>>, %arg6: memref<512x128xf32, #tpu.memory_space<vmem>>) attributes {dimension_semantics = [#tpu.dimension_semantics<arbitrary>], iteration_bounds = array<i64: 1>, scalar_prefetch = 0 : i64, scratch_operands = 0 : i64, tpu.core_type = #tpu.core_type<tc>, window_params = [{transform_indices = @transform_0, window_bounds = array<i64: 512, 128>}, {transform_indices = @transform_1, window_bounds = array<i64: 512, 128>}, {pipeline_mode = #tpu.pipeline_mode<synchronous>, transform_indices = @transform_2, window_bounds = array<i64: 128, 128>}, {pipeline_mode = #tpu.pipeline_mode<synchronous>, transform_indices = @transform_3, window_bounds = array<i64: 1, 128>}, {pipeline_mode = #tpu.pipeline_mode<synchronous>, transform_indices = @transform_4, window_bounds = array<i64: 1, 128>}, {transform_indices = @transform_5, window_bounds = array<i64: 512, 128>}]} {
    %get3A = arith.constant 0 : index
    %get3A_0 = arith.constant 0 : index
    %get3A_1 = vector.load %arg1[%get3A, %get3A_0] : memref<512x128xi32, #tpu.memory_space<vmem>>, vector<512x128xi32>
    %get3A_2 = arith.constant 0 : index
    %get3A_3 = arith.constant 0 : index
    %get3A_4 = vector.load %arg2[%get3A_2, %get3A_3] : memref<512x128xi32, #tpu.memory_space<vmem>>, vector<512x128xi32>
    %shift_left3A = arith.constant 16 : i32
    %shift_left3A_5 = vector.broadcast %shift_left3A : i32 to vector<512x128xi32>
    %shift_left3A_6 = arith.shli %get3A_1, %shift_left3A_5 : vector<512x128xi32>
    %bitcast_convert_type3A = tpu.bitcast %shift_left3A_6 : vector<512x128xi32> -> vector<512x128xf32>
    %shift_left3A_7 = arith.constant 16 : i32
    %shift_left3A_8 = vector.broadcast %shift_left3A_7 : i32 to vector<512x128xi32>
    %shift_left3A_9 = arith.shli %get3A_4, %shift_left3A_8 : vector<512x128xi32>
    %bitcast_convert_type3A_10 = tpu.bitcast %shift_left3A_9 : vector<512x128xi32> -> vector<512x128xf32>
    %and3A = arith.constant -65536 : i32
    %and3A_11 = vector.broadcast %and3A : i32 to vector<512x128xi32>
    %and3A_12 = arith.andi %get3A_1, %and3A_11 : vector<512x128xi32>
    %bitcast_convert_type3A_13 = tpu.bitcast %and3A_12 : vector<512x128xi32> -> vector<512x128xf32>
    %and3A_14 = arith.constant -65536 : i32
    %and3A_15 = vector.broadcast %and3A_14 : i32 to vector<512x128xi32>
    %and3A_16 = arith.andi %get3A_4, %and3A_15 : vector<512x128xi32>
    %bitcast_convert_type3A_17 = tpu.bitcast %and3A_16 : vector<512x128xi32> -> vector<512x128xf32>
    %mul3A = arith.mulf %bitcast_convert_type3A_13, %bitcast_convert_type3A_17 : vector<512x128xf32>
    %reduce_sum3A = arith.constant dense<0.000000e+00> : vector<512xf32>
    %reduce_sum3A_18 = vector.multi_reduction <add>, %mul3A, %reduce_sum3A [1] : vector<512x128xf32> to vector<512xf32>
    %broadcast_in_dim3A = vector.shape_cast %reduce_sum3A_18 : vector<512xf32> to vector<512x1xf32>
    %add3A = arith.addf %bitcast_convert_type3A, %bitcast_convert_type3A_10 : vector<512x128xf32>
    %get3A_19 = arith.constant 0 : index
    %get3A_20 = arith.constant 0 : index
    %get3A_21 = vector.load %arg4[%get3A_19, %get3A_20] : memref<1x128xf32, #tpu.memory_space<vmem>>, vector<1x128xf32>
    %mul3A_22 = vector.broadcast %broadcast_in_dim3A : vector<512x1xf32> to vector<512x128xf32>
    %mul3A_23 = vector.broadcast %get3A_21 : vector<1x128xf32> to vector<512x128xf32>
    %mul3A_24 = arith.mulf %mul3A_22, %mul3A_23 : vector<512x128xf32>
    %add3A_25 = arith.addf %add3A, %mul3A_24 : vector<512x128xf32>
    %mul3A_26 = arith.constant 5.000000e-01 : f32
    %mul3A_27 = vector.broadcast %mul3A_26 : f32 to vector<512x128xf32>
    %mul3A_28 = arith.mulf %mul3A_27, %add3A_25 : vector<512x128xf32>
    %mul3A_29 = arith.constant 0.707106769 : f32
    %mul3A_30 = vector.broadcast %mul3A_29 : f32 to vector<512x128xf32>
    %mul3A_31 = arith.mulf %add3A_25, %mul3A_30 : vector<512x128xf32>
    %erf3A = math.erf %mul3A_31 : vector<512x128xf32>
    %add3A_32 = arith.constant 1.000000e+00 : f32
    %add3A_33 = vector.broadcast %add3A_32 : f32 to vector<512x128xf32>
    %add3A_34 = arith.addf %add3A_33, %erf3A : vector<512x128xf32>
    %mul3A_35 = arith.mulf %mul3A_28, %add3A_34 : vector<512x128xf32>
    %get3A_36 = arith.constant 0 : index
    %get3A_37 = arith.constant 0 : index
    %get3A_38 = vector.load %arg3[%get3A_36, %get3A_37] : memref<128x128xf32, #tpu.memory_space<vmem>>, vector<128x128xf32>
    %dot_general3A = arith.constant dense<0.000000e+00> : vector<512x128xf32>
    %dot_general3A_39 = tpu.matmul %mul3A_35, %get3A_38, %dot_general3A {dimension_numbers = #tpu.dot_dimension_numbers<[1], [0], [0], [1], [0, 0, 1, 1], [], []>, transpose_lhs_hint = false} : vector<512x128xf32>, vector<128x128xf32>, vector<512x128xf32> -> vector<512x128xf32>
    %get3A_40 = arith.constant 0 : index
    %get3A_41 = arith.constant 0 : index
    %get3A_42 = vector.load %arg5[%get3A_40, %get3A_41] : memref<1x128xf32, #tpu.memory_space<vmem>>, vector<1x128xf32>
    %add3A_43 = vector.broadcast %get3A_42 : vector<1x128xf32> to vector<512x128xf32>
    %add3A_44 = arith.addf %dot_general3A_39, %add3A_43 : vector<512x128xf32>
    %mul3A_45 = arith.constant 5.000000e-01 : f32
    %mul3A_46 = vector.broadcast %mul3A_45 : f32 to vector<512x128xf32>
    %mul3A_47 = arith.mulf %mul3A_46, %add3A_44 : vector<512x128xf32>
    %mul3A_48 = arith.constant 0.707106769 : f32
    %mul3A_49 = vector.broadcast %mul3A_48 : f32 to vector<512x128xf32>
    %mul3A_50 = arith.mulf %add3A_44, %mul3A_49 : vector<512x128xf32>
    %erf3A_51 = math.erf %mul3A_50 : vector<512x128xf32>
    %add3A_52 = arith.constant 1.000000e+00 : f32
    %add3A_53 = vector.broadcast %add3A_52 : f32 to vector<512x128xf32>
    %add3A_54 = arith.addf %add3A_53, %erf3A_51 : vector<512x128xf32>
    %mul3A_55 = arith.mulf %mul3A_47, %add3A_54 : vector<512x128xf32>
    %swap3A = arith.constant 0 : index
    %swap3A_56 = arith.constant 0 : index
    %swap3A_57 = vector.load %arg6[%swap3A, %swap3A_56] : memref<512x128xf32, #tpu.memory_space<vmem>>, vector<512x128xf32>
    tpu.vector_store %arg6[%swap3A, %swap3A_56], %mul3A_55 {strides = array<i32>} : memref<512x128xf32, #tpu.memory_space<vmem>>, vector<512x128xf32>,
    return
  }
  func.func @transform_0(%arg0: i32) -> (i32, i32) {
    %c0_i32 = arith.constant 0 : i32
    %c0_i32_0 = arith.constant 0 : i32
    return %arg0, %c0_i32 : i32, i32
  }
  func.func @transform_1(%arg0: i32) -> (i32, i32) {
    %c0_i32 = arith.constant 0 : i32
    %c0_i32_0 = arith.constant 0 : i32
    return %arg0, %c0_i32 : i32, i32
  }
  func.func @transform_2(%arg0: i32) -> (i32, i32) {
    %c0_i32 = arith.constant 0 : i32
    %c0_i32_0 = arith.constant 0 : i32
    %c0_i32_1 = arith.constant 0 : i32
    return %c0_i32, %c0_i32_0 : i32, i32
  }
  func.func @transform_3(%arg0: i32) -> (i32, i32) {
    %c0_i32 = arith.constant 0 : i32
    %c0_i32_0 = arith.constant 0 : i32
    %c0_i32_1 = arith.constant 0 : i32
    return %c0_i32, %c0_i32_0 : i32, i32
  }
  func.func @transform_4(%arg0: i32) -> (i32, i32) {
    %c0_i32 = arith.constant 0 : i32
    %c0_i32_0 = arith.constant 0 : i32
    %c0_i32_1 = arith.constant 0 : i32
    return %c0_i32, %c0_i32_0 : i32, i32
  }
  func.func @transform_5(%arg0: i32) -> (i32, i32) {
    %c0_i32 = arith.constant 0 : i32
    %c0_i32_0 = arith.constant 0 : i32
    return %arg0, %c0_i32 : i32, i32
  }
}

module attributes {stable_mosaic.version = 14 : i64} {
  func.func @_node_mlp_body(%arg0: i32, %arg1: memref<2000x128xf32, #tpu.memory_space<vmem>>, %arg2: memref<2x2000x128xf32, #tpu.memory_space<vmem>>, %arg3: memref<2x2000x128xf32, #tpu.memory_space<vmem>>, %arg4: memref<2x2000x128xf32, #tpu.memory_space<vmem>>, %arg5: memref<128x128xf32, #tpu.memory_space<vmem>>, %arg6: memref<128x128xf32, #tpu.memory_space<vmem>>, %arg7: memref<1x128xf32, #tpu.memory_space<vmem>>, %arg8: memref<128x128xf32, #tpu.memory_space<vmem>>, %arg9: memref<1x128xf32, #tpu.memory_space<vmem>>, %arg10: memref<2000x128xf32, #tpu.memory_space<vmem>>) attributes {dimension_semantics = [#tpu.dimension_semantics<arbitrary>], iteration_bounds = array<i64: 5>, scalar_prefetch = 0 : i64, scratch_operands = 0 : i64, tpu.core_type = #tpu.core_type<tc>, window_params = [{transform_indices = @transform_0, window_bounds = array<i64: 2000, 128>}, {transform_indices = @transform_1, window_bounds = array<i64: 2, 2000, 128>}, {transform_indices = @transform_2, window_bounds = array<i64: 2, 2000, 128>}, {transform_indices = @transform_3, window_bounds = array<i64: 2, 2000, 128>}, {pipeline_mode = #tpu.pipeline_mode<synchronous>, transform_indices = @transform_4, window_bounds = array<i64: 128, 128>}, {pipeline_mode = #tpu.pipeline_mode<synchronous>, transform_indices = @transform_5, window_bounds = array<i64: 128, 128>}, {pipeline_mode = #tpu.pipeline_mode<synchronous>, transform_indices = @transform_6, window_bounds = array<i64: 1, 128>}, {pipeline_mode = #tpu.pipeline_mode<synchronous>, transform_indices = @transform_7, window_bounds = array<i64: 128, 128>}, {pipeline_mode = #tpu.pipeline_mode<synchronous>, transform_indices = @transform_8, window_bounds = array<i64: 1, 128>}, {transform_indices = @transform_9, window_bounds = array<i64: 2000, 128>}]} {
    %get3A = arith.constant 0 : index
    %get3A_0 = arith.constant 0 : index
    %get3A_1 = vector.load %arg1[%get3A, %get3A_0] : memref<2000x128xf32, #tpu.memory_space<vmem>>, vector<2000x128xf32>
    %get3A_2 = arith.constant 0 : index
    %get3A_3 = arith.constant 0 : index
    %get3A_4 = arith.constant 0 : index
    %get3A_5 = vector.load %arg2[%get3A_2, %get3A_3, %get3A_4] : memref<2x2000x128xf32, #tpu.memory_space<vmem>>, vector<1x2000x128xf32>
    %get3A_6 = vector.shape_cast %get3A_5 : vector<1x2000x128xf32> to vector<2000x128xf32>
    %get3A_7 = arith.constant 1 : index
    %get3A_8 = arith.constant 0 : index
    %get3A_9 = arith.constant 0 : index
    %get3A_10 = vector.load %arg2[%get3A_7, %get3A_8, %get3A_9] : memref<2x2000x128xf32, #tpu.memory_space<vmem>>, vector<1x2000x128xf32>
    %get3A_11 = vector.shape_cast %get3A_10 : vector<1x2000x128xf32> to vector<2000x128xf32>
    %add3A = arith.addf %get3A_6, %get3A_11 : vector<2000x128xf32>
    %get3A_12 = arith.constant 0 : index
    %get3A_13 = arith.constant 0 : index
    %get3A_14 = arith.constant 0 : index
    %get3A_15 = vector.load %arg3[%get3A_12, %get3A_13, %get3A_14] : memref<2x2000x128xf32, #tpu.memory_space<vmem>>, vector<1x2000x128xf32>
    %get3A_16 = vector.shape_cast %get3A_15 : vector<1x2000x128xf32> to vector<2000x128xf32>
    %add3A_17 = arith.addf %add3A, %get3A_16 : vector<2000x128xf32>
    %get3A_18 = arith.constant 1 : index
    %get3A_19 = arith.constant 0 : index
    %get3A_20 = arith.constant 0 : index
    %get3A_21 = vector.load %arg3[%get3A_18, %get3A_19, %get3A_20] : memref<2x2000x128xf32, #tpu.memory_space<vmem>>, vector<1x2000x128xf32>
    %get3A_22 = vector.shape_cast %get3A_21 : vector<1x2000x128xf32> to vector<2000x128xf32>
    %add3A_23 = arith.addf %add3A_17, %get3A_22 : vector<2000x128xf32>
    %get3A_24 = arith.constant 0 : index
    %get3A_25 = arith.constant 0 : index
    %get3A_26 = arith.constant 0 : index
    %get3A_27 = vector.load %arg4[%get3A_24, %get3A_25, %get3A_26] : memref<2x2000x128xf32, #tpu.memory_space<vmem>>, vector<1x2000x128xf32>
    %get3A_28 = vector.shape_cast %get3A_27 : vector<1x2000x128xf32> to vector<2000x128xf32>
    %add3A_29 = arith.addf %add3A_23, %get3A_28 : vector<2000x128xf32>
    %get3A_30 = arith.constant 1 : index
    %get3A_31 = arith.constant 0 : index
    %get3A_32 = arith.constant 0 : index
    %get3A_33 = vector.load %arg4[%get3A_30, %get3A_31, %get3A_32] : memref<2x2000x128xf32, #tpu.memory_space<vmem>>, vector<1x2000x128xf32>
    %get3A_34 = vector.shape_cast %get3A_33 : vector<1x2000x128xf32> to vector<2000x128xf32>
    %add3A_35 = arith.addf %add3A_29, %get3A_34 : vector<2000x128xf32>
    %get3A_36 = arith.constant 0 : index
    %get3A_37 = arith.constant 0 : index
    %get3A_38 = vector.load %arg5[%get3A_36, %get3A_37] : memref<128x128xf32, #tpu.memory_space<vmem>>, vector<128x128xf32>
    %dot_general3A = arith.constant dense<0.000000e+00> : vector<2000x128xf32>
    %dot_general3A_39 = tpu.matmul %get3A_1, %get3A_38, %dot_general3A {dimension_numbers = #tpu.dot_dimension_numbers<[1], [0], [0], [1], [0, 0, 1, 1], [], []>, transpose_lhs_hint = false} : vector<2000x128xf32>, vector<128x128xf32>, vector<2000x128xf32> -> vector<2000x128xf32>
    %get3A_40 = arith.constant 0 : index
    %get3A_41 = arith.constant 0 : index
    %get3A_42 = vector.load %arg6[%get3A_40, %get3A_41] : memref<128x128xf32, #tpu.memory_space<vmem>>, vector<128x128xf32>
    %dot_general3A_43 = arith.constant dense<0.000000e+00> : vector<2000x128xf32>
    %dot_general3A_44 = tpu.matmul %add3A_35, %get3A_42, %dot_general3A_43 {dimension_numbers = #tpu.dot_dimension_numbers<[1], [0], [0], [1], [0, 0, 1, 1], [], []>, transpose_lhs_hint = false} : vector<2000x128xf32>, vector<128x128xf32>, vector<2000x128xf32> -> vector<2000x128xf32>
    %add3A_45 = arith.addf %dot_general3A_39, %dot_general3A_44 : vector<2000x128xf32>
    %get3A_46 = arith.constant 0 : index
    %get3A_47 = arith.constant 0 : index
    %get3A_48 = vector.load %arg7[%get3A_46, %get3A_47] : memref<1x128xf32, #tpu.memory_space<vmem>>, vector<1x128xf32>
    %add3A_49 = vector.broadcast %get3A_48 : vector<1x128xf32> to vector<2000x128xf32>
    %add3A_50 = arith.addf %add3A_45, %add3A_49 : vector<2000x128xf32>
    %mul3A = arith.constant 5.000000e-01 : f32
    %mul3A_51 = vector.broadcast %mul3A : f32 to vector<2000x128xf32>
    %mul3A_52 = arith.mulf %mul3A_51, %add3A_50 : vector<2000x128xf32>
    %mul3A_53 = arith.constant 0.707106769 : f32
    %mul3A_54 = vector.broadcast %mul3A_53 : f32 to vector<2000x128xf32>
    %mul3A_55 = arith.mulf %add3A_50, %mul3A_54 : vector<2000x128xf32>
    %erf3A = math.erf %mul3A_55 : vector<2000x128xf32>
    %add3A_56 = arith.constant 1.000000e+00 : f32
    %add3A_57 = vector.broadcast %add3A_56 : f32 to vector<2000x128xf32>
    %add3A_58 = arith.addf %add3A_57, %erf3A : vector<2000x128xf32>
    %mul3A_59 = arith.mulf %mul3A_52, %add3A_58 : vector<2000x128xf32>
    %get3A_60 = arith.constant 0 : index
    %get3A_61 = arith.constant 0 : index
    %get3A_62 = vector.load %arg8[%get3A_60, %get3A_61] : memref<128x128xf32, #tpu.memory_space<vmem>>, vector<128x128xf32>
    %dot_general3A_63 = arith.constant dense<0.000000e+00> : vector<2000x128xf32>
    %dot_general3A_64 = tpu.matmul %mul3A_59, %get3A_62, %dot_general3A_63 {dimension_numbers = #tpu.dot_dimension_numbers<[1], [0], [0], [1], [0, 0, 1, 1], [], []>, transpose_lhs_hint = false} : vector<2000x128xf32>, vector<128x128xf32>, vector<2000x128xf32> -> vector<2000x128xf32>
    %get3A_65 = arith.constant 0 : index
    %get3A_66 = arith.constant 0 : index
    %get3A_67 = vector.load %arg9[%get3A_65, %get3A_66] : memref<1x128xf32, #tpu.memory_space<vmem>>, vector<1x128xf32>
    %add3A_68 = vector.broadcast %get3A_67 : vector<1x128xf32> to vector<2000x128xf32>
    %add3A_69 = arith.addf %dot_general3A_64, %add3A_68 : vector<2000x128xf32>
    %mul3A_70 = arith.constant 5.000000e-01 : f32
    %mul3A_71 = vector.broadcast %mul3A_70 : f32 to vector<2000x128xf32>
    %mul3A_72 = arith.mulf %mul3A_71, %add3A_69 : vector<2000x128xf32>
    %mul3A_73 = arith.constant 0.707106769 : f32
    %mul3A_74 = vector.broadcast %mul3A_73 : f32 to vector<2000x128xf32>
    %mul3A_75 = arith.mulf %add3A_69, %mul3A_74 : vector<2000x128xf32>
    %erf3A_76 = math.erf %mul3A_75 : vector<2000x128xf32>
    %add3A_77 = arith.constant 1.000000e+00 : f32
    %add3A_78 = vector.broadcast %add3A_77 : f32 to vector<2000x128xf32>
    %add3A_79 = arith.addf %add3A_78, %erf3A_76 : vector<2000x128xf32>
    %mul3A_80 = arith.mulf %mul3A_72, %add3A_79 : vector<2000x128xf32>
    %add3A_81 = arith.addf %get3A_1, %mul3A_80 : vector<2000x128xf32>
    %swap3A = arith.constant 0 : index
    %swap3A_82 = arith.constant 0 : index
    %swap3A_83 = vector.load %arg10[%swap3A, %swap3A_82] : memref<2000x128xf32, #tpu.memory_space<vmem>>, vector<2000x128xf32>
    tpu.vector_store %arg10[%swap3A, %swap3A_82], %add3A_81 {strides = array<i32>} : memref<2000x128xf32, #tpu.memory_space<vmem>>, vector<2000x128xf32>,
    return
  }
  func.func @transform_0(%arg0: i32) -> (i32, i32) {
    %c0_i32 = arith.constant 0 : i32
    %c0_i32_0 = arith.constant 0 : i32
    return %arg0, %c0_i32 : i32, i32
  }
  func.func @transform_1(%arg0: i32) -> (i32, i32, i32) {
    %c0_i32 = arith.constant 0 : i32
    %c0_i32_0 = arith.constant 0 : i32
    %c0_i32_1 = arith.constant 0 : i32
    return %c0_i32, %arg0, %c0_i32_0 : i32, i32, i32
  }
  func.func @transform_2(%arg0: i32) -> (i32, i32, i32) {
    %c0_i32 = arith.constant 0 : i32
    %c0_i32_0 = arith.constant 0 : i32
    %c0_i32_1 = arith.constant 0 : i32
    return %c0_i32, %arg0, %c0_i32_0 : i32, i32, i32
  }
  func.func @transform_3(%arg0: i32) -> (i32, i32, i32) {
    %c0_i32 = arith.constant 0 : i32
    %c0_i32_0 = arith.constant 0 : i32
    %c0_i32_1 = arith.constant 0 : i32
    return %c0_i32, %arg0, %c0_i32_0 : i32, i32, i32
  }
  func.func @transform_4(%arg0: i32) -> (i32, i32) {
    %c0_i32 = arith.constant 0 : i32
    %c0_i32_0 = arith.constant 0 : i32
    %c0_i32_1 = arith.constant 0 : i32
    return %c0_i32, %c0_i32_0 : i32, i32
  }
  func.func @transform_5(%arg0: i32) -> (i32, i32) {
    %c0_i32 = arith.constant 0 : i32
    %c0_i32_0 = arith.constant 0 : i32
    %c0_i32_1 = arith.constant 0 : i32
    return %c0_i32, %c0_i32_0 : i32, i32
  }
  func.func @transform_6(%arg0: i32) -> (i32, i32) {
    %c0_i32 = arith.constant 0 : i32
    %c0_i32_0 = arith.constant 0 : i32
    %c0_i32_1 = arith.constant 0 : i32
    return %c0_i32, %c0_i32_0 : i32, i32
  }
  func.func @transform_7(%arg0: i32) -> (i32, i32) {
    %c0_i32 = arith.constant 0 : i32
    %c0_i32_0 = arith.constant 0 : i32
    %c0_i32_1 = arith.constant 0 : i32
    return %c0_i32, %c0_i32_0 : i32, i32
  }
  func.func @transform_8(%arg0: i32) -> (i32, i32) {
    %c0_i32 = arith.constant 0 : i32
    %c0_i32_0 = arith.constant 0 : i32
    %c0_i32_1 = arith.constant 0 : i32
    return %c0_i32, %c0_i32_0 : i32, i32
  }
  func.func @transform_9(%arg0: i32) -> (i32, i32) {
    %c0_i32 = arith.constant 0 : i32
    %c0_i32_0 = arith.constant 0 : i32
    return %arg0, %c0_i32 : i32, i32
  }
}

</mosaic_0001>

<sc_bundles>
// kernel: kernel.13.cloned.1.call-start
scs
__scs_entry_jumppad:
0x0: {  	(pc) =	sbr.rel $0x88, $3  }
0x1: {  	(tag) =	ssettag $0x0;
	lr =	simm.s32 $0x1  }
0x2: {  	[smem:$0x3F96] =	sst lr;
	_ =	strace $0xD0000000  }
0x3: {  	_ = 	snop  }
0x4: {  	_ = 	snop  }
0x5: {  	_ = 	snop  }
0x6: {  	_ = 	snop  }
0x7: {  	_ = 	snop  }
__scs_overlays_trampoline_lowered:
0x8: {  	[smem:$0x3FA5] =	sst s0  }
0x9: {  	[smem:$0x3FA6] =	sst s1  }
0xa: {  	[smem:$0x3FA7] =	sst s2  }
0xb: {  	[smem:$0x3FA8] =	sst s3  }
0xc: {  	[smem:$0x3FA9] =	sst s4  }
0xd: {  	[smem:$0x3FAA] =	sst s5  }
0xe: {  	[smem:$0x3FAB] =	sst s6  }
0xf: {  	[smem:$0x3FAC] =	sst s7  }
0x10: {  	[smem:$0x3FAD] =	sst s8  }
0x11: {  	[smem:$0x3FAE] =	sst s9;
	s0 =	simm.s32 @!p0 $0x0  }
0x12: {  	s1 =	sld [smem:$0x3F94];
	s0 =	simm.s32 @p0 $0x1  }
0x13: {  	[smem:$0x3FAF] =	sst s0;
	s0 =	simm.s32 @!p1 $0x0  }
0x14: {  	s2 =	sld [smem:$0x3F93];
	s0 =	simm.s32 @p1 $0x1  }
0x15: {  	[smem:$0x3FB0] =	sst s0;
	s0 =	simm.s32 @!p2 $0x0  }
0x16: {  	s3 =	sld [smem:$0x3FDB];
	s0 =	simm.s32 @p2 $0x1  }
0x17: {  	s4 =	simm.s32 $0x1BF5;
	[smem:$0x3FB2] =	sst s0  }
0x18: {  	s0 =	sld [smem:$0x3F95];
	_ =	swait.ge [sflag:s4], $0x0  }
0x19: {  	s7 =	sld [smem:$0x3F96]  }
0x1a: {  	s8 =	sadd.s32 $0xFFFFE003, lr  }
0x1b: {  	s9 =	sadd.s32 $0xFFFFFEF7, lr;
	s5 =	simm.s32 $0xFFFFFFFF;
	p2 =	slt.u32 s8, $0xFFFFF086  }
0x1c: {  	p1 =	slt.u32 s9, $0xF7A;
	s5 =	simm.s32 @!p2 $0x0  }
0x1d: {  	s5 =	simm.s32 @p1 $0x1;
	p0 =	seq.s32 s7, s2  }
0x1e: {  	s7 =	smul.u32 @!p0 $0xF7A, s2;
	p2 =	seq.s32 @!p0 s5, $0x0  }
0x1f: {  	s9 =	smul.u32 $0xF7A, s1;
	s8 =	simm.s32 @!p0 $0x1BF5;
	p2 =	por !p2, p0  }
0x20: {  	[sflag:s8] =	ssyncset.s32 @!p0 $0xFFFFF086;
	s6 =	sadd.s32 @!p0 s3, s7;
	s7 =	simm.s32 @!p0 $0x108  }
0x21: {  	s3 =	sadd.s32 s3, s9;
	s6 =	sadd.s32 @!p0 $0x88, s6;
	s7 =	simm.s32 @p2 $0x1082  }
0x22: {  	[simem:s7], [sflag:s8] =	dma.local @!p0 [hbm:s6], $0xF7A  }
0x23: {  	s9 =	sor.u32 $0xD0000000, s2;
	s6 =	simm.s32 $0x108;
	_ =	swait.ge @!p0 [sflag:s8], $0x0  }
0x24: {  	s3 =	sadd.s32 $0x88, s3;
	s6 =	simm.s32 @!p1 $0x1082;
	[sflag:s4] =	ssyncset.s32 $0xFFFFF086  }
0x25: {  	[simem:s6], [sflag:s4] =	dma.local [hbm:s3], $0xF7A  }
0x26: {  	[smem:$0x3F96] =	sst s1;
	(tag) =	ssettag s2;
	_ =	strace s9  }
0x27: {  	s1 =	sld [smem:$0x3FA6]  }
0x28: {  	s2 =	sld [smem:$0x3FA7]  }
0x29: {  	s4 =	sld [smem:$0x3FA9]  }
0x2a: {  	p0 =	seq.s32 s5, $0x0;
	s5 =	sld [smem:$0x3FAA]  }
0x2b: {  	s6 =	sld [smem:$0x3FAB]  }
0x2c: {  	s7 =	sld [smem:$0x3FAC]  }
0x2d: {  	s3 =	simm.s32 $0x108;
	s8 =	sld [smem:$0x3FAD]  }
0x2e: {  	s3 =	simm.s32 @!p0 $0x1082;
	s9 =	sld [smem:$0x3FAE]  }
0x2f: {  	lr =	sadd.s32 s0, s3;
	s0 =	sld [smem:$0x3FA5]  }
0x30: {  	s3 =	sld [smem:$0x3FA8]  }
0x31: {  	[smem:$0x3FB1] =	sst s10  }
0x32: {  	s10 =	sld [smem:$0x3FAF];
	_ =	sdelay $0x3  }
0x33: {  	p0 =	seq.s32 s10, $0x1;
	s10 =	sld [smem:$0x3FB1];
	_ =	sdelay $0x3  }
0x34: {  	[smem:$0x3FB1] =	sst s10  }
0x35: {  	s10 =	sld [smem:$0x3FB0];
	_ =	sdelay $0x3  }
0x36: {  	p1 =	seq.s32 s10, $0x1;
	s10 =	sld [smem:$0x3FB1];
	_ =	sdelay $0x3  }
0x37: {  	[smem:$0x3FB1] =	sst s10  }
0x38: {  	s10 =	sld [smem:$0x3FB2]  }
0x39: {  	_ = 	snop;
	(pc) =	sbr.ind lr, $3  }
0x3a: {  	_ = 	snop  }
0x3b: {  	_ = 	snop  }
0x3c: {  	p2 =	seq.s32 s10, $0x1;
	s10 =	sld [smem:$0x3FB1]  }
0x3d: {  	_ =	shalt  }
0x3e: {  	_ =	shalt  }
0x3f: {  	_ =	shalt  }
0x40: {  	_ =	shalt  }
0x41: {  	_ =	shalt  }
0x42: {  	_ =	shalt  }
0x43: {  	_ =	shalt  }
0x44: {  	_ =	shalt  }
0x45: {  	_ =	shalt  }
0x46: {  	_ =	shalt  }
0x47: {  	_ =	shalt  }
0x48: {  	_ =	shalt  }
0x49: {  	_ =	shalt  }
0x4a: {  	_ =	shalt  }
0x4b: {  	_ =	shalt  }
0x4c: {  	_ =	shalt  }
0x4d: {  	_ =	shalt  }
0x4e: {  	_ =	shalt  }
0x4f: {  	_ =	shalt  }
0x50: {  	_ =	shalt  }
0x51: {  	_ =	shalt  }
0x52: {  	_ =	shalt  }
0x53: {  	_ =	shalt  }
0x54: {  	_ =	shalt  }
0x55: {  	_ =	shalt  }
0x56: {  	_ =	shalt  }
0x57: {  	_ =	shalt  }
0x58: {  	_ =	shalt  }
0x59: {  	_ =	shalt  }
0x5a: {  	_ =	shalt  }
0x5b: {  	_ =	shalt  }
0x5c: {  	_ =	shalt  }
0x5d: {  	_ =	shalt  }
0x5e: {  	_ =	shalt  }
0x5f: {  	_ =	shalt  }
0x60: {  	_ =	shalt  }
0x61: {  	_ =	shalt  }
0x62: {  	_ =	shalt  }
0x63: {  	_ =	shalt  }
0x64: {  	_ =	shalt  }
0x65: {  	_ =	shalt  }
0x66: {  	_ =	shalt  }
0x67: {  	_ =	shalt  }
0x68: {  	_ =	shalt  }
0x69: {  	_ =	shalt  }
0x6a: {  	_ =	shalt  }
0x6b: {  	_ =	shalt  }
0x6c: {  	_ =	shalt  }
0x6d: {  	_ =	shalt  }
0x6e: {  	_ =	shalt  }
0x6f: {  	_ =	shalt  }
0x70: {  	_ =	shalt  }
0x71: {  	_ =	shalt  }
0x72: {  	_ =	shalt  }
0x73: {  	_ =	shalt  }
0x74: {  	_ =	shalt  }
0x75: {  	_ =	shalt  }
0x76: {  	_ =	shalt  }
0x77: {  	_ =	shalt  }
0x78: {  	_ =	shalt  }
0x79: {  	_ =	shalt  }
0x7a: {  	_ =	shalt  }
0x7b: {  	_ =	shalt  }
0x7c: {  	_ =	shalt  }
0x7d: {  	_ =	shalt  }
0x7e: {  	_ =	shalt  }
0x7f: {  	_ =	shalt  }
0x80: {  	_ =	shalt  }
0x81: {  	_ =	shalt  }
0x82: {  	_ =	shalt  }
0x83: {  	_ =	shalt  }
0x84: {  	_ =	shalt  }
0x85: {  	_ =	shalt  }
0x86: {  	_ =	shalt  }
0x87: {  	_ =	shalt  }
.Lfunc_end0:
.L_simem_size_0:
called_computation_lowered:
.L_overlay_start_0:
0x88: {  	s2 =	sld [smem:$0x3FD9]  }
0x89: {  	s3 =	sld [smem:$0x3FFE];
	_ =	sdelay $0x1  }
0x8a: {  	s1 =	srdreg.scid  }
0x8b: {  	s0 =	sand.u32 $0x1, s1  }
0x8c: {  	s17 =	sshll.u32 s0, $0xA;
	s2 =	sadd.s32 s3, s2  }
0x8d: {  	s2 =	sadd.s32 s2, s17  }
0x8e: {  	[smem:$0x3FBD] =	sst s2  }
0x8f: {  	_ = 	snop  }
0x90: {  	s2 =	sld [smem:$0x3FD0];
	(tm) =	ssettm $0x1  }
0x91: {  	s18 =	sld [smem:$0x3FFB];
	_ =	sdelay $0x3  }
0x92: {  	_ =	strace s18  }
0x93: {  	s3 =	sld [smem:$0x3FFC];
	_ =	sdelay $0x3  }
0x94: {  	_ =	strace s3  }
0x95: {  	s3 =	sld [smem:$0x3FFD];
	_ =	sdelay $0x3  }
0x96: {  	_ =	strace s3  }
0x97: {  	_ =	strace $0x8FFFFFFF  }
0x98: {  	s19 =	sld [smem:$0x3FDB];
	_ =	sdelay $0x1  }
0x99: {  	s4 =	simm.s32 $_scs_section_size  }
0x9a: {  	s5 =	simm.s32 $_size__tile_overlayer_lowered;
	s6 =	simm.s32 $_tile_overlayer_lowered  }
0x9b: {  	s22 =	simm.s32 $0x1BFF;
	s21 =	sshll.u32 s6, $0x1;
	s3 =	sadd.s32 s4, s19  }
0x9c: {  	s7 =	simm.s32 $0x0;
	s20 =	sshll.u32 s5, $0x1;
	s5 =	sadd.s32 s21, s3  }
0x9d: {  	[timem:s7], [sflag:s22] =	dma.local [hbm:s5], s20  }
0x9e: {  	_ =	swait.ge [sflag:s22], s20  }
0x9f: {  	s4 =	ssub.s32 $0x0, s20;
	[sflag:s22] =	ssyncset.done $0x0  }
0xa0: {  	[sflag:s22] =	ssyncadd.s32 s4;
	_ =	sdelay $0x1  }
0xa1: {  	s23 =	simm.s32 $0x1B8B  }
0xa2: {  	_ =	swait.ge [sflag:s23], $0x1  }
0xa3: {  	[sflag:s23] =	ssyncset.done $0x0  }
0xa4: {  	s25 =	simm.s32 $0x1B8E;
	s24 =	sld [smem:$0x3FFE];
	[sflag:s23] =	ssyncadd.s32 $0xFFFFFFFF  }
0xa5: {  	s26 =	simm.s32 $execute0_lowered;
	[smem:$0x3FD2] =	sst s25  }
0xa6: {  	s5 =	sshll.u32 s26, $0x1;
	_ =	strace $0x80000046;
	[dreg:$0x1] =	wrdreg $0xFFFFFFFF  }
0xa7: {  	s28 =	simm.s32 $_size_execute0_lowered;
	s3 =	sadd.s32 s3, s5;
	[dreg:$0x0] =	wrdreg $0x0  }
0xa8: {  	s5 =	sshll.u32 s28, $0x1;
	[dreg:$0x2] =	wrdreg s3  }
0xa9: {  	[dreg:$0x3] =	wrdreg s5  }
0xaa: {  	[dreg:$0x4] =	wrdreg $0xC0  }
0xab: {  	_ =	task [dreg:s7], $0x5FFFF  }
0xac: {  	[dreg:$0x1] =	wrdreg $0xFFFFFFFF  }
0xad: {  	[dreg:$0x0] =	wrdreg $0x60  }
0xae: {  	[dreg:$0x2] =	wrdreg s2  }
0xaf: {  	[dreg:$0x3] =	wrdreg s24  }
0xb0: {  	[dreg:$0x4] =	wrdreg $0x9  }
0xb1: {  	_ =	task.clear_ibuf [dreg:s7], $0x5FFFF;
	_ =	strace $0x90000046  }
0xb2: {  	s29 =	simm.s32 $0x9;
	_ =	strace $0x80000053  }
0xb3: {  	_ =	swait.ge [sflag:s29], $0x1  }
0xb4: {  	[sflag:s29] =	ssyncadd.s32 $0xFFFFFFFF  }
0xb5: {  	_ =	strace $0x90000053  }
0xb6: {  	_ =	sfence  }
0xb7: {  	s30 =	sld [smem:$0x0];
	_ =	sdelay $0x2  }
0xb8: {  	s31 =	sshll.u32 s1, $0xD;
	s1 =	sshrl.u32 s1, $0x2  }
0xb9: {  	s3 =	sand.u32 $0x4000, s31;
	s1 =	sadd.s32 s1, s30  }
0xba: {  	s0 =	sor.u32 s3, s0;
	s1 =	sshll.u32 s1, $0x11  }
0xbb: {  	s0 =	sor.u32 s1, s0  }
0xbc: {  	s0 =	sadd.s32 $0x8F2B, s0  }
0xbd: {  	[sflag:s0] =	ssyncadd.remote.s32 $0x1  }
0xbe: {  	_ =	sfence.sel $0xFFFF  }
0xbf: {  	[dreg:$0x0] =	wrdreg $0xFFFFFFFF;
	(pc) =	sbr.abs _section_cstart, $3  }
0xc0: {  	[dreg:$0x1] =	wrdreg $0xFFFFFFFF  }
0xc1: {  	_ =	task.clear_ibuf [dreg:s7], $0x2FFFF;
	_ =	strace $0x9FFFFFFF  }
0xc2: {  	(tm) =	ssettm $0x7FFFFFFF  }
0xc3: {  	_ =	shalt  }
tec
execute0_lowered:
.L_overlay_start_1:
0x0: {  	(tag) =	ssettag $0x1  }
0x1: {  	s1 =	rddreg [dreg:$0x0]  }
0x2: {  	s0 =	rddreg [dreg:$0x1]  }
0x3: {  	s2 =	simm.s32 $0x0;
	s3 =	srdreg.scid;
	s7 =	stileid.u32  }
0x4: {  	s14 =	simm.s32 $0x80;
	s15 =	simm.s32 $0x1;
	s16 =	simm.s32 $0x0  }
0x5: {  	[smem:$0x7FF] =	sst s2;
	s3 =	sand.u32 $0x1, s3;
	s4 =	sadd.s32 $0xEA00, s0  }
0x6: {  	s5 =	sadd.s32 $0x9A00, s0;
	s8 =	sadd.s32 $0x2B5C00, s0;
	s6 =	sshll.u32 s3, $0x4  }
0x7: {  	_ =	strace $0x80000047;
	s3 =	ssub.s32 $0x2, s3;
	s9 =	sor.u32 s7, s6  }
0x8: {  	s6 =	sadd.s32 $0x4A00, s0;
	s31 =	sshrl.u32 s3, $0x1;
	s11 =	smul.u32 $0x280, s9  }
0x9: {  	s7 =	sadd.s32 $0x35C00, s0;
	s0 =	ssub.s32 s3, s31;
	s9 =	smul.u32 $0x28, s9  }
0xa: {  	s12 =	smax.u32 s0, $0x1;
	s10 =	sadd.s32 s5, s11;
	s11 =	sadd.s32 s6, s11  }
.LBB2_1:
0xb: {  	_ =	strace $0x80000048  }
0xc: {  	s0 =	simm.s32 $0x100;
	s18 =	simm.s32 $0x28;
	s28 =	simm.s32 $0x0  }
0xd: {  	s17 =	simm.s32 $0x0;
	s19 =	simm.s32 $0x0;
	s24 =	simm.s32 $0x0  }
0xe: {  	[tilespmem:s2], [sflag:$0x2] =	stream.linear.gather [hbm4b:s10+s2], $0x80, $0x200038;
	[tilespmem:$0x10200] =	vst v63  }
0xf: {  	s20 =	simm.s32 $0x0;
	s21 =	simm.s32 $0x0;
	s22 =	simm.s32 $0x1  }
0x10: {  	[tilespmem:s0], [sflag:$0x4] =	stream.linear.gather [hbm4b:s11+s2], $0x80, $0x200038;
	[tilespmem:$0x10200] =	vst v63  }
0x11: {  	s23 =	simm.s32 $0x0;
	s26 =	simm.s32 $0x1;
	_ =	strace $0x90000048  }
.LBB2_2:
0x12: {  	s25 =	sadd.s32 $0x1, s28  }
0x13: {  	p0 =	seq.s32 s25, $0x28  }
0x14: {  	s25 =	simm.s32 @p0 $0x0;
	p0 =	seq.s32 s18, $0x1  }
0x15: {  	p1 =	seq.s32 @!p0 s28, s25  }
0x16: {  	p2 =	por p1, p0  }
0x17: {  	s0 =	sadd.s32 @!p2 s9, s25  }
0x18: {  	s3 =	sand.u32 @!p2 $0x1, s26;
	s0 =	sshll.u32 @!p2 s0, $0x4  }
0x19: {  	_ =	strace @!p2 $0x80000049;
	s31 =	simm.s32 @!p2 $0x0;
	s0 =	sand.u32 @!p2 $0x1FFFFFF0, s0  }
0x1a: {  	s29 =	sshll.u32 @!p2 s3, $0x7;
	s3 =	sor.u32 @!p2 $0x2, s3;
	s30 =	sadd.s32 @!p2 s5, s0  }
0x1b: {  	[tilespmem:s29], [sflag:s3] =	stream.linear.gather @!p2 [hbm4b:s30+s31], $0x80, $0x200038;
	[tilespmem:$0x10200] =	vst v63  }
0x1c: {  	s3 =	sand.u32 @!p2 $0x1, s22  }
0x1d: {  	s0 =	sadd.s32 @!p2 s6, s0;
	_ =	strace @!p2 $0x90000049;
	s29 =	sshll.u32 @!p2 s3, $0x7  }
0x1e: {  	s3 =	sor.u32 @!p2 $0x4, s3;
	_ =	strace @!p2 $0x8000004A;
	s29 =	sor.u32 @!p2 $0x100, s29  }
0x1f: {  	[tilespmem:s29], [sflag:s3] =	stream.linear.gather @!p2 [hbm4b:s0+s31], $0x80, $0x200038;
	[tilespmem:$0x10200] =	vst v63  }
0x20: {  	s3 =	sand.u32 $0x1, s23;
	_ =	strace @!p2 $0x9000004A  }
0x21: {  	s0 =	sor.u32 $0x2, s3;
	_ =	strace $0x8000004B  }
0x22: {  	_ =	swait.ge [sflag:s0], $0x80  }
0x23: {  	[sflag:s0] =	ssyncset.done $0x0  }
0x24: {  	[sflag:s0] =	ssyncadd.s32 $0xFFFFFF80  }
0x25: {  	s13 =	sand.u32 $0x1, s21;
	_ =	strace $0x9000004B  }
0x26: {  	s0 =	sor.u32 $0x4, s13;
	_ =	strace $0x8000004C  }
0x27: {  	s30 =	sand.u32 $0x1, s20;
	_ =	swait.ge [sflag:s0], $0x80  }
0x28: {  	s29 =	sshll.u32 s30, $0xE;
	s31 =	sshll.u32 s23, $0x7;
	[sflag:s0] =	ssyncset.done $0x0  }
0x29: {  	s3 =	sand.u32 $0x80, s31;
	s13 =	sshll.u32 s21, $0x7;
	[sflag:s0] =	ssyncadd.s32 $0xFFFFFF80  }
0x2a: {  	s31 =	sand.u32 $0x1, s19;
	s13 =	sand.u32 $0x80, s13;
	_ =	strace $0x9000004C  }
0x2b: {  	s0 =	sor.u32 $0x200, s29;
	s29 =	sshll.u32 s31, $0xE;
	_ =	strace $0x8000004D  }
0x2c: {  	[tilespmem:s0], [sflag:$0x1] =	stream.indirect.gather [hbm4b:s1+s14], $0x80, s3, s14, $0x2000b8;
	[tilespmem:$0x10200] =	vst v63  }
0x2d: {  	s13 =	sor.u32 $0x100, s13;
	s3 =	sor.u32 $0x8200, s29  }
0x2e: {  	[tilespmem:s3], [sflag:$0x1] =	stream.indirect.gather [hbm4b:s4+s14], $0x80, s13, s14, $0x2000b8;
	[tilespmem:$0x10200] =	vst v63  }
0x2f: {  	_ =	swait.ge [sflag:s15], $0x4000  }
0x30: {  	[sflag:s15] =	ssyncset.done $0x0  }
0x31: {  	[sflag:s15] =	ssyncadd.s32 $0xFFFFC000  }
0x32: {  	p3 =	por p0, !p1;
	_ =	swait.ge [sflag:s15], $0x4000  }
0x33: {  	s13 =	sadd.s32 @p3 s9, s28;
	[sflag:s15] =	ssyncset.done $0x0  }
0x34: {  	s13 =	sshll.u32 @p3 s13, $0xB;
	[sflag:s15] =	ssyncadd.s32 $0xFFFFC000  }
0x35: {  	s29 =	simm.s32 $0x0;
	s13 =	sand.u32 @p3 $0x1FFFF800, s13;
	_ =	strace $0x9000004D  }
0x36: {  	s28 =	sor.u32 @p3 $0x6, s30;
	s29 =	sadd.s32 @p3 s7, s13;
	_ =	strace @p3 $0x8000004E  }
0x37: {  	[hbm4b:s29+s2] =	stream.linear.scatter @p3 [tilespmem:s0], [sflag:s28], $0x4000, $0x200038;
	[tilespmem:$0x10200] =	vst v63  }
0x38: {  	p1 =	por !p1, p0;
	s20 =	sadd.s32 @p3 $0x1, s20;
	_ =	strace @p3 $0x9000004E  }
0x39: {  	s13 =	sadd.s32 @p3 s8, s13;
	s0 =	sor.u32 @p3 $0x8, s31;
	_ =	strace @p3 $0x8000004F  }
0x3a: {  	[hbm4b:s13+s2] =	stream.linear.scatter @p3 [tilespmem:s3], [sflag:s0], $0x4000, $0x200038;
	[tilespmem:$0x10200] =	vst v63  }
0x3b: {  	s29 =	simm.s32 @p3 $0x1;
	_ =	strace @p3 $0x9000004F;
	p3 =	seq.s32 s18, $0x28  }
0x3c: {  	s30 =	smov.u32 s26;
	s28 =	smov.u32 s25;
	s0 =	sand.u32 @!p3 $0x1, s24  }
0x3d: {  	s19 =	sadd.s32 s19, s29;
	_ =	strace @!p3 $0x80000050;
	s0 =	sor.u32 @!p3 $0x6, s0  }
0x3e: {  	s23 =	sadd.s32 s23, s29;
	s3 =	sadd.s32 @!p2 $0x1, s26;
	_ =	swait.ge @!p3 [sflag:s0], $0x4000  }
0x3f: {  	s30 =	smov.u32 @p1 s3;
	s18 =	sadd.s32 $0xFFFFFFFF, s18;
	[sflag:s0] =	ssyncset.done @!p3 $0x0  }
0x40: {  	s13 =	sand.u32 @!p3 $0x1, s17;
	[sflag:s0] =	ssyncadd.s32 @!p3 $0xFFFFC000;
	s0 =	simm.s32 $0x0  }
0x41: {  	s30 =	smov.u32 @p0 s26;
	s3 =	simm.s32 @!p3 $0x1;
	s0 =	simm.s32 @p1 $0x1  }
0x42: {  	_ =	strace @!p3 $0x90000050;
	s0 =	simm.s32 @p0 $0x0;
	p0 =	sne.s32 s18, $0x0  }
.Ltmp0:
0x43: {  	s13 =	sor.u32 @!p3 $0x8, s13;
	_ =	strace @!p3 $0x80000051;
	(pc) =	sbr.rel @p0 .LBB2_2-.Ltmp0, $4  }
0x44: {  	s21 =	sadd.s32 s21, s29;
	s3 =	simm.s32 @p3 $0x0;
	_ =	swait.ge @!p3 [sflag:s13], $0x4000  }
0x45: {  	s22 =	sadd.s32 s22, s0;
	s0 =	sadd.s32 @!p3 $0x1, s24;
	[sflag:s13] =	ssyncset.done @!p3 $0x0  }
0x46: {  	s26 =	smov.u32 s30;
	s0 =	smov.u32 @p3 s24;
	[sflag:s13] =	ssyncadd.s32 @!p3 $0xFFFFC000  }
0x47: {  	s17 =	sadd.s32 s17, s3;
	s24 =	smov.u32 s0;
	_ =	strace @!p3 $0x90000051  }
0x48: {  	s0 =	sand.u32 $0x1, s0  }
0x49: {  	_ =	strace $0x80000052;
	s0 =	sor.u32 $0x6, s0  }
0x4a: {  	s16 =	sadd.s32 $0x1, s16;
	_ =	swait.ge [sflag:s0], $0x4000  }
0x4b: {  	s3 =	sand.u32 $0x1, s17;
	p0 =	sne.s32 s16, s12;
	[sflag:s0] =	ssyncset.done $0x0  }
.Ltmp1:
0x4c: {  	s31 =	sor.u32 $0x8, s3;
	[sflag:s0] =	ssyncadd.s32 $0xFFFFC000;
	(pc) =	sbr.rel @p0 .LBB2_1-.Ltmp1, $4  }
0x4d: {  	_ =	swait.ge [sflag:s31], $0x4000  }
0x4e: {  	[sflag:s31] =	ssyncset.done $0x0  }
0x4f: {  	[sflag:s31] =	ssyncadd.s32 $0xFFFFC000  }
0x50: {  	_ =	strace $0x90000052  }
0x51: {  	_ =	sfence.sel $0x180000  }
0x52: {  	[bflag:$0x0] =	sbarrier.arrive $0xFFFF  }
0x53: {  	_ =	strace $0x90000047  }
0x54: {  	s0 =	stileid.u32;
	[bflag:$0x2] =	sbarrier.arrive $0xFFFF  }
0x55: {  	p0 =	sne.s32 s0, $0x0;
	s0 =	rddreg [dreg:$0x2]  }
0x56: {  	s0 =	sadd.s32 @!p0 $0x100000, s0  }
0x57: {  	[sflag:s0] =	ssyncadd.tile.s32 @!p0 $0x1;
	_ =	shalt  }
.Lfunc_end2:
_tile_overlayer_lowered:
.L_overlay_start_2:
0x58: {  	(tag) =	ssettag $0x2  }
0x59: {  	s0 =	rddreg [dreg:$0x0];
	s2 =	stileid.u32  }
0x5a: {  	s1 =	rddreg [dreg:$0x1];
	p0 =	sne.s32 s2, $0x0  }
0x5b: {  	s3 =	rddreg [dreg:$0x2];
	[bflag:$0x3] =	sbarrier.arrive $0xFFFF;
	s2 =	simm.s32 @!p0 $0x1C02  }
0x5c: {  	[timem:s3], [sflag:s2] =	dma.local @!p0 [hbm:s0], s1  }
0x5d: {  	s0 =	simm.s32 @!p0 $0x2  }
0x5e: {  	_ =	swait.ge @!p0 [sflag:s0], s1  }
0x5f: {  	s1 =	ssub.s32 @!p0 $0x0, s1;
	[sflag:s0] =	ssyncset.done @!p0 $0x0  }
0x60: {  	[sflag:s0] =	ssyncadd.s32 @!p0 s1  }
0x61: {  	[bflag:$0x3] =	sbarrier.arrive $0xFFFF  }
0x62: {  	_ =	shalt  }

// kernel: kernel.16.cloned.1.call-start
scs
__scs_entry_jumppad:
0x0: {  	(pc) =	sbr.rel $0x88, $3  }
0x1: {  	(tag) =	ssettag $0x0;
	lr =	simm.s32 $0x1  }
0x2: {  	[smem:$0x3F96] =	sst lr;
	_ =	strace $0xD0000000  }
0x3: {  	_ = 	snop  }
0x4: {  	_ = 	snop  }
0x5: {  	_ = 	snop  }
0x6: {  	_ = 	snop  }
0x7: {  	_ = 	snop  }
__scs_overlays_trampoline_lowered:
0x8: {  	[smem:$0x3FA5] =	sst s0  }
0x9: {  	[smem:$0x3FA6] =	sst s1  }
0xa: {  	[smem:$0x3FA7] =	sst s2  }
0xb: {  	[smem:$0x3FA8] =	sst s3  }
0xc: {  	[smem:$0x3FA9] =	sst s4  }
0xd: {  	[smem:$0x3FAA] =	sst s5  }
0xe: {  	[smem:$0x3FAB] =	sst s6  }
0xf: {  	[smem:$0x3FAC] =	sst s7  }
0x10: {  	[smem:$0x3FAD] =	sst s8  }
0x11: {  	[smem:$0x3FAE] =	sst s9;
	s0 =	simm.s32 @!p0 $0x0  }
0x12: {  	s1 =	sld [smem:$0x3F94];
	s0 =	simm.s32 @p0 $0x1  }
0x13: {  	[smem:$0x3FAF] =	sst s0;
	s0 =	simm.s32 @!p1 $0x0  }
0x14: {  	s2 =	sld [smem:$0x3F93];
	s0 =	simm.s32 @p1 $0x1  }
0x15: {  	[smem:$0x3FB0] =	sst s0;
	s0 =	simm.s32 @!p2 $0x0  }
0x16: {  	s3 =	sld [smem:$0x3FDB];
	s0 =	simm.s32 @p2 $0x1  }
0x17: {  	s4 =	simm.s32 $0x1BF5;
	[smem:$0x3FB2] =	sst s0  }
0x18: {  	s0 =	sld [smem:$0x3F95];
	_ =	swait.ge [sflag:s4], $0x0  }
0x19: {  	s7 =	sld [smem:$0x3F96]  }
0x1a: {  	s8 =	sadd.s32 $0xFFFFE003, lr  }
0x1b: {  	s9 =	sadd.s32 $0xFFFFFEF7, lr;
	s5 =	simm.s32 $0xFFFFFFFF;
	p2 =	slt.u32 s8, $0xFFFFF086  }
0x1c: {  	p1 =	slt.u32 s9, $0xF7A;
	s5 =	simm.s32 @!p2 $0x0  }
0x1d: {  	s5 =	simm.s32 @p1 $0x1;
	p0 =	seq.s32 s7, s2  }
0x1e: {  	s7 =	smul.u32 @!p0 $0xF7A, s2;
	p2 =	seq.s32 @!p0 s5, $0x0  }
0x1f: {  	s9 =	smul.u32 $0xF7A, s1;
	s8 =	simm.s32 @!p0 $0x1BF5;
	p2 =	por !p2, p0  }
0x20: {  	[sflag:s8] =	ssyncset.s32 @!p0 $0xFFFFF086;
	s6 =	sadd.s32 @!p0 s3, s7;
	s7 =	simm.s32 @!p0 $0x108  }
0x21: {  	s3 =	sadd.s32 s3, s9;
	s6 =	sadd.s32 @!p0 $0x88, s6;
	s7 =	simm.s32 @p2 $0x1082  }
0x22: {  	[simem:s7], [sflag:s8] =	dma.local @!p0 [hbm:s6], $0xF7A  }
0x23: {  	s9 =	sor.u32 $0xD0000000, s2;
	s6 =	simm.s32 $0x108;
	_ =	swait.ge @!p0 [sflag:s8], $0x0  }
0x24: {  	s3 =	sadd.s32 $0x88, s3;
	s6 =	simm.s32 @!p1 $0x1082;
	[sflag:s4] =	ssyncset.s32 $0xFFFFF086  }
0x25: {  	[simem:s6], [sflag:s4] =	dma.local [hbm:s3], $0xF7A  }
0x26: {  	[smem:$0x3F96] =	sst s1;
	(tag) =	ssettag s2;
	_ =	strace s9  }
0x27: {  	s1 =	sld [smem:$0x3FA6]  }
0x28: {  	s2 =	sld [smem:$0x3FA7]  }
0x29: {  	s4 =	sld [smem:$0x3FA9]  }
0x2a: {  	p0 =	seq.s32 s5, $0x0;
	s5 =	sld [smem:$0x3FAA]  }
0x2b: {  	s6 =	sld [smem:$0x3FAB]  }
0x2c: {  	s7 =	sld [smem:$0x3FAC]  }
0x2d: {  	s3 =	simm.s32 $0x108;
	s8 =	sld [smem:$0x3FAD]  }
0x2e: {  	s3 =	simm.s32 @!p0 $0x1082;
	s9 =	sld [smem:$0x3FAE]  }
0x2f: {  	lr =	sadd.s32 s0, s3;
	s0 =	sld [smem:$0x3FA5]  }
0x30: {  	s3 =	sld [smem:$0x3FA8]  }
0x31: {  	[smem:$0x3FB1] =	sst s10  }
0x32: {  	s10 =	sld [smem:$0x3FAF];
	_ =	sdelay $0x3  }
0x33: {  	p0 =	seq.s32 s10, $0x1;
	s10 =	sld [smem:$0x3FB1];
	_ =	sdelay $0x3  }
0x34: {  	[smem:$0x3FB1] =	sst s10  }
0x35: {  	s10 =	sld [smem:$0x3FB0];
	_ =	sdelay $0x3  }
0x36: {  	p1 =	seq.s32 s10, $0x1;
	s10 =	sld [smem:$0x3FB1];
	_ =	sdelay $0x3  }
0x37: {  	[smem:$0x3FB1] =	sst s10  }
0x38: {  	s10 =	sld [smem:$0x3FB2]  }
0x39: {  	_ = 	snop;
	(pc) =	sbr.ind lr, $3  }
0x3a: {  	_ = 	snop  }
0x3b: {  	_ = 	snop  }
0x3c: {  	p2 =	seq.s32 s10, $0x1;
	s10 =	sld [smem:$0x3FB1]  }
0x3d: {  	_ =	shalt  }
0x3e: {  	_ =	shalt  }
0x3f: {  	_ =	shalt  }
0x40: {  	_ =	shalt  }
0x41: {  	_ =	shalt  }
0x42: {  	_ =	shalt  }
0x43: {  	_ =	shalt  }
0x44: {  	_ =	shalt  }
0x45: {  	_ =	shalt  }
0x46: {  	_ =	shalt  }
0x47: {  	_ =	shalt  }
0x48: {  	_ =	shalt  }
0x49: {  	_ =	shalt  }
0x4a: {  	_ =	shalt  }
0x4b: {  	_ =	shalt  }
0x4c: {  	_ =	shalt  }
0x4d: {  	_ =	shalt  }
0x4e: {  	_ =	shalt  }
0x4f: {  	_ =	shalt  }
0x50: {  	_ =	shalt  }
0x51: {  	_ =	shalt  }
0x52: {  	_ =	shalt  }
0x53: {  	_ =	shalt  }
0x54: {  	_ =	shalt  }
0x55: {  	_ =	shalt  }
0x56: {  	_ =	shalt  }
0x57: {  	_ =	shalt  }
0x58: {  	_ =	shalt  }
0x59: {  	_ =	shalt  }
0x5a: {  	_ =	shalt  }
0x5b: {  	_ =	shalt  }
0x5c: {  	_ =	shalt  }
0x5d: {  	_ =	shalt  }
0x5e: {  	_ =	shalt  }
0x5f: {  	_ =	shalt  }
0x60: {  	_ =	shalt  }
0x61: {  	_ =	shalt  }
0x62: {  	_ =	shalt  }
0x63: {  	_ =	shalt  }
0x64: {  	_ =	shalt  }
0x65: {  	_ =	shalt  }
0x66: {  	_ =	shalt  }
0x67: {  	_ =	shalt  }
0x68: {  	_ =	shalt  }
0x69: {  	_ =	shalt  }
0x6a: {  	_ =	shalt  }
0x6b: {  	_ =	shalt  }
0x6c: {  	_ =	shalt  }
0x6d: {  	_ =	shalt  }
0x6e: {  	_ =	shalt  }
0x6f: {  	_ =	shalt  }
0x70: {  	_ =	shalt  }
0x71: {  	_ =	shalt  }
0x72: {  	_ =	shalt  }
0x73: {  	_ =	shalt  }
0x74: {  	_ =	shalt  }
0x75: {  	_ =	shalt  }
0x76: {  	_ =	shalt  }
0x77: {  	_ =	shalt  }
0x78: {  	_ =	shalt  }
0x79: {  	_ =	shalt  }
0x7a: {  	_ =	shalt  }
0x7b: {  	_ =	shalt  }
0x7c: {  	_ =	shalt  }
0x7d: {  	_ =	shalt  }
0x7e: {  	_ =	shalt  }
0x7f: {  	_ =	shalt  }
0x80: {  	_ =	shalt  }
0x81: {  	_ =	shalt  }
0x82: {  	_ =	shalt  }
0x83: {  	_ =	shalt  }
0x84: {  	_ =	shalt  }
0x85: {  	_ =	shalt  }
0x86: {  	_ =	shalt  }
0x87: {  	_ =	shalt  }
.Lfunc_end0:
.L_simem_size_0:
called_computation.1_lowered:
.L_overlay_start_0:
0x88: {  	s2 =	sld [smem:$0x3FD9]  }
0x89: {  	s3 =	sld [smem:$0x3FFE];
	_ =	sdelay $0x1  }
0x8a: {  	s1 =	srdreg.scid  }
0x8b: {  	s0 =	sand.u32 $0x1, s1  }
0x8c: {  	s17 =	sshll.u32 s0, $0xA;
	s2 =	sadd.s32 s3, s2  }
0x8d: {  	s2 =	sadd.s32 s2, s17  }
0x8e: {  	[smem:$0x3FBD] =	sst s2  }
0x8f: {  	_ = 	snop  }
0x90: {  	(tm) =	ssettm $0x1  }
0x91: {  	s18 =	sld [smem:$0x3FFB];
	_ =	sdelay $0x3  }
0x92: {  	_ =	strace s18  }
0x93: {  	s2 =	sld [smem:$0x3FFC];
	_ =	sdelay $0x3  }
0x94: {  	_ =	strace s2  }
0x95: {  	s2 =	sld [smem:$0x3FFD];
	_ =	sdelay $0x3  }
0x96: {  	_ =	strace s2  }
0x97: {  	_ =	strace $0x8FFFFFFF  }
0x98: {  	s19 =	sld [smem:$0x3FDB];
	_ =	sdelay $0x1  }
0x99: {  	s20 =	simm.s32 $_scs_section_size  }
0x9a: {  	s4 =	simm.s32 $_size__tile_overlayer_lowered;
	s5 =	simm.s32 $_tile_overlayer_lowered  }
0x9b: {  	s6 =	simm.s32 $0x1BFF;
	s21 =	sshll.u32 s5, $0x1;
	s3 =	sadd.s32 s20, s19  }
0x9c: {  	s22 =	simm.s32 $0x0;
	s4 =	sshll.u32 s4, $0x1;
	s5 =	sadd.s32 s21, s3  }
0x9d: {  	[timem:s22], [sflag:s6] =	dma.local [hbm:s5], s4  }
0x9e: {  	_ =	swait.ge [sflag:s6], s4  }
0x9f: {  	s4 =	ssub.s32 $0x0, s4;
	[sflag:s6] =	ssyncset.done $0x0  }
0xa0: {  	[sflag:s6] =	ssyncadd.s32 s4;
	_ =	sdelay $0x1  }
0xa1: {  	s23 =	simm.s32 $0x1B8B  }
0xa2: {  	_ =	swait.ge [sflag:s23], $0x1  }
0xa3: {  	[sflag:s23] =	ssyncset.done $0x0  }
0xa4: {  	[sflag:s23] =	ssyncadd.s32 $0xFFFFFFFF  }
0xa5: {  	s4 =	sld [smem:$0x0]  }
0xa6: {  	s5 =	sand.u32 $0xFFFFFFFE, s1  }
0xa7: {  	p0 =	sne.s32 s1, s5  }
0xa8: {  	s5 =	sshll.u32 @p0 s5, $0xE  }
0xa9: {  	s5 =	sadd.s32 @p0 $0x11B8D, s5;
	s6 =	sshll.u32 @p0 s4, $0x11  }
0xaa: {  	s5 =	sor.u32 @p0 s6, s5  }
0xab: {  	[sflag:s5] =	ssyncadd.remote.s32 @p0 $0x1;
	_ =	sdelay $0x1  }
0xac: {  	s5 =	simm.s32 @p0 $0x1B8D  }
0xad: {  	_ =	swait.eq @p0 [sflag:s5], $0x1  }
0xae: {  	[sflag:s5] =	ssyncadd.s32 @p0 $0xFFFFFFFF  }
0xaf: {  	s6 =	sshll.u32 @!p0 s1, $0xE  }
0xb0: {  	s6 =	sor.u32 @!p0 $0x4000, s6;
	s5 =	simm.s32 @!p0 $0x1B8D  }
0xb1: {  	s4 =	sshll.u32 @!p0 s4, $0x11;
	s6 =	sadd.s32 @!p0 $0x11B8D, s6;
	_ =	swait.eq @!p0 [sflag:s5], $0x1  }
0xb2: {  	s4 =	sor.u32 @!p0 s4, s6;
	[sflag:s5] =	ssyncadd.s32 @!p0 $0xFFFFFFFF  }
0xb3: {  	s25 =	simm.s32 $0x1B8E;
	s24 =	sld [smem:$0x3FFE];
	[sflag:s4] =	ssyncadd.remote.s32 @!p0 $0x1  }
0xb4: {  	s26 =	simm.s32 $execute0_lowered;
	[smem:$0x3FD2] =	sst s25  }
0xb5: {  	s5 =	sshll.u32 s26, $0x1;
	_ =	strace $0x8000006C;
	[dreg:$0x1] =	wrdreg $0xFFFFFFFF  }
0xb6: {  	s28 =	simm.s32 $_size_execute0_lowered;
	s3 =	sadd.s32 s3, s5;
	[dreg:$0x0] =	wrdreg $0x0  }
0xb7: {  	s5 =	sshll.u32 s28, $0x1;
	[dreg:$0x2] =	wrdreg s3  }
0xb8: {  	[dreg:$0x3] =	wrdreg s5  }
0xb9: {  	[dreg:$0x4] =	wrdreg $0xC0  }
0xba: {  	_ =	task [dreg:s22], $0x5FFFF  }
0xbb: {  	[dreg:$0x1] =	wrdreg $0xFFFFFFFF  }
0xbc: {  	[dreg:$0x0] =	wrdreg $0x60  }
0xbd: {  	[dreg:$0x2] =	wrdreg s24  }
0xbe: {  	[dreg:$0x3] =	wrdreg $0x0  }
0xbf: {  	[dreg:$0x4] =	wrdreg $0x9  }
0xc0: {  	_ =	task.clear_ibuf [dreg:s22], $0x5FFFF;
	_ =	strace $0x9000006C  }
0xc1: {  	s29 =	simm.s32 $0x9;
	_ =	strace $0x80000074  }
0xc2: {  	_ =	swait.ge [sflag:s29], $0x1  }
0xc3: {  	[sflag:s29] =	ssyncadd.s32 $0xFFFFFFFF  }
0xc4: {  	_ =	strace $0x90000074  }
0xc5: {  	_ =	sfence  }
0xc6: {  	s30 =	sld [smem:$0x0];
	_ =	sdelay $0x2  }
0xc7: {  	s31 =	sshll.u32 s1, $0xD;
	s1 =	sshrl.u32 s1, $0x2  }
0xc8: {  	s4 =	sand.u32 $0x4000, s31;
	s1 =	sadd.s32 s1, s30  }
0xc9: {  	s0 =	sor.u32 s4, s0;
	s1 =	sshll.u32 s1, $0x11  }
0xca: {  	s0 =	sor.u32 s1, s0  }
0xcb: {  	s0 =	sadd.s32 $0x8F2B, s0  }
0xcc: {  	[sflag:s0] =	ssyncadd.remote.s32 $0x1  }
0xcd: {  	_ =	sfence.sel $0xFFFF  }
0xce: {  	[dreg:$0x0] =	wrdreg $0xFFFFFFFF;
	(pc) =	sbr.abs _section_cstart, $3  }
0xcf: {  	[dreg:$0x1] =	wrdreg $0xFFFFFFFF  }
0xd0: {  	_ =	task.clear_ibuf [dreg:s22], $0x2FFFF;
	_ =	strace $0x9FFFFFFF  }
0xd1: {  	(tm) =	ssettm $0x7FFFFFFF  }
tec
execute0_lowered:
.L_overlay_start_1:
0x0: {  	(tag) =	ssettag $0x1  }
0x1: {  	s6 =	rddreg [dreg:$0x0]  }
0x2: {  	s1 =	rddreg [dreg:$0x1];
	s3 =	srdreg.scid  }
0x3: {  	s2 =	simm.s32 $0x0;
	s8 =	stileid.u32;
	s15 =	simm.s32 $0x1  }
0x4: {  	s16 =	simm.s32 $0x0;
	s5 =	sand.u32 $0x1, s3;
	[smem:$0x7FF] =	sst s2  }
0x5: {  	s4 =	sadd.s32 $0x9A00, s6;
	s0 =	sadd.s32 $0x35C00, s6;
	s3 =	sshll.u32 s5, $0x4  }
0x6: {  	p0 =	sne.s32 s8, $0x0;
	s7 =	smul.u32 $0x27100, s5;
	s9 =	sor.u32 s8, s3  }
0x7: {  	_ =	strace $0x8000006D;
	s11 =	ssub.s32 $0x2, s5;
	s10 =	smul.u32 $0x28, s9  }
0x8: {  	[dreg:$0x4] =	wrdreg s0;
	s3 =	sadd.s32 $0xA03800, s6;
	s12 =	smul.u32 $0x14000, s9  }
0x9: {  	s13 =	sshrl.u32 s11, $0x1;
	s9 =	smul.u32 $0x280, s9;
	s14 =	sadd.s32 s7, s6  }
0xa: {  	s11 =	ssub.s32 s11, s13;
	s13 =	simm.s32 $0x80;
	s8 =	sadd.s32 $0x5CE00, s14  }
0xb: {  	s14 =	simm.s32 $0x5;
	[dreg:$0x3] =	wrdreg s10;
	s6 =	sadd.s32 s3, s12  }
0xc: {  	s7 =	sadd.s32 s4, s9;
	s9 =	smax.u32 s11, $0x1;
	s10 =	sshrl.u32 @!p0 s1, $0x3  }
.LBB2_1:
0xd: {  	s17 =	simm.s32 @!p0 $0x1C01;
	s0 =	rddreg [dreg:$0x4]  }
0xe: {  	[spmem:s10], [sflag:s17] =	dma.local @!p0 [hbm:s0], $0x27100  }
0xf: {  	s17 =	simm.s32 @!p0 $0x1  }
0x10: {  	_ =	swait.ge @!p0 [sflag:s17], $0x27100  }
0x11: {  	[sflag:s17] =	ssyncset.done @!p0 $0x0  }
0x12: {  	[sflag:s17] =	ssyncadd.s32 @!p0 $0xFFFD8F00  }
0x13: {  	[bflag:$0x0] =	sbarrier.arrive $0xFFFF  }
0x14: {  	s5 =	simm.s32 $0x13880;
	_ =	strace $0x8000006E  }
0x15: {  	[tilespmem:s5], [sflag:$0x1] =	stream.linear.gather [hbm4b:s6+s2], $0x4000, $0x200038;
	[tilespmem:$0x1B980] =	vst v63  }
0x16: {  	s11 =	simm.s32 $0x1B880;
	p1 =	por $0x0, $0x0;
	s17 =	simm.s32 $0x1  }
0x17: {  	[tilespmem:s11], [sflag:$0x3] =	stream.linear.gather [hbm4b:s7+s2], $0x80, $0x200038;
	[tilespmem:$0x1B980] =	vst v63  }
0x18: {  	s17 =	simm.s32 @p1 $0x0;
	_ =	strace $0x9000006E  }
0x19: {  	p1 =	seq.s32 s17, $0x0;
	s18 =	rddreg [dreg:$0x3]  }
0x1a: {  	s19 =	sand.u32 @!p1 $0x1, s15;
	s23 =	simm.s32 @!p1 $0x0;
	s18 =	sadd.s32 @!p1 s18, s17  }
0x1b: {  	s20 =	sshll.u32 @!p1 s19, $0xE;
	s21 =	sshll.u32 @!p1 s19, $0x7;
	s22 =	sshll.u32 @!p1 s18, $0xB  }
0x1c: {  	s24 =	sadd.s32 @!p1 $0x1, s19;
	s20 =	sor.u32 @!p1 $0x13880, s20;
	s22 =	sand.u32 @!p1 $0x1FFFF800, s22  }
0x1d: {  	_ =	strace @!p1 $0x8000006F;
	s18 =	sshll.u32 @!p1 s18, $0x4;
	s22 =	sadd.s32 @!p1 s3, s22  }
0x1e: {  	[tilespmem:s20], [sflag:s24] =	stream.linear.gather @!p1 [hbm4b:s22+s23], $0x4000, $0x200038;
	[tilespmem:$0x1B980] =	vst v63  }
0x1f: {  	s19 =	sadd.s32 @!p1 $0x3, s19;
	s18 =	sand.u32 @!p1 $0x1FFFFFF0, s18;
	_ =	strace @!p1 $0x9000006F  }
0x20: {  	s18 =	sadd.s32 @!p1 s4, s18;
	s20 =	sadd.s32 @!p1 $0x1B880, s21;
	_ =	strace @!p1 $0x80000070  }
0x21: {  	[tilespmem:s20], [sflag:s19] =	stream.linear.gather @!p1 [hbm4b:s18+s23], $0x80, $0x200038;
	[tilespmem:$0x1B980] =	vst v63  }
0x22: {  	s12 =	sand.u32 $0x1, s2;
	_ =	strace @!p1 $0x90000070  }
0x23: {  	s25 =	sadd.s32 $0x3, s12;
	s22 =	sadd.s32 $0x1, s12;
	_ =	strace $0x80000071  }
0x24: {  	p2 =	sne.s32 s17, $0x0;
	s28 =	simm.s32 @!p1 $0x2;
	_ =	swait.ge [sflag:s22], $0x4000  }
0x25: {  	s28 =	smov.u32 @p1 s15;
	s24 =	simm.s32 $0x0;
	[sflag:s22] =	ssyncset.done $0x0  }
0x26: {  	s21 =	sand.u32 $0x80, s24;
	s24 =	simm.s32 $0x25;
	[sflag:s22] =	ssyncadd.s32 $0xFFFFC000  }
0x27: {  	s29 =	sadd.s32 $0x1B880, s21;
	s23 =	simm.s32 $0x0;
	_ =	strace $0x90000071  }
0x28: {  	s19 =	simm.s32 @!p1 $0x1;
	s18 =	simm.s32 $0x1;
	_ =	strace $0x80000072  }
0x29: {  	s20 =	sand.u32 $0x4000, s23;
	s19 =	simm.s32 @p1 $0x0;
	_ =	swait.ge [sflag:s25], $0x80  }
0x2a: {  	s18 =	simm.s32 @!p2 $0x0;
	s23 =	sadd.s32 $0x1, s19;
	[sflag:s25] =	ssyncset.done $0x0  }
0x2b: {  	s18 =	sadd.s32 $0x0, s18;
	s26 =	sor.u32 $0x13880, s20;
	[sflag:s25] =	ssyncadd.s32 $0xFFFFFF80  }
0x2c: {  	s30 =	sshll.u32 s18, $0xE;
	s31 =	sshll.u32 s18, $0x7;
	_ =	strace $0x90000072  }
0x2d: {  	s19 =	smov.u32 s18;
	s20 =	sand.u32 $0x4000, s30;
	_ =	strace $0x80000073  }
0x2e: {  	[spmem:s1] =	stream.indirect.scatter.add.f32 [tilespmem:s26], [sflag:$0x5], $0x80, s29, s13, $0x2000b8;
	[tilespmem:$0x1B980] =	vst v63  }
0x2f: {  	s21 =	sand.u32 $0x80, s31;
	s22 =	sand.u32 $0x1, s18;
	_ =	swait.ge [sflag:s14], $0x4000  }
0x30: {  	s25 =	sand.u32 $0x1, s18;
	s26 =	smov.u32 s17;
	[sflag:s14] =	ssyncset.done $0x0  }
.LBB2_2:
0x31: {  	s17 =	sadd.s32 $0x1, s17  }
0x32: {  	[sflag:s14] =	ssyncadd.s32 $0xFFFFC000;
	p2 =	seq.s32 s17, $0x28  }
0x33: {  	s29 =	smov.u32 s28;
	_ =	strace $0x90000073;
	s17 =	simm.s32 @p2 $0x0  }
0x34: {  	s28 =	rddreg [dreg:$0x3];
	p3 =	seq.s32 s26, s17;
	p2 =	sne.s32 s26, s17  }
0x35: {  	s26 =	sadd.s32 $0x1, s25;
	s25 =	sand.u32 @!p3 $0x1, s29;
	s30 =	sand.u32 @!p3 $0x1, s23  }
0x36: {  	s28 =	sadd.s32 @!p3 s28, s17;
	s5 =	simm.s32 @!p3 $0x0;
	_ =	strace @!p3 $0x8000006F  }
0x37: {  	s0 =	sshll.u32 @!p3 s25, $0xE;
	s11 =	sshll.u32 @!p3 s30, $0x7;
	s12 =	sshll.u32 @!p3 s28, $0xB  }
0x38: {  	s28 =	sshll.u32 @!p3 s28, $0x4;
	s25 =	sadd.s32 @!p3 $0x1, s25;
	s12 =	sand.u32 @!p3 $0x1FFFF800, s12  }
0x39: {  	s0 =	sor.u32 @!p3 $0x13880, s0;
	s28 =	sand.u32 @!p3 $0x1FFFFFF0, s28;
	s12 =	sadd.s32 @!p3 s3, s12  }
0x3a: {  	[tilespmem:s0], [sflag:s25] =	stream.linear.gather @!p3 [hbm4b:s12+s5], $0x4000, $0x200038;
	[tilespmem:$0x1B980] =	vst v63  }
0x3b: {  	s0 =	sadd.s32 @!p3 $0x1B880, s11;
	_ =	strace @!p3 $0x9000006F  }
0x3c: {  	s11 =	sadd.s32 @!p3 s4, s28;
	s12 =	sadd.s32 @!p3 $0x3, s30;
	_ =	strace @!p3 $0x80000070  }
0x3d: {  	[tilespmem:s0], [sflag:s12] =	stream.linear.gather @!p3 [hbm4b:s11+s5], $0x80, $0x200038;
	[tilespmem:$0x1B980] =	vst v63  }
0x3e: {  	_ =	strace @!p3 $0x90000070  }
0x3f: {  	s31 =	simm.s32 @!p3 $0x1;
	_ =	strace $0x80000071  }
0x40: {  	s24 =	sadd.s32 $0xFFFFFFFF, s24;
	s31 =	simm.s32 @p3 $0x0;
	_ =	swait.ge [sflag:s26], $0x4000  }
0x41: {  	p1 =	sne.s32 s24, $0x0;
	s23 =	sadd.s32 s23, s31;
	[sflag:s26] =	ssyncset.done $0x0  }
0x42: {  	s31 =	sadd.s32 $0x1B880, s21;
	s28 =	sadd.s32 @!p3 $0x1, s29;
	[sflag:s26] =	ssyncadd.s32 $0xFFFFC000  }
0x43: {  	s28 =	smov.u32 @p3 s29;
	s0 =	simm.s32 $0x1;
	_ =	strace $0x90000071  }
0x44: {  	s29 =	sadd.s32 $0x3, s22;
	s0 =	simm.s32 @!p2 $0x0;
	_ =	strace $0x80000072  }
0x45: {  	s30 =	sor.u32 $0x13880, s20;
	s18 =	sadd.s32 s0, s18;
	_ =	swait.ge [sflag:s29], $0x80  }
0x46: {  	s19 =	sadd.s32 s0, s19;
	s25 =	sand.u32 $0x1, s18;
	[sflag:s29] =	ssyncset.done $0x0  }
0x47: {  	s0 =	sand.u32 $0x1, s19;
	s11 =	sshll.u32 s18, $0xE;
	[sflag:s29] =	ssyncadd.s32 $0xFFFFFF80  }
.Ltmp0:
0x48: {  	s12 =	sshll.u32 s19, $0x7;
	_ =	strace $0x90000072;
	(pc) =	sbr.rel @p1 .LBB2_2-.Ltmp0, $4  }
0x49: {  	s5 =	sand.u32 $0x4000, s11;
	s11 =	sand.u32 $0x80, s12;
	_ =	strace $0x80000073  }
0x4a: {  	[spmem:s1] =	stream.indirect.scatter.add.f32 [tilespmem:s30], [sflag:$0x5], $0x80, s31, s13, $0x2000b8;
	[tilespmem:$0x1B980] =	vst v63  }
0x4b: {  	s22 =	smov.u32 s0;
	s26 =	smov.u32 s17;
	_ =	swait.ge [sflag:s14], $0x4000  }
0x4c: {  	s20 =	smov.u32 s5;
	s21 =	smov.u32 s11;
	[sflag:s14] =	ssyncset.done $0x0  }
0x4d: {  	s0 =	sadd.s32 $0x1, s17  }
0x4e: {  	[sflag:s14] =	ssyncadd.s32 $0xFFFFC000;
	p1 =	seq.s32 s0, $0x28  }
0x4f: {  	_ =	strace $0x90000073;
	s0 =	simm.s32 @p1 $0x0  }
0x50: {  	s5 =	rddreg [dreg:$0x3];
	p1 =	seq.s32 s26, s0  }
0x51: {  	s11 =	sand.u32 @!p1 $0x1, s28;
	s5 =	sadd.s32 @!p1 s5, s0  }
0x52: {  	s24 =	simm.s32 @!p1 $0x0;
	_ =	strace @!p1 $0x8000006F;
	s17 =	sshll.u32 @!p1 s5, $0xB  }
0x53: {  	s12 =	sshll.u32 @!p1 s11, $0xE;
	s11 =	sadd.s32 @!p1 $0x1, s11;
	s17 =	sand.u32 @!p1 $0x1FFFF800, s17  }
0x54: {  	s5 =	sshll.u32 @!p1 s5, $0x4;
	s12 =	sor.u32 @!p1 $0x13880, s12;
	s17 =	sadd.s32 @!p1 s3, s17  }
0x55: {  	[tilespmem:s12], [sflag:s11] =	stream.linear.gather @!p1 [hbm4b:s17+s24], $0x4000, $0x200038;
	[tilespmem:$0x1B980] =	vst v63  }
0x56: {  	s5 =	sand.u32 @!p1 $0x1FFFFFF0, s5;
	s11 =	sand.u32 @!p1 $0x1, s23  }
0x57: {  	s5 =	sadd.s32 @!p1 s4, s5;
	s12 =	sshll.u32 @!p1 s11, $0x7;
	_ =	strace @!p1 $0x9000006F  }
0x58: {  	s11 =	sadd.s32 @!p1 $0x3, s11;
	s12 =	sadd.s32 @!p1 $0x1B880, s12;
	_ =	strace @!p1 $0x80000070  }
0x59: {  	[tilespmem:s12], [sflag:s11] =	stream.linear.gather @!p1 [hbm4b:s5+s24], $0x80, $0x200038;
	[tilespmem:$0x1B980] =	vst v63  }
0x5a: {  	_ =	strace @!p1 $0x90000070  }
0x5b: {  	s23 =	sadd.s32 $0x1, s25;
	_ =	strace $0x80000071  }
0x5c: {  	_ =	swait.ge [sflag:s23], $0x4000  }
0x5d: {  	[sflag:s23] =	ssyncset.done $0x0  }
0x5e: {  	[sflag:s23] =	ssyncadd.s32 $0xFFFFC000  }
0x5f: {  	_ =	strace $0x90000071  }
0x60: {  	s24 =	sadd.s32 $0x3, s22;
	_ =	strace $0x80000072  }
0x61: {  	_ =	swait.ge [sflag:s24], $0x80  }
0x62: {  	[sflag:s24] =	ssyncset.done $0x0  }
0x63: {  	[sflag:s24] =	ssyncadd.s32 $0xFFFFFF80  }
0x64: {  	_ =	strace $0x90000072  }
0x65: {  	s28 =	sadd.s32 $0x1B880, s21;
	s25 =	sor.u32 $0x13880, s20;
	_ =	strace $0x80000073  }
0x66: {  	[spmem:s1] =	stream.indirect.scatter.add.f32 [tilespmem:s25], [sflag:$0x5], $0x80, s28, s13, $0x2000b8;
	[tilespmem:$0x1B980] =	vst v63  }
0x67: {  	p1 =	sne.s32 s26, s0;
	s0 =	simm.s32 $0x1;
	_ =	swait.ge [sflag:s14], $0x4000  }
0x68: {  	s0 =	simm.s32 @!p1 $0x0;
	[sflag:s14] =	ssyncset.done $0x0  }
0x69: {  	s29 =	sadd.s32 s0, s18;
	[sflag:s14] =	ssyncadd.s32 $0xFFFFC000  }
0x6a: {  	s30 =	sand.u32 $0x1, s29;
	_ =	strace $0x90000073  }
0x6b: {  	s11 =	sadd.s32 $0x1, s30;
	_ =	strace $0x80000071  }
0x6c: {  	_ =	swait.ge [sflag:s11], $0x4000  }
0x6d: {  	[sflag:s11] =	ssyncset.done $0x0  }
0x6e: {  	s0 =	sadd.s32 s0, s19;
	[sflag:s11] =	ssyncadd.s32 $0xFFFFC000  }
0x6f: {  	s31 =	sand.u32 $0x1, s0;
	_ =	strace $0x90000071  }
0x70: {  	s11 =	sadd.s32 $0x3, s31;
	_ =	strace $0x80000072  }
0x71: {  	_ =	swait.ge [sflag:s11], $0x80  }
0x72: {  	[sflag:s11] =	ssyncset.done $0x0  }
0x73: {  	s5 =	sshll.u32 s29, $0xE;
	s0 =	sshll.u32 s0, $0x7;
	[sflag:s11] =	ssyncadd.s32 $0xFFFFFF80  }
0x74: {  	s5 =	sand.u32 $0x4000, s5;
	s0 =	sand.u32 $0x80, s0;
	_ =	strace $0x90000072  }
0x75: {  	s5 =	sor.u32 $0x13880, s5;
	s0 =	sadd.s32 $0x1B880, s0;
	_ =	strace $0x80000073  }
0x76: {  	[spmem:s1] =	stream.indirect.scatter.add.f32 [tilespmem:s5], [sflag:$0x5], $0x80, s0, s13, $0x2000b8;
	[tilespmem:$0x1B980] =	vst v63  }
0x77: {  	_ =	swait.ge [sflag:s14], $0x4000  }
0x78: {  	[sflag:s14] =	ssyncset.done $0x0  }
0x79: {  	[sflag:s14] =	ssyncadd.s32 $0xFFFFC000  }
0x7a: {  	s16 =	sadd.s32 $0x1, s16;
	_ =	strace $0x90000073  }
0x7b: {  	p1 =	sne.s32 s16, s9;
	s0 =	simm.s32 @!p0 $0x1C01;
	[bflag:$0x0] =	sbarrier.arrive $0xFFFF  }
0x7c: {  	[hbm:s8], [sflag:s0] =	dma.local @!p0 [spmem:s10], $0x27100  }
.Ltmp1:
0x7d: {  	_ = 	snop;
	(pc) =	sbr.rel @p1 .LBB2_1-.Ltmp1, $4  }
0x7e: {  	s0 =	simm.s32 @!p0 $0x1  }
0x7f: {  	_ =	swait.ge @!p0 [sflag:s0], $0x27100  }
0x80: {  	[sflag:s0] =	ssyncset.done @!p0 $0x0  }
0x81: {  	[sflag:s0] =	ssyncadd.s32 @!p0 $0xFFFD8F00  }
0x82: {  	_ =	sfence.sel $0x180000  }
0x83: {  	[bflag:$0x0] =	sbarrier.arrive $0xFFFF  }
0x84: {  	_ =	strace $0x9000006D  }
0x85: {  	[bflag:$0x2] =	sbarrier.arrive $0xFFFF  }
0x86: {  	s0 =	rddreg [dreg:$0x2]  }
0x87: {  	s0 =	sadd.s32 @!p0 $0x100000, s0  }
0x88: {  	[sflag:s0] =	ssyncadd.tile.s32 @!p0 $0x1;
	_ =	shalt  }
.Lfunc_end2:
_tile_overlayer_lowered:
.L_overlay_start_2:
0x89: {  	(tag) =	ssettag $0x2  }
0x8a: {  	s0 =	rddreg [dreg:$0x0];
	s2 =	stileid.u32  }
0x8b: {  	s1 =	rddreg [dreg:$0x1];
	p0 =	sne.s32 s2, $0x0  }
0x8c: {  	s3 =	rddreg [dreg:$0x2];
	[bflag:$0x3] =	sbarrier.arrive $0xFFFF;
	s2 =	simm.s32 @!p0 $0x1C01  }
0x8d: {  	[timem:s3], [sflag:s2] =	dma.local @!p0 [hbm:s0], s1  }
0x8e: {  	s0 =	simm.s32 @!p0 $0x1  }
0x8f: {  	_ =	swait.ge @!p0 [sflag:s0], s1  }
0x90: {  	s1 =	ssub.s32 @!p0 $0x0, s1;
	[sflag:s0] =	ssyncset.done @!p0 $0x0  }
0x91: {  	[sflag:s0] =	ssyncadd.s32 @!p0 s1  }
0x92: {  	[bflag:$0x3] =	sbarrier.arrive $0xFFFF  }
0x93: {  	_ =	shalt  }

// kernel: kernel.19.cloned.1.call-start
scs
__scs_entry_jumppad:
0x0: {  	(pc) =	sbr.rel $0x88, $3  }
0x1: {  	(tag) =	ssettag $0x0;
	lr =	simm.s32 $0x1  }
0x2: {  	[smem:$0x3F96] =	sst lr;
	_ =	strace $0xD0000000  }
0x3: {  	_ = 	snop  }
0x4: {  	_ = 	snop  }
0x5: {  	_ = 	snop  }
0x6: {  	_ = 	snop  }
0x7: {  	_ = 	snop  }
__scs_overlays_trampoline_lowered:
0x8: {  	[smem:$0x3FA5] =	sst s0  }
0x9: {  	[smem:$0x3FA6] =	sst s1  }
0xa: {  	[smem:$0x3FA7] =	sst s2  }
0xb: {  	[smem:$0x3FA8] =	sst s3  }
0xc: {  	[smem:$0x3FA9] =	sst s4  }
0xd: {  	[smem:$0x3FAA] =	sst s5  }
0xe: {  	[smem:$0x3FAB] =	sst s6  }
0xf: {  	[smem:$0x3FAC] =	sst s7  }
0x10: {  	[smem:$0x3FAD] =	sst s8  }
0x11: {  	[smem:$0x3FAE] =	sst s9;
	s0 =	simm.s32 @!p0 $0x0  }
0x12: {  	s1 =	sld [smem:$0x3F94];
	s0 =	simm.s32 @p0 $0x1  }
0x13: {  	[smem:$0x3FAF] =	sst s0;
	s0 =	simm.s32 @!p1 $0x0  }
0x14: {  	s2 =	sld [smem:$0x3F93];
	s0 =	simm.s32 @p1 $0x1  }
0x15: {  	[smem:$0x3FB0] =	sst s0;
	s0 =	simm.s32 @!p2 $0x0  }
0x16: {  	s3 =	sld [smem:$0x3FDB];
	s0 =	simm.s32 @p2 $0x1  }
0x17: {  	s4 =	simm.s32 $0x1BF5;
	[smem:$0x3FB2] =	sst s0  }
0x18: {  	s0 =	sld [smem:$0x3F95];
	_ =	swait.ge [sflag:s4], $0x0  }
0x19: {  	s7 =	sld [smem:$0x3F96]  }
0x1a: {  	s8 =	sadd.s32 $0xFFFFE003, lr  }
0x1b: {  	s9 =	sadd.s32 $0xFFFFFEF7, lr;
	s5 =	simm.s32 $0xFFFFFFFF;
	p2 =	slt.u32 s8, $0xFFFFF086  }
0x1c: {  	p1 =	slt.u32 s9, $0xF7A;
	s5 =	simm.s32 @!p2 $0x0  }
0x1d: {  	s5 =	simm.s32 @p1 $0x1;
	p0 =	seq.s32 s7, s2  }
0x1e: {  	s7 =	smul.u32 @!p0 $0xF7A, s2;
	p2 =	seq.s32 @!p0 s5, $0x0  }
0x1f: {  	s9 =	smul.u32 $0xF7A, s1;
	s8 =	simm.s32 @!p0 $0x1BF5;
	p2 =	por !p2, p0  }
0x20: {  	[sflag:s8] =	ssyncset.s32 @!p0 $0xFFFFF086;
	s6 =	sadd.s32 @!p0 s3, s7;
	s7 =	simm.s32 @!p0 $0x108  }
0x21: {  	s3 =	sadd.s32 s3, s9;
	s6 =	sadd.s32 @!p0 $0x88, s6;
	s7 =	simm.s32 @p2 $0x1082  }
0x22: {  	[simem:s7], [sflag:s8] =	dma.local @!p0 [hbm:s6], $0xF7A  }
0x23: {  	s9 =	sor.u32 $0xD0000000, s2;
	s6 =	simm.s32 $0x108;
	_ =	swait.ge @!p0 [sflag:s8], $0x0  }
0x24: {  	s3 =	sadd.s32 $0x88, s3;
	s6 =	simm.s32 @!p1 $0x1082;
	[sflag:s4] =	ssyncset.s32 $0xFFFFF086  }
0x25: {  	[simem:s6], [sflag:s4] =	dma.local [hbm:s3], $0xF7A  }
0x26: {  	[smem:$0x3F96] =	sst s1;
	(tag) =	ssettag s2;
	_ =	strace s9  }
0x27: {  	s1 =	sld [smem:$0x3FA6]  }
0x28: {  	s2 =	sld [smem:$0x3FA7]  }
0x29: {  	s4 =	sld [smem:$0x3FA9]  }
0x2a: {  	p0 =	seq.s32 s5, $0x0;
	s5 =	sld [smem:$0x3FAA]  }
0x2b: {  	s6 =	sld [smem:$0x3FAB]  }
0x2c: {  	s7 =	sld [smem:$0x3FAC]  }
0x2d: {  	s3 =	simm.s32 $0x108;
	s8 =	sld [smem:$0x3FAD]  }
0x2e: {  	s3 =	simm.s32 @!p0 $0x1082;
	s9 =	sld [smem:$0x3FAE]  }
0x2f: {  	lr =	sadd.s32 s0, s3;
	s0 =	sld [smem:$0x3FA5]  }
0x30: {  	s3 =	sld [smem:$0x3FA8]  }
0x31: {  	[smem:$0x3FB1] =	sst s10  }
0x32: {  	s10 =	sld [smem:$0x3FAF];
	_ =	sdelay $0x3  }
0x33: {  	p0 =	seq.s32 s10, $0x1;
	s10 =	sld [smem:$0x3FB1];
	_ =	sdelay $0x3  }
0x34: {  	[smem:$0x3FB1] =	sst s10  }
0x35: {  	s10 =	sld [smem:$0x3FB0];
	_ =	sdelay $0x3  }
0x36: {  	p1 =	seq.s32 s10, $0x1;
	s10 =	sld [smem:$0x3FB1];
	_ =	sdelay $0x3  }
0x37: {  	[smem:$0x3FB1] =	sst s10  }
0x38: {  	s10 =	sld [smem:$0x3FB2]  }
0x39: {  	_ = 	snop;
	(pc) =	sbr.ind lr, $3  }
0x3a: {  	_ = 	snop  }
0x3b: {  	_ = 	snop  }
0x3c: {  	p2 =	seq.s32 s10, $0x1;
	s10 =	sld [smem:$0x3FB1]  }
0x3d: {  	_ =	shalt  }
0x3e: {  	_ =	shalt  }
0x3f: {  	_ =	shalt  }
0x40: {  	_ =	shalt  }
0x41: {  	_ =	shalt  }
0x42: {  	_ =	shalt  }
0x43: {  	_ =	shalt  }
0x44: {  	_ =	shalt  }
0x45: {  	_ =	shalt  }
0x46: {  	_ =	shalt  }
0x47: {  	_ =	shalt  }
0x48: {  	_ =	shalt  }
0x49: {  	_ =	shalt  }
0x4a: {  	_ =	shalt  }
0x4b: {  	_ =	shalt  }
0x4c: {  	_ =	shalt  }
0x4d: {  	_ =	shalt  }
0x4e: {  	_ =	shalt  }
0x4f: {  	_ =	shalt  }
0x50: {  	_ =	shalt  }
0x51: {  	_ =	shalt  }
0x52: {  	_ =	shalt  }
0x53: {  	_ =	shalt  }
0x54: {  	_ =	shalt  }
0x55: {  	_ =	shalt  }
0x56: {  	_ =	shalt  }
0x57: {  	_ =	shalt  }
0x58: {  	_ =	shalt  }
0x59: {  	_ =	shalt  }
0x5a: {  	_ =	shalt  }
0x5b: {  	_ =	shalt  }
0x5c: {  	_ =	shalt  }
0x5d: {  	_ =	shalt  }
0x5e: {  	_ =	shalt  }
0x5f: {  	_ =	shalt  }
0x60: {  	_ =	shalt  }
0x61: {  	_ =	shalt  }
0x62: {  	_ =	shalt  }
0x63: {  	_ =	shalt  }
0x64: {  	_ =	shalt  }
0x65: {  	_ =	shalt  }
0x66: {  	_ =	shalt  }
0x67: {  	_ =	shalt  }
0x68: {  	_ =	shalt  }
0x69: {  	_ =	shalt  }
0x6a: {  	_ =	shalt  }
0x6b: {  	_ =	shalt  }
0x6c: {  	_ =	shalt  }
0x6d: {  	_ =	shalt  }
0x6e: {  	_ =	shalt  }
0x6f: {  	_ =	shalt  }
0x70: {  	_ =	shalt  }
0x71: {  	_ =	shalt  }
0x72: {  	_ =	shalt  }
0x73: {  	_ =	shalt  }
0x74: {  	_ =	shalt  }
0x75: {  	_ =	shalt  }
0x76: {  	_ =	shalt  }
0x77: {  	_ =	shalt  }
0x78: {  	_ =	shalt  }
0x79: {  	_ =	shalt  }
0x7a: {  	_ =	shalt  }
0x7b: {  	_ =	shalt  }
0x7c: {  	_ =	shalt  }
0x7d: {  	_ =	shalt  }
0x7e: {  	_ =	shalt  }
0x7f: {  	_ =	shalt  }
0x80: {  	_ =	shalt  }
0x81: {  	_ =	shalt  }
0x82: {  	_ =	shalt  }
0x83: {  	_ =	shalt  }
0x84: {  	_ =	shalt  }
0x85: {  	_ =	shalt  }
0x86: {  	_ =	shalt  }
0x87: {  	_ =	shalt  }
.Lfunc_end0:
.L_simem_size_0:
called_computation.2_lowered:
.L_overlay_start_0:
0x88: {  	s2 =	sld [smem:$0x3FD9]  }
0x89: {  	s3 =	sld [smem:$0x3FFE];
	_ =	sdelay $0x1  }
0x8a: {  	s1 =	srdreg.scid  }
0x8b: {  	s0 =	sand.u32 $0x1, s1  }
0x8c: {  	s17 =	sshll.u32 s0, $0xA;
	s2 =	sadd.s32 s3, s2  }
0x8d: {  	s2 =	sadd.s32 s2, s17  }
0x8e: {  	[smem:$0x3FBD] =	sst s2  }
0x8f: {  	_ = 	snop  }
0x90: {  	s18 =	sld [smem:$0x3FD0];
	(tm) =	ssettm $0x1  }
0x91: {  	s19 =	sld [smem:$0x3FFB];
	_ =	sdelay $0x3  }
0x92: {  	_ =	strace s19  }
0x93: {  	s2 =	sld [smem:$0x3FFC];
	_ =	sdelay $0x3  }
0x94: {  	_ =	strace s2  }
0x95: {  	s2 =	sld [smem:$0x3FFD];
	_ =	sdelay $0x3  }
0x96: {  	_ =	strace s2  }
0x97: {  	_ =	strace $0x8FFFFFFF  }
0x98: {  	s20 =	sld [smem:$0x3FDB];
	_ =	sdelay $0x1  }
0x99: {  	s4 =	simm.s32 $_scs_section_size  }
0x9a: {  	s5 =	simm.s32 $_size__tile_overlayer_lowered;
	s6 =	simm.s32 $_tile_overlayer_lowered  }
0x9b: {  	s7 =	simm.s32 $0x1BFF;
	s21 =	sshll.u32 s6, $0x1;
	s4 =	sadd.s32 s4, s20  }
0x9c: {  	s22 =	simm.s32 $0x0;
	s5 =	sshll.u32 s5, $0x1;
	s6 =	sadd.s32 s21, s4  }
0x9d: {  	[timem:s22], [sflag:s7] =	dma.local [hbm:s6], s5  }
0x9e: {  	_ =	swait.ge [sflag:s7], s5  }
0x9f: {  	s5 =	ssub.s32 $0x0, s5;
	[sflag:s7] =	ssyncset.done $0x0  }
0xa0: {  	[sflag:s7] =	ssyncadd.s32 s5;
	_ =	sdelay $0x1  }
0xa1: {  	s23 =	simm.s32 $0x1B8B  }
0xa2: {  	_ =	swait.ge [sflag:s23], $0x1  }
0xa3: {  	[sflag:s23] =	ssyncset.done $0x0  }
0xa4: {  	[sflag:s23] =	ssyncadd.s32 $0xFFFFFFFF  }
0xa5: {  	s5 =	sld [smem:$0x0]  }
0xa6: {  	s6 =	sand.u32 $0xFFFFFFFE, s1  }
0xa7: {  	p0 =	sne.s32 s1, s6  }
0xa8: {  	s6 =	sshll.u32 @p0 s6, $0xE  }
0xa9: {  	s6 =	sadd.s32 @p0 $0x11B8D, s6;
	s7 =	sshll.u32 @p0 s5, $0x11  }
0xaa: {  	s6 =	sor.u32 @p0 s7, s6  }
0xab: {  	[sflag:s6] =	ssyncadd.remote.s32 @p0 $0x1;
	_ =	sdelay $0x1  }
0xac: {  	s6 =	simm.s32 @p0 $0x1B8D  }
0xad: {  	_ =	swait.eq @p0 [sflag:s6], $0x1  }
0xae: {  	[sflag:s6] =	ssyncadd.s32 @p0 $0xFFFFFFFF  }
0xaf: {  	s7 =	sshll.u32 @!p0 s1, $0xE  }
0xb0: {  	s7 =	sor.u32 @!p0 $0x4000, s7;
	s6 =	simm.s32 @!p0 $0x1B8D  }
0xb1: {  	s5 =	sshll.u32 @!p0 s5, $0x11;
	s7 =	sadd.s32 @!p0 $0x11B8D, s7;
	_ =	swait.eq @!p0 [sflag:s6], $0x1  }
0xb2: {  	s5 =	sor.u32 @!p0 s5, s7;
	[sflag:s6] =	ssyncadd.s32 @!p0 $0xFFFFFFFF  }
0xb3: {  	s25 =	simm.s32 $0x1B8E;
	s24 =	sld [smem:$0x3FFE];
	[sflag:s5] =	ssyncadd.remote.s32 @!p0 $0x1  }
0xb4: {  	s26 =	simm.s32 $execute0_lowered;
	[smem:$0x3FD2] =	sst s25  }
0xb5: {  	s6 =	sshll.u32 s26, $0x1;
	_ =	strace $0x80000054;
	[dreg:$0x1] =	wrdreg $0xFFFFFFFF  }
0xb6: {  	s28 =	simm.s32 $_size_execute0_lowered;
	s4 =	sadd.s32 s4, s6;
	[dreg:$0x0] =	wrdreg $0x0  }
0xb7: {  	s6 =	sshll.u32 s28, $0x1;
	[dreg:$0x2] =	wrdreg s4  }
0xb8: {  	[dreg:$0x3] =	wrdreg s6  }
0xb9: {  	[dreg:$0x4] =	wrdreg $0xC0  }
0xba: {  	_ =	task [dreg:s22], $0x5FFFF  }
0xbb: {  	[dreg:$0x1] =	wrdreg $0xFFFFFFFF  }
0xbc: {  	[dreg:$0x0] =	wrdreg $0x60  }
0xbd: {  	[dreg:$0x2] =	wrdreg s18  }
0xbe: {  	[dreg:$0x3] =	wrdreg s24  }
0xbf: {  	[dreg:$0x4] =	wrdreg $0xB  }
0xc0: {  	_ =	task.clear_ibuf [dreg:s22], $0x5FFFF;
	_ =	strace $0x90000054  }
0xc1: {  	s29 =	simm.s32 $0xB;
	_ =	strace $0x80000061  }
0xc2: {  	_ =	swait.ge [sflag:s29], $0x1  }
0xc3: {  	[sflag:s29] =	ssyncadd.s32 $0xFFFFFFFF  }
0xc4: {  	_ =	strace $0x90000061  }
0xc5: {  	_ =	sfence  }
0xc6: {  	s30 =	sld [smem:$0x0];
	_ =	sdelay $0x2  }
0xc7: {  	s31 =	sshll.u32 s1, $0xD;
	s1 =	sshrl.u32 s1, $0x2  }
0xc8: {  	s4 =	sand.u32 $0x4000, s31;
	s1 =	sadd.s32 s1, s30  }
0xc9: {  	s0 =	sor.u32 s4, s0;
	s1 =	sshll.u32 s1, $0x11  }
0xca: {  	s0 =	sor.u32 s1, s0  }
0xcb: {  	s0 =	sadd.s32 $0x8F2B, s0  }
0xcc: {  	[sflag:s0] =	ssyncadd.remote.s32 $0x1  }
0xcd: {  	_ =	sfence.sel $0xFFFF  }
0xce: {  	[dreg:$0x0] =	wrdreg $0xFFFFFFFF;
	(pc) =	sbr.abs _section_cstart, $3  }
0xcf: {  	[dreg:$0x1] =	wrdreg $0xFFFFFFFF  }
0xd0: {  	_ =	task.clear_ibuf [dreg:s22], $0x2FFFF;
	_ =	strace $0x9FFFFFFF  }
0xd1: {  	(tm) =	ssettm $0x7FFFFFFF  }
tec
execute0_lowered:
.L_overlay_start_1:
0x0: {  	(tag) =	ssettag $0x1  }
0x1: {  	s1 =	rddreg [dreg:$0x0]  }
0x2: {  	s0 =	rddreg [dreg:$0x1]  }
0x3: {  	s2 =	simm.s32 $0x0;
	s3 =	srdreg.scid;
	s7 =	stileid.u32  }
0x4: {  	s14 =	simm.s32 $0x80;
	s15 =	simm.s32 $0x1;
	s16 =	simm.s32 $0x0  }
0x5: {  	[smem:$0x7FF] =	sst s2;
	s3 =	sand.u32 $0x1, s3;
	s4 =	sadd.s32 $0xEA00, s0  }
0x6: {  	s5 =	sadd.s32 $0x535C00, s0;
	s8 =	sadd.s32 $0x79F400, s0;
	s6 =	sshll.u32 s3, $0x4  }
0x7: {  	_ =	strace $0x80000055;
	s3 =	ssub.s32 $0x2, s3;
	s9 =	sor.u32 s7, s6  }
0x8: {  	s6 =	sadd.s32 $0x53A800, s0;
	s31 =	sshrl.u32 s3, $0x1;
	s11 =	smul.u32 $0x260, s9  }
0x9: {  	s7 =	sadd.s32 $0x53F400, s0;
	s0 =	ssub.s32 s3, s31;
	s9 =	smul.u32 $0x26, s9  }
0xa: {  	s12 =	smax.u32 s0, $0x1;
	s10 =	sadd.s32 s5, s11;
	s11 =	sadd.s32 s6, s11  }
.LBB2_1:
0xb: {  	_ =	strace $0x80000056  }
0xc: {  	s0 =	simm.s32 $0x100;
	s18 =	simm.s32 $0x26;
	s28 =	simm.s32 $0x0  }
0xd: {  	s17 =	simm.s32 $0x0;
	s19 =	simm.s32 $0x0;
	s24 =	simm.s32 $0x0  }
0xe: {  	[tilespmem:s2], [sflag:$0x2] =	stream.linear.gather [hbm4b:s10+s2], $0x80, $0x200038;
	[tilespmem:$0x10200] =	vst v63  }
0xf: {  	s20 =	simm.s32 $0x0;
	s21 =	simm.s32 $0x0;
	s22 =	simm.s32 $0x1  }
0x10: {  	[tilespmem:s0], [sflag:$0x4] =	stream.linear.gather [hbm4b:s11+s2], $0x80, $0x200038;
	[tilespmem:$0x10200] =	vst v63  }
0x11: {  	s23 =	simm.s32 $0x0;
	s26 =	simm.s32 $0x1;
	_ =	strace $0x90000056  }
.LBB2_2:
0x12: {  	s25 =	sadd.s32 $0x1, s28  }
0x13: {  	p0 =	seq.s32 s25, $0x26  }
0x14: {  	s25 =	simm.s32 @p0 $0x0;
	p0 =	seq.s32 s18, $0x1  }
0x15: {  	p1 =	seq.s32 @!p0 s28, s25  }
0x16: {  	p2 =	por p1, p0  }
0x17: {  	s0 =	sadd.s32 @!p2 s9, s25  }
0x18: {  	s3 =	sand.u32 @!p2 $0x1, s26;
	s0 =	sshll.u32 @!p2 s0, $0x4  }
0x19: {  	_ =	strace @!p2 $0x80000057;
	s31 =	simm.s32 @!p2 $0x0;
	s0 =	sand.u32 @!p2 $0x1FFFFFF0, s0  }
0x1a: {  	s29 =	sshll.u32 @!p2 s3, $0x7;
	s3 =	sor.u32 @!p2 $0x2, s3;
	s30 =	sadd.s32 @!p2 s5, s0  }
0x1b: {  	[tilespmem:s29], [sflag:s3] =	stream.linear.gather @!p2 [hbm4b:s30+s31], $0x80, $0x200038;
	[tilespmem:$0x10200] =	vst v63  }
0x1c: {  	s3 =	sand.u32 @!p2 $0x1, s22  }
0x1d: {  	s0 =	sadd.s32 @!p2 s6, s0;
	_ =	strace @!p2 $0x90000057;
	s29 =	sshll.u32 @!p2 s3, $0x7  }
0x1e: {  	s3 =	sor.u32 @!p2 $0x4, s3;
	_ =	strace @!p2 $0x80000058;
	s29 =	sor.u32 @!p2 $0x100, s29  }
0x1f: {  	[tilespmem:s29], [sflag:s3] =	stream.linear.gather @!p2 [hbm4b:s0+s31], $0x80, $0x200038;
	[tilespmem:$0x10200] =	vst v63  }
0x20: {  	s3 =	sand.u32 $0x1, s23;
	_ =	strace @!p2 $0x90000058  }
0x21: {  	s0 =	sor.u32 $0x2, s3;
	_ =	strace $0x80000059  }
0x22: {  	_ =	swait.ge [sflag:s0], $0x80  }
0x23: {  	[sflag:s0] =	ssyncset.done $0x0  }
0x24: {  	[sflag:s0] =	ssyncadd.s32 $0xFFFFFF80  }
0x25: {  	s13 =	sand.u32 $0x1, s21;
	_ =	strace $0x90000059  }
0x26: {  	s0 =	sor.u32 $0x4, s13;
	_ =	strace $0x8000005A  }
0x27: {  	s30 =	sand.u32 $0x1, s20;
	_ =	swait.ge [sflag:s0], $0x80  }
0x28: {  	s29 =	sshll.u32 s30, $0xE;
	s31 =	sshll.u32 s23, $0x7;
	[sflag:s0] =	ssyncset.done $0x0  }
0x29: {  	s3 =	sand.u32 $0x80, s31;
	s13 =	sshll.u32 s21, $0x7;
	[sflag:s0] =	ssyncadd.s32 $0xFFFFFF80  }
0x2a: {  	s31 =	sand.u32 $0x1, s19;
	s13 =	sand.u32 $0x80, s13;
	_ =	strace $0x9000005A  }
0x2b: {  	s0 =	sor.u32 $0x200, s29;
	s29 =	sshll.u32 s31, $0xE;
	_ =	strace $0x8000005B  }
0x2c: {  	[tilespmem:s0], [sflag:$0x1] =	stream.indirect.gather [hbm4b:s1+s14], $0x80, s3, s14, $0x2000b8;
	[tilespmem:$0x10200] =	vst v63  }
0x2d: {  	s13 =	sor.u32 $0x100, s13;
	s3 =	sor.u32 $0x8200, s29  }
0x2e: {  	[tilespmem:s3], [sflag:$0x1] =	stream.indirect.gather [hbm4b:s4+s14], $0x80, s13, s14, $0x2000b8;
	[tilespmem:$0x10200] =	vst v63  }
0x2f: {  	_ =	swait.ge [sflag:s15], $0x4000  }
0x30: {  	[sflag:s15] =	ssyncset.done $0x0  }
0x31: {  	[sflag:s15] =	ssyncadd.s32 $0xFFFFC000  }
0x32: {  	p3 =	por p0, !p1;
	_ =	swait.ge [sflag:s15], $0x4000  }
0x33: {  	s13 =	sadd.s32 @p3 s9, s28;
	[sflag:s15] =	ssyncset.done $0x0  }
0x34: {  	s13 =	sshll.u32 @p3 s13, $0xB;
	[sflag:s15] =	ssyncadd.s32 $0xFFFFC000  }
0x35: {  	s29 =	simm.s32 $0x0;
	s13 =	sand.u32 @p3 $0x1FFFF800, s13;
	_ =	strace $0x9000005B  }
0x36: {  	s28 =	sor.u32 @p3 $0x6, s30;
	s29 =	sadd.s32 @p3 s7, s13;
	_ =	strace @p3 $0x8000005C  }
0x37: {  	[hbm4b:s29+s2] =	stream.linear.scatter @p3 [tilespmem:s0], [sflag:s28], $0x4000, $0x200038;
	[tilespmem:$0x10200] =	vst v63  }
0x38: {  	p1 =	por !p1, p0;
	s20 =	sadd.s32 @p3 $0x1, s20;
	_ =	strace @p3 $0x9000005C  }
0x39: {  	s13 =	sadd.s32 @p3 s8, s13;
	s0 =	sor.u32 @p3 $0x8, s31;
	_ =	strace @p3 $0x8000005D  }
0x3a: {  	[hbm4b:s13+s2] =	stream.linear.scatter @p3 [tilespmem:s3], [sflag:s0], $0x4000, $0x200038;
	[tilespmem:$0x10200] =	vst v63  }
0x3b: {  	s29 =	simm.s32 @p3 $0x1;
	_ =	strace @p3 $0x9000005D;
	p3 =	seq.s32 s18, $0x26  }
0x3c: {  	s30 =	smov.u32 s26;
	s28 =	smov.u32 s25;
	s0 =	sand.u32 @!p3 $0x1, s24  }
0x3d: {  	s19 =	sadd.s32 s19, s29;
	_ =	strace @!p3 $0x8000005E;
	s0 =	sor.u32 @!p3 $0x6, s0  }
0x3e: {  	s23 =	sadd.s32 s23, s29;
	s3 =	sadd.s32 @!p2 $0x1, s26;
	_ =	swait.ge @!p3 [sflag:s0], $0x4000  }
0x3f: {  	s30 =	smov.u32 @p1 s3;
	s18 =	sadd.s32 $0xFFFFFFFF, s18;
	[sflag:s0] =	ssyncset.done @!p3 $0x0  }
0x40: {  	s13 =	sand.u32 @!p3 $0x1, s17;
	[sflag:s0] =	ssyncadd.s32 @!p3 $0xFFFFC000;
	s0 =	simm.s32 $0x0  }
0x41: {  	s30 =	smov.u32 @p0 s26;
	s3 =	simm.s32 @!p3 $0x1;
	s0 =	simm.s32 @p1 $0x1  }
0x42: {  	_ =	strace @!p3 $0x9000005E;
	s0 =	simm.s32 @p0 $0x0;
	p0 =	sne.s32 s18, $0x0  }
.Ltmp0:
0x43: {  	s13 =	sor.u32 @!p3 $0x8, s13;
	_ =	strace @!p3 $0x8000005F;
	(pc) =	sbr.rel @p0 .LBB2_2-.Ltmp0, $4  }
0x44: {  	s21 =	sadd.s32 s21, s29;
	s3 =	simm.s32 @p3 $0x0;
	_ =	swait.ge @!p3 [sflag:s13], $0x4000  }
0x45: {  	s22 =	sadd.s32 s22, s0;
	s0 =	sadd.s32 @!p3 $0x1, s24;
	[sflag:s13] =	ssyncset.done @!p3 $0x0  }
0x46: {  	s26 =	smov.u32 s30;
	s0 =	smov.u32 @p3 s24;
	[sflag:s13] =	ssyncadd.s32 @!p3 $0xFFFFC000  }
0x47: {  	s17 =	sadd.s32 s17, s3;
	s24 =	smov.u32 s0;
	_ =	strace @!p3 $0x9000005F  }
0x48: {  	s0 =	sand.u32 $0x1, s0  }
0x49: {  	_ =	strace $0x80000060;
	s0 =	sor.u32 $0x6, s0  }
0x4a: {  	s16 =	sadd.s32 $0x1, s16;
	_ =	swait.ge [sflag:s0], $0x4000  }
0x4b: {  	s3 =	sand.u32 $0x1, s17;
	p0 =	sne.s32 s16, s12;
	[sflag:s0] =	ssyncset.done $0x0  }
.Ltmp1:
0x4c: {  	s31 =	sor.u32 $0x8, s3;
	[sflag:s0] =	ssyncadd.s32 $0xFFFFC000;
	(pc) =	sbr.rel @p0 .LBB2_1-.Ltmp1, $4  }
0x4d: {  	_ =	swait.ge [sflag:s31], $0x4000  }
0x4e: {  	[sflag:s31] =	ssyncset.done $0x0  }
0x4f: {  	[sflag:s31] =	ssyncadd.s32 $0xFFFFC000  }
0x50: {  	_ =	strace $0x90000060  }
0x51: {  	_ =	sfence.sel $0x180000  }
0x52: {  	[bflag:$0x0] =	sbarrier.arrive $0xFFFF  }
0x53: {  	_ =	strace $0x90000055  }
0x54: {  	s0 =	stileid.u32;
	[bflag:$0x2] =	sbarrier.arrive $0xFFFF  }
0x55: {  	p0 =	sne.s32 s0, $0x0;
	s0 =	rddreg [dreg:$0x2]  }
0x56: {  	s0 =	sadd.s32 @!p0 $0x100000, s0  }
0x57: {  	[sflag:s0] =	ssyncadd.tile.s32 @!p0 $0x1;
	_ =	shalt  }
.Lfunc_end2:
_tile_overlayer_lowered:
.L_overlay_start_2:
0x58: {  	(tag) =	ssettag $0x2  }
0x59: {  	s0 =	rddreg [dreg:$0x0];
	s2 =	stileid.u32  }
0x5a: {  	s1 =	rddreg [dreg:$0x1];
	p0 =	sne.s32 s2, $0x0  }
0x5b: {  	s3 =	rddreg [dreg:$0x2];
	[bflag:$0x3] =	sbarrier.arrive $0xFFFF;
	s2 =	simm.s32 @!p0 $0x1C02  }
0x5c: {  	[timem:s3], [sflag:s2] =	dma.local @!p0 [hbm:s0], s1  }
0x5d: {  	s0 =	simm.s32 @!p0 $0x2  }
0x5e: {  	_ =	swait.ge @!p0 [sflag:s0], s1  }
0x5f: {  	s1 =	ssub.s32 @!p0 $0x0, s1;
	[sflag:s0] =	ssyncset.done @!p0 $0x0  }
0x60: {  	[sflag:s0] =	ssyncadd.s32 @!p0 s1  }
0x61: {  	[bflag:$0x3] =	sbarrier.arrive $0xFFFF  }
0x62: {  	_ =	shalt  }

// kernel: kernel.22.cloned.1.call-start
scs
__scs_entry_jumppad:
0x0: {  	(pc) =	sbr.rel $0x88, $3  }
0x1: {  	(tag) =	ssettag $0x0;
	lr =	simm.s32 $0x1  }
0x2: {  	[smem:$0x3F96] =	sst lr;
	_ =	strace $0xD0000000  }
0x3: {  	_ = 	snop  }
0x4: {  	_ = 	snop  }
0x5: {  	_ = 	snop  }
0x6: {  	_ = 	snop  }
0x7: {  	_ = 	snop  }
__scs_overlays_trampoline_lowered:
0x8: {  	[smem:$0x3FA5] =	sst s0  }
0x9: {  	[smem:$0x3FA6] =	sst s1  }
0xa: {  	[smem:$0x3FA7] =	sst s2  }
0xb: {  	[smem:$0x3FA8] =	sst s3  }
0xc: {  	[smem:$0x3FA9] =	sst s4  }
0xd: {  	[smem:$0x3FAA] =	sst s5  }
0xe: {  	[smem:$0x3FAB] =	sst s6  }
0xf: {  	[smem:$0x3FAC] =	sst s7  }
0x10: {  	[smem:$0x3FAD] =	sst s8  }
0x11: {  	[smem:$0x3FAE] =	sst s9;
	s0 =	simm.s32 @!p0 $0x0  }
0x12: {  	s1 =	sld [smem:$0x3F94];
	s0 =	simm.s32 @p0 $0x1  }
0x13: {  	[smem:$0x3FAF] =	sst s0;
	s0 =	simm.s32 @!p1 $0x0  }
0x14: {  	s2 =	sld [smem:$0x3F93];
	s0 =	simm.s32 @p1 $0x1  }
0x15: {  	[smem:$0x3FB0] =	sst s0;
	s0 =	simm.s32 @!p2 $0x0  }
0x16: {  	s3 =	sld [smem:$0x3FDB];
	s0 =	simm.s32 @p2 $0x1  }
0x17: {  	s4 =	simm.s32 $0x1BF5;
	[smem:$0x3FB2] =	sst s0  }
0x18: {  	s0 =	sld [smem:$0x3F95];
	_ =	swait.ge [sflag:s4], $0x0  }
0x19: {  	s7 =	sld [smem:$0x3F96]  }
0x1a: {  	s8 =	sadd.s32 $0xFFFFE003, lr  }
0x1b: {  	s9 =	sadd.s32 $0xFFFFFEF7, lr;
	s5 =	simm.s32 $0xFFFFFFFF;
	p2 =	slt.u32 s8, $0xFFFFF086  }
0x1c: {  	p1 =	slt.u32 s9, $0xF7A;
	s5 =	simm.s32 @!p2 $0x0  }
0x1d: {  	s5 =	simm.s32 @p1 $0x1;
	p0 =	seq.s32 s7, s2  }
0x1e: {  	s7 =	smul.u32 @!p0 $0xF7A, s2;
	p2 =	seq.s32 @!p0 s5, $0x0  }
0x1f: {  	s9 =	smul.u32 $0xF7A, s1;
	s8 =	simm.s32 @!p0 $0x1BF5;
	p2 =	por !p2, p0  }
0x20: {  	[sflag:s8] =	ssyncset.s32 @!p0 $0xFFFFF086;
	s6 =	sadd.s32 @!p0 s3, s7;
	s7 =	simm.s32 @!p0 $0x108  }
0x21: {  	s3 =	sadd.s32 s3, s9;
	s6 =	sadd.s32 @!p0 $0x88, s6;
	s7 =	simm.s32 @p2 $0x1082  }
0x22: {  	[simem:s7], [sflag:s8] =	dma.local @!p0 [hbm:s6], $0xF7A  }
0x23: {  	s9 =	sor.u32 $0xD0000000, s2;
	s6 =	simm.s32 $0x108;
	_ =	swait.ge @!p0 [sflag:s8], $0x0  }
0x24: {  	s3 =	sadd.s32 $0x88, s3;
	s6 =	simm.s32 @!p1 $0x1082;
	[sflag:s4] =	ssyncset.s32 $0xFFFFF086  }
0x25: {  	[simem:s6], [sflag:s4] =	dma.local [hbm:s3], $0xF7A  }
0x26: {  	[smem:$0x3F96] =	sst s1;
	(tag) =	ssettag s2;
	_ =	strace s9  }
0x27: {  	s1 =	sld [smem:$0x3FA6]  }
0x28: {  	s2 =	sld [smem:$0x3FA7]  }
0x29: {  	s4 =	sld [smem:$0x3FA9]  }
0x2a: {  	p0 =	seq.s32 s5, $0x0;
	s5 =	sld [smem:$0x3FAA]  }
0x2b: {  	s6 =	sld [smem:$0x3FAB]  }
0x2c: {  	s7 =	sld [smem:$0x3FAC]  }
0x2d: {  	s3 =	simm.s32 $0x108;
	s8 =	sld [smem:$0x3FAD]  }
0x2e: {  	s3 =	simm.s32 @!p0 $0x1082;
	s9 =	sld [smem:$0x3FAE]  }
0x2f: {  	lr =	sadd.s32 s0, s3;
	s0 =	sld [smem:$0x3FA5]  }
0x30: {  	s3 =	sld [smem:$0x3FA8]  }
0x31: {  	[smem:$0x3FB1] =	sst s10  }
0x32: {  	s10 =	sld [smem:$0x3FAF];
	_ =	sdelay $0x3  }
0x33: {  	p0 =	seq.s32 s10, $0x1;
	s10 =	sld [smem:$0x3FB1];
	_ =	sdelay $0x3  }
0x34: {  	[smem:$0x3FB1] =	sst s10  }
0x35: {  	s10 =	sld [smem:$0x3FB0];
	_ =	sdelay $0x3  }
0x36: {  	p1 =	seq.s32 s10, $0x1;
	s10 =	sld [smem:$0x3FB1];
	_ =	sdelay $0x3  }
0x37: {  	[smem:$0x3FB1] =	sst s10  }
0x38: {  	s10 =	sld [smem:$0x3FB2]  }
0x39: {  	_ = 	snop;
	(pc) =	sbr.ind lr, $3  }
0x3a: {  	_ = 	snop  }
0x3b: {  	_ = 	snop  }
0x3c: {  	p2 =	seq.s32 s10, $0x1;
	s10 =	sld [smem:$0x3FB1]  }
0x3d: {  	_ =	shalt  }
0x3e: {  	_ =	shalt  }
0x3f: {  	_ =	shalt  }
0x40: {  	_ =	shalt  }
0x41: {  	_ =	shalt  }
0x42: {  	_ =	shalt  }
0x43: {  	_ =	shalt  }
0x44: {  	_ =	shalt  }
0x45: {  	_ =	shalt  }
0x46: {  	_ =	shalt  }
0x47: {  	_ =	shalt  }
0x48: {  	_ =	shalt  }
0x49: {  	_ =	shalt  }
0x4a: {  	_ =	shalt  }
0x4b: {  	_ =	shalt  }
0x4c: {  	_ =	shalt  }
0x4d: {  	_ =	shalt  }
0x4e: {  	_ =	shalt  }
0x4f: {  	_ =	shalt  }
0x50: {  	_ =	shalt  }
0x51: {  	_ =	shalt  }
0x52: {  	_ =	shalt  }
0x53: {  	_ =	shalt  }
0x54: {  	_ =	shalt  }
0x55: {  	_ =	shalt  }
0x56: {  	_ =	shalt  }
0x57: {  	_ =	shalt  }
0x58: {  	_ =	shalt  }
0x59: {  	_ =	shalt  }
0x5a: {  	_ =	shalt  }
0x5b: {  	_ =	shalt  }
0x5c: {  	_ =	shalt  }
0x5d: {  	_ =	shalt  }
0x5e: {  	_ =	shalt  }
0x5f: {  	_ =	shalt  }
0x60: {  	_ =	shalt  }
0x61: {  	_ =	shalt  }
0x62: {  	_ =	shalt  }
0x63: {  	_ =	shalt  }
0x64: {  	_ =	shalt  }
0x65: {  	_ =	shalt  }
0x66: {  	_ =	shalt  }
0x67: {  	_ =	shalt  }
0x68: {  	_ =	shalt  }
0x69: {  	_ =	shalt  }
0x6a: {  	_ =	shalt  }
0x6b: {  	_ =	shalt  }
0x6c: {  	_ =	shalt  }
0x6d: {  	_ =	shalt  }
0x6e: {  	_ =	shalt  }
0x6f: {  	_ =	shalt  }
0x70: {  	_ =	shalt  }
0x71: {  	_ =	shalt  }
0x72: {  	_ =	shalt  }
0x73: {  	_ =	shalt  }
0x74: {  	_ =	shalt  }
0x75: {  	_ =	shalt  }
0x76: {  	_ =	shalt  }
0x77: {  	_ =	shalt  }
0x78: {  	_ =	shalt  }
0x79: {  	_ =	shalt  }
0x7a: {  	_ =	shalt  }
0x7b: {  	_ =	shalt  }
0x7c: {  	_ =	shalt  }
0x7d: {  	_ =	shalt  }
0x7e: {  	_ =	shalt  }
0x7f: {  	_ =	shalt  }
0x80: {  	_ =	shalt  }
0x81: {  	_ =	shalt  }
0x82: {  	_ =	shalt  }
0x83: {  	_ =	shalt  }
0x84: {  	_ =	shalt  }
0x85: {  	_ =	shalt  }
0x86: {  	_ =	shalt  }
0x87: {  	_ =	shalt  }
.Lfunc_end0:
.L_simem_size_0:
called_computation.3_lowered:
.L_overlay_start_0:
0x88: {  	s2 =	sld [smem:$0x3FD9]  }
0x89: {  	s3 =	sld [smem:$0x3FFE];
	_ =	sdelay $0x1  }
0x8a: {  	s1 =	srdreg.scid  }
0x8b: {  	s0 =	sand.u32 $0x1, s1  }
0x8c: {  	s17 =	sshll.u32 s0, $0xA;
	s2 =	sadd.s32 s3, s2  }
0x8d: {  	s2 =	sadd.s32 s2, s17  }
0x8e: {  	[smem:$0x3FBD] =	sst s2  }
0x8f: {  	_ = 	snop  }
0x90: {  	(tm) =	ssettm $0x1  }
0x91: {  	s18 =	sld [smem:$0x3FFB];
	_ =	sdelay $0x3  }
0x92: {  	_ =	strace s18  }
0x93: {  	s2 =	sld [smem:$0x3FFC];
	_ =	sdelay $0x3  }
0x94: {  	_ =	strace s2  }
0x95: {  	s2 =	sld [smem:$0x3FFD];
	_ =	sdelay $0x3  }
0x96: {  	_ =	strace s2  }
0x97: {  	_ =	strace $0x8FFFFFFF  }
0x98: {  	s19 =	sld [smem:$0x3FDB];
	_ =	sdelay $0x1  }
0x99: {  	s20 =	simm.s32 $_scs_section_size  }
0x9a: {  	s4 =	simm.s32 $_size__tile_overlayer_lowered;
	s5 =	simm.s32 $_tile_overlayer_lowered  }
0x9b: {  	s6 =	simm.s32 $0x1BFF;
	s21 =	sshll.u32 s5, $0x1;
	s3 =	sadd.s32 s20, s19  }
0x9c: {  	s22 =	simm.s32 $0x0;
	s4 =	sshll.u32 s4, $0x1;
	s5 =	sadd.s32 s21, s3  }
0x9d: {  	[timem:s22], [sflag:s6] =	dma.local [hbm:s5], s4  }
0x9e: {  	_ =	swait.ge [sflag:s6], s4  }
0x9f: {  	s4 =	ssub.s32 $0x0, s4;
	[sflag:s6] =	ssyncset.done $0x0  }
0xa0: {  	[sflag:s6] =	ssyncadd.s32 s4;
	_ =	sdelay $0x1  }
0xa1: {  	s23 =	simm.s32 $0x1B8B  }
0xa2: {  	_ =	swait.ge [sflag:s23], $0x1  }
0xa3: {  	[sflag:s23] =	ssyncset.done $0x0  }
0xa4: {  	[sflag:s23] =	ssyncadd.s32 $0xFFFFFFFF  }
0xa5: {  	s4 =	sld [smem:$0x0]  }
0xa6: {  	s5 =	sand.u32 $0xFFFFFFFE, s1  }
0xa7: {  	p0 =	sne.s32 s1, s5  }
0xa8: {  	s5 =	sshll.u32 @p0 s5, $0xE  }
0xa9: {  	s5 =	sadd.s32 @p0 $0x11B8D, s5;
	s6 =	sshll.u32 @p0 s4, $0x11  }
0xaa: {  	s5 =	sor.u32 @p0 s6, s5  }
0xab: {  	[sflag:s5] =	ssyncadd.remote.s32 @p0 $0x1;
	_ =	sdelay $0x1  }
0xac: {  	s5 =	simm.s32 @p0 $0x1B8D  }
0xad: {  	_ =	swait.eq @p0 [sflag:s5], $0x1  }
0xae: {  	[sflag:s5] =	ssyncadd.s32 @p0 $0xFFFFFFFF  }
0xaf: {  	s6 =	sshll.u32 @!p0 s1, $0xE  }
0xb0: {  	s6 =	sor.u32 @!p0 $0x4000, s6;
	s5 =	simm.s32 @!p0 $0x1B8D  }
0xb1: {  	s4 =	sshll.u32 @!p0 s4, $0x11;
	s6 =	sadd.s32 @!p0 $0x11B8D, s6;
	_ =	swait.eq @!p0 [sflag:s5], $0x1  }
0xb2: {  	s4 =	sor.u32 @!p0 s4, s6;
	[sflag:s5] =	ssyncadd.s32 @!p0 $0xFFFFFFFF  }
0xb3: {  	s25 =	simm.s32 $0x1B8E;
	s24 =	sld [smem:$0x3FFE];
	[sflag:s4] =	ssyncadd.remote.s32 @!p0 $0x1  }
0xb4: {  	s26 =	simm.s32 $execute0_lowered;
	[smem:$0x3FD2] =	sst s25  }
0xb5: {  	s5 =	sshll.u32 s26, $0x1;
	_ =	strace $0x80000075;
	[dreg:$0x1] =	wrdreg $0xFFFFFFFF  }
0xb6: {  	s28 =	simm.s32 $_size_execute0_lowered;
	s3 =	sadd.s32 s3, s5;
	[dreg:$0x0] =	wrdreg $0x0  }
0xb7: {  	s5 =	sshll.u32 s28, $0x1;
	[dreg:$0x2] =	wrdreg s3  }
0xb8: {  	[dreg:$0x3] =	wrdreg s5  }
0xb9: {  	[dreg:$0x4] =	wrdreg $0xC0  }
0xba: {  	_ =	task [dreg:s22], $0x5FFFF  }
0xbb: {  	[dreg:$0x1] =	wrdreg $0xFFFFFFFF  }
0xbc: {  	[dreg:$0x0] =	wrdreg $0x60  }
0xbd: {  	[dreg:$0x2] =	wrdreg s24  }
0xbe: {  	[dreg:$0x3] =	wrdreg $0x0  }
0xbf: {  	[dreg:$0x4] =	wrdreg $0xB  }
0xc0: {  	_ =	task.clear_ibuf [dreg:s22], $0x5FFFF;
	_ =	strace $0x90000075  }
0xc1: {  	s29 =	simm.s32 $0xB;
	_ =	strace $0x8000007D  }
0xc2: {  	_ =	swait.ge [sflag:s29], $0x1  }
0xc3: {  	[sflag:s29] =	ssyncadd.s32 $0xFFFFFFFF  }
0xc4: {  	_ =	strace $0x9000007D  }
0xc5: {  	_ =	sfence  }
0xc6: {  	s30 =	sld [smem:$0x0];
	_ =	sdelay $0x2  }
0xc7: {  	s31 =	sshll.u32 s1, $0xD;
	s1 =	sshrl.u32 s1, $0x2  }
0xc8: {  	s4 =	sand.u32 $0x4000, s31;
	s1 =	sadd.s32 s1, s30  }
0xc9: {  	s0 =	sor.u32 s4, s0;
	s1 =	sshll.u32 s1, $0x11  }
0xca: {  	s0 =	sor.u32 s1, s0  }
0xcb: {  	s0 =	sadd.s32 $0x8F2B, s0  }
0xcc: {  	[sflag:s0] =	ssyncadd.remote.s32 $0x1  }
0xcd: {  	_ =	sfence.sel $0xFFFF  }
0xce: {  	[dreg:$0x0] =	wrdreg $0xFFFFFFFF;
	(pc) =	sbr.abs _section_cstart, $3  }
0xcf: {  	[dreg:$0x1] =	wrdreg $0xFFFFFFFF  }
0xd0: {  	_ =	task.clear_ibuf [dreg:s22], $0x2FFFF;
	_ =	strace $0x9FFFFFFF  }
0xd1: {  	(tm) =	ssettm $0x7FFFFFFF  }
tec
execute0_lowered:
.L_overlay_start_1:
0x0: {  	(tag) =	ssettag $0x1  }
0x1: {  	s6 =	rddreg [dreg:$0x0]  }
0x2: {  	s1 =	rddreg [dreg:$0x1];
	s2 =	srdreg.scid  }
0x3: {  	s8 =	stileid.u32;
	s15 =	simm.s32 $0x1;
	s16 =	simm.s32 $0x0  }
0x4: {  	s5 =	sand.u32 $0x1, s2;
	s2 =	simm.s32 $0x0;
	s4 =	sadd.s32 $0x535C00, s6  }
0x5: {  	s0 =	sadd.s32 $0x35C00, s6;
	p0 =	sne.s32 s8, $0x0;
	s3 =	sshll.u32 s5, $0x4  }
0x6: {  	[smem:$0x7FF] =	sst s2;
	s7 =	smul.u32 $0x27100, s5;
	s9 =	sor.u32 s8, s3  }
0x7: {  	s11 =	ssub.s32 $0x2, s5;
	_ =	strace $0x80000076;
	s10 =	smul.u32 $0x26, s9  }
0x8: {  	s3 =	sadd.s32 $0xAB000, s6;
	[dreg:$0x4] =	wrdreg s0;
	s12 =	smul.u32 $0x13000, s9  }
0x9: {  	s13 =	sshrl.u32 s11, $0x1;
	s9 =	smul.u32 $0x260, s9;
	s14 =	sadd.s32 s7, s6  }
0xa: {  	s11 =	ssub.s32 s11, s13;
	s13 =	simm.s32 $0x80;
	s8 =	sadd.s32 $0x30B000, s14  }
0xb: {  	s14 =	simm.s32 $0x5;
	[dreg:$0x3] =	wrdreg s10;
	s6 =	sadd.s32 s3, s12  }
0xc: {  	s7 =	sadd.s32 s4, s9;
	s9 =	smax.u32 s11, $0x1;
	s10 =	sshrl.u32 @!p0 s1, $0x3  }
.LBB2_1:
0xd: {  	s17 =	simm.s32 @!p0 $0x1C01;
	s0 =	rddreg [dreg:$0x4]  }
0xe: {  	[spmem:s10], [sflag:s17] =	dma.local @!p0 [hbm:s0], $0x27100  }
0xf: {  	s17 =	simm.s32 @!p0 $0x1  }
0x10: {  	_ =	swait.ge @!p0 [sflag:s17], $0x27100  }
0x11: {  	[sflag:s17] =	ssyncset.done @!p0 $0x0  }
0x12: {  	[sflag:s17] =	ssyncadd.s32 @!p0 $0xFFFD8F00  }
0x13: {  	[bflag:$0x0] =	sbarrier.arrive $0xFFFF  }
0x14: {  	s5 =	simm.s32 $0x13880;
	_ =	strace $0x80000077  }
0x15: {  	[tilespmem:s5], [sflag:$0x1] =	stream.linear.gather [hbm4b:s6+s2], $0x4000, $0x200038;
	[tilespmem:$0x1B980] =	vst v63  }
0x16: {  	s11 =	simm.s32 $0x1B880;
	p1 =	por $0x0, $0x0;
	s17 =	simm.s32 $0x1  }
0x17: {  	[tilespmem:s11], [sflag:$0x3] =	stream.linear.gather [hbm4b:s7+s2], $0x80, $0x200038;
	[tilespmem:$0x1B980] =	vst v63  }
0x18: {  	s17 =	simm.s32 @p1 $0x0;
	_ =	strace $0x90000077  }
0x19: {  	p1 =	seq.s32 s17, $0x0;
	s18 =	rddreg [dreg:$0x3]  }
0x1a: {  	s19 =	sand.u32 @!p1 $0x1, s15;
	s23 =	simm.s32 @!p1 $0x0;
	s18 =	sadd.s32 @!p1 s18, s17  }
0x1b: {  	s20 =	sshll.u32 @!p1 s19, $0xE;
	s21 =	sshll.u32 @!p1 s19, $0x7;
	s22 =	sshll.u32 @!p1 s18, $0xB  }
0x1c: {  	s24 =	sadd.s32 @!p1 $0x1, s19;
	s20 =	sor.u32 @!p1 $0x13880, s20;
	s22 =	sand.u32 @!p1 $0x1FFFF800, s22  }
0x1d: {  	_ =	strace @!p1 $0x80000078;
	s18 =	sshll.u32 @!p1 s18, $0x4;
	s22 =	sadd.s32 @!p1 s3, s22  }
0x1e: {  	[tilespmem:s20], [sflag:s24] =	stream.linear.gather @!p1 [hbm4b:s22+s23], $0x4000, $0x200038;
	[tilespmem:$0x1B980] =	vst v63  }
0x1f: {  	s19 =	sadd.s32 @!p1 $0x3, s19;
	s18 =	sand.u32 @!p1 $0x1FFFFFF0, s18;
	_ =	strace @!p1 $0x90000078  }
0x20: {  	s18 =	sadd.s32 @!p1 s4, s18;
	s20 =	sadd.s32 @!p1 $0x1B880, s21;
	_ =	strace @!p1 $0x80000079  }
0x21: {  	[tilespmem:s20], [sflag:s19] =	stream.linear.gather @!p1 [hbm4b:s18+s23], $0x80, $0x200038;
	[tilespmem:$0x1B980] =	vst v63  }
0x22: {  	s12 =	sand.u32 $0x1, s2;
	_ =	strace @!p1 $0x90000079  }
0x23: {  	s25 =	sadd.s32 $0x3, s12;
	s22 =	sadd.s32 $0x1, s12;
	_ =	strace $0x8000007A  }
0x24: {  	p2 =	sne.s32 s17, $0x0;
	s28 =	simm.s32 @!p1 $0x2;
	_ =	swait.ge [sflag:s22], $0x4000  }
0x25: {  	s28 =	smov.u32 @p1 s15;
	s24 =	simm.s32 $0x0;
	[sflag:s22] =	ssyncset.done $0x0  }
0x26: {  	s21 =	sand.u32 $0x80, s24;
	s24 =	simm.s32 $0x23;
	[sflag:s22] =	ssyncadd.s32 $0xFFFFC000  }
0x27: {  	s29 =	sadd.s32 $0x1B880, s21;
	s23 =	simm.s32 $0x0;
	_ =	strace $0x9000007A  }
0x28: {  	s19 =	simm.s32 @!p1 $0x1;
	s18 =	simm.s32 $0x1;
	_ =	strace $0x8000007B  }
0x29: {  	s20 =	sand.u32 $0x4000, s23;
	s19 =	simm.s32 @p1 $0x0;
	_ =	swait.ge [sflag:s25], $0x80  }
0x2a: {  	s18 =	simm.s32 @!p2 $0x0;
	s23 =	sadd.s32 $0x1, s19;
	[sflag:s25] =	ssyncset.done $0x0  }
0x2b: {  	s18 =	sadd.s32 $0x0, s18;
	s26 =	sor.u32 $0x13880, s20;
	[sflag:s25] =	ssyncadd.s32 $0xFFFFFF80  }
0x2c: {  	s30 =	sshll.u32 s18, $0xE;
	s31 =	sshll.u32 s18, $0x7;
	_ =	strace $0x9000007B  }
0x2d: {  	s19 =	smov.u32 s18;
	s20 =	sand.u32 $0x4000, s30;
	_ =	strace $0x8000007C  }
0x2e: {  	[spmem:s1] =	stream.indirect.scatter.add.f32 [tilespmem:s26], [sflag:$0x5], $0x80, s29, s13, $0x2000b8;
	[tilespmem:$0x1B980] =	vst v63  }
0x2f: {  	s21 =	sand.u32 $0x80, s31;
	s22 =	sand.u32 $0x1, s18;
	_ =	swait.ge [sflag:s14], $0x4000  }
0x30: {  	s25 =	sand.u32 $0x1, s18;
	s26 =	smov.u32 s17;
	[sflag:s14] =	ssyncset.done $0x0  }
.LBB2_2:
0x31: {  	s17 =	sadd.s32 $0x1, s17  }
0x32: {  	[sflag:s14] =	ssyncadd.s32 $0xFFFFC000;
	p2 =	seq.s32 s17, $0x26  }
0x33: {  	s29 =	smov.u32 s28;
	_ =	strace $0x9000007C;
	s17 =	simm.s32 @p2 $0x0  }
0x34: {  	s28 =	rddreg [dreg:$0x3];
	p3 =	seq.s32 s26, s17;
	p2 =	sne.s32 s26, s17  }
0x35: {  	s26 =	sadd.s32 $0x1, s25;
	s25 =	sand.u32 @!p3 $0x1, s29;
	s30 =	sand.u32 @!p3 $0x1, s23  }
0x36: {  	s28 =	sadd.s32 @!p3 s28, s17;
	s5 =	simm.s32 @!p3 $0x0;
	_ =	strace @!p3 $0x80000078  }
0x37: {  	s0 =	sshll.u32 @!p3 s25, $0xE;
	s11 =	sshll.u32 @!p3 s30, $0x7;
	s12 =	sshll.u32 @!p3 s28, $0xB  }
0x38: {  	s28 =	sshll.u32 @!p3 s28, $0x4;
	s25 =	sadd.s32 @!p3 $0x1, s25;
	s12 =	sand.u32 @!p3 $0x1FFFF800, s12  }
0x39: {  	s0 =	sor.u32 @!p3 $0x13880, s0;
	s28 =	sand.u32 @!p3 $0x1FFFFFF0, s28;
	s12 =	sadd.s32 @!p3 s3, s12  }
0x3a: {  	[tilespmem:s0], [sflag:s25] =	stream.linear.gather @!p3 [hbm4b:s12+s5], $0x4000, $0x200038;
	[tilespmem:$0x1B980] =	vst v63  }
0x3b: {  	s0 =	sadd.s32 @!p3 $0x1B880, s11;
	_ =	strace @!p3 $0x90000078  }
0x3c: {  	s11 =	sadd.s32 @!p3 s4, s28;
	s12 =	sadd.s32 @!p3 $0x3, s30;
	_ =	strace @!p3 $0x80000079  }
0x3d: {  	[tilespmem:s0], [sflag:s12] =	stream.linear.gather @!p3 [hbm4b:s11+s5], $0x80, $0x200038;
	[tilespmem:$0x1B980] =	vst v63  }
0x3e: {  	_ =	strace @!p3 $0x90000079  }
0x3f: {  	s31 =	simm.s32 @!p3 $0x1;
	_ =	strace $0x8000007A  }
0x40: {  	s24 =	sadd.s32 $0xFFFFFFFF, s24;
	s31 =	simm.s32 @p3 $0x0;
	_ =	swait.ge [sflag:s26], $0x4000  }
0x41: {  	p1 =	sne.s32 s24, $0x0;
	s23 =	sadd.s32 s23, s31;
	[sflag:s26] =	ssyncset.done $0x0  }
0x42: {  	s31 =	sadd.s32 $0x1B880, s21;
	s28 =	sadd.s32 @!p3 $0x1, s29;
	[sflag:s26] =	ssyncadd.s32 $0xFFFFC000  }
0x43: {  	s28 =	smov.u32 @p3 s29;
	s0 =	simm.s32 $0x1;
	_ =	strace $0x9000007A  }
0x44: {  	s29 =	sadd.s32 $0x3, s22;
	s0 =	simm.s32 @!p2 $0x0;
	_ =	strace $0x8000007B  }
0x45: {  	s30 =	sor.u32 $0x13880, s20;
	s18 =	sadd.s32 s0, s18;
	_ =	swait.ge [sflag:s29], $0x80  }
0x46: {  	s19 =	sadd.s32 s0, s19;
	s25 =	sand.u32 $0x1, s18;
	[sflag:s29] =	ssyncset.done $0x0  }
0x47: {  	s0 =	sand.u32 $0x1, s19;
	s11 =	sshll.u32 s18, $0xE;
	[sflag:s29] =	ssyncadd.s32 $0xFFFFFF80  }
.Ltmp0:
0x48: {  	s12 =	sshll.u32 s19, $0x7;
	_ =	strace $0x9000007B;
	(pc) =	sbr.rel @p1 .LBB2_2-.Ltmp0, $4  }
0x49: {  	s5 =	sand.u32 $0x4000, s11;
	s11 =	sand.u32 $0x80, s12;
	_ =	strace $0x8000007C  }
0x4a: {  	[spmem:s1] =	stream.indirect.scatter.add.f32 [tilespmem:s30], [sflag:$0x5], $0x80, s31, s13, $0x2000b8;
	[tilespmem:$0x1B980] =	vst v63  }
0x4b: {  	s22 =	smov.u32 s0;
	s26 =	smov.u32 s17;
	_ =	swait.ge [sflag:s14], $0x4000  }
0x4c: {  	s20 =	smov.u32 s5;
	s21 =	smov.u32 s11;
	[sflag:s14] =	ssyncset.done $0x0  }
0x4d: {  	s0 =	sadd.s32 $0x1, s17  }
0x4e: {  	[sflag:s14] =	ssyncadd.s32 $0xFFFFC000;
	p1 =	seq.s32 s0, $0x26  }
0x4f: {  	_ =	strace $0x9000007C;
	s0 =	simm.s32 @p1 $0x0  }
0x50: {  	s5 =	rddreg [dreg:$0x3];
	p1 =	seq.s32 s26, s0  }
0x51: {  	s11 =	sand.u32 @!p1 $0x1, s28;
	s5 =	sadd.s32 @!p1 s5, s0  }
0x52: {  	s24 =	simm.s32 @!p1 $0x0;
	_ =	strace @!p1 $0x80000078;
	s17 =	sshll.u32 @!p1 s5, $0xB  }
0x53: {  	s12 =	sshll.u32 @!p1 s11, $0xE;
	s11 =	sadd.s32 @!p1 $0x1, s11;
	s17 =	sand.u32 @!p1 $0x1FFFF800, s17  }
0x54: {  	s5 =	sshll.u32 @!p1 s5, $0x4;
	s12 =	sor.u32 @!p1 $0x13880, s12;
	s17 =	sadd.s32 @!p1 s3, s17  }
0x55: {  	[tilespmem:s12], [sflag:s11] =	stream.linear.gather @!p1 [hbm4b:s17+s24], $0x4000, $0x200038;
	[tilespmem:$0x1B980] =	vst v63  }
0x56: {  	s5 =	sand.u32 @!p1 $0x1FFFFFF0, s5;
	s11 =	sand.u32 @!p1 $0x1, s23  }
0x57: {  	s5 =	sadd.s32 @!p1 s4, s5;
	s12 =	sshll.u32 @!p1 s11, $0x7;
	_ =	strace @!p1 $0x90000078  }
0x58: {  	s11 =	sadd.s32 @!p1 $0x3, s11;
	s12 =	sadd.s32 @!p1 $0x1B880, s12;
	_ =	strace @!p1 $0x80000079  }
0x59: {  	[tilespmem:s12], [sflag:s11] =	stream.linear.gather @!p1 [hbm4b:s5+s24], $0x80, $0x200038;
	[tilespmem:$0x1B980] =	vst v63  }
0x5a: {  	_ =	strace @!p1 $0x90000079  }
0x5b: {  	s23 =	sadd.s32 $0x1, s25;
	_ =	strace $0x8000007A  }
0x5c: {  	_ =	swait.ge [sflag:s23], $0x4000  }
0x5d: {  	[sflag:s23] =	ssyncset.done $0x0  }
0x5e: {  	[sflag:s23] =	ssyncadd.s32 $0xFFFFC000  }
0x5f: {  	_ =	strace $0x9000007A  }
0x60: {  	s24 =	sadd.s32 $0x3, s22;
	_ =	strace $0x8000007B  }
0x61: {  	_ =	swait.ge [sflag:s24], $0x80  }
0x62: {  	[sflag:s24] =	ssyncset.done $0x0  }
0x63: {  	[sflag:s24] =	ssyncadd.s32 $0xFFFFFF80  }
0x64: {  	_ =	strace $0x9000007B  }
0x65: {  	s28 =	sadd.s32 $0x1B880, s21;
	s25 =	sor.u32 $0x13880, s20;
	_ =	strace $0x8000007C  }
0x66: {  	[spmem:s1] =	stream.indirect.scatter.add.f32 [tilespmem:s25], [sflag:$0x5], $0x80, s28, s13, $0x2000b8;
	[tilespmem:$0x1B980] =	vst v63  }
0x67: {  	p1 =	sne.s32 s26, s0;
	s0 =	simm.s32 $0x1;
	_ =	swait.ge [sflag:s14], $0x4000  }
0x68: {  	s0 =	simm.s32 @!p1 $0x0;
	[sflag:s14] =	ssyncset.done $0x0  }
0x69: {  	s29 =	sadd.s32 s0, s18;
	[sflag:s14] =	ssyncadd.s32 $0xFFFFC000  }
0x6a: {  	s30 =	sand.u32 $0x1, s29;
	_ =	strace $0x9000007C  }
0x6b: {  	s11 =	sadd.s32 $0x1, s30;
	_ =	strace $0x8000007A  }
0x6c: {  	_ =	swait.ge [sflag:s11], $0x4000  }
0x6d: {  	[sflag:s11] =	ssyncset.done $0x0  }
0x6e: {  	s0 =	sadd.s32 s0, s19;
	[sflag:s11] =	ssyncadd.s32 $0xFFFFC000  }
0x6f: {  	s31 =	sand.u32 $0x1, s0;
	_ =	strace $0x9000007A  }
0x70: {  	s11 =	sadd.s32 $0x3, s31;
	_ =	strace $0x8000007B  }
0x71: {  	_ =	swait.ge [sflag:s11], $0x80  }
0x72: {  	[sflag:s11] =	ssyncset.done $0x0  }
0x73: {  	s5 =	sshll.u32 s29, $0xE;
	s0 =	sshll.u32 s0, $0x7;
	[sflag:s11] =	ssyncadd.s32 $0xFFFFFF80  }
0x74: {  	s5 =	sand.u32 $0x4000, s5;
	s0 =	sand.u32 $0x80, s0;
	_ =	strace $0x9000007B  }
0x75: {  	s5 =	sor.u32 $0x13880, s5;
	s0 =	sadd.s32 $0x1B880, s0;
	_ =	strace $0x8000007C  }
0x76: {  	[spmem:s1] =	stream.indirect.scatter.add.f32 [tilespmem:s5], [sflag:$0x5], $0x80, s0, s13, $0x2000b8;
	[tilespmem:$0x1B980] =	vst v63  }
0x77: {  	_ =	swait.ge [sflag:s14], $0x4000  }
0x78: {  	[sflag:s14] =	ssyncset.done $0x0  }
0x79: {  	[sflag:s14] =	ssyncadd.s32 $0xFFFFC000  }
0x7a: {  	s16 =	sadd.s32 $0x1, s16;
	_ =	strace $0x9000007C  }
0x7b: {  	p1 =	sne.s32 s16, s9;
	s0 =	simm.s32 @!p0 $0x1C01;
	[bflag:$0x0] =	sbarrier.arrive $0xFFFF  }
0x7c: {  	[hbm:s8], [sflag:s0] =	dma.local @!p0 [spmem:s10], $0x27100  }
.Ltmp1:
0x7d: {  	_ = 	snop;
	(pc) =	sbr.rel @p1 .LBB2_1-.Ltmp1, $4  }
0x7e: {  	s0 =	simm.s32 @!p0 $0x1  }
0x7f: {  	_ =	swait.ge @!p0 [sflag:s0], $0x27100  }
0x80: {  	[sflag:s0] =	ssyncset.done @!p0 $0x0  }
0x81: {  	[sflag:s0] =	ssyncadd.s32 @!p0 $0xFFFD8F00  }
0x82: {  	_ =	sfence.sel $0x180000  }
0x83: {  	[bflag:$0x0] =	sbarrier.arrive $0xFFFF  }
0x84: {  	_ =	strace $0x90000076  }
0x85: {  	[bflag:$0x2] =	sbarrier.arrive $0xFFFF  }
0x86: {  	s0 =	rddreg [dreg:$0x2]  }
0x87: {  	s0 =	sadd.s32 @!p0 $0x100000, s0  }
0x88: {  	[sflag:s0] =	ssyncadd.tile.s32 @!p0 $0x1;
	_ =	shalt  }
.Lfunc_end2:
_tile_overlayer_lowered:
.L_overlay_start_2:
0x89: {  	(tag) =	ssettag $0x2  }
0x8a: {  	s0 =	rddreg [dreg:$0x0];
	s2 =	stileid.u32  }
0x8b: {  	s1 =	rddreg [dreg:$0x1];
	p0 =	sne.s32 s2, $0x0  }
0x8c: {  	s3 =	rddreg [dreg:$0x2];
	[bflag:$0x3] =	sbarrier.arrive $0xFFFF;
	s2 =	simm.s32 @!p0 $0x1C01  }
0x8d: {  	[timem:s3], [sflag:s2] =	dma.local @!p0 [hbm:s0], s1  }
0x8e: {  	s0 =	simm.s32 @!p0 $0x1  }
0x8f: {  	_ =	swait.ge @!p0 [sflag:s0], s1  }
0x90: {  	s1 =	ssub.s32 @!p0 $0x0, s1;
	[sflag:s0] =	ssyncset.done @!p0 $0x0  }
0x91: {  	[sflag:s0] =	ssyncadd.s32 @!p0 s1  }
0x92: {  	[bflag:$0x3] =	sbarrier.arrive $0xFFFF  }
0x93: {  	_ =	shalt  }

// kernel: kernel.25.cloned.1.call-start
scs
__scs_entry_jumppad:
0x0: {  	(pc) =	sbr.rel $0x88, $3  }
0x1: {  	(tag) =	ssettag $0x0;
	lr =	simm.s32 $0x1  }
0x2: {  	[smem:$0x3F96] =	sst lr;
	_ =	strace $0xD0000000  }
0x3: {  	_ = 	snop  }
0x4: {  	_ = 	snop  }
0x5: {  	_ = 	snop  }
0x6: {  	_ = 	snop  }
0x7: {  	_ = 	snop  }
__scs_overlays_trampoline_lowered:
0x8: {  	[smem:$0x3FA5] =	sst s0  }
0x9: {  	[smem:$0x3FA6] =	sst s1  }
0xa: {  	[smem:$0x3FA7] =	sst s2  }
0xb: {  	[smem:$0x3FA8] =	sst s3  }
0xc: {  	[smem:$0x3FA9] =	sst s4  }
0xd: {  	[smem:$0x3FAA] =	sst s5  }
0xe: {  	[smem:$0x3FAB] =	sst s6  }
0xf: {  	[smem:$0x3FAC] =	sst s7  }
0x10: {  	[smem:$0x3FAD] =	sst s8  }
0x11: {  	[smem:$0x3FAE] =	sst s9;
	s0 =	simm.s32 @!p0 $0x0  }
0x12: {  	s1 =	sld [smem:$0x3F94];
	s0 =	simm.s32 @p0 $0x1  }
0x13: {  	[smem:$0x3FAF] =	sst s0;
	s0 =	simm.s32 @!p1 $0x0  }
0x14: {  	s2 =	sld [smem:$0x3F93];
	s0 =	simm.s32 @p1 $0x1  }
0x15: {  	[smem:$0x3FB0] =	sst s0;
	s0 =	simm.s32 @!p2 $0x0  }
0x16: {  	s3 =	sld [smem:$0x3FDB];
	s0 =	simm.s32 @p2 $0x1  }
0x17: {  	s4 =	simm.s32 $0x1BF5;
	[smem:$0x3FB2] =	sst s0  }
0x18: {  	s0 =	sld [smem:$0x3F95];
	_ =	swait.ge [sflag:s4], $0x0  }
0x19: {  	s7 =	sld [smem:$0x3F96]  }
0x1a: {  	s8 =	sadd.s32 $0xFFFFE003, lr  }
0x1b: {  	s9 =	sadd.s32 $0xFFFFFEF7, lr;
	s5 =	simm.s32 $0xFFFFFFFF;
	p2 =	slt.u32 s8, $0xFFFFF086  }
0x1c: {  	p1 =	slt.u32 s9, $0xF7A;
	s5 =	simm.s32 @!p2 $0x0  }
0x1d: {  	s5 =	simm.s32 @p1 $0x1;
	p0 =	seq.s32 s7, s2  }
0x1e: {  	s7 =	smul.u32 @!p0 $0xF7A, s2;
	p2 =	seq.s32 @!p0 s5, $0x0  }
0x1f: {  	s9 =	smul.u32 $0xF7A, s1;
	s8 =	simm.s32 @!p0 $0x1BF5;
	p2 =	por !p2, p0  }
0x20: {  	[sflag:s8] =	ssyncset.s32 @!p0 $0xFFFFF086;
	s6 =	sadd.s32 @!p0 s3, s7;
	s7 =	simm.s32 @!p0 $0x108  }
0x21: {  	s3 =	sadd.s32 s3, s9;
	s6 =	sadd.s32 @!p0 $0x88, s6;
	s7 =	simm.s32 @p2 $0x1082  }
0x22: {  	[simem:s7], [sflag:s8] =	dma.local @!p0 [hbm:s6], $0xF7A  }
0x23: {  	s9 =	sor.u32 $0xD0000000, s2;
	s6 =	simm.s32 $0x108;
	_ =	swait.ge @!p0 [sflag:s8], $0x0  }
0x24: {  	s3 =	sadd.s32 $0x88, s3;
	s6 =	simm.s32 @!p1 $0x1082;
	[sflag:s4] =	ssyncset.s32 $0xFFFFF086  }
0x25: {  	[simem:s6], [sflag:s4] =	dma.local [hbm:s3], $0xF7A  }
0x26: {  	[smem:$0x3F96] =	sst s1;
	(tag) =	ssettag s2;
	_ =	strace s9  }
0x27: {  	s1 =	sld [smem:$0x3FA6]  }
0x28: {  	s2 =	sld [smem:$0x3FA7]  }
0x29: {  	s4 =	sld [smem:$0x3FA9]  }
0x2a: {  	p0 =	seq.s32 s5, $0x0;
	s5 =	sld [smem:$0x3FAA]  }
0x2b: {  	s6 =	sld [smem:$0x3FAB]  }
0x2c: {  	s7 =	sld [smem:$0x3FAC]  }
0x2d: {  	s3 =	simm.s32 $0x108;
	s8 =	sld [smem:$0x3FAD]  }
0x2e: {  	s3 =	simm.s32 @!p0 $0x1082;
	s9 =	sld [smem:$0x3FAE]  }
0x2f: {  	lr =	sadd.s32 s0, s3;
	s0 =	sld [smem:$0x3FA5]  }
0x30: {  	s3 =	sld [smem:$0x3FA8]  }
0x31: {  	[smem:$0x3FB1] =	sst s10  }
0x32: {  	s10 =	sld [smem:$0x3FAF];
	_ =	sdelay $0x3  }
0x33: {  	p0 =	seq.s32 s10, $0x1;
	s10 =	sld [smem:$0x3FB1];
	_ =	sdelay $0x3  }
0x34: {  	[smem:$0x3FB1] =	sst s10  }
0x35: {  	s10 =	sld [smem:$0x3FB0];
	_ =	sdelay $0x3  }
0x36: {  	p1 =	seq.s32 s10, $0x1;
	s10 =	sld [smem:$0x3FB1];
	_ =	sdelay $0x3  }
0x37: {  	[smem:$0x3FB1] =	sst s10  }
0x38: {  	s10 =	sld [smem:$0x3FB2]  }
0x39: {  	_ = 	snop;
	(pc) =	sbr.ind lr, $3  }
0x3a: {  	_ = 	snop  }
0x3b: {  	_ = 	snop  }
0x3c: {  	p2 =	seq.s32 s10, $0x1;
	s10 =	sld [smem:$0x3FB1]  }
0x3d: {  	_ =	shalt  }
0x3e: {  	_ =	shalt  }
0x3f: {  	_ =	shalt  }
0x40: {  	_ =	shalt  }
0x41: {  	_ =	shalt  }
0x42: {  	_ =	shalt  }
0x43: {  	_ =	shalt  }
0x44: {  	_ =	shalt  }
0x45: {  	_ =	shalt  }
0x46: {  	_ =	shalt  }
0x47: {  	_ =	shalt  }
0x48: {  	_ =	shalt  }
0x49: {  	_ =	shalt  }
0x4a: {  	_ =	shalt  }
0x4b: {  	_ =	shalt  }
0x4c: {  	_ =	shalt  }
0x4d: {  	_ =	shalt  }
0x4e: {  	_ =	shalt  }
0x4f: {  	_ =	shalt  }
0x50: {  	_ =	shalt  }
0x51: {  	_ =	shalt  }
0x52: {  	_ =	shalt  }
0x53: {  	_ =	shalt  }
0x54: {  	_ =	shalt  }
0x55: {  	_ =	shalt  }
0x56: {  	_ =	shalt  }
0x57: {  	_ =	shalt  }
0x58: {  	_ =	shalt  }
0x59: {  	_ =	shalt  }
0x5a: {  	_ =	shalt  }
0x5b: {  	_ =	shalt  }
0x5c: {  	_ =	shalt  }
0x5d: {  	_ =	shalt  }
0x5e: {  	_ =	shalt  }
0x5f: {  	_ =	shalt  }
0x60: {  	_ =	shalt  }
0x61: {  	_ =	shalt  }
0x62: {  	_ =	shalt  }
0x63: {  	_ =	shalt  }
0x64: {  	_ =	shalt  }
0x65: {  	_ =	shalt  }
0x66: {  	_ =	shalt  }
0x67: {  	_ =	shalt  }
0x68: {  	_ =	shalt  }
0x69: {  	_ =	shalt  }
0x6a: {  	_ =	shalt  }
0x6b: {  	_ =	shalt  }
0x6c: {  	_ =	shalt  }
0x6d: {  	_ =	shalt  }
0x6e: {  	_ =	shalt  }
0x6f: {  	_ =	shalt  }
0x70: {  	_ =	shalt  }
0x71: {  	_ =	shalt  }
0x72: {  	_ =	shalt  }
0x73: {  	_ =	shalt  }
0x74: {  	_ =	shalt  }
0x75: {  	_ =	shalt  }
0x76: {  	_ =	shalt  }
0x77: {  	_ =	shalt  }
0x78: {  	_ =	shalt  }
0x79: {  	_ =	shalt  }
0x7a: {  	_ =	shalt  }
0x7b: {  	_ =	shalt  }
0x7c: {  	_ =	shalt  }
0x7d: {  	_ =	shalt  }
0x7e: {  	_ =	shalt  }
0x7f: {  	_ =	shalt  }
0x80: {  	_ =	shalt  }
0x81: {  	_ =	shalt  }
0x82: {  	_ =	shalt  }
0x83: {  	_ =	shalt  }
0x84: {  	_ =	shalt  }
0x85: {  	_ =	shalt  }
0x86: {  	_ =	shalt  }
0x87: {  	_ =	shalt  }
.Lfunc_end0:
.L_simem_size_0:
called_computation.4_lowered:
.L_overlay_start_0:
0x88: {  	s2 =	sld [smem:$0x3FD9]  }
0x89: {  	s3 =	sld [smem:$0x3FFE];
	_ =	sdelay $0x1  }
0x8a: {  	s1 =	srdreg.scid  }
0x8b: {  	s0 =	sand.u32 $0x1, s1  }
0x8c: {  	s17 =	sshll.u32 s0, $0xA;
	s2 =	sadd.s32 s3, s2  }
0x8d: {  	s2 =	sadd.s32 s2, s17  }
0x8e: {  	[smem:$0x3FBD] =	sst s2  }
0x8f: {  	_ = 	snop  }
0x90: {  	s18 =	sld [smem:$0x3FD0];
	(tm) =	ssettm $0x1  }
0x91: {  	s19 =	sld [smem:$0x3FFB];
	_ =	sdelay $0x3  }
0x92: {  	_ =	strace s19  }
0x93: {  	s2 =	sld [smem:$0x3FFC];
	_ =	sdelay $0x3  }
0x94: {  	_ =	strace s2  }
0x95: {  	s2 =	sld [smem:$0x3FFD];
	_ =	sdelay $0x3  }
0x96: {  	_ =	strace s2  }
0x97: {  	_ =	strace $0x8FFFFFFF  }
0x98: {  	s20 =	sld [smem:$0x3FDB];
	_ =	sdelay $0x1  }
0x99: {  	s4 =	simm.s32 $_scs_section_size  }
0x9a: {  	s5 =	simm.s32 $_size__tile_overlayer_lowered;
	s6 =	simm.s32 $_tile_overlayer_lowered  }
0x9b: {  	s7 =	simm.s32 $0x1BFF;
	s21 =	sshll.u32 s6, $0x1;
	s4 =	sadd.s32 s4, s20  }
0x9c: {  	s22 =	simm.s32 $0x0;
	s5 =	sshll.u32 s5, $0x1;
	s6 =	sadd.s32 s21, s4  }
0x9d: {  	[timem:s22], [sflag:s7] =	dma.local [hbm:s6], s5  }
0x9e: {  	_ =	swait.ge [sflag:s7], s5  }
0x9f: {  	s5 =	ssub.s32 $0x0, s5;
	[sflag:s7] =	ssyncset.done $0x0  }
0xa0: {  	[sflag:s7] =	ssyncadd.s32 s5;
	_ =	sdelay $0x1  }
0xa1: {  	s23 =	simm.s32 $0x1B8B  }
0xa2: {  	_ =	swait.ge [sflag:s23], $0x1  }
0xa3: {  	[sflag:s23] =	ssyncset.done $0x0  }
0xa4: {  	[sflag:s23] =	ssyncadd.s32 $0xFFFFFFFF  }
0xa5: {  	s5 =	sld [smem:$0x0]  }
0xa6: {  	s6 =	sand.u32 $0xFFFFFFFE, s1  }
0xa7: {  	p0 =	sne.s32 s1, s6  }
0xa8: {  	s6 =	sshll.u32 @p0 s6, $0xE  }
0xa9: {  	s6 =	sadd.s32 @p0 $0x11B8D, s6;
	s7 =	sshll.u32 @p0 s5, $0x11  }
0xaa: {  	s6 =	sor.u32 @p0 s7, s6  }
0xab: {  	[sflag:s6] =	ssyncadd.remote.s32 @p0 $0x1;
	_ =	sdelay $0x1  }
0xac: {  	s6 =	simm.s32 @p0 $0x1B8D  }
0xad: {  	_ =	swait.eq @p0 [sflag:s6], $0x1  }
0xae: {  	[sflag:s6] =	ssyncadd.s32 @p0 $0xFFFFFFFF  }
0xaf: {  	s7 =	sshll.u32 @!p0 s1, $0xE  }
0xb0: {  	s7 =	sor.u32 @!p0 $0x4000, s7;
	s6 =	simm.s32 @!p0 $0x1B8D  }
0xb1: {  	s5 =	sshll.u32 @!p0 s5, $0x11;
	s7 =	sadd.s32 @!p0 $0x11B8D, s7;
	_ =	swait.eq @!p0 [sflag:s6], $0x1  }
0xb2: {  	s5 =	sor.u32 @!p0 s5, s7;
	[sflag:s6] =	ssyncadd.s32 @!p0 $0xFFFFFFFF  }
0xb3: {  	s25 =	simm.s32 $0x1B8E;
	s24 =	sld [smem:$0x3FFE];
	[sflag:s5] =	ssyncadd.remote.s32 @!p0 $0x1  }
0xb4: {  	s26 =	simm.s32 $execute0_lowered;
	[smem:$0x3FD2] =	sst s25  }
0xb5: {  	s6 =	sshll.u32 s26, $0x1;
	_ =	strace $0x80000062;
	[dreg:$0x1] =	wrdreg $0xFFFFFFFF  }
0xb6: {  	s28 =	simm.s32 $_size_execute0_lowered;
	s4 =	sadd.s32 s4, s6;
	[dreg:$0x0] =	wrdreg $0x0  }
0xb7: {  	s6 =	sshll.u32 s28, $0x1;
	[dreg:$0x2] =	wrdreg s4  }
0xb8: {  	[dreg:$0x3] =	wrdreg s6  }
0xb9: {  	[dreg:$0x4] =	wrdreg $0xC0  }
0xba: {  	_ =	task [dreg:s22], $0x5FFFF  }
0xbb: {  	[dreg:$0x1] =	wrdreg $0xFFFFFFFF  }
0xbc: {  	[dreg:$0x0] =	wrdreg $0x60  }
0xbd: {  	[dreg:$0x2] =	wrdreg s18  }
0xbe: {  	[dreg:$0x3] =	wrdreg s24  }
0xbf: {  	[dreg:$0x4] =	wrdreg $0xA  }
0xc0: {  	_ =	task.clear_ibuf [dreg:s22], $0x5FFFF;
	_ =	strace $0x90000062  }
0xc1: {  	s29 =	simm.s32 $0xA;
	_ =	strace $0x8000006B  }
0xc2: {  	_ =	swait.ge [sflag:s29], $0x1  }
0xc3: {  	[sflag:s29] =	ssyncadd.s32 $0xFFFFFFFF  }
0xc4: {  	_ =	strace $0x9000006B  }
0xc5: {  	_ =	sfence  }
0xc6: {  	s30 =	sld [smem:$0x0];
	_ =	sdelay $0x2  }
0xc7: {  	s31 =	sshll.u32 s1, $0xD;
	s1 =	sshrl.u32 s1, $0x2  }
0xc8: {  	s4 =	sand.u32 $0x4000, s31;
	s1 =	sadd.s32 s1, s30  }
0xc9: {  	s0 =	sor.u32 s4, s0;
	s1 =	sshll.u32 s1, $0x11  }
0xca: {  	s0 =	sor.u32 s1, s0  }
0xcb: {  	s0 =	sadd.s32 $0x8F2B, s0  }
0xcc: {  	[sflag:s0] =	ssyncadd.remote.s32 $0x1  }
0xcd: {  	_ =	sfence.sel $0xFFFF  }
0xce: {  	[dreg:$0x0] =	wrdreg $0xFFFFFFFF;
	(pc) =	sbr.abs _section_cstart, $3  }
0xcf: {  	[dreg:$0x1] =	wrdreg $0xFFFFFFFF  }
0xd0: {  	_ =	task.clear_ibuf [dreg:s22], $0x2FFFF;
	_ =	strace $0x9FFFFFFF  }
0xd1: {  	(tm) =	ssettm $0x7FFFFFFF  }
tec
execute0_lowered:
.L_overlay_start_1:
0x0: {  	(tag) =	ssettag $0x1  }
0x1: {  	s0 =	srdreg.scid  }
0x2: {  	s17 =	sand.u32 $0x1, s0  }
0x3: {  	s2 =	rddreg [dreg:$0x0];
	s1 =	stileid.u32;
	s4 =	sshll.u32 s17, $0x4  }
0x4: {  	s14 =	rddreg [dreg:$0x1];
	s3 =	simm.s32 $0x0;
	s15 =	sor.u32 s1, s4  }
0x5: {  	[smem:$0x7FF] =	sst s3;
	s4 =	sshll.u32 s15, $0x4  }
0x6: {  	s0 =	rddreg [dreg:$0x2];
	_ =	strace $0x80000063;
	s5 =	sadd.s32 s4, s14  }
0x7: {  	_ =	strace $0x80000064;
	s4 =	sadd.s32 $0x9FF400, s5  }
0x8: {  	[tilespmem:s3], [sflag:$0x2] =	stream.linear.gather [hbm4b:s4+s3], $0x80, $0x200038;
	[tilespmem:$0x2200] =	vst v63  }
0x9: {  	s6 =	simm.s32 $0x100;
	s5 =	sadd.s32 $0x9FF600, s5  }
0xa: {  	[tilespmem:s6], [sflag:$0x4] =	stream.linear.gather [hbm4b:s5+s3], $0x80, $0x200038;
	[tilespmem:$0x2200] =	vst v63  }
0xb: {  	_ =	strace $0x90000064  }
0xc: {  	s7 =	simm.s32 $0x2;
	_ =	strace $0x80000065  }
0xd: {  	_ =	swait.ge [sflag:s7], $0x80  }
0xe: {  	[sflag:s7] =	ssyncset.done $0x0  }
0xf: {  	[sflag:s7] =	ssyncadd.s32 $0xFFFFFF80  }
0x10: {  	_ =	strace $0x90000065  }
0x11: {  	s8 =	simm.s32 $0x4;
	_ =	strace $0x80000066  }
0x12: {  	_ =	swait.ge [sflag:s8], $0x80  }
0x13: {  	[sflag:s8] =	ssyncset.done $0x0  }
0x14: {  	[sflag:s8] =	ssyncadd.s32 $0xFFFFFF80  }
0x15: {  	_ =	strace $0x90000066  }
0x16: {  	s9 =	simm.s32 $0x10;
	s10 =	simm.s32 $0x200;
	_ =	strace $0x80000067  }
0x17: {  	[tilespmem:s10], [sflag:$0x1] =	stream.indirect.gather [hbm4b:s2+s9], $0x80, s3, s9, $0x2000b8;
	[tilespmem:$0x2200] =	vst v63  }
0x18: {  	s12 =	simm.s32 $0x1200;
	s13 =	simm.s32 $0x1;
	s11 =	sadd.s32 $0xEA00, s14  }
0x19: {  	[tilespmem:s12], [sflag:$0x1] =	stream.indirect.gather [hbm4b:s11+s9], $0x80, s6, s9, $0x2000b8;
	[tilespmem:$0x2200] =	vst v63  }
0x1a: {  	_ =	swait.ge [sflag:s13], $0x800  }
0x1b: {  	[sflag:s13] =	ssyncset.done $0x0  }
0x1c: {  	[sflag:s13] =	ssyncadd.s32 $0xFFFFF800  }
0x1d: {  	_ =	swait.ge [sflag:s13], $0x800  }
0x1e: {  	[sflag:s13] =	ssyncset.done $0x0  }
0x1f: {  	s15 =	sshll.u32 s15, $0x8;
	[sflag:s13] =	ssyncadd.s32 $0xFFFFF800  }
0x20: {  	s15 =	sadd.s32 s15, s14;
	_ =	strace $0x90000067  }
0x21: {  	s14 =	sadd.s32 $0x9FF800, s15;
	_ =	strace $0x80000068  }
0x22: {  	[hbm4b:s14+s3] =	stream.linear.scatter [tilespmem:s10], [sflag:$0x6], $0x800, $0x200038;
	[tilespmem:$0x2200] =	vst v63  }
0x23: {  	s17 =	ssub.s32 $0x2, s17;
	_ =	strace $0x90000068  }
0x24: {  	s18 =	sshrl.u32 s17, $0x1;
	s15 =	sadd.s32 $0xA01800, s15;
	_ =	strace $0x80000069  }
0x25: {  	[hbm4b:s15+s3] =	stream.linear.scatter [tilespmem:s12], [sflag:$0x8], $0x800, $0x200038;
	[tilespmem:$0x2200] =	vst v63  }
0x26: {  	s18 =	ssub.s32 s17, s18;
	_ =	strace $0x90000069  }
0x27: {  	s16 =	simm.s32 $0x6;
	s18 =	smax.u32 s18, $0x1;
	_ =	strace $0x8000006A  }
0x28: {  	p0 =	sne.s32 s18, $0x1;
	_ =	swait.ge [sflag:s16], $0x800  }
.Ltmp0:
0x29: {  	[sflag:s16] =	ssyncset.done $0x0;
	(pc) =	sbr.rel @!p0 .LBB2_2-.Ltmp0, $4  }
0x2a: {  	s17 =	simm.s32 $0x8;
	[sflag:s16] =	ssyncadd.s32 $0xFFFFF800  }
0x2b: {  	_ =	swait.ge [sflag:s17], $0x800  }
0x2c: {  	[sflag:s17] =	ssyncset.done $0x0  }
0x2d: {  	s18 =	sadd.s32 $0xFFFFFFFF, s18;
	[sflag:s17] =	ssyncadd.s32 $0xFFFFF800  }
.LBB2_1:
0x2e: {  	p0 =	sne.s32 s18, $0x1;
	s18 =	sadd.s32 $0xFFFFFFFF, s18;
	_ =	strace $0x9000006A  }
0x2f: {  	_ =	strace $0x80000064  }
0x30: {  	[tilespmem:s3], [sflag:$0x2] =	stream.linear.gather [hbm4b:s4+s3], $0x80, $0x200038;
	[tilespmem:$0x2200] =	vst v63  }
0x31: {  	_ = 	snop  }
0x32: {  	[tilespmem:s6], [sflag:$0x4] =	stream.linear.gather [hbm4b:s5+s3], $0x80, $0x200038;
	[tilespmem:$0x2200] =	vst v63  }
0x33: {  	_ =	strace $0x90000064  }
0x34: {  	_ =	strace $0x80000065  }
0x35: {  	_ =	swait.ge [sflag:s7], $0x80  }
0x36: {  	[sflag:s7] =	ssyncset.done $0x0  }
0x37: {  	[sflag:s7] =	ssyncadd.s32 $0xFFFFFF80  }
0x38: {  	_ =	strace $0x90000065  }
0x39: {  	_ =	strace $0x80000066  }
0x3a: {  	_ =	swait.ge [sflag:s8], $0x80  }
0x3b: {  	[sflag:s8] =	ssyncset.done $0x0  }
0x3c: {  	[sflag:s8] =	ssyncadd.s32 $0xFFFFFF80  }
0x3d: {  	_ =	strace $0x90000066  }
0x3e: {  	_ =	strace $0x80000067  }
0x3f: {  	[tilespmem:s10], [sflag:$0x1] =	stream.indirect.gather [hbm4b:s2+s9], $0x80, s3, s9, $0x2000b8;
	[tilespmem:$0x2200] =	vst v63  }
0x40: {  	_ = 	snop  }
0x41: {  	[tilespmem:s12], [sflag:$0x1] =	stream.indirect.gather [hbm4b:s11+s9], $0x80, s6, s9, $0x2000b8;
	[tilespmem:$0x2200] =	vst v63  }
0x42: {  	_ =	swait.ge [sflag:s13], $0x800  }
0x43: {  	[sflag:s13] =	ssyncset.done $0x0  }
0x44: {  	[sflag:s13] =	ssyncadd.s32 $0xFFFFF800  }
0x45: {  	_ =	swait.ge [sflag:s13], $0x800  }
0x46: {  	[sflag:s13] =	ssyncset.done $0x0  }
0x47: {  	[sflag:s13] =	ssyncadd.s32 $0xFFFFF800  }
0x48: {  	_ =	strace $0x90000067  }
0x49: {  	_ =	strace $0x80000068  }
0x4a: {  	[hbm4b:s14+s3] =	stream.linear.scatter [tilespmem:s10], [sflag:$0x6], $0x800, $0x200038;
	[tilespmem:$0x2200] =	vst v63  }
0x4b: {  	_ =	strace $0x90000068  }
0x4c: {  	_ =	strace $0x80000069  }
0x4d: {  	[hbm4b:s15+s3] =	stream.linear.scatter [tilespmem:s12], [sflag:$0x8], $0x800, $0x200038;
	[tilespmem:$0x2200] =	vst v63  }
0x4e: {  	_ =	strace $0x90000069  }
0x4f: {  	_ =	strace $0x8000006A  }
0x50: {  	_ =	swait.ge [sflag:s16], $0x800  }
.Ltmp1:
0x51: {  	[sflag:s16] =	ssyncset.done $0x0;
	(pc) =	sbr.rel @p0 .LBB2_1-.Ltmp1, $4  }
0x52: {  	[sflag:s16] =	ssyncadd.s32 $0xFFFFF800  }
0x53: {  	_ =	swait.ge [sflag:s17], $0x800  }
0x54: {  	[sflag:s17] =	ssyncset.done $0x0  }
0x55: {  	[sflag:s17] =	ssyncadd.s32 $0xFFFFF800  }
.LBB2_2:
0x56: {  	_ =	strace $0x9000006A  }
0x57: {  	_ =	sfence.sel $0x180000  }
0x58: {  	[bflag:$0x0] =	sbarrier.arrive $0xFFFF  }
0x59: {  	p0 =	sne.s32 s1, $0x0;
	_ =	strace $0x90000063  }
0x5a: {  	s0 =	sadd.s32 @!p0 $0x100000, s0;
	[bflag:$0x2] =	sbarrier.arrive $0xFFFF  }
0x5b: {  	[sflag:s0] =	ssyncadd.tile.s32 @!p0 $0x1;
	_ =	shalt  }
.Lfunc_end2:
_tile_overlayer_lowered:
.L_overlay_start_2:
0x5c: {  	(tag) =	ssettag $0x2  }
0x5d: {  	s0 =	rddreg [dreg:$0x0];
	s2 =	stileid.u32  }
0x5e: {  	s1 =	rddreg [dreg:$0x1];
	p0 =	sne.s32 s2, $0x0  }
0x5f: {  	s3 =	rddreg [dreg:$0x2];
	[bflag:$0x3] =	sbarrier.arrive $0xFFFF;
	s2 =	simm.s32 @!p0 $0x1C02  }
0x60: {  	[timem:s3], [sflag:s2] =	dma.local @!p0 [hbm:s0], s1  }
0x61: {  	s0 =	simm.s32 @!p0 $0x2  }
0x62: {  	_ =	swait.ge @!p0 [sflag:s0], s1  }
0x63: {  	s1 =	ssub.s32 @!p0 $0x0, s1;
	[sflag:s0] =	ssyncset.done @!p0 $0x0  }
0x64: {  	[sflag:s0] =	ssyncadd.s32 @!p0 s1  }
0x65: {  	[bflag:$0x3] =	sbarrier.arrive $0xFFFF  }
0x66: {  	_ =	shalt  }

// kernel: kernel.28.cloned.1.call-start
scs
__scs_entry_jumppad:
0x0: {  	(pc) =	sbr.rel $0x88, $3  }
0x1: {  	(tag) =	ssettag $0x0;
	lr =	simm.s32 $0x1  }
0x2: {  	[smem:$0x3F96] =	sst lr;
	_ =	strace $0xD0000000  }
0x3: {  	_ = 	snop  }
0x4: {  	_ = 	snop  }
0x5: {  	_ = 	snop  }
0x6: {  	_ = 	snop  }
0x7: {  	_ = 	snop  }
__scs_overlays_trampoline_lowered:
0x8: {  	[smem:$0x3FA5] =	sst s0  }
0x9: {  	[smem:$0x3FA6] =	sst s1  }
0xa: {  	[smem:$0x3FA7] =	sst s2  }
0xb: {  	[smem:$0x3FA8] =	sst s3  }
0xc: {  	[smem:$0x3FA9] =	sst s4  }
0xd: {  	[smem:$0x3FAA] =	sst s5  }
0xe: {  	[smem:$0x3FAB] =	sst s6  }
0xf: {  	[smem:$0x3FAC] =	sst s7  }
0x10: {  	[smem:$0x3FAD] =	sst s8  }
0x11: {  	[smem:$0x3FAE] =	sst s9;
	s0 =	simm.s32 @!p0 $0x0  }
0x12: {  	s1 =	sld [smem:$0x3F94];
	s0 =	simm.s32 @p0 $0x1  }
0x13: {  	[smem:$0x3FAF] =	sst s0;
	s0 =	simm.s32 @!p1 $0x0  }
0x14: {  	s2 =	sld [smem:$0x3F93];
	s0 =	simm.s32 @p1 $0x1  }
0x15: {  	[smem:$0x3FB0] =	sst s0;
	s0 =	simm.s32 @!p2 $0x0  }
0x16: {  	s3 =	sld [smem:$0x3FDB];
	s0 =	simm.s32 @p2 $0x1  }
0x17: {  	s4 =	simm.s32 $0x1BF5;
	[smem:$0x3FB2] =	sst s0  }
0x18: {  	s0 =	sld [smem:$0x3F95];
	_ =	swait.ge [sflag:s4], $0x0  }
0x19: {  	s7 =	sld [smem:$0x3F96]  }
0x1a: {  	s8 =	sadd.s32 $0xFFFFE003, lr  }
0x1b: {  	s9 =	sadd.s32 $0xFFFFFEF7, lr;
	s5 =	simm.s32 $0xFFFFFFFF;
	p2 =	slt.u32 s8, $0xFFFFF086  }
0x1c: {  	p1 =	slt.u32 s9, $0xF7A;
	s5 =	simm.s32 @!p2 $0x0  }
0x1d: {  	s5 =	simm.s32 @p1 $0x1;
	p0 =	seq.s32 s7, s2  }
0x1e: {  	s7 =	smul.u32 @!p0 $0xF7A, s2;
	p2 =	seq.s32 @!p0 s5, $0x0  }
0x1f: {  	s9 =	smul.u32 $0xF7A, s1;
	s8 =	simm.s32 @!p0 $0x1BF5;
	p2 =	por !p2, p0  }
0x20: {  	[sflag:s8] =	ssyncset.s32 @!p0 $0xFFFFF086;
	s6 =	sadd.s32 @!p0 s3, s7;
	s7 =	simm.s32 @!p0 $0x108  }
0x21: {  	s3 =	sadd.s32 s3, s9;
	s6 =	sadd.s32 @!p0 $0x88, s6;
	s7 =	simm.s32 @p2 $0x1082  }
0x22: {  	[simem:s7], [sflag:s8] =	dma.local @!p0 [hbm:s6], $0xF7A  }
0x23: {  	s9 =	sor.u32 $0xD0000000, s2;
	s6 =	simm.s32 $0x108;
	_ =	swait.ge @!p0 [sflag:s8], $0x0  }
0x24: {  	s3 =	sadd.s32 $0x88, s3;
	s6 =	simm.s32 @!p1 $0x1082;
	[sflag:s4] =	ssyncset.s32 $0xFFFFF086  }
0x25: {  	[simem:s6], [sflag:s4] =	dma.local [hbm:s3], $0xF7A  }
0x26: {  	[smem:$0x3F96] =	sst s1;
	(tag) =	ssettag s2;
	_ =	strace s9  }
0x27: {  	s1 =	sld [smem:$0x3FA6]  }
0x28: {  	s2 =	sld [smem:$0x3FA7]  }
0x29: {  	s4 =	sld [smem:$0x3FA9]  }
0x2a: {  	p0 =	seq.s32 s5, $0x0;
	s5 =	sld [smem:$0x3FAA]  }
0x2b: {  	s6 =	sld [smem:$0x3FAB]  }
0x2c: {  	s7 =	sld [smem:$0x3FAC]  }
0x2d: {  	s3 =	simm.s32 $0x108;
	s8 =	sld [smem:$0x3FAD]  }
0x2e: {  	s3 =	simm.s32 @!p0 $0x1082;
	s9 =	sld [smem:$0x3FAE]  }
0x2f: {  	lr =	sadd.s32 s0, s3;
	s0 =	sld [smem:$0x3FA5]  }
0x30: {  	s3 =	sld [smem:$0x3FA8]  }
0x31: {  	[smem:$0x3FB1] =	sst s10  }
0x32: {  	s10 =	sld [smem:$0x3FAF];
	_ =	sdelay $0x3  }
0x33: {  	p0 =	seq.s32 s10, $0x1;
	s10 =	sld [smem:$0x3FB1];
	_ =	sdelay $0x3  }
0x34: {  	[smem:$0x3FB1] =	sst s10  }
0x35: {  	s10 =	sld [smem:$0x3FB0];
	_ =	sdelay $0x3  }
0x36: {  	p1 =	seq.s32 s10, $0x1;
	s10 =	sld [smem:$0x3FB1];
	_ =	sdelay $0x3  }
0x37: {  	[smem:$0x3FB1] =	sst s10  }
0x38: {  	s10 =	sld [smem:$0x3FB2]  }
0x39: {  	_ = 	snop;
	(pc) =	sbr.ind lr, $3  }
0x3a: {  	_ = 	snop  }
0x3b: {  	_ = 	snop  }
0x3c: {  	p2 =	seq.s32 s10, $0x1;
	s10 =	sld [smem:$0x3FB1]  }
0x3d: {  	_ =	shalt  }
0x3e: {  	_ =	shalt  }
0x3f: {  	_ =	shalt  }
0x40: {  	_ =	shalt  }
0x41: {  	_ =	shalt  }
0x42: {  	_ =	shalt  }
0x43: {  	_ =	shalt  }
0x44: {  	_ =	shalt  }
0x45: {  	_ =	shalt  }
0x46: {  	_ =	shalt  }
0x47: {  	_ =	shalt  }
0x48: {  	_ =	shalt  }
0x49: {  	_ =	shalt  }
0x4a: {  	_ =	shalt  }
0x4b: {  	_ =	shalt  }
0x4c: {  	_ =	shalt  }
0x4d: {  	_ =	shalt  }
0x4e: {  	_ =	shalt  }
0x4f: {  	_ =	shalt  }
0x50: {  	_ =	shalt  }
0x51: {  	_ =	shalt  }
0x52: {  	_ =	shalt  }
0x53: {  	_ =	shalt  }
0x54: {  	_ =	shalt  }
0x55: {  	_ =	shalt  }
0x56: {  	_ =	shalt  }
0x57: {  	_ =	shalt  }
0x58: {  	_ =	shalt  }
0x59: {  	_ =	shalt  }
0x5a: {  	_ =	shalt  }
0x5b: {  	_ =	shalt  }
0x5c: {  	_ =	shalt  }
0x5d: {  	_ =	shalt  }
0x5e: {  	_ =	shalt  }
0x5f: {  	_ =	shalt  }
0x60: {  	_ =	shalt  }
0x61: {  	_ =	shalt  }
0x62: {  	_ =	shalt  }
0x63: {  	_ =	shalt  }
0x64: {  	_ =	shalt  }
0x65: {  	_ =	shalt  }
0x66: {  	_ =	shalt  }
0x67: {  	_ =	shalt  }
0x68: {  	_ =	shalt  }
0x69: {  	_ =	shalt  }
0x6a: {  	_ =	shalt  }
0x6b: {  	_ =	shalt  }
0x6c: {  	_ =	shalt  }
0x6d: {  	_ =	shalt  }
0x6e: {  	_ =	shalt  }
0x6f: {  	_ =	shalt  }
0x70: {  	_ =	shalt  }
0x71: {  	_ =	shalt  }
0x72: {  	_ =	shalt  }
0x73: {  	_ =	shalt  }
0x74: {  	_ =	shalt  }
0x75: {  	_ =	shalt  }
0x76: {  	_ =	shalt  }
0x77: {  	_ =	shalt  }
0x78: {  	_ =	shalt  }
0x79: {  	_ =	shalt  }
0x7a: {  	_ =	shalt  }
0x7b: {  	_ =	shalt  }
0x7c: {  	_ =	shalt  }
0x7d: {  	_ =	shalt  }
0x7e: {  	_ =	shalt  }
0x7f: {  	_ =	shalt  }
0x80: {  	_ =	shalt  }
0x81: {  	_ =	shalt  }
0x82: {  	_ =	shalt  }
0x83: {  	_ =	shalt  }
0x84: {  	_ =	shalt  }
0x85: {  	_ =	shalt  }
0x86: {  	_ =	shalt  }
0x87: {  	_ =	shalt  }
.Lfunc_end0:
.L_simem_size_0:
called_computation.5_lowered:
.L_overlay_start_0:
0x88: {  	s2 =	sld [smem:$0x3FD9]  }
0x89: {  	s3 =	sld [smem:$0x3FFE];
	_ =	sdelay $0x1  }
0x8a: {  	s1 =	srdreg.scid  }
0x8b: {  	s0 =	sand.u32 $0x1, s1  }
0x8c: {  	s17 =	sshll.u32 s0, $0xA;
	s2 =	sadd.s32 s3, s2  }
0x8d: {  	s2 =	sadd.s32 s2, s17  }
0x8e: {  	[smem:$0x3FBD] =	sst s2  }
0x8f: {  	_ = 	snop  }
0x90: {  	s18 =	sld [smem:$0x3FD0];
	(tm) =	ssettm $0x1  }
0x91: {  	s19 =	sld [smem:$0x3FFB];
	_ =	sdelay $0x3  }
0x92: {  	_ =	strace s19  }
0x93: {  	s2 =	sld [smem:$0x3FFC];
	_ =	sdelay $0x3  }
0x94: {  	_ =	strace s2  }
0x95: {  	s2 =	sld [smem:$0x3FFD];
	_ =	sdelay $0x3  }
0x96: {  	_ =	strace s2  }
0x97: {  	_ =	strace $0x8FFFFFFF  }
0x98: {  	s20 =	sld [smem:$0x3FDB];
	_ =	sdelay $0x1  }
0x99: {  	s4 =	simm.s32 $_scs_section_size  }
0x9a: {  	s5 =	simm.s32 $_size__tile_overlayer_lowered;
	s6 =	simm.s32 $_tile_overlayer_lowered  }
0x9b: {  	s7 =	simm.s32 $0x1BFF;
	s21 =	sshll.u32 s6, $0x1;
	s4 =	sadd.s32 s4, s20  }
0x9c: {  	s22 =	simm.s32 $0x0;
	s5 =	sshll.u32 s5, $0x1;
	s6 =	sadd.s32 s21, s4  }
0x9d: {  	[timem:s22], [sflag:s7] =	dma.local [hbm:s6], s5  }
0x9e: {  	_ =	swait.ge [sflag:s7], s5  }
0x9f: {  	s5 =	ssub.s32 $0x0, s5;
	[sflag:s7] =	ssyncset.done $0x0  }
0xa0: {  	[sflag:s7] =	ssyncadd.s32 s5;
	_ =	sdelay $0x1  }
0xa1: {  	s23 =	simm.s32 $0x1B8B  }
0xa2: {  	_ =	swait.ge [sflag:s23], $0x1  }
0xa3: {  	[sflag:s23] =	ssyncset.done $0x0  }
0xa4: {  	[sflag:s23] =	ssyncadd.s32 $0xFFFFFFFF  }
0xa5: {  	s5 =	sld [smem:$0x0]  }
0xa6: {  	s6 =	sand.u32 $0xFFFFFFFE, s1  }
0xa7: {  	p0 =	sne.s32 s1, s6  }
0xa8: {  	s6 =	sshll.u32 @p0 s6, $0xE  }
0xa9: {  	s6 =	sadd.s32 @p0 $0x11B8D, s6;
	s7 =	sshll.u32 @p0 s5, $0x11  }
0xaa: {  	s6 =	sor.u32 @p0 s7, s6  }
0xab: {  	[sflag:s6] =	ssyncadd.remote.s32 @p0 $0x1;
	_ =	sdelay $0x1  }
0xac: {  	s6 =	simm.s32 @p0 $0x1B8D  }
0xad: {  	_ =	swait.eq @p0 [sflag:s6], $0x1  }
0xae: {  	[sflag:s6] =	ssyncadd.s32 @p0 $0xFFFFFFFF  }
0xaf: {  	s7 =	sshll.u32 @!p0 s1, $0xE  }
0xb0: {  	s7 =	sor.u32 @!p0 $0x4000, s7;
	s6 =	simm.s32 @!p0 $0x1B8D  }
0xb1: {  	s5 =	sshll.u32 @!p0 s5, $0x11;
	s7 =	sadd.s32 @!p0 $0x11B8D, s7;
	_ =	swait.eq @!p0 [sflag:s6], $0x1  }
0xb2: {  	s5 =	sor.u32 @!p0 s5, s7;
	[sflag:s6] =	ssyncadd.s32 @!p0 $0xFFFFFFFF  }
0xb3: {  	s25 =	simm.s32 $0x1B8E;
	s24 =	sld [smem:$0x3FFE];
	[sflag:s5] =	ssyncadd.remote.s32 @!p0 $0x1  }
0xb4: {  	s26 =	simm.s32 $execute0_lowered;
	[smem:$0x3FD2] =	sst s25  }
0xb5: {  	s6 =	sshll.u32 s26, $0x1;
	_ =	strace $0x8000007E;
	[dreg:$0x1] =	wrdreg $0xFFFFFFFF  }
0xb6: {  	s28 =	simm.s32 $_size_execute0_lowered;
	s4 =	sadd.s32 s4, s6;
	[dreg:$0x0] =	wrdreg $0x0  }
0xb7: {  	s6 =	sshll.u32 s28, $0x1;
	[dreg:$0x2] =	wrdreg s4  }
0xb8: {  	[dreg:$0x3] =	wrdreg s6  }
0xb9: {  	[dreg:$0x4] =	wrdreg $0xC0  }
0xba: {  	_ =	task [dreg:s22], $0x5FFFF  }
0xbb: {  	[dreg:$0x1] =	wrdreg $0xFFFFFFFF  }
0xbc: {  	[dreg:$0x0] =	wrdreg $0x60  }
0xbd: {  	[dreg:$0x2] =	wrdreg s18  }
0xbe: {  	[dreg:$0x3] =	wrdreg s24  }
0xbf: {  	[dreg:$0x4] =	wrdreg $0x0  }
0xc0: {  	[dreg:$0x5] =	wrdreg $0xA  }
0xc1: {  	_ =	task.clear_ibuf [dreg:s22], $0x6FFFF;
	_ =	strace $0x9000007E  }
0xc2: {  	s29 =	simm.s32 $0xA;
	_ =	strace $0x80000084  }
0xc3: {  	_ =	swait.ge [sflag:s29], $0x1  }
0xc4: {  	[sflag:s29] =	ssyncadd.s32 $0xFFFFFFFF  }
0xc5: {  	_ =	strace $0x90000084  }
0xc6: {  	_ =	sfence  }
0xc7: {  	s30 =	sld [smem:$0x0];
	_ =	sdelay $0x2  }
0xc8: {  	s31 =	sshll.u32 s1, $0xD;
	s1 =	sshrl.u32 s1, $0x2  }
0xc9: {  	s4 =	sand.u32 $0x4000, s31;
	s1 =	sadd.s32 s1, s30  }
0xca: {  	s0 =	sor.u32 s4, s0;
	s1 =	sshll.u32 s1, $0x11  }
0xcb: {  	s0 =	sor.u32 s1, s0  }
0xcc: {  	s0 =	sadd.s32 $0x8F2B, s0  }
0xcd: {  	[sflag:s0] =	ssyncadd.remote.s32 $0x1  }
0xce: {  	_ =	sfence.sel $0xFFFF  }
0xcf: {  	[dreg:$0x0] =	wrdreg $0xFFFFFFFF;
	(pc) =	sbr.abs _section_cstart, $3  }
0xd0: {  	[dreg:$0x1] =	wrdreg $0xFFFFFFFF  }
0xd1: {  	_ =	task.clear_ibuf [dreg:s22], $0x2FFFF;
	_ =	strace $0x9FFFFFFF  }
0xd2: {  	(tm) =	ssettm $0x7FFFFFFF  }
0xd3: {  	_ =	shalt  }
tec
execute0_lowered:
.L_overlay_start_1:
0x0: {  	(tag) =	ssettag $0x1  }
0x1: {  	s2 =	rddreg [dreg:$0x0]  }
0x2: {  	s4 =	rddreg [dreg:$0x1];
	s5 =	srdreg.scid  }
0x3: {  	s1 =	rddreg [dreg:$0x2];
	s5 =	sand.u32 $0x1, s5  }
0x4: {  	s7 =	sshll.u32 s5, $0x4;
	s9 =	smul.u32 $0x27100, s5;
	s5 =	ssub.s32 $0x2, s5  }
0x5: {  	s0 =	rddreg [dreg:$0x3];
	s10 =	sshrl.u32 s5, $0x1  }
0x6: {  	s3 =	simm.s32 $0x0;
	s6 =	stileid.u32;
	s5 =	ssub.s32 s5, s10  }
0x7: {  	s13 =	simm.s32 $0x1;
	p1 =	por $0x0, $0x0;
	s31 =	smax.u32 s5, $0x1  }
0x8: {  	[smem:$0x7FF] =	sst s3;
	s12 =	sadd.s32 $0x35C00, s4;
	s16 =	sadd.s32 $0xFFFFFFFF, s31  }
0x9: {  	p0 =	sne.s32 s6, $0x0;
	s7 =	sor.u32 s6, s7;
	p2 =	sne.s32 s16, $0x0  }
.Ltmp0:
0xa: {  	_ =	strace $0x8000007F;
	s8 =	sshll.u32 s7, $0x4;
	(pc) =	sbr.rel @!p2 .LBB2_3-.Ltmp0, $4  }
0xb: {  	s6 =	simm.s32 $0x14880;
	s7 =	sshll.u32 s7, $0x8;
	s8 =	sadd.s32 s8, s4  }
0xc: {  	s4 =	sadd.s32 s9, s4;
	s10 =	sadd.s32 s2, s7;
	s5 =	simm.s32 $0x13880  }
0xd: {  	s9 =	simm.s32 $0x3;
	s7 =	simm.s32 $0x5;
	s11 =	sadd.s32 $0x9FF400, s8  }
0xe: {  	s2 =	sadd.s32 $0x359200, s4;
	s4 =	sshrl.u32 @!p0 s1, $0x3;
	s8 =	simm.s32 $0x10  }
0xf: {  	s15 =	simm.s32 @!p0 $0x1C01;
	s14 =	simm.s32 @!p0 $0x1  }
0x10: {  	[spmem:s4], [sflag:s15] =	dma.local @!p0 [hbm:s12], $0x27100  }
0x11: {  	_ =	swait.ge @!p0 [sflag:s14], $0x27100  }
0x12: {  	[sflag:s14] =	ssyncset.done @!p0 $0x0  }
0x13: {  	[sflag:s14] =	ssyncadd.s32 @!p0 $0xFFFD8F00  }
0x14: {  	[bflag:$0x0] =	sbarrier.arrive $0xFFFF  }
0x15: {  	_ =	strace $0x80000080  }
0x16: {  	[tilespmem:s5], [sflag:$0x1] =	stream.linear.gather [hbm4b:s10+s3], $0x800, $0x200038;
	[tilespmem:$0x14980] =	vst v63  }
0x17: {  	_ = 	snop  }
0x18: {  	[tilespmem:s6], [sflag:$0x3] =	stream.linear.gather [hbm4b:s11+s3], $0x80, $0x200038;
	[tilespmem:$0x14980] =	vst v63  }
0x19: {  	_ =	strace $0x90000080  }
0x1a: {  	_ =	strace $0x80000081  }
0x1b: {  	_ =	swait.ge [sflag:s13], $0x800  }
0x1c: {  	[sflag:s13] =	ssyncset.done $0x0  }
0x1d: {  	[sflag:s13] =	ssyncadd.s32 $0xFFFFF800  }
0x1e: {  	_ =	strace $0x90000081  }
0x1f: {  	_ =	strace $0x80000082  }
0x20: {  	_ =	swait.ge [sflag:s9], $0x80  }
0x21: {  	[sflag:s9] =	ssyncset.done $0x0  }
0x22: {  	[sflag:s9] =	ssyncadd.s32 $0xFFFFFF80  }
0x23: {  	_ =	strace $0x90000082  }
0x24: {  	_ =	strace $0x80000083  }
0x25: {  	[spmem:s1] =	stream.indirect.scatter.add.f32 [tilespmem:s5], [sflag:$0x5], $0x80, s6, s8, $0x2000b8;
	[tilespmem:$0x14980] =	vst v63  }
0x26: {  	_ =	swait.ge [sflag:s7], $0x800  }
0x27: {  	s16 =	sadd.s32 $0xFFFFFFFF, s16;
	[sflag:s7] =	ssyncset.done $0x0  }
0x28: {  	p2 =	sne.s32 s16, $0x0;
	[sflag:s7] =	ssyncadd.s32 $0xFFFFF800  }
.Ltmp1:
0x29: {  	_ =	strace $0x90000083;
	(pc) =	sbr.rel @!p2 .LBB2_3-.Ltmp1, $4  }
0x2a: {  	[bflag:$0x0] =	sbarrier.arrive $0xFFFF  }
0x2b: {  	[hbm:s2], [sflag:s15] =	dma.local @!p0 [spmem:s4], $0x27100  }
0x2c: {  	_ =	swait.ge @!p0 [sflag:s14], $0x27100  }
0x2d: {  	p1 =	por $0x1, $0x1;
	[sflag:s14] =	ssyncset.done @!p0 $0x0  }
.LBB2_2:
0x2e: {  	[sflag:s14] =	ssyncadd.s32 @!p0 $0xFFFD8F00  }
0x2f: {  	[spmem:s4], [sflag:s15] =	dma.local @!p0 [hbm:s12], $0x27100  }
0x30: {  	s16 =	sadd.s32 $0xFFFFFFFF, s16;
	_ =	swait.ge @!p0 [sflag:s14], $0x27100  }
0x31: {  	p2 =	sne.s32 s16, $0x0;
	[sflag:s14] =	ssyncset.done @!p0 $0x0  }
0x32: {  	[sflag:s14] =	ssyncadd.s32 @!p0 $0xFFFD8F00  }
0x33: {  	[bflag:$0x0] =	sbarrier.arrive $0xFFFF  }
0x34: {  	_ =	strace $0x80000080  }
0x35: {  	[tilespmem:s5], [sflag:$0x1] =	stream.linear.gather [hbm4b:s10+s3], $0x800, $0x200038;
	[tilespmem:$0x14980] =	vst v63  }
0x36: {  	_ = 	snop  }
0x37: {  	[tilespmem:s6], [sflag:$0x3] =	stream.linear.gather [hbm4b:s11+s3], $0x80, $0x200038;
	[tilespmem:$0x14980] =	vst v63  }
0x38: {  	_ =	strace $0x90000080  }
0x39: {  	_ =	strace $0x80000081  }
0x3a: {  	_ =	swait.ge [sflag:s13], $0x800  }
0x3b: {  	[sflag:s13] =	ssyncset.done $0x0  }
0x3c: {  	[sflag:s13] =	ssyncadd.s32 $0xFFFFF800  }
0x3d: {  	_ =	strace $0x90000081  }
0x3e: {  	_ =	strace $0x80000082  }
0x3f: {  	_ =	swait.ge [sflag:s9], $0x80  }
0x40: {  	[sflag:s9] =	ssyncset.done $0x0  }
0x41: {  	[sflag:s9] =	ssyncadd.s32 $0xFFFFFF80  }
0x42: {  	_ =	strace $0x90000082  }
0x43: {  	_ =	strace $0x80000083  }
0x44: {  	[spmem:s1] =	stream.indirect.scatter.add.f32 [tilespmem:s5], [sflag:$0x5], $0x80, s6, s8, $0x2000b8;
	[tilespmem:$0x14980] =	vst v63  }
0x45: {  	_ =	swait.ge [sflag:s7], $0x800  }
0x46: {  	[sflag:s7] =	ssyncset.done $0x0  }
0x47: {  	[sflag:s7] =	ssyncadd.s32 $0xFFFFF800  }
.Ltmp2:
0x48: {  	_ =	strace $0x90000083;
	(pc) =	sbr.rel @p2 .LBB2_2-.Ltmp2, $4  }
0x49: {  	[bflag:$0x0] =	sbarrier.arrive $0xFFFF  }
0x4a: {  	[hbm:s2], [sflag:s15] =	dma.local @!p0 [spmem:s4], $0x27100  }
0x4b: {  	_ =	swait.ge @!p0 [sflag:s14], $0x27100  }
0x4c: {  	[sflag:s14] =	ssyncset.done @!p0 $0x0  }
.LBB2_3:
0x4d: {  	p1 =	por p0, !p1  }
0x4e: {  	s15 =	simm.s32 @!p0 $0x1C01;
	s16 =	simm.s32 @!p0 $0x1;
	[sflag:s14] =	ssyncadd.s32 @!p1 $0xFFFD8F00  }
0x4f: {  	[spmem:s4], [sflag:s15] =	dma.local @!p0 [hbm:s12], $0x27100  }
0x50: {  	_ =	swait.ge @!p0 [sflag:s16], $0x27100  }
0x51: {  	[sflag:s16] =	ssyncset.done @!p0 $0x0  }
0x52: {  	[sflag:s16] =	ssyncadd.s32 @!p0 $0xFFFD8F00  }
0x53: {  	[bflag:$0x0] =	sbarrier.arrive $0xFFFF  }
0x54: {  	_ =	strace $0x80000080  }
0x55: {  	[tilespmem:s5], [sflag:$0x1] =	stream.linear.gather [hbm4b:s10+s3], $0x800, $0x200038;
	[tilespmem:$0x14980] =	vst v63  }
0x56: {  	_ = 	snop  }
0x57: {  	[tilespmem:s6], [sflag:$0x3] =	stream.linear.gather [hbm4b:s11+s3], $0x80, $0x200038;
	[tilespmem:$0x14980] =	vst v63  }
0x58: {  	_ =	strace $0x90000080  }
0x59: {  	_ =	strace $0x80000081  }
0x5a: {  	_ =	swait.ge [sflag:s13], $0x800  }
0x5b: {  	[sflag:s13] =	ssyncset.done $0x0  }
0x5c: {  	[sflag:s13] =	ssyncadd.s32 $0xFFFFF800  }
0x5d: {  	_ =	strace $0x90000081  }
0x5e: {  	_ =	strace $0x80000082  }
0x5f: {  	_ =	swait.ge [sflag:s9], $0x80  }
0x60: {  	[sflag:s9] =	ssyncset.done $0x0  }
0x61: {  	[sflag:s9] =	ssyncadd.s32 $0xFFFFFF80  }
0x62: {  	_ =	strace $0x90000082  }
0x63: {  	_ =	strace $0x80000083  }
0x64: {  	[spmem:s1] =	stream.indirect.scatter.add.f32 [tilespmem:s5], [sflag:$0x5], $0x80, s6, s8, $0x2000b8;
	[tilespmem:$0x14980] =	vst v63  }
0x65: {  	_ =	swait.ge [sflag:s7], $0x800  }
0x66: {  	[sflag:s7] =	ssyncset.done $0x0  }
0x67: {  	[sflag:s7] =	ssyncadd.s32 $0xFFFFF800  }
0x68: {  	_ =	strace $0x90000083  }
0x69: {  	[bflag:$0x0] =	sbarrier.arrive $0xFFFF  }
0x6a: {  	[hbm:s2], [sflag:s15] =	dma.local @!p0 [spmem:s4], $0x27100  }
0x6b: {  	_ =	swait.ge @!p0 [sflag:s16], $0x27100  }
0x6c: {  	[sflag:s16] =	ssyncset.done @!p0 $0x0  }
0x6d: {  	[sflag:s16] =	ssyncadd.s32 @!p0 $0xFFFD8F00  }
0x6e: {  	_ =	sfence.sel $0x180000  }
0x6f: {  	[bflag:$0x0] =	sbarrier.arrive $0xFFFF  }
0x70: {  	_ =	strace $0x9000007F  }
0x71: {  	s0 =	sadd.s32 @!p0 $0x100000, s0;
	[bflag:$0x2] =	sbarrier.arrive $0xFFFF  }
0x72: {  	[sflag:s0] =	ssyncadd.tile.s32 @!p0 $0x1;
	_ =	shalt  }
.Lfunc_end2:
_tile_overlayer_lowered:
.L_overlay_start_2:
0x73: {  	(tag) =	ssettag $0x2  }
0x74: {  	s0 =	rddreg [dreg:$0x0];
	s2 =	stileid.u32  }
0x75: {  	s1 =	rddreg [dreg:$0x1];
	p0 =	sne.s32 s2, $0x0  }
0x76: {  	s3 =	rddreg [dreg:$0x2];
	[bflag:$0x3] =	sbarrier.arrive $0xFFFF;
	s2 =	simm.s32 @!p0 $0x1C01  }
0x77: {  	[timem:s3], [sflag:s2] =	dma.local @!p0 [hbm:s0], s1  }
0x78: {  	s0 =	simm.s32 @!p0 $0x1  }
0x79: {  	_ =	swait.ge @!p0 [sflag:s0], s1  }
0x7a: {  	s1 =	ssub.s32 @!p0 $0x0, s1;
	[sflag:s0] =	ssyncset.done @!p0 $0x0  }
0x7b: {  	[sflag:s0] =	ssyncadd.s32 @!p0 s1  }
0x7c: {  	[bflag:$0x3] =	sbarrier.arrive $0xFFFF  }
0x7d: {  	_ =	shalt  }

</sc_bundles>
